<compile_context>
chip_gen: v7x
topology: tpu7x:2x2x1
jax: 0.10.2.dev20260603
libtpu: 0.0.44.dev20260713+nightly
codegen_flags: <defaults>
</compile_context>

<pallas_src>
import functools

import jax
import jax.numpy as jnp
from jax import lax
from jax.experimental import pallas as pl
from jax.experimental.pallas import tpu as pltpu, tpu_sc as plsc

N = 10000
D = 128
E = 320000
NC = 2
NS = 16
NW = NC * NS
CHUNK = 128
NCHUNKS = 80
EPW = NCHUNKS * CHUNK
E_PAD = NW * EPW
N_PAD = 10240
RPT = N_PAD // NS

NBUF = 2
G = NCHUNKS // 2

f32 = jnp.float32
i32 = jnp.int32

_MESH = dict(core_axis_name="c", subcore_axis_name="s", num_cores=NC,
             num_subcores=NS)



@functools.partial(
    pl.kernel,
    out_type=jax.ShapeDtypeStruct((NC, N_PAD), f32),
    mesh=plsc.VectorSubcoreMesh(**_MESH),
    scratch_types=[
        pltpu.VMEM((NCHUNKS, CHUNK), i32),
        pltpu.VMEM((CHUNK,), f32),
        pltpu.VMEM_SHARED((N_PAD,), f32),
    ],
)
def _sc_count(sidx_h, zscal_h, ones_h, out_h, sidx_v, ones_v, sacc):
    c = lax.axis_index("c")
    s = lax.axis_index("s")
    w = c * NS + s
    pltpu.sync_copy(zscal_h, sacc.at[pl.ds(s * RPT, RPT)])
    pltpu.sync_copy(sidx_h.at[w], sidx_v)
    pltpu.sync_copy(ones_h, ones_v)
    plsc.subcore_barrier()

    def body(j, carry):
        pltpu.sync_copy(ones_v, sacc.at[sidx_v.at[j]], add=True)
        return carry

    lax.fori_loop(0, NCHUNKS, body, 0)
    plsc.subcore_barrier()
    pltpu.sync_copy(sacc.at[pl.ds(s * RPT, RPT)],
                    out_h.at[c, pl.ds(s * RPT, RPT)])


@functools.partial(
    pl.kernel,
    out_type=jax.ShapeDtypeStruct((NC, N_PAD, D), f32),
    mesh=plsc.VectorSubcoreMesh(**_MESH),
    scratch_types=[
        pltpu.VMEM((G, CHUNK), i32),
        pltpu.VMEM((G, CHUNK), i32),
        pltpu.VMEM((NBUF, CHUNK, D), f32),
        pltpu.VMEM_SHARED((N_PAD, D), f32),
    ] + [pltpu.SemaphoreType.DMA] * NBUF,
)
def _sc_rows(tab_h, gidx_h, sidx_h, zrows_h, out_h,
             gidx_v, sidx_v, rows_v, racc, *sems):
    c = lax.axis_index("c")
    s = lax.axis_index("s")
    w = c * NS + s
    pltpu.sync_copy(zrows_h, racc.at[pl.ds(s * RPT, RPT)])
    plsc.subcore_barrier()

    for half in range(NCHUNKS // G):
        pltpu.sync_copy(gidx_h.at[w, pl.ds(half * G, G)], gidx_v)
        pltpu.sync_copy(sidx_h.at[w, pl.ds(half * G, G)], sidx_v)
        for t in range(NBUF):
            pltpu.async_copy(tab_h.at[gidx_v.at[t]], rows_v.at[t], sems[t])

        def outer(g, carry):
            g0 = g * NBUF
            for t in range(NBUF):
                j = g0 + t
                pltpu.make_async_copy(tab_h.at[gidx_v.at[j]], rows_v.at[t],
                                      sems[t]).wait()
                pltpu.sync_copy(rows_v.at[t], racc.at[sidx_v.at[j]],
                                add=True)
                jn = j + NBUF

                @pl.when(jn < G)
                def _():
                    pltpu.async_copy(tab_h.at[gidx_v.at[jn]], rows_v.at[t],
                                     sems[t])
            return carry

        lax.fori_loop(0, G // NBUF, outer, 0)
    plsc.subcore_barrier()
    pltpu.sync_copy(racc.at[pl.ds(s * RPT, RPT)],
                    out_h.at[c, pl.ds(s * RPT, RPT)])


@functools.partial(
    pl.kernel,
    out_type=(jax.ShapeDtypeStruct((NC, N_PAD, D), f32),
              jax.ShapeDtypeStruct((NC, N_PAD), f32)),
    mesh=plsc.VectorSubcoreMesh(**_MESH),
    scratch_types=[
        pltpu.VMEM((G, CHUNK), i32),
        pltpu.VMEM((G, CHUNK), i32),
        pltpu.VMEM((NBUF, CHUNK, D), f32),
        pltpu.VMEM((NBUF, CHUNK), f32),
        pltpu.VMEM_SHARED((N_PAD, D), f32),
        pltpu.VMEM_SHARED((N_PAD,), f32),
    ] + [pltpu.SemaphoreType.DMA] * (2 * NBUF),
)
def _sc_rows_scal(tab_h, stab_h, gidx_h, sidx_h, zrows_h, zscal_h,
                  outr_h, outs_h,
                  gidx_v, sidx_v, rows_v, svals_v, racc, sacc, *sems):
    c = lax.axis_index("c")
    s = lax.axis_index("s")
    w = c * NS + s
    pltpu.sync_copy(zrows_h, racc.at[pl.ds(s * RPT, RPT)])
    pltpu.sync_copy(zscal_h, sacc.at[pl.ds(s * RPT, RPT)])
    plsc.subcore_barrier()

    for half in range(NCHUNKS // G):
        pltpu.sync_copy(gidx_h.at[w, pl.ds(half * G, G)], gidx_v)
        pltpu.sync_copy(sidx_h.at[w, pl.ds(half * G, G)], sidx_v)
        for t in range(NBUF):
            pltpu.async_copy(tab_h.at[gidx_v.at[t]], rows_v.at[t], sems[t])
            pltpu.async_copy(stab_h.at[gidx_v.at[t]], svals_v.at[t],
                             sems[NBUF + t])

        def outer(g, carry):
            g0 = g * NBUF
            for t in range(NBUF):
                j = g0 + t
                pltpu.make_async_copy(tab_h.at[gidx_v.at[j]], rows_v.at[t],
                                      sems[t]).wait()
                pltpu.sync_copy(rows_v.at[t], racc.at[sidx_v.at[j]],
                                add=True)
                pltpu.make_async_copy(stab_h.at[gidx_v.at[j]],
                                      svals_v.at[t],
                                      sems[NBUF + t]).wait()
                pltpu.sync_copy(svals_v.at[t], sacc.at[sidx_v.at[j]],
                                add=True)
                jn = j + NBUF

                @pl.when(jn < G)
                def _():
                    pltpu.async_copy(tab_h.at[gidx_v.at[jn]], rows_v.at[t],
                                     sems[t])
                    pltpu.async_copy(stab_h.at[gidx_v.at[jn]],
                                     svals_v.at[t], sems[NBUF + t])
            return carry

        lax.fori_loop(0, G // NBUF, outer, 0)
    plsc.subcore_barrier()
    pltpu.sync_copy(racc.at[pl.ds(s * RPT, RPT)],
                    outr_h.at[c, pl.ds(s * RPT, RPT)])
    pltpu.sync_copy(sacc.at[pl.ds(s * RPT, RPT)],
                    outs_h.at[c, pl.ds(s * RPT, RPT)])



_RB = 1000


def _row_spec(cols):
    return pl.BlockSpec((_RB, cols), lambda i: (i, 0))


def _const_spec(r, cols):
    return pl.BlockSpec((r, cols), lambda i: (0, 0))


def _mm_body(x_ref, w_ref, o_ref):
    o_ref[...] = jnp.dot(x_ref[...], w_ref[...],
                         preferred_element_type=f32)


def _matmul(x, W):
    return pl.pallas_call(
        _mm_body,
        grid=(N // _RB,),
        in_specs=[_row_spec(D), _const_spec(D, D)],
        out_specs=_row_spec(D),
        out_shape=jax.ShapeDtypeStruct((N, D), f32),
    )(x, W)


def _k2_body(c0, c1, xw, dis_ref, xs_ref):
    deg = c0[...] + c1[...] + 1.0
    dis = lax.rsqrt(deg)
    dis_ref[...] = dis
    xs_ref[...] = xw[...] * dis


def _k2(c0, c1, xw):
    return pl.pallas_call(
        _k2_body,
        grid=(N // _RB,),
        in_specs=[_row_spec(1), _row_spec(1), _row_spec(D)],
        out_specs=(_row_spec(1), _row_spec(D)),
        out_shape=(jax.ShapeDtypeStruct((N, 1), f32),
                   jax.ShapeDtypeStruct((N, D), f32)),
    )(c0, c1, xw)


def _k3_body(a0, a1, xw, dis, b, h_ref, n_ref):
    dv = dis[...]
    h = dv * (a0[...] + a1[...]) + dv * dv * xw[...] + b[...]
    h_ref[...] = h
    n_ref[...] = jnp.sum(h * h, axis=1, keepdims=True)


def _k3(a0, a1, xw, dis, b2):
    return pl.pallas_call(
        _k3_body,
        grid=(N // _RB,),
        in_specs=[_row_spec(D), _row_spec(D), _row_spec(D), _row_spec(1),
                  _const_spec(1, D)],
        out_specs=(_row_spec(D), _row_spec(1)),
        out_shape=(jax.ShapeDtypeStruct((N, D), f32),
                   jax.ShapeDtypeStruct((N, 1), f32)),
    )(a0, a1, xw, dis, b2)


def _k4a_body(h, A0, A1, c0, c1, n, s0, s1, T, lg_ref, A_ref):
    A = A0[...] + A1[...]
    d = c0[...] + c1[...]
    hdotA = jnp.sum(h[...] * A, axis=1, keepdims=True)
    energy = 0.5 * d * n[...] + 0.5 * (s0[...] + s1[...]) - hdotA
    lg_ref[...] = -energy / T[...]
    A_ref[...] = A


def _k4a(h, A0, A1, c0, c1, n, s0, s1, T):
    return pl.pallas_call(
        _k4a_body,
        grid=(N // _RB,),
        in_specs=[_row_spec(D), _row_spec(D), _row_spec(D), _row_spec(1),
                  _row_spec(1), _row_spec(1), _row_spec(1), _row_spec(1),
                  _const_spec(1, 1)],
        out_specs=(_row_spec(1), _row_spec(D)),
        out_shape=(jax.ShapeDtypeStruct((N, 1), f32),
                   jax.ShapeDtypeStruct((N, D), f32)),
    )(h, A0, A1, c0, c1, n, s0, s1, T)


def _k4b_body(lg_ref, h_ref, q_ref, y_ref):
    lg = lg_ref[...]
    m = jnp.max(lg)
    ex = jnp.exp(lg - m)
    Z = jnp.sum(ex)
    p = ex / Z
    logp = lg - m - jnp.log(Z)
    S = -jnp.sum(p * logp)
    q = p * (logp + S)
    q_ref[...] = q
    y_ref[...] = q * h_ref[...]


def _k4b(lg, h):
    return pl.pallas_call(
        _k4b_body,
        in_specs=[pl.BlockSpec((N, 1), lambda: (0, 0)),
                  pl.BlockSpec((N, D), lambda: (0, 0))],
        out_specs=(pl.BlockSpec((N, 1), lambda: (0, 0)),
                   pl.BlockSpec((N, D), lambda: (0, 0))),
        out_shape=(jax.ShapeDtypeStruct((N, 1), f32),
                   jax.ShapeDtypeStruct((N, D), f32)),
    )(lg, h)


def _k5_body(h, q, c0, c1, A, r0, r1, B0, B1, wt, o_ref):
    d = c0[...] + c1[...]
    r = r0[...] + r1[...]
    hv = h[...]
    grad = q[...] * (d * hv - A[...]) + r * hv - (B0[...] + B1[...])
    o_ref[...] = hv + wt[...] * grad


def _k5(h, q, c0, c1, A, r0, r1, B0, B1, wt):
    return pl.pallas_call(
        _k5_body,
        grid=(N // _RB,),
        in_specs=[_row_spec(D), _row_spec(1), _row_spec(1), _row_spec(1),
                  _row_spec(D), _row_spec(1), _row_spec(1), _row_spec(D),
                  _row_spec(D), _const_spec(1, 1)],
        out_specs=_row_spec(D),
        out_shape=jax.ShapeDtypeStruct((N, D), f32),
    )(h, q, c0, c1, A, r0, r1, B0, B1, wt)



def kernel(x, edge_index, weight, temperature, W, b):
    src = edge_index[0].astype(i32)
    dst = edge_index[1].astype(i32)
    padg = jnp.zeros((E_PAD - E,), i32)
    pads = jnp.full((E_PAD - E,), N, i32)
    g_f = jnp.concatenate([src, padg]).reshape(NW, NCHUNKS, CHUNK)
    s_f = jnp.concatenate([dst, pads]).reshape(NW, NCHUNKS, CHUNK)
    g_b = jnp.concatenate([dst, padg]).reshape(NW, NCHUNKS, CHUNK)
    s_b = jnp.concatenate([src, pads]).reshape(NW, NCHUNKS, CHUNK)
    zrows = jnp.zeros((RPT, D), f32)
    zscal = jnp.zeros((RPT,), f32)
    ones = jnp.ones((CHUNK,), f32)
    wt = weight.reshape(1, 1).astype(f32)
    T = temperature.reshape(1, 1).astype(f32)
    b2 = b.reshape(1, D)

    cnt = _sc_count(s_f, zscal, ones)
    xw = _matmul(x, W)
    c0 = cnt[0, :N].reshape(N, 1)
    c1 = cnt[1, :N].reshape(N, 1)
    dis, xs = _k2(c0, c1, xw)
    accB = _sc_rows(xs, g_f, s_f, zrows)
    h, n = _k3(accB[0, :N], accB[1, :N], xw, dis, b2)
    A2, sn2 = _sc_rows_scal(h, n.reshape(N), g_f, s_f, zrows, zscal)
    lg, Asum = _k4a(h, A2[0, :N], A2[1, :N], c0, c1, n,
                    sn2[0, :N].reshape(N, 1), sn2[1, :N].reshape(N, 1), T)
    q, y = _k4b(lg, h)
    B2, r2 = _sc_rows_scal(y, q.reshape(N), g_b, s_b, zrows, zscal)
    return _k5(h, q, c0, c1, Asum,
               r2[0, :N].reshape(N, 1), r2[1, :N].reshape(N, 1),
               B2[0, :N], B2[1, :N], wt)

# --- scband reference (transcript-rebuilt; emitter-appended) ---
"""Pipeline reference for scband-entropic-layer-63574105916111 (READ-ONLY COPY).

The authoritative reference and input builder live on the scoring server;
editing this copy changes nothing except your own understanding.
"""

import jax, jax.numpy as jnp
import numpy as np

N = 10000
D_IN = 128
D_OUT = 128
E = 320000


def setup_inputs(seed: int = 0) -> dict:
    key = jax.random.key(seed)
    k1, k2, k3, k4 = jax.random.split(key, 4)
    x = jax.random.normal(k1, (N, D_IN), dtype=jnp.float32)
    edge_index = jax.random.randint(k2, (2, E), 0, N).astype(jnp.int64)
    W = (jax.random.normal(k3, (D_IN, D_OUT), dtype=jnp.float32) / np.sqrt(D_IN)).astype(jnp.float32)
    b = jnp.zeros((D_OUT,), dtype=jnp.float32)
    weight = jnp.ones((), dtype=jnp.float32) * 0.1
    temperature = jnp.ones((), dtype=jnp.float32)
    return {"x": x, "edge_index": edge_index, "weight": weight, "temperature": temperature, "W": W, "b": b}


def _gcn_conv(x, edge_index, W, b):
    # GCNConv: D^{-1/2} (A + I) D^{-1/2} X W + b (symmetric normalization with self-loops)
    src = edge_index[0]
    dst = edge_index[1]
    loop = jnp.arange(N, dtype=src.dtype)
    src = jnp.concatenate([src, loop])
    dst = jnp.concatenate([dst, loop])
    deg = jnp.zeros((N,), dtype=x.dtype).at[dst].add(1.0)
    dis = jnp.where(deg > 0, jax.lax.rsqrt(jnp.maximum(deg, 1e-12)), 0.0)
    norm = dis[src] * dis[dst]
    xw = x @ W
    msgs = xw[src] * norm[:, None]
    out = jax.ops.segment_sum(msgs, dst, num_segments=N)
    return out + b


def _entropy(x, edge_index, temperature):
    # Boltzmann entropy of per-node Dirichlet energies: E_i = 1/2 sum_{j->i} ||x_i - x_j||^2,
    # p = softmax(-E / T), S = -sum_i p_i log p_i
    src = edge_index[0]
    dst = edge_index[1]
    diff = x[dst] - x[src]
    e_edge = 0.5 * jnp.sum(diff * diff, axis=-1)
    energy = jax.ops.segment_sum(e_edge, dst, num_segments=N)
    logits = -energy / temperature
    p = jax.nn.softmax(logits)
    logp = jax.nn.log_softmax(logits)
    return -jnp.sum(p * logp)


def reference(x, edge_index, weight, temperature, W, b):
    h = _gcn_conv(x, edge_index, W, b)
    entropy_gradient = jax.grad(_entropy)(h, edge_index, temperature)
    # scale_by_temperature = True
    entropy_gradient = entropy_gradient * temperature
    return h + weight * entropy_gradient

if __name__ == "__main__":
    import jax
    _d = setup_inputs()
    print(jax.jit(kernel)(*tuple(_d.values())))

</pallas_src>

<mosaic_0001>
#map = affine_map<(d0, d1) -> (0, 0, 0)>
#map1 = affine_map<(d0, d1) -> (0)>
#map2 = affine_map<(d0, d1) -> (0, 0)>
module attributes {stable_mosaic.version = 14 : i64} {
  func.func @_sc_count(%arg0: i32, %arg1: i32, %arg2: memref<32x80x128xi32, #tpu.memory_space<hbm>>, %arg3: memref<640xf32, #tpu.memory_space<hbm>>, %arg4: memref<128xf32, #tpu.memory_space<hbm>>, %arg5: memref<2x10240xf32, #tpu.memory_space<hbm>>, %arg6: memref<80x128xi32, #tpu.memory_space<vmem>>, %arg7: memref<128xf32, #tpu.memory_space<vmem>>, %arg8: memref<10240xf32, #tpu.memory_space<vmem_shared>>) attributes {dimension_semantics = [#tpu.dimension_semantics<core_parallel>, #tpu.dimension_semantics<subcore_parallel>], iteration_bounds = array<i64: 2, 16>, scalar_prefetch = 0 : i64, scratch_operands = 3 : i64, tpu.core_type = #tpu.core_type<sc_vector_subcore>, window_params = [{transform_indices = #map}, {transform_indices = #map1}, {transform_indices = #map1}, {transform_indices = #map2}]} {
    %mul3A = arith.constant 16 : i32
    %mul3A_0 = arith.muli %arg0, %mul3A : i32
    %add3A = arith.addi %mul3A_0, %arg1 : i32
    %mul3A_1 = arith.constant 640 : i32
    %mul3A_2 = arith.muli %arg1, %mul3A_1 : i32
    "tpu.region"() ({
      %run_scoped3A = tpu.sem_alloc : memref<!tpu.dma_semaphore, #tpu.memory_space<semaphore_mem>>
      %dma_start3A = tpu.memref_slice %arg8[%mul3A_2] : memref<10240xf32, #tpu.memory_space<vmem_shared>> -> memref<640xf32, #tpu.memory_space<vmem_shared>>
      tpu.enqueue_dma source(%arg3 : memref<640xf32, #tpu.memory_space<hbm>>) target(%dma_start3A : memref<640xf32, #tpu.memory_space<vmem_shared>>) target_semaphore(%run_scoped3A : memref<!tpu.dma_semaphore, #tpu.memory_space<semaphore_mem>>)
      %dma_wait3A = tpu.memref_slice %arg8[%mul3A_2] : memref<10240xf32, #tpu.memory_space<vmem_shared>> -> memref<640xf32, #tpu.memory_space<vmem_shared>>
      tpu.wait_dma2 semaphore(%run_scoped3A : memref<!tpu.dma_semaphore, #tpu.memory_space<semaphore_mem>>) src(%arg3 : memref<640xf32, #tpu.memory_space<hbm>>) dst(%dma_wait3A : memref<640xf32, #tpu.memory_space<vmem_shared>>)
      tpu.yield
    }) : () -> ()
    "tpu.region"() ({
      %run_scoped3A = tpu.sem_alloc : memref<!tpu.dma_semaphore, #tpu.memory_space<semaphore_mem>>
      %dma_start3A = arith.constant 0 : i32
      %dma_start3A_13 = arith.constant 0 : i32
      %dma_start3A_14 = tpu.memref_slice %arg2[%add3A, %dma_start3A, %dma_start3A_13] : memref<32x80x128xi32, #tpu.memory_space<hbm>> -> memref<1x80x128xi32, #tpu.memory_space<hbm>>
      %dma_start3A_15 = tpu.memref_squeeze %dma_start3A_14 : memref<1x80x128xi32, #tpu.memory_space<hbm>> -> memref<80x128xi32, #tpu.memory_space<hbm>>
      %dma_start3A_16 = arith.constant 0 : i32
      %dma_start3A_17 = arith.constant 0 : i32
      %dma_start3A_18 = tpu.memref_slice %arg2[%add3A, %dma_start3A_16, %dma_start3A_17] : memref<32x80x128xi32, #tpu.memory_space<hbm>> -> memref<1x80x128xi32, #tpu.memory_space<hbm>>
      %dma_start3A_19 = tpu.memref_squeeze %dma_start3A_18 : memref<1x80x128xi32, #tpu.memory_space<hbm>> -> memref<80x128xi32, #tpu.memory_space<hbm>>
      tpu.enqueue_dma source(%dma_start3A_19 : memref<80x128xi32, #tpu.memory_space<hbm>>) target(%arg6 : memref<80x128xi32, #tpu.memory_space<vmem>>) target_semaphore(%run_scoped3A : memref<!tpu.dma_semaphore, #tpu.memory_space<semaphore_mem>>)
      %dma_wait3A = arith.constant 0 : i32
      %dma_wait3A_20 = arith.constant 0 : i32
      %dma_wait3A_21 = tpu.memref_slice %arg2[%add3A, %dma_wait3A, %dma_wait3A_20] : memref<32x80x128xi32, #tpu.memory_space<hbm>> -> memref<1x80x128xi32, #tpu.memory_space<hbm>>
      %dma_wait3A_22 = tpu.memref_squeeze %dma_wait3A_21 : memref<1x80x128xi32, #tpu.memory_space<hbm>> -> memref<80x128xi32, #tpu.memory_space<hbm>>
      %dma_wait3A_23 = arith.constant 0 : i32
      %dma_wait3A_24 = arith.constant 0 : i32
      %dma_wait3A_25 = tpu.memref_slice %arg2[%add3A, %dma_wait3A_23, %dma_wait3A_24] : memref<32x80x128xi32, #tpu.memory_space<hbm>> -> memref<1x80x128xi32, #tpu.memory_space<hbm>>
      %dma_wait3A_26 = tpu.memref_squeeze %dma_wait3A_25 : memref<1x80x128xi32, #tpu.memory_space<hbm>> -> memref<80x128xi32, #tpu.memory_space<hbm>>
      tpu.wait_dma2 semaphore(%run_scoped3A : memref<!tpu.dma_semaphore, #tpu.memory_space<semaphore_mem>>) src(%dma_wait3A_26 : memref<80x128xi32, #tpu.memory_space<hbm>>) dst(%arg6 : memref<80x128xi32, #tpu.memory_space<vmem>>)
      tpu.yield
    }) : () -> ()
    "tpu.region"() ({
      %run_scoped3A = tpu.sem_alloc : memref<!tpu.dma_semaphore, #tpu.memory_space<semaphore_mem>>
      tpu.enqueue_dma source(%arg4 : memref<128xf32, #tpu.memory_space<hbm>>) target(%arg7 : memref<128xf32, #tpu.memory_space<vmem>>) target_semaphore(%run_scoped3A : memref<!tpu.dma_semaphore, #tpu.memory_space<semaphore_mem>>)
      tpu.wait_dma2 semaphore(%run_scoped3A : memref<!tpu.dma_semaphore, #tpu.memory_space<semaphore_mem>>) src(%arg4 : memref<128xf32, #tpu.memory_space<hbm>>) dst(%arg7 : memref<128xf32, #tpu.memory_space<vmem>>)
      tpu.yield
    }) : () -> ()
    %barrier3A = arith.constant 0 : index
    tpu.barrier barrier_id(%barrier3A)
    %scan3A = arith.constant 0 : i32
    %scan3A_3 = arith.constant 0 : i32
    %scan3A_4 = arith.constant 80 : i32
    %scan3A_5 = arith.addi %scan3A_3, %scan3A_4 : i32
    %scan3A_6 = arith.constant 1 : i32
    scf.for %scan3A_13 = %scan3A_3 to %scan3A_5 step %scan3A_6  : i32 {
      "tpu.region"() ({
        %run_scoped3A = tpu.sem_alloc : memref<!tpu.dma_semaphore, #tpu.memory_space<semaphore_mem>>
        %dma_start3A = arith.constant 0 : i32
        %dma_start3A_14 = tpu.memref_slice %arg6[%scan3A_13, %dma_start3A] : memref<80x128xi32, #tpu.memory_space<vmem>> -> memref<1x128xi32, #tpu.memory_space<vmem>>
        %dma_start3A_15 = tpu.memref_squeeze %dma_start3A_14 : memref<1x128xi32, #tpu.memory_space<vmem>> -> memref<128xi32, #tpu.memory_space<vmem>>
        %dma_start3A_16 = arith.constant 0 : i32
        %dma_start3A_17 = tpu.memref_slice %arg8[%dma_start3A_16] : memref<10240xf32, #tpu.memory_space<vmem_shared>> -> memref<10240xf32, #tpu.memory_space<vmem_shared>>
        tpu.enqueue_indirect_dma source(%arg7 : memref<128xf32, #tpu.memory_space<vmem>>) target(%dma_start3A_17 : memref<10240xf32, #tpu.memory_space<vmem_shared>>) offsets(%dma_start3A_15 : memref<128xi32, #tpu.memory_space<vmem>>) semaphore(%run_scoped3A : memref<!tpu.dma_semaphore, #tpu.memory_space<semaphore_mem>>) {add = true}
        %dma_wait3A = arith.constant 0 : i32
        %dma_wait3A_18 = tpu.memref_slice %arg6[%scan3A_13, %dma_wait3A] : memref<80x128xi32, #tpu.memory_space<vmem>> -> memref<1x128xi32, #tpu.memory_space<vmem>>
        %dma_wait3A_19 = tpu.memref_squeeze %dma_wait3A_18 : memref<1x128xi32, #tpu.memory_space<vmem>> -> memref<128xi32, #tpu.memory_space<vmem>>
        %dma_wait3A_20 = arith.constant 0 : i32
        %dma_wait3A_21 = tpu.memref_slice %arg8[%dma_wait3A_20] : memref<10240xf32, #tpu.memory_space<vmem_shared>> -> memref<10240xf32, #tpu.memory_space<vmem_shared>>
        tpu.wait_indirect_dma semaphore(%run_scoped3A : memref<!tpu.dma_semaphore, #tpu.memory_space<semaphore_mem>>) src(%arg7 : memref<128xf32, #tpu.memory_space<vmem>>) dst(%dma_wait3A_21 : memref<10240xf32, #tpu.memory_space<vmem_shared>>)
        tpu.yield
      }) : () -> ()
    }
    %scan3A_7 = arith.constant 80 : i32
    %barrier3A_8 = arith.constant 0 : index
    tpu.barrier barrier_id(%barrier3A_8)
    %mul3A_9 = arith.constant 640 : i32
    %mul3A_10 = arith.muli %arg1, %mul3A_9 : i32
    %mul3A_11 = arith.constant 640 : i32
    %mul3A_12 = arith.muli %arg1, %mul3A_11 : i32
    "tpu.region"() ({
      %run_scoped3A = tpu.sem_alloc : memref<!tpu.dma_semaphore, #tpu.memory_space<semaphore_mem>>
      %dma_start3A = tpu.memref_slice %arg5[%arg0, %mul3A_12] : memref<2x10240xf32, #tpu.memory_space<hbm>> -> memref<1x640xf32, #tpu.memory_space<hbm>>
      %dma_start3A_13 = tpu.memref_squeeze %dma_start3A : memref<1x640xf32, #tpu.memory_space<hbm>> -> memref<640xf32, #tpu.memory_space<hbm>>
      %dma_start3A_14 = tpu.memref_slice %arg8[%mul3A_10] : memref<10240xf32, #tpu.memory_space<vmem_shared>> -> memref<640xf32, #tpu.memory_space<vmem_shared>>
      tpu.enqueue_dma source(%dma_start3A_14 : memref<640xf32, #tpu.memory_space<vmem_shared>>) target(%dma_start3A_13 : memref<640xf32, #tpu.memory_space<hbm>>) target_semaphore(%run_scoped3A : memref<!tpu.dma_semaphore, #tpu.memory_space<semaphore_mem>>)
      %dma_wait3A = tpu.memref_slice %arg5[%arg0, %mul3A_12] : memref<2x10240xf32, #tpu.memory_space<hbm>> -> memref<1x640xf32, #tpu.memory_space<hbm>>
      %dma_wait3A_15 = tpu.memref_squeeze %dma_wait3A : memref<1x640xf32, #tpu.memory_space<hbm>> -> memref<640xf32, #tpu.memory_space<hbm>>
      %dma_wait3A_16 = tpu.memref_slice %arg8[%mul3A_10] : memref<10240xf32, #tpu.memory_space<vmem_shared>> -> memref<640xf32, #tpu.memory_space<vmem_shared>>
      tpu.wait_dma2 semaphore(%run_scoped3A : memref<!tpu.dma_semaphore, #tpu.memory_space<semaphore_mem>>) src(%dma_wait3A_16 : memref<640xf32, #tpu.memory_space<vmem_shared>>) dst(%dma_wait3A_15 : memref<640xf32, #tpu.memory_space<hbm>>)
      tpu.yield
    }) : () -> ()
    return
  }
}

#map = affine_map<(d0, d1) -> (0, 0)>
#map1 = affine_map<(d0, d1) -> (0, 0, 0)>
module attributes {stable_mosaic.version = 14 : i64} {
  func.func @_sc_rows(%arg0: i32, %arg1: i32, %arg2: memref<10000x128xf32, #tpu.memory_space<hbm>>, %arg3: memref<32x80x128xi32, #tpu.memory_space<hbm>>, %arg4: memref<32x80x128xi32, #tpu.memory_space<hbm>>, %arg5: memref<640x128xf32, #tpu.memory_space<hbm>>, %arg6: memref<2x10240x128xf32, #tpu.memory_space<hbm>>, %arg7: memref<40x128xi32, #tpu.memory_space<vmem>>, %arg8: memref<40x128xi32, #tpu.memory_space<vmem>>, %arg9: memref<2x128x128xf32, #tpu.memory_space<vmem>>, %arg10: memref<10240x128xf32, #tpu.memory_space<vmem_shared>>, %arg11: memref<!tpu.dma_semaphore, #tpu.memory_space<semaphore_mem>>, %arg12: memref<!tpu.dma_semaphore, #tpu.memory_space<semaphore_mem>>) attributes {dimension_semantics = [#tpu.dimension_semantics<core_parallel>, #tpu.dimension_semantics<subcore_parallel>], iteration_bounds = array<i64: 2, 16>, scalar_prefetch = 0 : i64, scratch_operands = 6 : i64, tpu.core_type = #tpu.core_type<sc_vector_subcore>, window_params = [{transform_indices = #map}, {transform_indices = #map1}, {transform_indices = #map1}, {transform_indices = #map}, {transform_indices = #map1}]} {
    %mul3A = arith.constant 16 : i32
    %mul3A_0 = arith.muli %arg0, %mul3A : i32
    %add3A = arith.addi %mul3A_0, %arg1 : i32
    %mul3A_1 = arith.constant 640 : i32
    %mul3A_2 = arith.muli %arg1, %mul3A_1 : i32
    "tpu.region"() ({
      %run_scoped3A = tpu.sem_alloc : memref<!tpu.dma_semaphore, #tpu.memory_space<semaphore_mem>>
      %dma_start3A_66 = arith.constant 0 : i32
      %dma_start3A_67 = tpu.memref_slice %arg10[%mul3A_2, %dma_start3A_66] : memref<10240x128xf32, #tpu.memory_space<vmem_shared>> -> memref<640x128xf32, #tpu.memory_space<vmem_shared>>
      tpu.enqueue_dma source(%arg5 : memref<640x128xf32, #tpu.memory_space<hbm>>) target(%dma_start3A_67 : memref<640x128xf32, #tpu.memory_space<vmem_shared>>) target_semaphore(%run_scoped3A : memref<!tpu.dma_semaphore, #tpu.memory_space<semaphore_mem>>)
      %dma_wait3A = arith.constant 0 : i32
      %dma_wait3A_68 = tpu.memref_slice %arg10[%mul3A_2, %dma_wait3A] : memref<10240x128xf32, #tpu.memory_space<vmem_shared>> -> memref<640x128xf32, #tpu.memory_space<vmem_shared>>
      tpu.wait_dma2 semaphore(%run_scoped3A : memref<!tpu.dma_semaphore, #tpu.memory_space<semaphore_mem>>) src(%arg5 : memref<640x128xf32, #tpu.memory_space<hbm>>) dst(%dma_wait3A_68 : memref<640x128xf32, #tpu.memory_space<vmem_shared>>)
      tpu.yield
    }) : () -> ()
    %barrier3A = arith.constant 0 : index
    tpu.barrier barrier_id(%barrier3A)
    "tpu.region"() ({
      %run_scoped3A = tpu.sem_alloc : memref<!tpu.dma_semaphore, #tpu.memory_space<semaphore_mem>>
      %dma_start3A_66 = arith.constant 0 : i32
      %dma_start3A_67 = arith.constant 0 : i32
      %dma_start3A_68 = tpu.memref_slice %arg3[%add3A, %dma_start3A_66, %dma_start3A_67] : memref<32x80x128xi32, #tpu.memory_space<hbm>> -> memref<1x40x128xi32, #tpu.memory_space<hbm>>
      %dma_start3A_69 = tpu.memref_squeeze %dma_start3A_68 : memref<1x40x128xi32, #tpu.memory_space<hbm>> -> memref<40x128xi32, #tpu.memory_space<hbm>>
      %dma_start3A_70 = arith.constant 0 : i32
      %dma_start3A_71 = arith.constant 0 : i32
      %dma_start3A_72 = tpu.memref_slice %arg3[%add3A, %dma_start3A_70, %dma_start3A_71] : memref<32x80x128xi32, #tpu.memory_space<hbm>> -> memref<1x40x128xi32, #tpu.memory_space<hbm>>
      %dma_start3A_73 = tpu.memref_squeeze %dma_start3A_72 : memref<1x40x128xi32, #tpu.memory_space<hbm>> -> memref<40x128xi32, #tpu.memory_space<hbm>>
      tpu.enqueue_dma source(%dma_start3A_73 : memref<40x128xi32, #tpu.memory_space<hbm>>) target(%arg7 : memref<40x128xi32, #tpu.memory_space<vmem>>) target_semaphore(%run_scoped3A : memref<!tpu.dma_semaphore, #tpu.memory_space<semaphore_mem>>)
      %dma_wait3A = arith.constant 0 : i32
      %dma_wait3A_74 = arith.constant 0 : i32
      %dma_wait3A_75 = tpu.memref_slice %arg3[%add3A, %dma_wait3A, %dma_wait3A_74] : memref<32x80x128xi32, #tpu.memory_space<hbm>> -> memref<1x40x128xi32, #tpu.memory_space<hbm>>
      %dma_wait3A_76 = tpu.memref_squeeze %dma_wait3A_75 : memref<1x40x128xi32, #tpu.memory_space<hbm>> -> memref<40x128xi32, #tpu.memory_space<hbm>>
      %dma_wait3A_77 = arith.constant 0 : i32
      %dma_wait3A_78 = arith.constant 0 : i32
      %dma_wait3A_79 = tpu.memref_slice %arg3[%add3A, %dma_wait3A_77, %dma_wait3A_78] : memref<32x80x128xi32, #tpu.memory_space<hbm>> -> memref<1x40x128xi32, #tpu.memory_space<hbm>>
      %dma_wait3A_80 = tpu.memref_squeeze %dma_wait3A_79 : memref<1x40x128xi32, #tpu.memory_space<hbm>> -> memref<40x128xi32, #tpu.memory_space<hbm>>
      tpu.wait_dma2 semaphore(%run_scoped3A : memref<!tpu.dma_semaphore, #tpu.memory_space<semaphore_mem>>) src(%dma_wait3A_80 : memref<40x128xi32, #tpu.memory_space<hbm>>) dst(%arg7 : memref<40x128xi32, #tpu.memory_space<vmem>>)
      tpu.yield
    }) : () -> ()
    "tpu.region"() ({
      %run_scoped3A = tpu.sem_alloc : memref<!tpu.dma_semaphore, #tpu.memory_space<semaphore_mem>>
      %dma_start3A_66 = arith.constant 0 : i32
      %dma_start3A_67 = arith.constant 0 : i32
      %dma_start3A_68 = tpu.memref_slice %arg4[%add3A, %dma_start3A_66, %dma_start3A_67] : memref<32x80x128xi32, #tpu.memory_space<hbm>> -> memref<1x40x128xi32, #tpu.memory_space<hbm>>
      %dma_start3A_69 = tpu.memref_squeeze %dma_start3A_68 : memref<1x40x128xi32, #tpu.memory_space<hbm>> -> memref<40x128xi32, #tpu.memory_space<hbm>>
      %dma_start3A_70 = arith.constant 0 : i32
      %dma_start3A_71 = arith.constant 0 : i32
      %dma_start3A_72 = tpu.memref_slice %arg4[%add3A, %dma_start3A_70, %dma_start3A_71] : memref<32x80x128xi32, #tpu.memory_space<hbm>> -> memref<1x40x128xi32, #tpu.memory_space<hbm>>
      %dma_start3A_73 = tpu.memref_squeeze %dma_start3A_72 : memref<1x40x128xi32, #tpu.memory_space<hbm>> -> memref<40x128xi32, #tpu.memory_space<hbm>>
      tpu.enqueue_dma source(%dma_start3A_73 : memref<40x128xi32, #tpu.memory_space<hbm>>) target(%arg8 : memref<40x128xi32, #tpu.memory_space<vmem>>) target_semaphore(%run_scoped3A : memref<!tpu.dma_semaphore, #tpu.memory_space<semaphore_mem>>)
      %dma_wait3A = arith.constant 0 : i32
      %dma_wait3A_74 = arith.constant 0 : i32
      %dma_wait3A_75 = tpu.memref_slice %arg4[%add3A, %dma_wait3A, %dma_wait3A_74] : memref<32x80x128xi32, #tpu.memory_space<hbm>> -> memref<1x40x128xi32, #tpu.memory_space<hbm>>
      %dma_wait3A_76 = tpu.memref_squeeze %dma_wait3A_75 : memref<1x40x128xi32, #tpu.memory_space<hbm>> -> memref<40x128xi32, #tpu.memory_space<hbm>>
      %dma_wait3A_77 = arith.constant 0 : i32
      %dma_wait3A_78 = arith.constant 0 : i32
      %dma_wait3A_79 = tpu.memref_slice %arg4[%add3A, %dma_wait3A_77, %dma_wait3A_78] : memref<32x80x128xi32, #tpu.memory_space<hbm>> -> memref<1x40x128xi32, #tpu.memory_space<hbm>>
      %dma_wait3A_80 = tpu.memref_squeeze %dma_wait3A_79 : memref<1x40x128xi32, #tpu.memory_space<hbm>> -> memref<40x128xi32, #tpu.memory_space<hbm>>
      tpu.wait_dma2 semaphore(%run_scoped3A : memref<!tpu.dma_semaphore, #tpu.memory_space<semaphore_mem>>) src(%dma_wait3A_80 : memref<40x128xi32, #tpu.memory_space<hbm>>) dst(%arg8 : memref<40x128xi32, #tpu.memory_space<vmem>>)
      tpu.yield
    }) : () -> ()
    %dma_start3A = arith.constant 0 : i32
    %dma_start3A_3 = arith.constant 0 : i32
    %dma_start3A_4 = arith.constant 0 : i32
    %dma_start3A_5 = arith.constant 0 : i32
    %dma_start3A_6 = tpu.memref_slice %arg9[%dma_start3A_3, %dma_start3A_4, %dma_start3A_5] : memref<2x128x128xf32, #tpu.memory_space<vmem>> -> memref<1x128x128xf32, #tpu.memory_space<vmem>>
    %dma_start3A_7 = tpu.memref_squeeze %dma_start3A_6 : memref<1x128x128xf32, #tpu.memory_space<vmem>> -> memref<128x128xf32, #tpu.memory_space<vmem>>
    %dma_start3A_8 = arith.constant 0 : i32
    %dma_start3A_9 = tpu.memref_slice %arg7[%dma_start3A, %dma_start3A_8] : memref<40x128xi32, #tpu.memory_space<vmem>> -> memref<1x128xi32, #tpu.memory_space<vmem>>
    %dma_start3A_10 = tpu.memref_squeeze %dma_start3A_9 : memref<1x128xi32, #tpu.memory_space<vmem>> -> memref<128xi32, #tpu.memory_space<vmem>>
    %dma_start3A_11 = arith.constant 0 : i32
    %dma_start3A_12 = arith.constant 0 : i32
    %dma_start3A_13 = tpu.memref_slice %arg2[%dma_start3A_11, %dma_start3A_12] : memref<10000x128xf32, #tpu.memory_space<hbm>> -> memref<10000x128xf32, #tpu.memory_space<hbm>>
    tpu.enqueue_indirect_dma source(%dma_start3A_13 : memref<10000x128xf32, #tpu.memory_space<hbm>>) target(%dma_start3A_7 : memref<128x128xf32, #tpu.memory_space<vmem>>) offsets(%dma_start3A_10 : memref<128xi32, #tpu.memory_space<vmem>>) semaphore(%arg11 : memref<!tpu.dma_semaphore, #tpu.memory_space<semaphore_mem>>)
    %dma_start3A_14 = arith.constant 1 : i32
    %dma_start3A_15 = arith.constant 1 : i32
    %dma_start3A_16 = arith.constant 0 : i32
    %dma_start3A_17 = arith.constant 0 : i32
    %dma_start3A_18 = tpu.memref_slice %arg9[%dma_start3A_15, %dma_start3A_16, %dma_start3A_17] : memref<2x128x128xf32, #tpu.memory_space<vmem>> -> memref<1x128x128xf32, #tpu.memory_space<vmem>>
    %dma_start3A_19 = tpu.memref_squeeze %dma_start3A_18 : memref<1x128x128xf32, #tpu.memory_space<vmem>> -> memref<128x128xf32, #tpu.memory_space<vmem>>
    %dma_start3A_20 = arith.constant 0 : i32
    %dma_start3A_21 = tpu.memref_slice %arg7[%dma_start3A_14, %dma_start3A_20] : memref<40x128xi32, #tpu.memory_space<vmem>> -> memref<1x128xi32, #tpu.memory_space<vmem>>
    %dma_start3A_22 = tpu.memref_squeeze %dma_start3A_21 : memref<1x128xi32, #tpu.memory_space<vmem>> -> memref<128xi32, #tpu.memory_space<vmem>>
    %dma_start3A_23 = arith.constant 0 : i32
    %dma_start3A_24 = arith.constant 0 : i32
    %dma_start3A_25 = tpu.memref_slice %arg2[%dma_start3A_23, %dma_start3A_24] : memref<10000x128xf32, #tpu.memory_space<hbm>> -> memref<10000x128xf32, #tpu.memory_space<hbm>>
    tpu.enqueue_indirect_dma source(%dma_start3A_25 : memref<10000x128xf32, #tpu.memory_space<hbm>>) target(%dma_start3A_19 : memref<128x128xf32, #tpu.memory_space<vmem>>) offsets(%dma_start3A_22 : memref<128xi32, #tpu.memory_space<vmem>>) semaphore(%arg12 : memref<!tpu.dma_semaphore, #tpu.memory_space<semaphore_mem>>)
    %scan3A = arith.constant 0 : i32
    %scan3A_26 = arith.constant 0 : i32
    %scan3A_27 = arith.constant 20 : i32
    %scan3A_28 = arith.addi %scan3A_26, %scan3A_27 : i32
    %scan3A_29 = arith.constant 1 : i32
    scf.for %scan3A_66 = %scan3A_26 to %scan3A_28 step %scan3A_29  : i32 {
      %mul3A_67 = arith.constant 2 : i32
      %mul3A_68 = arith.muli %scan3A_66, %mul3A_67 : i32
      %add3A_69 = arith.constant 0 : i32
      %add3A_70 = arith.addi %mul3A_68, %add3A_69 : i32
      %dma_wait3A = arith.constant 0 : i32
      %dma_wait3A_71 = arith.constant 0 : i32
      %dma_wait3A_72 = arith.constant 0 : i32
      %dma_wait3A_73 = tpu.memref_slice %arg9[%dma_wait3A, %dma_wait3A_71, %dma_wait3A_72] : memref<2x128x128xf32, #tpu.memory_space<vmem>> -> memref<1x128x128xf32, #tpu.memory_space<vmem>>
      %dma_wait3A_74 = tpu.memref_squeeze %dma_wait3A_73 : memref<1x128x128xf32, #tpu.memory_space<vmem>> -> memref<128x128xf32, #tpu.memory_space<vmem>>
      %dma_wait3A_75 = arith.constant 0 : i32
      %dma_wait3A_76 = tpu.memref_slice %arg7[%add3A_70, %dma_wait3A_75] : memref<40x128xi32, #tpu.memory_space<vmem>> -> memref<1x128xi32, #tpu.memory_space<vmem>>
      %dma_wait3A_77 = tpu.memref_squeeze %dma_wait3A_76 : memref<1x128xi32, #tpu.memory_space<vmem>> -> memref<128xi32, #tpu.memory_space<vmem>>
      %dma_wait3A_78 = arith.constant 0 : i32
      %dma_wait3A_79 = arith.constant 0 : i32
      %dma_wait3A_80 = tpu.memref_slice %arg2[%dma_wait3A_78, %dma_wait3A_79] : memref<10000x128xf32, #tpu.memory_space<hbm>> -> memref<10000x128xf32, #tpu.memory_space<hbm>>
      tpu.wait_indirect_dma semaphore(%arg11 : memref<!tpu.dma_semaphore, #tpu.memory_space<semaphore_mem>>) src(%dma_wait3A_80 : memref<10000x128xf32, #tpu.memory_space<hbm>>) dst(%dma_wait3A_74 : memref<128x128xf32, #tpu.memory_space<vmem>>)
      %run_scoped3A = arith.constant 0 : i32
      "tpu.region"() ({
        %run_scoped3A_106 = tpu.sem_alloc : memref<!tpu.dma_semaphore, #tpu.memory_space<semaphore_mem>>
        %dma_start3A_107 = arith.constant 0 : i32
        %dma_start3A_108 = arith.constant 0 : i32
        %dma_start3A_109 = tpu.memref_slice %arg9[%run_scoped3A, %dma_start3A_107, %dma_start3A_108] : memref<2x128x128xf32, #tpu.memory_space<vmem>> -> memref<1x128x128xf32, #tpu.memory_space<vmem>>
        %dma_start3A_110 = tpu.memref_squeeze %dma_start3A_109 : memref<1x128x128xf32, #tpu.memory_space<vmem>> -> memref<128x128xf32, #tpu.memory_space<vmem>>
        %dma_start3A_111 = arith.constant 0 : i32
        %dma_start3A_112 = tpu.memref_slice %arg8[%add3A_70, %dma_start3A_111] : memref<40x128xi32, #tpu.memory_space<vmem>> -> memref<1x128xi32, #tpu.memory_space<vmem>>
        %dma_start3A_113 = tpu.memref_squeeze %dma_start3A_112 : memref<1x128xi32, #tpu.memory_space<vmem>> -> memref<128xi32, #tpu.memory_space<vmem>>
        %dma_start3A_114 = arith.constant 0 : i32
        %dma_start3A_115 = arith.constant 0 : i32
        %dma_start3A_116 = tpu.memref_slice %arg10[%dma_start3A_114, %dma_start3A_115] : memref<10240x128xf32, #tpu.memory_space<vmem_shared>> -> memref<10240x128xf32, #tpu.memory_space<vmem_shared>>
        tpu.enqueue_indirect_dma source(%dma_start3A_110 : memref<128x128xf32, #tpu.memory_space<vmem>>) target(%dma_start3A_116 : memref<10240x128xf32, #tpu.memory_space<vmem_shared>>) offsets(%dma_start3A_113 : memref<128xi32, #tpu.memory_space<vmem>>) semaphore(%run_scoped3A_106 : memref<!tpu.dma_semaphore, #tpu.memory_space<semaphore_mem>>) {add = true}
        %dma_wait3A_117 = arith.constant 0 : i32
        %dma_wait3A_118 = arith.constant 0 : i32
        %dma_wait3A_119 = tpu.memref_slice %arg9[%run_scoped3A, %dma_wait3A_117, %dma_wait3A_118] : memref<2x128x128xf32, #tpu.memory_space<vmem>> -> memref<1x128x128xf32, #tpu.memory_space<vmem>>
        %dma_wait3A_120 = tpu.memref_squeeze %dma_wait3A_119 : memref<1x128x128xf32, #tpu.memory_space<vmem>> -> memref<128x128xf32, #tpu.memory_space<vmem>>
        %dma_wait3A_121 = arith.constant 0 : i32
        %dma_wait3A_122 = tpu.memref_slice %arg8[%add3A_70, %dma_wait3A_121] : memref<40x128xi32, #tpu.memory_space<vmem>> -> memref<1x128xi32, #tpu.memory_space<vmem>>
        %dma_wait3A_123 = tpu.memref_squeeze %dma_wait3A_122 : memref<1x128xi32, #tpu.memory_space<vmem>> -> memref<128xi32, #tpu.memory_space<vmem>>
        %dma_wait3A_124 = arith.constant 0 : i32
        %dma_wait3A_125 = arith.constant 0 : i32
        %dma_wait3A_126 = tpu.memref_slice %arg10[%dma_wait3A_124, %dma_wait3A_125] : memref<10240x128xf32, #tpu.memory_space<vmem_shared>> -> memref<10240x128xf32, #tpu.memory_space<vmem_shared>>
        tpu.wait_indirect_dma semaphore(%run_scoped3A_106 : memref<!tpu.dma_semaphore, #tpu.memory_space<semaphore_mem>>) src(%dma_wait3A_120 : memref<128x128xf32, #tpu.memory_space<vmem>>) dst(%dma_wait3A_126 : memref<10240x128xf32, #tpu.memory_space<vmem_shared>>)
        tpu.yield
      }) : () -> ()
      %add3A_81 = arith.constant 2 : i32
      %add3A_82 = arith.addi %add3A_70, %add3A_81 : i32
      %lt3A = arith.constant 40 : i32
      %lt3A_83 = arith.cmpi slt, %add3A_82, %lt3A : i32
      %convert_element_type3A = arith.extui %lt3A_83 : i1 to i32
      %cond3A = arith.constant 0 : i32
      %cond3A_84 = arith.cmpi ne, %convert_element_type3A, %cond3A : i32
      scf.if %cond3A_84 {
        %dma_start3A_106 = arith.constant 0 : i32
        %dma_start3A_107 = arith.constant 0 : i32
        %dma_start3A_108 = arith.constant 0 : i32
        %dma_start3A_109 = tpu.memref_slice %arg9[%dma_start3A_106, %dma_start3A_107, %dma_start3A_108] : memref<2x128x128xf32, #tpu.memory_space<vmem>> -> memref<1x128x128xf32, #tpu.memory_space<vmem>>
        %dma_start3A_110 = tpu.memref_squeeze %dma_start3A_109 : memref<1x128x128xf32, #tpu.memory_space<vmem>> -> memref<128x128xf32, #tpu.memory_space<vmem>>
        %dma_start3A_111 = arith.constant 0 : i32
        %dma_start3A_112 = tpu.memref_slice %arg7[%add3A_82, %dma_start3A_111] : memref<40x128xi32, #tpu.memory_space<vmem>> -> memref<1x128xi32, #tpu.memory_space<vmem>>
        %dma_start3A_113 = tpu.memref_squeeze %dma_start3A_112 : memref<1x128xi32, #tpu.memory_space<vmem>> -> memref<128xi32, #tpu.memory_space<vmem>>
        %dma_start3A_114 = arith.constant 0 : i32
        %dma_start3A_115 = arith.constant 0 : i32
        %dma_start3A_116 = tpu.memref_slice %arg2[%dma_start3A_114, %dma_start3A_115] : memref<10000x128xf32, #tpu.memory_space<hbm>> -> memref<10000x128xf32, #tpu.memory_space<hbm>>
        tpu.enqueue_indirect_dma source(%dma_start3A_116 : memref<10000x128xf32, #tpu.memory_space<hbm>>) target(%dma_start3A_110 : memref<128x128xf32, #tpu.memory_space<vmem>>) offsets(%dma_start3A_113 : memref<128xi32, #tpu.memory_space<vmem>>) semaphore(%arg11 : memref<!tpu.dma_semaphore, #tpu.memory_space<semaphore_mem>>)
      } else {
      }
      %add3A_85 = arith.constant 1 : i32
      %add3A_86 = arith.addi %mul3A_68, %add3A_85 : i32
      %dma_wait3A_87 = arith.constant 1 : i32
      %dma_wait3A_88 = arith.constant 0 : i32
      %dma_wait3A_89 = arith.constant 0 : i32
      %dma_wait3A_90 = tpu.memref_slice %arg9[%dma_wait3A_87, %dma_wait3A_88, %dma_wait3A_89] : memref<2x128x128xf32, #tpu.memory_space<vmem>> -> memref<1x128x128xf32, #tpu.memory_space<vmem>>
      %dma_wait3A_91 = tpu.memref_squeeze %dma_wait3A_90 : memref<1x128x128xf32, #tpu.memory_space<vmem>> -> memref<128x128xf32, #tpu.memory_space<vmem>>
      %dma_wait3A_92 = arith.constant 0 : i32
      %dma_wait3A_93 = tpu.memref_slice %arg7[%add3A_86, %dma_wait3A_92] : memref<40x128xi32, #tpu.memory_space<vmem>> -> memref<1x128xi32, #tpu.memory_space<vmem>>
      %dma_wait3A_94 = tpu.memref_squeeze %dma_wait3A_93 : memref<1x128xi32, #tpu.memory_space<vmem>> -> memref<128xi32, #tpu.memory_space<vmem>>
      %dma_wait3A_95 = arith.constant 0 : i32
      %dma_wait3A_96 = arith.constant 0 : i32
      %dma_wait3A_97 = tpu.memref_slice %arg2[%dma_wait3A_95, %dma_wait3A_96] : memref<10000x128xf32, #tpu.memory_space<hbm>> -> memref<10000x128xf32, #tpu.memory_space<hbm>>
      tpu.wait_indirect_dma semaphore(%arg12 : memref<!tpu.dma_semaphore, #tpu.memory_space<semaphore_mem>>) src(%dma_wait3A_97 : memref<10000x128xf32, #tpu.memory_space<hbm>>) dst(%dma_wait3A_91 : memref<128x128xf32, #tpu.memory_space<vmem>>)
      %run_scoped3A_98 = arith.constant 1 : i32
      "tpu.region"() ({
        %run_scoped3A_106 = tpu.sem_alloc : memref<!tpu.dma_semaphore, #tpu.memory_space<semaphore_mem>>
        %dma_start3A_107 = arith.constant 0 : i32
        %dma_start3A_108 = arith.constant 0 : i32
        %dma_start3A_109 = tpu.memref_slice %arg9[%run_scoped3A_98, %dma_start3A_107, %dma_start3A_108] : memref<2x128x128xf32, #tpu.memory_space<vmem>> -> memref<1x128x128xf32, #tpu.memory_space<vmem>>
        %dma_start3A_110 = tpu.memref_squeeze %dma_start3A_109 : memref<1x128x128xf32, #tpu.memory_space<vmem>> -> memref<128x128xf32, #tpu.memory_space<vmem>>
        %dma_start3A_111 = arith.constant 0 : i32
        %dma_start3A_112 = tpu.memref_slice %arg8[%add3A_86, %dma_start3A_111] : memref<40x128xi32, #tpu.memory_space<vmem>> -> memref<1x128xi32, #tpu.memory_space<vmem>>
        %dma_start3A_113 = tpu.memref_squeeze %dma_start3A_112 : memref<1x128xi32, #tpu.memory_space<vmem>> -> memref<128xi32, #tpu.memory_space<vmem>>
        %dma_start3A_114 = arith.constant 0 : i32
        %dma_start3A_115 = arith.constant 0 : i32
        %dma_start3A_116 = tpu.memref_slice %arg10[%dma_start3A_114, %dma_start3A_115] : memref<10240x128xf32, #tpu.memory_space<vmem_shared>> -> memref<10240x128xf32, #tpu.memory_space<vmem_shared>>
        tpu.enqueue_indirect_dma source(%dma_start3A_110 : memref<128x128xf32, #tpu.memory_space<vmem>>) target(%dma_start3A_116 : memref<10240x128xf32, #tpu.memory_space<vmem_shared>>) offsets(%dma_start3A_113 : memref<128xi32, #tpu.memory_space<vmem>>) semaphore(%run_scoped3A_106 : memref<!tpu.dma_semaphore, #tpu.memory_space<semaphore_mem>>) {add = true}
        %dma_wait3A_117 = arith.constant 0 : i32
        %dma_wait3A_118 = arith.constant 0 : i32
        %dma_wait3A_119 = tpu.memref_slice %arg9[%run_scoped3A_98, %dma_wait3A_117, %dma_wait3A_118] : memref<2x128x128xf32, #tpu.memory_space<vmem>> -> memref<1x128x128xf32, #tpu.memory_space<vmem>>
        %dma_wait3A_120 = tpu.memref_squeeze %dma_wait3A_119 : memref<1x128x128xf32, #tpu.memory_space<vmem>> -> memref<128x128xf32, #tpu.memory_space<vmem>>
        %dma_wait3A_121 = arith.constant 0 : i32
        %dma_wait3A_122 = tpu.memref_slice %arg8[%add3A_86, %dma_wait3A_121] : memref<40x128xi32, #tpu.memory_space<vmem>> -> memref<1x128xi32, #tpu.memory_space<vmem>>
        %dma_wait3A_123 = tpu.memref_squeeze %dma_wait3A_122 : memref<1x128xi32, #tpu.memory_space<vmem>> -> memref<128xi32, #tpu.memory_space<vmem>>
        %dma_wait3A_124 = arith.constant 0 : i32
        %dma_wait3A_125 = arith.constant 0 : i32
        %dma_wait3A_126 = tpu.memref_slice %arg10[%dma_wait3A_124, %dma_wait3A_125] : memref<10240x128xf32, #tpu.memory_space<vmem_shared>> -> memref<10240x128xf32, #tpu.memory_space<vmem_shared>>
        tpu.wait_indirect_dma semaphore(%run_scoped3A_106 : memref<!tpu.dma_semaphore, #tpu.memory_space<semaphore_mem>>) src(%dma_wait3A_120 : memref<128x128xf32, #tpu.memory_space<vmem>>) dst(%dma_wait3A_126 : memref<10240x128xf32, #tpu.memory_space<vmem_shared>>)
        tpu.yield
      }) : () -> ()
      %add3A_99 = arith.constant 2 : i32
      %add3A_100 = arith.addi %add3A_86, %add3A_99 : i32
      %lt3A_101 = arith.constant 40 : i32
      %lt3A_102 = arith.cmpi slt, %add3A_100, %lt3A_101 : i32
      %convert_element_type3A_103 = arith.extui %lt3A_102 : i1 to i32
      %cond3A_104 = arith.constant 0 : i32
      %cond3A_105 = arith.cmpi ne, %convert_element_type3A_103, %cond3A_104 : i32
      scf.if %cond3A_105 {
        %dma_start3A_106 = arith.constant 1 : i32
        %dma_start3A_107 = arith.constant 0 : i32
        %dma_start3A_108 = arith.constant 0 : i32
        %dma_start3A_109 = tpu.memref_slice %arg9[%dma_start3A_106, %dma_start3A_107, %dma_start3A_108] : memref<2x128x128xf32, #tpu.memory_space<vmem>> -> memref<1x128x128xf32, #tpu.memory_space<vmem>>
        %dma_start3A_110 = tpu.memref_squeeze %dma_start3A_109 : memref<1x128x128xf32, #tpu.memory_space<vmem>> -> memref<128x128xf32, #tpu.memory_space<vmem>>
        %dma_start3A_111 = arith.constant 0 : i32
        %dma_start3A_112 = tpu.memref_slice %arg7[%add3A_100, %dma_start3A_111] : memref<40x128xi32, #tpu.memory_space<vmem>> -> memref<1x128xi32, #tpu.memory_space<vmem>>
        %dma_start3A_113 = tpu.memref_squeeze %dma_start3A_112 : memref<1x128xi32, #tpu.memory_space<vmem>> -> memref<128xi32, #tpu.memory_space<vmem>>
        %dma_start3A_114 = arith.constant 0 : i32
        %dma_start3A_115 = arith.constant 0 : i32
        %dma_start3A_116 = tpu.memref_slice %arg2[%dma_start3A_114, %dma_start3A_115] : memref<10000x128xf32, #tpu.memory_space<hbm>> -> memref<10000x128xf32, #tpu.memory_space<hbm>>
        tpu.enqueue_indirect_dma source(%dma_start3A_116 : memref<10000x128xf32, #tpu.memory_space<hbm>>) target(%dma_start3A_110 : memref<128x128xf32, #tpu.memory_space<vmem>>) offsets(%dma_start3A_113 : memref<128xi32, #tpu.memory_space<vmem>>) semaphore(%arg12 : memref<!tpu.dma_semaphore, #tpu.memory_space<semaphore_mem>>)
      } else {
      }
    }
    %scan3A_30 = arith.constant 20 : i32
    "tpu.region"() ({
      %run_scoped3A = tpu.sem_alloc : memref<!tpu.dma_semaphore, #tpu.memory_space<semaphore_mem>>
      %dma_start3A_66 = arith.constant 40 : i32
      %dma_start3A_67 = arith.constant 0 : i32
      %dma_start3A_68 = tpu.memref_slice %arg3[%add3A, %dma_start3A_66, %dma_start3A_67] : memref<32x80x128xi32, #tpu.memory_space<hbm>> -> memref<1x40x128xi32, #tpu.memory_space<hbm>>
      %dma_start3A_69 = tpu.memref_squeeze %dma_start3A_68 : memref<1x40x128xi32, #tpu.memory_space<hbm>> -> memref<40x128xi32, #tpu.memory_space<hbm>>
      %dma_start3A_70 = arith.constant 40 : i32
      %dma_start3A_71 = arith.constant 0 : i32
      %dma_start3A_72 = tpu.memref_slice %arg3[%add3A, %dma_start3A_70, %dma_start3A_71] : memref<32x80x128xi32, #tpu.memory_space<hbm>> -> memref<1x40x128xi32, #tpu.memory_space<hbm>>
      %dma_start3A_73 = tpu.memref_squeeze %dma_start3A_72 : memref<1x40x128xi32, #tpu.memory_space<hbm>> -> memref<40x128xi32, #tpu.memory_space<hbm>>
      tpu.enqueue_dma source(%dma_start3A_73 : memref<40x128xi32, #tpu.memory_space<hbm>>) target(%arg7 : memref<40x128xi32, #tpu.memory_space<vmem>>) target_semaphore(%run_scoped3A : memref<!tpu.dma_semaphore, #tpu.memory_space<semaphore_mem>>)
      %dma_wait3A = arith.constant 40 : i32
      %dma_wait3A_74 = arith.constant 0 : i32
      %dma_wait3A_75 = tpu.memref_slice %arg3[%add3A, %dma_wait3A, %dma_wait3A_74] : memref<32x80x128xi32, #tpu.memory_space<hbm>> -> memref<1x40x128xi32, #tpu.memory_space<hbm>>
      %dma_wait3A_76 = tpu.memref_squeeze %dma_wait3A_75 : memref<1x40x128xi32, #tpu.memory_space<hbm>> -> memref<40x128xi32, #tpu.memory_space<hbm>>
      %dma_wait3A_77 = arith.constant 40 : i32
      %dma_wait3A_78 = arith.constant 0 : i32
      %dma_wait3A_79 = tpu.memref_slice %arg3[%add3A, %dma_wait3A_77, %dma_wait3A_78] : memref<32x80x128xi32, #tpu.memory_space<hbm>> -> memref<1x40x128xi32, #tpu.memory_space<hbm>>
      %dma_wait3A_80 = tpu.memref_squeeze %dma_wait3A_79 : memref<1x40x128xi32, #tpu.memory_space<hbm>> -> memref<40x128xi32, #tpu.memory_space<hbm>>
      tpu.wait_dma2 semaphore(%run_scoped3A : memref<!tpu.dma_semaphore, #tpu.memory_space<semaphore_mem>>) src(%dma_wait3A_80 : memref<40x128xi32, #tpu.memory_space<hbm>>) dst(%arg7 : memref<40x128xi32, #tpu.memory_space<vmem>>)
      tpu.yield
    }) : () -> ()
    "tpu.region"() ({
      %run_scoped3A = tpu.sem_alloc : memref<!tpu.dma_semaphore, #tpu.memory_space<semaphore_mem>>
      %dma_start3A_66 = arith.constant 40 : i32
      %dma_start3A_67 = arith.constant 0 : i32
      %dma_start3A_68 = tpu.memref_slice %arg4[%add3A, %dma_start3A_66, %dma_start3A_67] : memref<32x80x128xi32, #tpu.memory_space<hbm>> -> memref<1x40x128xi32, #tpu.memory_space<hbm>>
      %dma_start3A_69 = tpu.memref_squeeze %dma_start3A_68 : memref<1x40x128xi32, #tpu.memory_space<hbm>> -> memref<40x128xi32, #tpu.memory_space<hbm>>
      %dma_start3A_70 = arith.constant 40 : i32
      %dma_start3A_71 = arith.constant 0 : i32
      %dma_start3A_72 = tpu.memref_slice %arg4[%add3A, %dma_start3A_70, %dma_start3A_71] : memref<32x80x128xi32, #tpu.memory_space<hbm>> -> memref<1x40x128xi32, #tpu.memory_space<hbm>>
      %dma_start3A_73 = tpu.memref_squeeze %dma_start3A_72 : memref<1x40x128xi32, #tpu.memory_space<hbm>> -> memref<40x128xi32, #tpu.memory_space<hbm>>
      tpu.enqueue_dma source(%dma_start3A_73 : memref<40x128xi32, #tpu.memory_space<hbm>>) target(%arg8 : memref<40x128xi32, #tpu.memory_space<vmem>>) target_semaphore(%run_scoped3A : memref<!tpu.dma_semaphore, #tpu.memory_space<semaphore_mem>>)
      %dma_wait3A = arith.constant 40 : i32
      %dma_wait3A_74 = arith.constant 0 : i32
      %dma_wait3A_75 = tpu.memref_slice %arg4[%add3A, %dma_wait3A, %dma_wait3A_74] : memref<32x80x128xi32, #tpu.memory_space<hbm>> -> memref<1x40x128xi32, #tpu.memory_space<hbm>>
      %dma_wait3A_76 = tpu.memref_squeeze %dma_wait3A_75 : memref<1x40x128xi32, #tpu.memory_space<hbm>> -> memref<40x128xi32, #tpu.memory_space<hbm>>
      %dma_wait3A_77 = arith.constant 40 : i32
      %dma_wait3A_78 = arith.constant 0 : i32
      %dma_wait3A_79 = tpu.memref_slice %arg4[%add3A, %dma_wait3A_77, %dma_wait3A_78] : memref<32x80x128xi32, #tpu.memory_space<hbm>> -> memref<1x40x128xi32, #tpu.memory_space<hbm>>
      %dma_wait3A_80 = tpu.memref_squeeze %dma_wait3A_79 : memref<1x40x128xi32, #tpu.memory_space<hbm>> -> memref<40x128xi32, #tpu.memory_space<hbm>>
      tpu.wait_dma2 semaphore(%run_scoped3A : memref<!tpu.dma_semaphore, #tpu.memory_space<semaphore_mem>>) src(%dma_wait3A_80 : memref<40x128xi32, #tpu.memory_space<hbm>>) dst(%arg8 : memref<40x128xi32, #tpu.memory_space<vmem>>)
      tpu.yield
    }) : () -> ()
    %dma_start3A_31 = arith.constant 0 : i32
    %dma_start3A_32 = arith.constant 0 : i32
    %dma_start3A_33 = arith.constant 0 : i32
    %dma_start3A_34 = arith.constant 0 : i32
    %dma_start3A_35 = tpu.memref_slice %arg9[%dma_start3A_32, %dma_start3A_33, %dma_start3A_34] : memref<2x128x128xf32, #tpu.memory_space<vmem>> -> memref<1x128x128xf32, #tpu.memory_space<vmem>>
    %dma_start3A_36 = tpu.memref_squeeze %dma_start3A_35 : memref<1x128x128xf32, #tpu.memory_space<vmem>> -> memref<128x128xf32, #tpu.memory_space<vmem>>
    %dma_start3A_37 = arith.constant 0 : i32
    %dma_start3A_38 = tpu.memref_slice %arg7[%dma_start3A_31, %dma_start3A_37] : memref<40x128xi32, #tpu.memory_space<vmem>> -> memref<1x128xi32, #tpu.memory_space<vmem>>
    %dma_start3A_39 = tpu.memref_squeeze %dma_start3A_38 : memref<1x128xi32, #tpu.memory_space<vmem>> -> memref<128xi32, #tpu.memory_space<vmem>>
    %dma_start3A_40 = arith.constant 0 : i32
    %dma_start3A_41 = arith.constant 0 : i32
    %dma_start3A_42 = tpu.memref_slice %arg2[%dma_start3A_40, %dma_start3A_41] : memref<10000x128xf32, #tpu.memory_space<hbm>> -> memref<10000x128xf32, #tpu.memory_space<hbm>>
    tpu.enqueue_indirect_dma source(%dma_start3A_42 : memref<10000x128xf32, #tpu.memory_space<hbm>>) target(%dma_start3A_36 : memref<128x128xf32, #tpu.memory_space<vmem>>) offsets(%dma_start3A_39 : memref<128xi32, #tpu.memory_space<vmem>>) semaphore(%arg11 : memref<!tpu.dma_semaphore, #tpu.memory_space<semaphore_mem>>)
    %dma_start3A_43 = arith.constant 1 : i32
    %dma_start3A_44 = arith.constant 1 : i32
    %dma_start3A_45 = arith.constant 0 : i32
    %dma_start3A_46 = arith.constant 0 : i32
    %dma_start3A_47 = tpu.memref_slice %arg9[%dma_start3A_44, %dma_start3A_45, %dma_start3A_46] : memref<2x128x128xf32, #tpu.memory_space<vmem>> -> memref<1x128x128xf32, #tpu.memory_space<vmem>>
    %dma_start3A_48 = tpu.memref_squeeze %dma_start3A_47 : memref<1x128x128xf32, #tpu.memory_space<vmem>> -> memref<128x128xf32, #tpu.memory_space<vmem>>
    %dma_start3A_49 = arith.constant 0 : i32
    %dma_start3A_50 = tpu.memref_slice %arg7[%dma_start3A_43, %dma_start3A_49] : memref<40x128xi32, #tpu.memory_space<vmem>> -> memref<1x128xi32, #tpu.memory_space<vmem>>
    %dma_start3A_51 = tpu.memref_squeeze %dma_start3A_50 : memref<1x128xi32, #tpu.memory_space<vmem>> -> memref<128xi32, #tpu.memory_space<vmem>>
    %dma_start3A_52 = arith.constant 0 : i32
    %dma_start3A_53 = arith.constant 0 : i32
    %dma_start3A_54 = tpu.memref_slice %arg2[%dma_start3A_52, %dma_start3A_53] : memref<10000x128xf32, #tpu.memory_space<hbm>> -> memref<10000x128xf32, #tpu.memory_space<hbm>>
    tpu.enqueue_indirect_dma source(%dma_start3A_54 : memref<10000x128xf32, #tpu.memory_space<hbm>>) target(%dma_start3A_48 : memref<128x128xf32, #tpu.memory_space<vmem>>) offsets(%dma_start3A_51 : memref<128xi32, #tpu.memory_space<vmem>>) semaphore(%arg12 : memref<!tpu.dma_semaphore, #tpu.memory_space<semaphore_mem>>)
    %scan3A_55 = arith.constant 0 : i32
    %scan3A_56 = arith.constant 0 : i32
    %scan3A_57 = arith.constant 20 : i32
    %scan3A_58 = arith.addi %scan3A_56, %scan3A_57 : i32
    %scan3A_59 = arith.constant 1 : i32
    scf.for %scan3A_66 = %scan3A_56 to %scan3A_58 step %scan3A_59  : i32 {
      %mul3A_67 = arith.constant 2 : i32
      %mul3A_68 = arith.muli %scan3A_66, %mul3A_67 : i32
      %add3A_69 = arith.constant 0 : i32
      %add3A_70 = arith.addi %mul3A_68, %add3A_69 : i32
      %dma_wait3A = arith.constant 0 : i32
      %dma_wait3A_71 = arith.constant 0 : i32
      %dma_wait3A_72 = arith.constant 0 : i32
      %dma_wait3A_73 = tpu.memref_slice %arg9[%dma_wait3A, %dma_wait3A_71, %dma_wait3A_72] : memref<2x128x128xf32, #tpu.memory_space<vmem>> -> memref<1x128x128xf32, #tpu.memory_space<vmem>>
      %dma_wait3A_74 = tpu.memref_squeeze %dma_wait3A_73 : memref<1x128x128xf32, #tpu.memory_space<vmem>> -> memref<128x128xf32, #tpu.memory_space<vmem>>
      %dma_wait3A_75 = arith.constant 0 : i32
      %dma_wait3A_76 = tpu.memref_slice %arg7[%add3A_70, %dma_wait3A_75] : memref<40x128xi32, #tpu.memory_space<vmem>> -> memref<1x128xi32, #tpu.memory_space<vmem>>
      %dma_wait3A_77 = tpu.memref_squeeze %dma_wait3A_76 : memref<1x128xi32, #tpu.memory_space<vmem>> -> memref<128xi32, #tpu.memory_space<vmem>>
      %dma_wait3A_78 = arith.constant 0 : i32
      %dma_wait3A_79 = arith.constant 0 : i32
      %dma_wait3A_80 = tpu.memref_slice %arg2[%dma_wait3A_78, %dma_wait3A_79] : memref<10000x128xf32, #tpu.memory_space<hbm>> -> memref<10000x128xf32, #tpu.memory_space<hbm>>
      tpu.wait_indirect_dma semaphore(%arg11 : memref<!tpu.dma_semaphore, #tpu.memory_space<semaphore_mem>>) src(%dma_wait3A_80 : memref<10000x128xf32, #tpu.memory_space<hbm>>) dst(%dma_wait3A_74 : memref<128x128xf32, #tpu.memory_space<vmem>>)
      %run_scoped3A = arith.constant 0 : i32
      "tpu.region"() ({
        %run_scoped3A_106 = tpu.sem_alloc : memref<!tpu.dma_semaphore, #tpu.memory_space<semaphore_mem>>
        %dma_start3A_107 = arith.constant 0 : i32
        %dma_start3A_108 = arith.constant 0 : i32
        %dma_start3A_109 = tpu.memref_slice %arg9[%run_scoped3A, %dma_start3A_107, %dma_start3A_108] : memref<2x128x128xf32, #tpu.memory_space<vmem>> -> memref<1x128x128xf32, #tpu.memory_space<vmem>>
        %dma_start3A_110 = tpu.memref_squeeze %dma_start3A_109 : memref<1x128x128xf32, #tpu.memory_space<vmem>> -> memref<128x128xf32, #tpu.memory_space<vmem>>
        %dma_start3A_111 = arith.constant 0 : i32
        %dma_start3A_112 = tpu.memref_slice %arg8[%add3A_70, %dma_start3A_111] : memref<40x128xi32, #tpu.memory_space<vmem>> -> memref<1x128xi32, #tpu.memory_space<vmem>>
        %dma_start3A_113 = tpu.memref_squeeze %dma_start3A_112 : memref<1x128xi32, #tpu.memory_space<vmem>> -> memref<128xi32, #tpu.memory_space<vmem>>
        %dma_start3A_114 = arith.constant 0 : i32
        %dma_start3A_115 = arith.constant 0 : i32
        %dma_start3A_116 = tpu.memref_slice %arg10[%dma_start3A_114, %dma_start3A_115] : memref<10240x128xf32, #tpu.memory_space<vmem_shared>> -> memref<10240x128xf32, #tpu.memory_space<vmem_shared>>
        tpu.enqueue_indirect_dma source(%dma_start3A_110 : memref<128x128xf32, #tpu.memory_space<vmem>>) target(%dma_start3A_116 : memref<10240x128xf32, #tpu.memory_space<vmem_shared>>) offsets(%dma_start3A_113 : memref<128xi32, #tpu.memory_space<vmem>>) semaphore(%run_scoped3A_106 : memref<!tpu.dma_semaphore, #tpu.memory_space<semaphore_mem>>) {add = true}
        %dma_wait3A_117 = arith.constant 0 : i32
        %dma_wait3A_118 = arith.constant 0 : i32
        %dma_wait3A_119 = tpu.memref_slice %arg9[%run_scoped3A, %dma_wait3A_117, %dma_wait3A_118] : memref<2x128x128xf32, #tpu.memory_space<vmem>> -> memref<1x128x128xf32, #tpu.memory_space<vmem>>
        %dma_wait3A_120 = tpu.memref_squeeze %dma_wait3A_119 : memref<1x128x128xf32, #tpu.memory_space<vmem>> -> memref<128x128xf32, #tpu.memory_space<vmem>>
        %dma_wait3A_121 = arith.constant 0 : i32
        %dma_wait3A_122 = tpu.memref_slice %arg8[%add3A_70, %dma_wait3A_121] : memref<40x128xi32, #tpu.memory_space<vmem>> -> memref<1x128xi32, #tpu.memory_space<vmem>>
        %dma_wait3A_123 = tpu.memref_squeeze %dma_wait3A_122 : memref<1x128xi32, #tpu.memory_space<vmem>> -> memref<128xi32, #tpu.memory_space<vmem>>
        %dma_wait3A_124 = arith.constant 0 : i32
        %dma_wait3A_125 = arith.constant 0 : i32
        %dma_wait3A_126 = tpu.memref_slice %arg10[%dma_wait3A_124, %dma_wait3A_125] : memref<10240x128xf32, #tpu.memory_space<vmem_shared>> -> memref<10240x128xf32, #tpu.memory_space<vmem_shared>>
        tpu.wait_indirect_dma semaphore(%run_scoped3A_106 : memref<!tpu.dma_semaphore, #tpu.memory_space<semaphore_mem>>) src(%dma_wait3A_120 : memref<128x128xf32, #tpu.memory_space<vmem>>) dst(%dma_wait3A_126 : memref<10240x128xf32, #tpu.memory_space<vmem_shared>>)
        tpu.yield
      }) : () -> ()
      %add3A_81 = arith.constant 2 : i32
      %add3A_82 = arith.addi %add3A_70, %add3A_81 : i32
      %lt3A = arith.constant 40 : i32
      %lt3A_83 = arith.cmpi slt, %add3A_82, %lt3A : i32
      %convert_element_type3A = arith.extui %lt3A_83 : i1 to i32
      %cond3A = arith.constant 0 : i32
      %cond3A_84 = arith.cmpi ne, %convert_element_type3A, %cond3A : i32
      scf.if %cond3A_84 {
        %dma_start3A_106 = arith.constant 0 : i32
        %dma_start3A_107 = arith.constant 0 : i32
        %dma_start3A_108 = arith.constant 0 : i32
        %dma_start3A_109 = tpu.memref_slice %arg9[%dma_start3A_106, %dma_start3A_107, %dma_start3A_108] : memref<2x128x128xf32, #tpu.memory_space<vmem>> -> memref<1x128x128xf32, #tpu.memory_space<vmem>>
        %dma_start3A_110 = tpu.memref_squeeze %dma_start3A_109 : memref<1x128x128xf32, #tpu.memory_space<vmem>> -> memref<128x128xf32, #tpu.memory_space<vmem>>
        %dma_start3A_111 = arith.constant 0 : i32
        %dma_start3A_112 = tpu.memref_slice %arg7[%add3A_82, %dma_start3A_111] : memref<40x128xi32, #tpu.memory_space<vmem>> -> memref<1x128xi32, #tpu.memory_space<vmem>>
        %dma_start3A_113 = tpu.memref_squeeze %dma_start3A_112 : memref<1x128xi32, #tpu.memory_space<vmem>> -> memref<128xi32, #tpu.memory_space<vmem>>
        %dma_start3A_114 = arith.constant 0 : i32
        %dma_start3A_115 = arith.constant 0 : i32
        %dma_start3A_116 = tpu.memref_slice %arg2[%dma_start3A_114, %dma_start3A_115] : memref<10000x128xf32, #tpu.memory_space<hbm>> -> memref<10000x128xf32, #tpu.memory_space<hbm>>
        tpu.enqueue_indirect_dma source(%dma_start3A_116 : memref<10000x128xf32, #tpu.memory_space<hbm>>) target(%dma_start3A_110 : memref<128x128xf32, #tpu.memory_space<vmem>>) offsets(%dma_start3A_113 : memref<128xi32, #tpu.memory_space<vmem>>) semaphore(%arg11 : memref<!tpu.dma_semaphore, #tpu.memory_space<semaphore_mem>>)
      } else {
      }
      %add3A_85 = arith.constant 1 : i32
      %add3A_86 = arith.addi %mul3A_68, %add3A_85 : i32
      %dma_wait3A_87 = arith.constant 1 : i32
      %dma_wait3A_88 = arith.constant 0 : i32
      %dma_wait3A_89 = arith.constant 0 : i32
      %dma_wait3A_90 = tpu.memref_slice %arg9[%dma_wait3A_87, %dma_wait3A_88, %dma_wait3A_89] : memref<2x128x128xf32, #tpu.memory_space<vmem>> -> memref<1x128x128xf32, #tpu.memory_space<vmem>>
      %dma_wait3A_91 = tpu.memref_squeeze %dma_wait3A_90 : memref<1x128x128xf32, #tpu.memory_space<vmem>> -> memref<128x128xf32, #tpu.memory_space<vmem>>
      %dma_wait3A_92 = arith.constant 0 : i32
      %dma_wait3A_93 = tpu.memref_slice %arg7[%add3A_86, %dma_wait3A_92] : memref<40x128xi32, #tpu.memory_space<vmem>> -> memref<1x128xi32, #tpu.memory_space<vmem>>
      %dma_wait3A_94 = tpu.memref_squeeze %dma_wait3A_93 : memref<1x128xi32, #tpu.memory_space<vmem>> -> memref<128xi32, #tpu.memory_space<vmem>>
      %dma_wait3A_95 = arith.constant 0 : i32
      %dma_wait3A_96 = arith.constant 0 : i32
      %dma_wait3A_97 = tpu.memref_slice %arg2[%dma_wait3A_95, %dma_wait3A_96] : memref<10000x128xf32, #tpu.memory_space<hbm>> -> memref<10000x128xf32, #tpu.memory_space<hbm>>
      tpu.wait_indirect_dma semaphore(%arg12 : memref<!tpu.dma_semaphore, #tpu.memory_space<semaphore_mem>>) src(%dma_wait3A_97 : memref<10000x128xf32, #tpu.memory_space<hbm>>) dst(%dma_wait3A_91 : memref<128x128xf32, #tpu.memory_space<vmem>>)
      %run_scoped3A_98 = arith.constant 1 : i32
      "tpu.region"() ({
        %run_scoped3A_106 = tpu.sem_alloc : memref<!tpu.dma_semaphore, #tpu.memory_space<semaphore_mem>>
        %dma_start3A_107 = arith.constant 0 : i32
        %dma_start3A_108 = arith.constant 0 : i32
        %dma_start3A_109 = tpu.memref_slice %arg9[%run_scoped3A_98, %dma_start3A_107, %dma_start3A_108] : memref<2x128x128xf32, #tpu.memory_space<vmem>> -> memref<1x128x128xf32, #tpu.memory_space<vmem>>
        %dma_start3A_110 = tpu.memref_squeeze %dma_start3A_109 : memref<1x128x128xf32, #tpu.memory_space<vmem>> -> memref<128x128xf32, #tpu.memory_space<vmem>>
        %dma_start3A_111 = arith.constant 0 : i32
        %dma_start3A_112 = tpu.memref_slice %arg8[%add3A_86, %dma_start3A_111] : memref<40x128xi32, #tpu.memory_space<vmem>> -> memref<1x128xi32, #tpu.memory_space<vmem>>
        %dma_start3A_113 = tpu.memref_squeeze %dma_start3A_112 : memref<1x128xi32, #tpu.memory_space<vmem>> -> memref<128xi32, #tpu.memory_space<vmem>>
        %dma_start3A_114 = arith.constant 0 : i32
        %dma_start3A_115 = arith.constant 0 : i32
        %dma_start3A_116 = tpu.memref_slice %arg10[%dma_start3A_114, %dma_start3A_115] : memref<10240x128xf32, #tpu.memory_space<vmem_shared>> -> memref<10240x128xf32, #tpu.memory_space<vmem_shared>>
        tpu.enqueue_indirect_dma source(%dma_start3A_110 : memref<128x128xf32, #tpu.memory_space<vmem>>) target(%dma_start3A_116 : memref<10240x128xf32, #tpu.memory_space<vmem_shared>>) offsets(%dma_start3A_113 : memref<128xi32, #tpu.memory_space<vmem>>) semaphore(%run_scoped3A_106 : memref<!tpu.dma_semaphore, #tpu.memory_space<semaphore_mem>>) {add = true}
        %dma_wait3A_117 = arith.constant 0 : i32
        %dma_wait3A_118 = arith.constant 0 : i32
        %dma_wait3A_119 = tpu.memref_slice %arg9[%run_scoped3A_98, %dma_wait3A_117, %dma_wait3A_118] : memref<2x128x128xf32, #tpu.memory_space<vmem>> -> memref<1x128x128xf32, #tpu.memory_space<vmem>>
        %dma_wait3A_120 = tpu.memref_squeeze %dma_wait3A_119 : memref<1x128x128xf32, #tpu.memory_space<vmem>> -> memref<128x128xf32, #tpu.memory_space<vmem>>
        %dma_wait3A_121 = arith.constant 0 : i32
        %dma_wait3A_122 = tpu.memref_slice %arg8[%add3A_86, %dma_wait3A_121] : memref<40x128xi32, #tpu.memory_space<vmem>> -> memref<1x128xi32, #tpu.memory_space<vmem>>
        %dma_wait3A_123 = tpu.memref_squeeze %dma_wait3A_122 : memref<1x128xi32, #tpu.memory_space<vmem>> -> memref<128xi32, #tpu.memory_space<vmem>>
        %dma_wait3A_124 = arith.constant 0 : i32
        %dma_wait3A_125 = arith.constant 0 : i32
        %dma_wait3A_126 = tpu.memref_slice %arg10[%dma_wait3A_124, %dma_wait3A_125] : memref<10240x128xf32, #tpu.memory_space<vmem_shared>> -> memref<10240x128xf32, #tpu.memory_space<vmem_shared>>
        tpu.wait_indirect_dma semaphore(%run_scoped3A_106 : memref<!tpu.dma_semaphore, #tpu.memory_space<semaphore_mem>>) src(%dma_wait3A_120 : memref<128x128xf32, #tpu.memory_space<vmem>>) dst(%dma_wait3A_126 : memref<10240x128xf32, #tpu.memory_space<vmem_shared>>)
        tpu.yield
      }) : () -> ()
      %add3A_99 = arith.constant 2 : i32
      %add3A_100 = arith.addi %add3A_86, %add3A_99 : i32
      %lt3A_101 = arith.constant 40 : i32
      %lt3A_102 = arith.cmpi slt, %add3A_100, %lt3A_101 : i32
      %convert_element_type3A_103 = arith.extui %lt3A_102 : i1 to i32
      %cond3A_104 = arith.constant 0 : i32
      %cond3A_105 = arith.cmpi ne, %convert_element_type3A_103, %cond3A_104 : i32
      scf.if %cond3A_105 {
        %dma_start3A_106 = arith.constant 1 : i32
        %dma_start3A_107 = arith.constant 0 : i32
        %dma_start3A_108 = arith.constant 0 : i32
        %dma_start3A_109 = tpu.memref_slice %arg9[%dma_start3A_106, %dma_start3A_107, %dma_start3A_108] : memref<2x128x128xf32, #tpu.memory_space<vmem>> -> memref<1x128x128xf32, #tpu.memory_space<vmem>>
        %dma_start3A_110 = tpu.memref_squeeze %dma_start3A_109 : memref<1x128x128xf32, #tpu.memory_space<vmem>> -> memref<128x128xf32, #tpu.memory_space<vmem>>
        %dma_start3A_111 = arith.constant 0 : i32
        %dma_start3A_112 = tpu.memref_slice %arg7[%add3A_100, %dma_start3A_111] : memref<40x128xi32, #tpu.memory_space<vmem>> -> memref<1x128xi32, #tpu.memory_space<vmem>>
        %dma_start3A_113 = tpu.memref_squeeze %dma_start3A_112 : memref<1x128xi32, #tpu.memory_space<vmem>> -> memref<128xi32, #tpu.memory_space<vmem>>
        %dma_start3A_114 = arith.constant 0 : i32
        %dma_start3A_115 = arith.constant 0 : i32
        %dma_start3A_116 = tpu.memref_slice %arg2[%dma_start3A_114, %dma_start3A_115] : memref<10000x128xf32, #tpu.memory_space<hbm>> -> memref<10000x128xf32, #tpu.memory_space<hbm>>
        tpu.enqueue_indirect_dma source(%dma_start3A_116 : memref<10000x128xf32, #tpu.memory_space<hbm>>) target(%dma_start3A_110 : memref<128x128xf32, #tpu.memory_space<vmem>>) offsets(%dma_start3A_113 : memref<128xi32, #tpu.memory_space<vmem>>) semaphore(%arg12 : memref<!tpu.dma_semaphore, #tpu.memory_space<semaphore_mem>>)
      } else {
      }
    }
    %scan3A_60 = arith.constant 20 : i32
    %barrier3A_61 = arith.constant 0 : index
    tpu.barrier barrier_id(%barrier3A_61)
    %mul3A_62 = arith.constant 640 : i32
    %mul3A_63 = arith.muli %arg1, %mul3A_62 : i32
    %mul3A_64 = arith.constant 640 : i32
    %mul3A_65 = arith.muli %arg1, %mul3A_64 : i32
    "tpu.region"() ({
      %run_scoped3A = tpu.sem_alloc : memref<!tpu.dma_semaphore, #tpu.memory_space<semaphore_mem>>
      %dma_start3A_66 = arith.constant 0 : i32
      %dma_start3A_67 = tpu.memref_slice %arg6[%arg0, %mul3A_65, %dma_start3A_66] : memref<2x10240x128xf32, #tpu.memory_space<hbm>> -> memref<1x640x128xf32, #tpu.memory_space<hbm>>
      %dma_start3A_68 = tpu.memref_squeeze %dma_start3A_67 : memref<1x640x128xf32, #tpu.memory_space<hbm>> -> memref<640x128xf32, #tpu.memory_space<hbm>>
      %dma_start3A_69 = arith.constant 0 : i32
      %dma_start3A_70 = tpu.memref_slice %arg10[%mul3A_63, %dma_start3A_69] : memref<10240x128xf32, #tpu.memory_space<vmem_shared>> -> memref<640x128xf32, #tpu.memory_space<vmem_shared>>
      tpu.enqueue_dma source(%dma_start3A_70 : memref<640x128xf32, #tpu.memory_space<vmem_shared>>) target(%dma_start3A_68 : memref<640x128xf32, #tpu.memory_space<hbm>>) target_semaphore(%run_scoped3A : memref<!tpu.dma_semaphore, #tpu.memory_space<semaphore_mem>>)
      %dma_wait3A = arith.constant 0 : i32
      %dma_wait3A_71 = tpu.memref_slice %arg6[%arg0, %mul3A_65, %dma_wait3A] : memref<2x10240x128xf32, #tpu.memory_space<hbm>> -> memref<1x640x128xf32, #tpu.memory_space<hbm>>
      %dma_wait3A_72 = tpu.memref_squeeze %dma_wait3A_71 : memref<1x640x128xf32, #tpu.memory_space<hbm>> -> memref<640x128xf32, #tpu.memory_space<hbm>>
      %dma_wait3A_73 = arith.constant 0 : i32
      %dma_wait3A_74 = tpu.memref_slice %arg10[%mul3A_63, %dma_wait3A_73] : memref<10240x128xf32, #tpu.memory_space<vmem_shared>> -> memref<640x128xf32, #tpu.memory_space<vmem_shared>>
      tpu.wait_dma2 semaphore(%run_scoped3A : memref<!tpu.dma_semaphore, #tpu.memory_space<semaphore_mem>>) src(%dma_wait3A_74 : memref<640x128xf32, #tpu.memory_space<vmem_shared>>) dst(%dma_wait3A_72 : memref<640x128xf32, #tpu.memory_space<hbm>>)
      tpu.yield
    }) : () -> ()
    return
  }
}

#map = affine_map<(d0, d1) -> (0, 0)>
#map1 = affine_map<(d0, d1) -> (0)>
#map2 = affine_map<(d0, d1) -> (0, 0, 0)>
module attributes {stable_mosaic.version = 14 : i64} {
  func.func @_sc_rows_scal(%arg0: i32, %arg1: i32, %arg2: memref<10000x128xf32, #tpu.memory_space<hbm>>, %arg3: memref<10000xf32, #tpu.memory_space<hbm>>, %arg4: memref<32x80x128xi32, #tpu.memory_space<hbm>>, %arg5: memref<32x80x128xi32, #tpu.memory_space<hbm>>, %arg6: memref<640x128xf32, #tpu.memory_space<hbm>>, %arg7: memref<640xf32, #tpu.memory_space<hbm>>, %arg8: memref<2x10240x128xf32, #tpu.memory_space<hbm>>, %arg9: memref<2x10240xf32, #tpu.memory_space<hbm>>, %arg10: memref<40x128xi32, #tpu.memory_space<vmem>>, %arg11: memref<40x128xi32, #tpu.memory_space<vmem>>, %arg12: memref<2x128x128xf32, #tpu.memory_space<vmem>>, %arg13: memref<2x128xf32, #tpu.memory_space<vmem>>, %arg14: memref<10240x128xf32, #tpu.memory_space<vmem_shared>>, %arg15: memref<10240xf32, #tpu.memory_space<vmem_shared>>, %arg16: memref<!tpu.dma_semaphore, #tpu.memory_space<semaphore_mem>>, %arg17: memref<!tpu.dma_semaphore, #tpu.memory_space<semaphore_mem>>, %arg18: memref<!tpu.dma_semaphore, #tpu.memory_space<semaphore_mem>>, %arg19: memref<!tpu.dma_semaphore, #tpu.memory_space<semaphore_mem>>) attributes {dimension_semantics = [#tpu.dimension_semantics<core_parallel>, #tpu.dimension_semantics<subcore_parallel>], iteration_bounds = array<i64: 2, 16>, scalar_prefetch = 0 : i64, scratch_operands = 10 : i64, tpu.core_type = #tpu.core_type<sc_vector_subcore>, window_params = [{transform_indices = #map}, {transform_indices = #map1}, {transform_indices = #map2}, {transform_indices = #map2}, {transform_indices = #map}, {transform_indices = #map1}, {transform_indices = #map2}, {transform_indices = #map}]} {
    %mul3A = arith.constant 16 : i32
    %mul3A_0 = arith.muli %arg0, %mul3A : i32
    %add3A = arith.addi %mul3A_0, %arg1 : i32
    %mul3A_1 = arith.constant 640 : i32
    %mul3A_2 = arith.muli %arg1, %mul3A_1 : i32
    "tpu.region"() ({
      %run_scoped3A = tpu.sem_alloc : memref<!tpu.dma_semaphore, #tpu.memory_space<semaphore_mem>>
      %dma_start3A_112 = arith.constant 0 : i32
      %dma_start3A_113 = tpu.memref_slice %arg14[%mul3A_2, %dma_start3A_112] : memref<10240x128xf32, #tpu.memory_space<vmem_shared>> -> memref<640x128xf32, #tpu.memory_space<vmem_shared>>
      tpu.enqueue_dma source(%arg6 : memref<640x128xf32, #tpu.memory_space<hbm>>) target(%dma_start3A_113 : memref<640x128xf32, #tpu.memory_space<vmem_shared>>) target_semaphore(%run_scoped3A : memref<!tpu.dma_semaphore, #tpu.memory_space<semaphore_mem>>)
      %dma_wait3A = arith.constant 0 : i32
      %dma_wait3A_114 = tpu.memref_slice %arg14[%mul3A_2, %dma_wait3A] : memref<10240x128xf32, #tpu.memory_space<vmem_shared>> -> memref<640x128xf32, #tpu.memory_space<vmem_shared>>
      tpu.wait_dma2 semaphore(%run_scoped3A : memref<!tpu.dma_semaphore, #tpu.memory_space<semaphore_mem>>) src(%arg6 : memref<640x128xf32, #tpu.memory_space<hbm>>) dst(%dma_wait3A_114 : memref<640x128xf32, #tpu.memory_space<vmem_shared>>)
      tpu.yield
    }) : () -> ()
    %mul3A_3 = arith.constant 640 : i32
    %mul3A_4 = arith.muli %arg1, %mul3A_3 : i32
    "tpu.region"() ({
      %run_scoped3A = tpu.sem_alloc : memref<!tpu.dma_semaphore, #tpu.memory_space<semaphore_mem>>
      %dma_start3A_112 = tpu.memref_slice %arg15[%mul3A_4] : memref<10240xf32, #tpu.memory_space<vmem_shared>> -> memref<640xf32, #tpu.memory_space<vmem_shared>>
      tpu.enqueue_dma source(%arg7 : memref<640xf32, #tpu.memory_space<hbm>>) target(%dma_start3A_112 : memref<640xf32, #tpu.memory_space<vmem_shared>>) target_semaphore(%run_scoped3A : memref<!tpu.dma_semaphore, #tpu.memory_space<semaphore_mem>>)
      %dma_wait3A = tpu.memref_slice %arg15[%mul3A_4] : memref<10240xf32, #tpu.memory_space<vmem_shared>> -> memref<640xf32, #tpu.memory_space<vmem_shared>>
      tpu.wait_dma2 semaphore(%run_scoped3A : memref<!tpu.dma_semaphore, #tpu.memory_space<semaphore_mem>>) src(%arg7 : memref<640xf32, #tpu.memory_space<hbm>>) dst(%dma_wait3A : memref<640xf32, #tpu.memory_space<vmem_shared>>)
      tpu.yield
    }) : () -> ()
    %barrier3A = arith.constant 0 : index
    tpu.barrier barrier_id(%barrier3A)
    "tpu.region"() ({
      %run_scoped3A = tpu.sem_alloc : memref<!tpu.dma_semaphore, #tpu.memory_space<semaphore_mem>>
      %dma_start3A_112 = arith.constant 0 : i32
      %dma_start3A_113 = arith.constant 0 : i32
      %dma_start3A_114 = tpu.memref_slice %arg4[%add3A, %dma_start3A_112, %dma_start3A_113] : memref<32x80x128xi32, #tpu.memory_space<hbm>> -> memref<1x40x128xi32, #tpu.memory_space<hbm>>
      %dma_start3A_115 = tpu.memref_squeeze %dma_start3A_114 : memref<1x40x128xi32, #tpu.memory_space<hbm>> -> memref<40x128xi32, #tpu.memory_space<hbm>>
      %dma_start3A_116 = arith.constant 0 : i32
      %dma_start3A_117 = arith.constant 0 : i32
      %dma_start3A_118 = tpu.memref_slice %arg4[%add3A, %dma_start3A_116, %dma_start3A_117] : memref<32x80x128xi32, #tpu.memory_space<hbm>> -> memref<1x40x128xi32, #tpu.memory_space<hbm>>
      %dma_start3A_119 = tpu.memref_squeeze %dma_start3A_118 : memref<1x40x128xi32, #tpu.memory_space<hbm>> -> memref<40x128xi32, #tpu.memory_space<hbm>>
      tpu.enqueue_dma source(%dma_start3A_119 : memref<40x128xi32, #tpu.memory_space<hbm>>) target(%arg10 : memref<40x128xi32, #tpu.memory_space<vmem>>) target_semaphore(%run_scoped3A : memref<!tpu.dma_semaphore, #tpu.memory_space<semaphore_mem>>)
      %dma_wait3A = arith.constant 0 : i32
      %dma_wait3A_120 = arith.constant 0 : i32
      %dma_wait3A_121 = tpu.memref_slice %arg4[%add3A, %dma_wait3A, %dma_wait3A_120] : memref<32x80x128xi32, #tpu.memory_space<hbm>> -> memref<1x40x128xi32, #tpu.memory_space<hbm>>
      %dma_wait3A_122 = tpu.memref_squeeze %dma_wait3A_121 : memref<1x40x128xi32, #tpu.memory_space<hbm>> -> memref<40x128xi32, #tpu.memory_space<hbm>>
      %dma_wait3A_123 = arith.constant 0 : i32
      %dma_wait3A_124 = arith.constant 0 : i32
      %dma_wait3A_125 = tpu.memref_slice %arg4[%add3A, %dma_wait3A_123, %dma_wait3A_124] : memref<32x80x128xi32, #tpu.memory_space<hbm>> -> memref<1x40x128xi32, #tpu.memory_space<hbm>>
      %dma_wait3A_126 = tpu.memref_squeeze %dma_wait3A_125 : memref<1x40x128xi32, #tpu.memory_space<hbm>> -> memref<40x128xi32, #tpu.memory_space<hbm>>
      tpu.wait_dma2 semaphore(%run_scoped3A : memref<!tpu.dma_semaphore, #tpu.memory_space<semaphore_mem>>) src(%dma_wait3A_126 : memref<40x128xi32, #tpu.memory_space<hbm>>) dst(%arg10 : memref<40x128xi32, #tpu.memory_space<vmem>>)
      tpu.yield
    }) : () -> ()
    "tpu.region"() ({
      %run_scoped3A = tpu.sem_alloc : memref<!tpu.dma_semaphore, #tpu.memory_space<semaphore_mem>>
      %dma_start3A_112 = arith.constant 0 : i32
      %dma_start3A_113 = arith.constant 0 : i32
      %dma_start3A_114 = tpu.memref_slice %arg5[%add3A, %dma_start3A_112, %dma_start3A_113] : memref<32x80x128xi32, #tpu.memory_space<hbm>> -> memref<1x40x128xi32, #tpu.memory_space<hbm>>
      %dma_start3A_115 = tpu.memref_squeeze %dma_start3A_114 : memref<1x40x128xi32, #tpu.memory_space<hbm>> -> memref<40x128xi32, #tpu.memory_space<hbm>>
      %dma_start3A_116 = arith.constant 0 : i32
      %dma_start3A_117 = arith.constant 0 : i32
      %dma_start3A_118 = tpu.memref_slice %arg5[%add3A, %dma_start3A_116, %dma_start3A_117] : memref<32x80x128xi32, #tpu.memory_space<hbm>> -> memref<1x40x128xi32, #tpu.memory_space<hbm>>
      %dma_start3A_119 = tpu.memref_squeeze %dma_start3A_118 : memref<1x40x128xi32, #tpu.memory_space<hbm>> -> memref<40x128xi32, #tpu.memory_space<hbm>>
      tpu.enqueue_dma source(%dma_start3A_119 : memref<40x128xi32, #tpu.memory_space<hbm>>) target(%arg11 : memref<40x128xi32, #tpu.memory_space<vmem>>) target_semaphore(%run_scoped3A : memref<!tpu.dma_semaphore, #tpu.memory_space<semaphore_mem>>)
      %dma_wait3A = arith.constant 0 : i32
      %dma_wait3A_120 = arith.constant 0 : i32
      %dma_wait3A_121 = tpu.memref_slice %arg5[%add3A, %dma_wait3A, %dma_wait3A_120] : memref<32x80x128xi32, #tpu.memory_space<hbm>> -> memref<1x40x128xi32, #tpu.memory_space<hbm>>
      %dma_wait3A_122 = tpu.memref_squeeze %dma_wait3A_121 : memref<1x40x128xi32, #tpu.memory_space<hbm>> -> memref<40x128xi32, #tpu.memory_space<hbm>>
      %dma_wait3A_123 = arith.constant 0 : i32
      %dma_wait3A_124 = arith.constant 0 : i32
      %dma_wait3A_125 = tpu.memref_slice %arg5[%add3A, %dma_wait3A_123, %dma_wait3A_124] : memref<32x80x128xi32, #tpu.memory_space<hbm>> -> memref<1x40x128xi32, #tpu.memory_space<hbm>>
      %dma_wait3A_126 = tpu.memref_squeeze %dma_wait3A_125 : memref<1x40x128xi32, #tpu.memory_space<hbm>> -> memref<40x128xi32, #tpu.memory_space<hbm>>
      tpu.wait_dma2 semaphore(%run_scoped3A : memref<!tpu.dma_semaphore, #tpu.memory_space<semaphore_mem>>) src(%dma_wait3A_126 : memref<40x128xi32, #tpu.memory_space<hbm>>) dst(%arg11 : memref<40x128xi32, #tpu.memory_space<vmem>>)
      tpu.yield
    }) : () -> ()
    %dma_start3A = arith.constant 0 : i32
    %dma_start3A_5 = arith.constant 0 : i32
    %dma_start3A_6 = arith.constant 0 : i32
    %dma_start3A_7 = arith.constant 0 : i32
    %dma_start3A_8 = tpu.memref_slice %arg12[%dma_start3A_5, %dma_start3A_6, %dma_start3A_7] : memref<2x128x128xf32, #tpu.memory_space<vmem>> -> memref<1x128x128xf32, #tpu.memory_space<vmem>>
    %dma_start3A_9 = tpu.memref_squeeze %dma_start3A_8 : memref<1x128x128xf32, #tpu.memory_space<vmem>> -> memref<128x128xf32, #tpu.memory_space<vmem>>
    %dma_start3A_10 = arith.constant 0 : i32
    %dma_start3A_11 = tpu.memref_slice %arg10[%dma_start3A, %dma_start3A_10] : memref<40x128xi32, #tpu.memory_space<vmem>> -> memref<1x128xi32, #tpu.memory_space<vmem>>
    %dma_start3A_12 = tpu.memref_squeeze %dma_start3A_11 : memref<1x128xi32, #tpu.memory_space<vmem>> -> memref<128xi32, #tpu.memory_space<vmem>>
    %dma_start3A_13 = arith.constant 0 : i32
    %dma_start3A_14 = arith.constant 0 : i32
    %dma_start3A_15 = tpu.memref_slice %arg2[%dma_start3A_13, %dma_start3A_14] : memref<10000x128xf32, #tpu.memory_space<hbm>> -> memref<10000x128xf32, #tpu.memory_space<hbm>>
    tpu.enqueue_indirect_dma source(%dma_start3A_15 : memref<10000x128xf32, #tpu.memory_space<hbm>>) target(%dma_start3A_9 : memref<128x128xf32, #tpu.memory_space<vmem>>) offsets(%dma_start3A_12 : memref<128xi32, #tpu.memory_space<vmem>>) semaphore(%arg16 : memref<!tpu.dma_semaphore, #tpu.memory_space<semaphore_mem>>)
    %dma_start3A_16 = arith.constant 0 : i32
    %dma_start3A_17 = arith.constant 0 : i32
    %dma_start3A_18 = arith.constant 0 : i32
    %dma_start3A_19 = tpu.memref_slice %arg13[%dma_start3A_17, %dma_start3A_18] : memref<2x128xf32, #tpu.memory_space<vmem>> -> memref<1x128xf32, #tpu.memory_space<vmem>>
    %dma_start3A_20 = tpu.memref_squeeze %dma_start3A_19 : memref<1x128xf32, #tpu.memory_space<vmem>> -> memref<128xf32, #tpu.memory_space<vmem>>
    %dma_start3A_21 = arith.constant 0 : i32
    %dma_start3A_22 = tpu.memref_slice %arg10[%dma_start3A_16, %dma_start3A_21] : memref<40x128xi32, #tpu.memory_space<vmem>> -> memref<1x128xi32, #tpu.memory_space<vmem>>
    %dma_start3A_23 = tpu.memref_squeeze %dma_start3A_22 : memref<1x128xi32, #tpu.memory_space<vmem>> -> memref<128xi32, #tpu.memory_space<vmem>>
    %dma_start3A_24 = arith.constant 0 : i32
    %dma_start3A_25 = tpu.memref_slice %arg3[%dma_start3A_24] : memref<10000xf32, #tpu.memory_space<hbm>> -> memref<10000xf32, #tpu.memory_space<hbm>>
    tpu.enqueue_indirect_dma source(%dma_start3A_25 : memref<10000xf32, #tpu.memory_space<hbm>>) target(%dma_start3A_20 : memref<128xf32, #tpu.memory_space<vmem>>) offsets(%dma_start3A_23 : memref<128xi32, #tpu.memory_space<vmem>>) semaphore(%arg18 : memref<!tpu.dma_semaphore, #tpu.memory_space<semaphore_mem>>)
    %dma_start3A_26 = arith.constant 1 : i32
    %dma_start3A_27 = arith.constant 1 : i32
    %dma_start3A_28 = arith.constant 0 : i32
    %dma_start3A_29 = arith.constant 0 : i32
    %dma_start3A_30 = tpu.memref_slice %arg12[%dma_start3A_27, %dma_start3A_28, %dma_start3A_29] : memref<2x128x128xf32, #tpu.memory_space<vmem>> -> memref<1x128x128xf32, #tpu.memory_space<vmem>>
    %dma_start3A_31 = tpu.memref_squeeze %dma_start3A_30 : memref<1x128x128xf32, #tpu.memory_space<vmem>> -> memref<128x128xf32, #tpu.memory_space<vmem>>
    %dma_start3A_32 = arith.constant 0 : i32
    %dma_start3A_33 = tpu.memref_slice %arg10[%dma_start3A_26, %dma_start3A_32] : memref<40x128xi32, #tpu.memory_space<vmem>> -> memref<1x128xi32, #tpu.memory_space<vmem>>
    %dma_start3A_34 = tpu.memref_squeeze %dma_start3A_33 : memref<1x128xi32, #tpu.memory_space<vmem>> -> memref<128xi32, #tpu.memory_space<vmem>>
    %dma_start3A_35 = arith.constant 0 : i32
    %dma_start3A_36 = arith.constant 0 : i32
    %dma_start3A_37 = tpu.memref_slice %arg2[%dma_start3A_35, %dma_start3A_36] : memref<10000x128xf32, #tpu.memory_space<hbm>> -> memref<10000x128xf32, #tpu.memory_space<hbm>>
    tpu.enqueue_indirect_dma source(%dma_start3A_37 : memref<10000x128xf32, #tpu.memory_space<hbm>>) target(%dma_start3A_31 : memref<128x128xf32, #tpu.memory_space<vmem>>) offsets(%dma_start3A_34 : memref<128xi32, #tpu.memory_space<vmem>>) semaphore(%arg17 : memref<!tpu.dma_semaphore, #tpu.memory_space<semaphore_mem>>)
    %dma_start3A_38 = arith.constant 1 : i32
    %dma_start3A_39 = arith.constant 1 : i32
    %dma_start3A_40 = arith.constant 0 : i32
    %dma_start3A_41 = tpu.memref_slice %arg13[%dma_start3A_39, %dma_start3A_40] : memref<2x128xf32, #tpu.memory_space<vmem>> -> memref<1x128xf32, #tpu.memory_space<vmem>>
    %dma_start3A_42 = tpu.memref_squeeze %dma_start3A_41 : memref<1x128xf32, #tpu.memory_space<vmem>> -> memref<128xf32, #tpu.memory_space<vmem>>
    %dma_start3A_43 = arith.constant 0 : i32
    %dma_start3A_44 = tpu.memref_slice %arg10[%dma_start3A_38, %dma_start3A_43] : memref<40x128xi32, #tpu.memory_space<vmem>> -> memref<1x128xi32, #tpu.memory_space<vmem>>
    %dma_start3A_45 = tpu.memref_squeeze %dma_start3A_44 : memref<1x128xi32, #tpu.memory_space<vmem>> -> memref<128xi32, #tpu.memory_space<vmem>>
    %dma_start3A_46 = arith.constant 0 : i32
    %dma_start3A_47 = tpu.memref_slice %arg3[%dma_start3A_46] : memref<10000xf32, #tpu.memory_space<hbm>> -> memref<10000xf32, #tpu.memory_space<hbm>>
    tpu.enqueue_indirect_dma source(%dma_start3A_47 : memref<10000xf32, #tpu.memory_space<hbm>>) target(%dma_start3A_42 : memref<128xf32, #tpu.memory_space<vmem>>) offsets(%dma_start3A_45 : memref<128xi32, #tpu.memory_space<vmem>>) semaphore(%arg19 : memref<!tpu.dma_semaphore, #tpu.memory_space<semaphore_mem>>)
    %scan3A = arith.constant 0 : i32
    %scan3A_48 = arith.constant 0 : i32
    %scan3A_49 = arith.constant 20 : i32
    %scan3A_50 = arith.addi %scan3A_48, %scan3A_49 : i32
    %scan3A_51 = arith.constant 1 : i32
    scf.for %scan3A_112 = %scan3A_48 to %scan3A_50 step %scan3A_51  : i32 {
      %mul3A_113 = arith.constant 2 : i32
      %mul3A_114 = arith.muli %scan3A_112, %mul3A_113 : i32
      %add3A_115 = arith.constant 0 : i32
      %add3A_116 = arith.addi %mul3A_114, %add3A_115 : i32
      %dma_wait3A = arith.constant 0 : i32
      %dma_wait3A_117 = arith.constant 0 : i32
      %dma_wait3A_118 = arith.constant 0 : i32
      %dma_wait3A_119 = tpu.memref_slice %arg12[%dma_wait3A, %dma_wait3A_117, %dma_wait3A_118] : memref<2x128x128xf32, #tpu.memory_space<vmem>> -> memref<1x128x128xf32, #tpu.memory_space<vmem>>
      %dma_wait3A_120 = tpu.memref_squeeze %dma_wait3A_119 : memref<1x128x128xf32, #tpu.memory_space<vmem>> -> memref<128x128xf32, #tpu.memory_space<vmem>>
      %dma_wait3A_121 = arith.constant 0 : i32
      %dma_wait3A_122 = tpu.memref_slice %arg10[%add3A_116, %dma_wait3A_121] : memref<40x128xi32, #tpu.memory_space<vmem>> -> memref<1x128xi32, #tpu.memory_space<vmem>>
      %dma_wait3A_123 = tpu.memref_squeeze %dma_wait3A_122 : memref<1x128xi32, #tpu.memory_space<vmem>> -> memref<128xi32, #tpu.memory_space<vmem>>
      %dma_wait3A_124 = arith.constant 0 : i32
      %dma_wait3A_125 = arith.constant 0 : i32
      %dma_wait3A_126 = tpu.memref_slice %arg2[%dma_wait3A_124, %dma_wait3A_125] : memref<10000x128xf32, #tpu.memory_space<hbm>> -> memref<10000x128xf32, #tpu.memory_space<hbm>>
      tpu.wait_indirect_dma semaphore(%arg16 : memref<!tpu.dma_semaphore, #tpu.memory_space<semaphore_mem>>) src(%dma_wait3A_126 : memref<10000x128xf32, #tpu.memory_space<hbm>>) dst(%dma_wait3A_120 : memref<128x128xf32, #tpu.memory_space<vmem>>)
      %run_scoped3A = arith.constant 0 : i32
      "tpu.region"() ({
        %run_scoped3A_172 = tpu.sem_alloc : memref<!tpu.dma_semaphore, #tpu.memory_space<semaphore_mem>>
        %dma_start3A_173 = arith.constant 0 : i32
        %dma_start3A_174 = arith.constant 0 : i32
        %dma_start3A_175 = tpu.memref_slice %arg12[%run_scoped3A, %dma_start3A_173, %dma_start3A_174] : memref<2x128x128xf32, #tpu.memory_space<vmem>> -> memref<1x128x128xf32, #tpu.memory_space<vmem>>
        %dma_start3A_176 = tpu.memref_squeeze %dma_start3A_175 : memref<1x128x128xf32, #tpu.memory_space<vmem>> -> memref<128x128xf32, #tpu.memory_space<vmem>>
        %dma_start3A_177 = arith.constant 0 : i32
        %dma_start3A_178 = tpu.memref_slice %arg11[%add3A_116, %dma_start3A_177] : memref<40x128xi32, #tpu.memory_space<vmem>> -> memref<1x128xi32, #tpu.memory_space<vmem>>
        %dma_start3A_179 = tpu.memref_squeeze %dma_start3A_178 : memref<1x128xi32, #tpu.memory_space<vmem>> -> memref<128xi32, #tpu.memory_space<vmem>>
        %dma_start3A_180 = arith.constant 0 : i32
        %dma_start3A_181 = arith.constant 0 : i32
        %dma_start3A_182 = tpu.memref_slice %arg14[%dma_start3A_180, %dma_start3A_181] : memref<10240x128xf32, #tpu.memory_space<vmem_shared>> -> memref<10240x128xf32, #tpu.memory_space<vmem_shared>>
        tpu.enqueue_indirect_dma source(%dma_start3A_176 : memref<128x128xf32, #tpu.memory_space<vmem>>) target(%dma_start3A_182 : memref<10240x128xf32, #tpu.memory_space<vmem_shared>>) offsets(%dma_start3A_179 : memref<128xi32, #tpu.memory_space<vmem>>) semaphore(%run_scoped3A_172 : memref<!tpu.dma_semaphore, #tpu.memory_space<semaphore_mem>>) {add = true}
        %dma_wait3A_183 = arith.constant 0 : i32
        %dma_wait3A_184 = arith.constant 0 : i32
        %dma_wait3A_185 = tpu.memref_slice %arg12[%run_scoped3A, %dma_wait3A_183, %dma_wait3A_184] : memref<2x128x128xf32, #tpu.memory_space<vmem>> -> memref<1x128x128xf32, #tpu.memory_space<vmem>>
        %dma_wait3A_186 = tpu.memref_squeeze %dma_wait3A_185 : memref<1x128x128xf32, #tpu.memory_space<vmem>> -> memref<128x128xf32, #tpu.memory_space<vmem>>
        %dma_wait3A_187 = arith.constant 0 : i32
        %dma_wait3A_188 = tpu.memref_slice %arg11[%add3A_116, %dma_wait3A_187] : memref<40x128xi32, #tpu.memory_space<vmem>> -> memref<1x128xi32, #tpu.memory_space<vmem>>
        %dma_wait3A_189 = tpu.memref_squeeze %dma_wait3A_188 : memref<1x128xi32, #tpu.memory_space<vmem>> -> memref<128xi32, #tpu.memory_space<vmem>>
        %dma_wait3A_190 = arith.constant 0 : i32
        %dma_wait3A_191 = arith.constant 0 : i32
        %dma_wait3A_192 = tpu.memref_slice %arg14[%dma_wait3A_190, %dma_wait3A_191] : memref<10240x128xf32, #tpu.memory_space<vmem_shared>> -> memref<10240x128xf32, #tpu.memory_space<vmem_shared>>
        tpu.wait_indirect_dma semaphore(%run_scoped3A_172 : memref<!tpu.dma_semaphore, #tpu.memory_space<semaphore_mem>>) src(%dma_wait3A_186 : memref<128x128xf32, #tpu.memory_space<vmem>>) dst(%dma_wait3A_192 : memref<10240x128xf32, #tpu.memory_space<vmem_shared>>)
        tpu.yield
      }) : () -> ()
      %dma_wait3A_127 = arith.constant 0 : i32
      %dma_wait3A_128 = arith.constant 0 : i32
      %dma_wait3A_129 = tpu.memref_slice %arg13[%dma_wait3A_127, %dma_wait3A_128] : memref<2x128xf32, #tpu.memory_space<vmem>> -> memref<1x128xf32, #tpu.memory_space<vmem>>
      %dma_wait3A_130 = tpu.memref_squeeze %dma_wait3A_129 : memref<1x128xf32, #tpu.memory_space<vmem>> -> memref<128xf32, #tpu.memory_space<vmem>>
      %dma_wait3A_131 = arith.constant 0 : i32
      %dma_wait3A_132 = tpu.memref_slice %arg10[%add3A_116, %dma_wait3A_131] : memref<40x128xi32, #tpu.memory_space<vmem>> -> memref<1x128xi32, #tpu.memory_space<vmem>>
      %dma_wait3A_133 = tpu.memref_squeeze %dma_wait3A_132 : memref<1x128xi32, #tpu.memory_space<vmem>> -> memref<128xi32, #tpu.memory_space<vmem>>
      %dma_wait3A_134 = arith.constant 0 : i32
      %dma_wait3A_135 = tpu.memref_slice %arg3[%dma_wait3A_134] : memref<10000xf32, #tpu.memory_space<hbm>> -> memref<10000xf32, #tpu.memory_space<hbm>>
      tpu.wait_indirect_dma semaphore(%arg18 : memref<!tpu.dma_semaphore, #tpu.memory_space<semaphore_mem>>) src(%dma_wait3A_135 : memref<10000xf32, #tpu.memory_space<hbm>>) dst(%dma_wait3A_130 : memref<128xf32, #tpu.memory_space<vmem>>)
      %run_scoped3A_136 = arith.constant 0 : i32
      "tpu.region"() ({
        %run_scoped3A_172 = tpu.sem_alloc : memref<!tpu.dma_semaphore, #tpu.memory_space<semaphore_mem>>
        %dma_start3A_173 = arith.constant 0 : i32
        %dma_start3A_174 = tpu.memref_slice %arg13[%run_scoped3A_136, %dma_start3A_173] : memref<2x128xf32, #tpu.memory_space<vmem>> -> memref<1x128xf32, #tpu.memory_space<vmem>>
        %dma_start3A_175 = tpu.memref_squeeze %dma_start3A_174 : memref<1x128xf32, #tpu.memory_space<vmem>> -> memref<128xf32, #tpu.memory_space<vmem>>
        %dma_start3A_176 = arith.constant 0 : i32
        %dma_start3A_177 = tpu.memref_slice %arg11[%add3A_116, %dma_start3A_176] : memref<40x128xi32, #tpu.memory_space<vmem>> -> memref<1x128xi32, #tpu.memory_space<vmem>>
        %dma_start3A_178 = tpu.memref_squeeze %dma_start3A_177 : memref<1x128xi32, #tpu.memory_space<vmem>> -> memref<128xi32, #tpu.memory_space<vmem>>
        %dma_start3A_179 = arith.constant 0 : i32
        %dma_start3A_180 = tpu.memref_slice %arg15[%dma_start3A_179] : memref<10240xf32, #tpu.memory_space<vmem_shared>> -> memref<10240xf32, #tpu.memory_space<vmem_shared>>
        tpu.enqueue_indirect_dma source(%dma_start3A_175 : memref<128xf32, #tpu.memory_space<vmem>>) target(%dma_start3A_180 : memref<10240xf32, #tpu.memory_space<vmem_shared>>) offsets(%dma_start3A_178 : memref<128xi32, #tpu.memory_space<vmem>>) semaphore(%run_scoped3A_172 : memref<!tpu.dma_semaphore, #tpu.memory_space<semaphore_mem>>) {add = true}
        %dma_wait3A_181 = arith.constant 0 : i32
        %dma_wait3A_182 = tpu.memref_slice %arg13[%run_scoped3A_136, %dma_wait3A_181] : memref<2x128xf32, #tpu.memory_space<vmem>> -> memref<1x128xf32, #tpu.memory_space<vmem>>
        %dma_wait3A_183 = tpu.memref_squeeze %dma_wait3A_182 : memref<1x128xf32, #tpu.memory_space<vmem>> -> memref<128xf32, #tpu.memory_space<vmem>>
        %dma_wait3A_184 = arith.constant 0 : i32
        %dma_wait3A_185 = tpu.memref_slice %arg11[%add3A_116, %dma_wait3A_184] : memref<40x128xi32, #tpu.memory_space<vmem>> -> memref<1x128xi32, #tpu.memory_space<vmem>>
        %dma_wait3A_186 = tpu.memref_squeeze %dma_wait3A_185 : memref<1x128xi32, #tpu.memory_space<vmem>> -> memref<128xi32, #tpu.memory_space<vmem>>
        %dma_wait3A_187 = arith.constant 0 : i32
        %dma_wait3A_188 = tpu.memref_slice %arg15[%dma_wait3A_187] : memref<10240xf32, #tpu.memory_space<vmem_shared>> -> memref<10240xf32, #tpu.memory_space<vmem_shared>>
        tpu.wait_indirect_dma semaphore(%run_scoped3A_172 : memref<!tpu.dma_semaphore, #tpu.memory_space<semaphore_mem>>) src(%dma_wait3A_183 : memref<128xf32, #tpu.memory_space<vmem>>) dst(%dma_wait3A_188 : memref<10240xf32, #tpu.memory_space<vmem_shared>>)
        tpu.yield
      }) : () -> ()
      %add3A_137 = arith.constant 2 : i32
      %add3A_138 = arith.addi %add3A_116, %add3A_137 : i32
      %lt3A = arith.constant 40 : i32
      %lt3A_139 = arith.cmpi slt, %add3A_138, %lt3A : i32
      %convert_element_type3A = arith.extui %lt3A_139 : i1 to i32
      %cond3A = arith.constant 0 : i32
      %cond3A_140 = arith.cmpi ne, %convert_element_type3A, %cond3A : i32
      scf.if %cond3A_140 {
        %dma_start3A_172 = arith.constant 0 : i32
        %dma_start3A_173 = arith.constant 0 : i32
        %dma_start3A_174 = arith.constant 0 : i32
        %dma_start3A_175 = tpu.memref_slice %arg12[%dma_start3A_172, %dma_start3A_173, %dma_start3A_174] : memref<2x128x128xf32, #tpu.memory_space<vmem>> -> memref<1x128x128xf32, #tpu.memory_space<vmem>>
        %dma_start3A_176 = tpu.memref_squeeze %dma_start3A_175 : memref<1x128x128xf32, #tpu.memory_space<vmem>> -> memref<128x128xf32, #tpu.memory_space<vmem>>
        %dma_start3A_177 = arith.constant 0 : i32
        %dma_start3A_178 = tpu.memref_slice %arg10[%add3A_138, %dma_start3A_177] : memref<40x128xi32, #tpu.memory_space<vmem>> -> memref<1x128xi32, #tpu.memory_space<vmem>>
        %dma_start3A_179 = tpu.memref_squeeze %dma_start3A_178 : memref<1x128xi32, #tpu.memory_space<vmem>> -> memref<128xi32, #tpu.memory_space<vmem>>
        %dma_start3A_180 = arith.constant 0 : i32
        %dma_start3A_181 = arith.constant 0 : i32
        %dma_start3A_182 = tpu.memref_slice %arg2[%dma_start3A_180, %dma_start3A_181] : memref<10000x128xf32, #tpu.memory_space<hbm>> -> memref<10000x128xf32, #tpu.memory_space<hbm>>
        tpu.enqueue_indirect_dma source(%dma_start3A_182 : memref<10000x128xf32, #tpu.memory_space<hbm>>) target(%dma_start3A_176 : memref<128x128xf32, #tpu.memory_space<vmem>>) offsets(%dma_start3A_179 : memref<128xi32, #tpu.memory_space<vmem>>) semaphore(%arg16 : memref<!tpu.dma_semaphore, #tpu.memory_space<semaphore_mem>>)
        %dma_start3A_183 = arith.constant 0 : i32
        %dma_start3A_184 = arith.constant 0 : i32
        %dma_start3A_185 = tpu.memref_slice %arg13[%dma_start3A_183, %dma_start3A_184] : memref<2x128xf32, #tpu.memory_space<vmem>> -> memref<1x128xf32, #tpu.memory_space<vmem>>
        %dma_start3A_186 = tpu.memref_squeeze %dma_start3A_185 : memref<1x128xf32, #tpu.memory_space<vmem>> -> memref<128xf32, #tpu.memory_space<vmem>>
        %dma_start3A_187 = arith.constant 0 : i32
        %dma_start3A_188 = tpu.memref_slice %arg10[%add3A_138, %dma_start3A_187] : memref<40x128xi32, #tpu.memory_space<vmem>> -> memref<1x128xi32, #tpu.memory_space<vmem>>
        %dma_start3A_189 = tpu.memref_squeeze %dma_start3A_188 : memref<1x128xi32, #tpu.memory_space<vmem>> -> memref<128xi32, #tpu.memory_space<vmem>>
        %dma_start3A_190 = arith.constant 0 : i32
        %dma_start3A_191 = tpu.memref_slice %arg3[%dma_start3A_190] : memref<10000xf32, #tpu.memory_space<hbm>> -> memref<10000xf32, #tpu.memory_space<hbm>>
        tpu.enqueue_indirect_dma source(%dma_start3A_191 : memref<10000xf32, #tpu.memory_space<hbm>>) target(%dma_start3A_186 : memref<128xf32, #tpu.memory_space<vmem>>) offsets(%dma_start3A_189 : memref<128xi32, #tpu.memory_space<vmem>>) semaphore(%arg18 : memref<!tpu.dma_semaphore, #tpu.memory_space<semaphore_mem>>)
      } else {
      }
      %add3A_141 = arith.constant 1 : i32
      %add3A_142 = arith.addi %mul3A_114, %add3A_141 : i32
      %dma_wait3A_143 = arith.constant 1 : i32
      %dma_wait3A_144 = arith.constant 0 : i32
      %dma_wait3A_145 = arith.constant 0 : i32
      %dma_wait3A_146 = tpu.memref_slice %arg12[%dma_wait3A_143, %dma_wait3A_144, %dma_wait3A_145] : memref<2x128x128xf32, #tpu.memory_space<vmem>> -> memref<1x128x128xf32, #tpu.memory_space<vmem>>
      %dma_wait3A_147 = tpu.memref_squeeze %dma_wait3A_146 : memref<1x128x128xf32, #tpu.memory_space<vmem>> -> memref<128x128xf32, #tpu.memory_space<vmem>>
      %dma_wait3A_148 = arith.constant 0 : i32
      %dma_wait3A_149 = tpu.memref_slice %arg10[%add3A_142, %dma_wait3A_148] : memref<40x128xi32, #tpu.memory_space<vmem>> -> memref<1x128xi32, #tpu.memory_space<vmem>>
      %dma_wait3A_150 = tpu.memref_squeeze %dma_wait3A_149 : memref<1x128xi32, #tpu.memory_space<vmem>> -> memref<128xi32, #tpu.memory_space<vmem>>
      %dma_wait3A_151 = arith.constant 0 : i32
      %dma_wait3A_152 = arith.constant 0 : i32
      %dma_wait3A_153 = tpu.memref_slice %arg2[%dma_wait3A_151, %dma_wait3A_152] : memref<10000x128xf32, #tpu.memory_space<hbm>> -> memref<10000x128xf32, #tpu.memory_space<hbm>>
      tpu.wait_indirect_dma semaphore(%arg17 : memref<!tpu.dma_semaphore, #tpu.memory_space<semaphore_mem>>) src(%dma_wait3A_153 : memref<10000x128xf32, #tpu.memory_space<hbm>>) dst(%dma_wait3A_147 : memref<128x128xf32, #tpu.memory_space<vmem>>)
      %run_scoped3A_154 = arith.constant 1 : i32
      "tpu.region"() ({
        %run_scoped3A_172 = tpu.sem_alloc : memref<!tpu.dma_semaphore, #tpu.memory_space<semaphore_mem>>
        %dma_start3A_173 = arith.constant 0 : i32
        %dma_start3A_174 = arith.constant 0 : i32
        %dma_start3A_175 = tpu.memref_slice %arg12[%run_scoped3A_154, %dma_start3A_173, %dma_start3A_174] : memref<2x128x128xf32, #tpu.memory_space<vmem>> -> memref<1x128x128xf32, #tpu.memory_space<vmem>>
        %dma_start3A_176 = tpu.memref_squeeze %dma_start3A_175 : memref<1x128x128xf32, #tpu.memory_space<vmem>> -> memref<128x128xf32, #tpu.memory_space<vmem>>
        %dma_start3A_177 = arith.constant 0 : i32
        %dma_start3A_178 = tpu.memref_slice %arg11[%add3A_142, %dma_start3A_177] : memref<40x128xi32, #tpu.memory_space<vmem>> -> memref<1x128xi32, #tpu.memory_space<vmem>>
        %dma_start3A_179 = tpu.memref_squeeze %dma_start3A_178 : memref<1x128xi32, #tpu.memory_space<vmem>> -> memref<128xi32, #tpu.memory_space<vmem>>
        %dma_start3A_180 = arith.constant 0 : i32
        %dma_start3A_181 = arith.constant 0 : i32
        %dma_start3A_182 = tpu.memref_slice %arg14[%dma_start3A_180, %dma_start3A_181] : memref<10240x128xf32, #tpu.memory_space<vmem_shared>> -> memref<10240x128xf32, #tpu.memory_space<vmem_shared>>
        tpu.enqueue_indirect_dma source(%dma_start3A_176 : memref<128x128xf32, #tpu.memory_space<vmem>>) target(%dma_start3A_182 : memref<10240x128xf32, #tpu.memory_space<vmem_shared>>) offsets(%dma_start3A_179 : memref<128xi32, #tpu.memory_space<vmem>>) semaphore(%run_scoped3A_172 : memref<!tpu.dma_semaphore, #tpu.memory_space<semaphore_mem>>) {add = true}
        %dma_wait3A_183 = arith.constant 0 : i32
        %dma_wait3A_184 = arith.constant 0 : i32
        %dma_wait3A_185 = tpu.memref_slice %arg12[%run_scoped3A_154, %dma_wait3A_183, %dma_wait3A_184] : memref<2x128x128xf32, #tpu.memory_space<vmem>> -> memref<1x128x128xf32, #tpu.memory_space<vmem>>
        %dma_wait3A_186 = tpu.memref_squeeze %dma_wait3A_185 : memref<1x128x128xf32, #tpu.memory_space<vmem>> -> memref<128x128xf32, #tpu.memory_space<vmem>>
        %dma_wait3A_187 = arith.constant 0 : i32
        %dma_wait3A_188 = tpu.memref_slice %arg11[%add3A_142, %dma_wait3A_187] : memref<40x128xi32, #tpu.memory_space<vmem>> -> memref<1x128xi32, #tpu.memory_space<vmem>>
        %dma_wait3A_189 = tpu.memref_squeeze %dma_wait3A_188 : memref<1x128xi32, #tpu.memory_space<vmem>> -> memref<128xi32, #tpu.memory_space<vmem>>
        %dma_wait3A_190 = arith.constant 0 : i32
        %dma_wait3A_191 = arith.constant 0 : i32
        %dma_wait3A_192 = tpu.memref_slice %arg14[%dma_wait3A_190, %dma_wait3A_191] : memref<10240x128xf32, #tpu.memory_space<vmem_shared>> -> memref<10240x128xf32, #tpu.memory_space<vmem_shared>>
        tpu.wait_indirect_dma semaphore(%run_scoped3A_172 : memref<!tpu.dma_semaphore, #tpu.memory_space<semaphore_mem>>) src(%dma_wait3A_186 : memref<128x128xf32, #tpu.memory_space<vmem>>) dst(%dma_wait3A_192 : memref<10240x128xf32, #tpu.memory_space<vmem_shared>>)
        tpu.yield
      }) : () -> ()
      %dma_wait3A_155 = arith.constant 1 : i32
      %dma_wait3A_156 = arith.constant 0 : i32
      %dma_wait3A_157 = tpu.memref_slice %arg13[%dma_wait3A_155, %dma_wait3A_156] : memref<2x128xf32, #tpu.memory_space<vmem>> -> memref<1x128xf32, #tpu.memory_space<vmem>>
      %dma_wait3A_158 = tpu.memref_squeeze %dma_wait3A_157 : memref<1x128xf32, #tpu.memory_space<vmem>> -> memref<128xf32, #tpu.memory_space<vmem>>
      %dma_wait3A_159 = arith.constant 0 : i32
      %dma_wait3A_160 = tpu.memref_slice %arg10[%add3A_142, %dma_wait3A_159] : memref<40x128xi32, #tpu.memory_space<vmem>> -> memref<1x128xi32, #tpu.memory_space<vmem>>
      %dma_wait3A_161 = tpu.memref_squeeze %dma_wait3A_160 : memref<1x128xi32, #tpu.memory_space<vmem>> -> memref<128xi32, #tpu.memory_space<vmem>>
      %dma_wait3A_162 = arith.constant 0 : i32
      %dma_wait3A_163 = tpu.memref_slice %arg3[%dma_wait3A_162] : memref<10000xf32, #tpu.memory_space<hbm>> -> memref<10000xf32, #tpu.memory_space<hbm>>
      tpu.wait_indirect_dma semaphore(%arg19 : memref<!tpu.dma_semaphore, #tpu.memory_space<semaphore_mem>>) src(%dma_wait3A_163 : memref<10000xf32, #tpu.memory_space<hbm>>) dst(%dma_wait3A_158 : memref<128xf32, #tpu.memory_space<vmem>>)
      %run_scoped3A_164 = arith.constant 1 : i32
      "tpu.region"() ({
        %run_scoped3A_172 = tpu.sem_alloc : memref<!tpu.dma_semaphore, #tpu.memory_space<semaphore_mem>>
        %dma_start3A_173 = arith.constant 0 : i32
        %dma_start3A_174 = tpu.memref_slice %arg13[%run_scoped3A_164, %dma_start3A_173] : memref<2x128xf32, #tpu.memory_space<vmem>> -> memref<1x128xf32, #tpu.memory_space<vmem>>
        %dma_start3A_175 = tpu.memref_squeeze %dma_start3A_174 : memref<1x128xf32, #tpu.memory_space<vmem>> -> memref<128xf32, #tpu.memory_space<vmem>>
        %dma_start3A_176 = arith.constant 0 : i32
        %dma_start3A_177 = tpu.memref_slice %arg11[%add3A_142, %dma_start3A_176] : memref<40x128xi32, #tpu.memory_space<vmem>> -> memref<1x128xi32, #tpu.memory_space<vmem>>
        %dma_start3A_178 = tpu.memref_squeeze %dma_start3A_177 : memref<1x128xi32, #tpu.memory_space<vmem>> -> memref<128xi32, #tpu.memory_space<vmem>>
        %dma_start3A_179 = arith.constant 0 : i32
        %dma_start3A_180 = tpu.memref_slice %arg15[%dma_start3A_179] : memref<10240xf32, #tpu.memory_space<vmem_shared>> -> memref<10240xf32, #tpu.memory_space<vmem_shared>>
        tpu.enqueue_indirect_dma source(%dma_start3A_175 : memref<128xf32, #tpu.memory_space<vmem>>) target(%dma_start3A_180 : memref<10240xf32, #tpu.memory_space<vmem_shared>>) offsets(%dma_start3A_178 : memref<128xi32, #tpu.memory_space<vmem>>) semaphore(%run_scoped3A_172 : memref<!tpu.dma_semaphore, #tpu.memory_space<semaphore_mem>>) {add = true}
        %dma_wait3A_181 = arith.constant 0 : i32
        %dma_wait3A_182 = tpu.memref_slice %arg13[%run_scoped3A_164, %dma_wait3A_181] : memref<2x128xf32, #tpu.memory_space<vmem>> -> memref<1x128xf32, #tpu.memory_space<vmem>>
        %dma_wait3A_183 = tpu.memref_squeeze %dma_wait3A_182 : memref<1x128xf32, #tpu.memory_space<vmem>> -> memref<128xf32, #tpu.memory_space<vmem>>
        %dma_wait3A_184 = arith.constant 0 : i32
        %dma_wait3A_185 = tpu.memref_slice %arg11[%add3A_142, %dma_wait3A_184] : memref<40x128xi32, #tpu.memory_space<vmem>> -> memref<1x128xi32, #tpu.memory_space<vmem>>
        %dma_wait3A_186 = tpu.memref_squeeze %dma_wait3A_185 : memref<1x128xi32, #tpu.memory_space<vmem>> -> memref<128xi32, #tpu.memory_space<vmem>>
        %dma_wait3A_187 = arith.constant 0 : i32
        %dma_wait3A_188 = tpu.memref_slice %arg15[%dma_wait3A_187] : memref<10240xf32, #tpu.memory_space<vmem_shared>> -> memref<10240xf32, #tpu.memory_space<vmem_shared>>
        tpu.wait_indirect_dma semaphore(%run_scoped3A_172 : memref<!tpu.dma_semaphore, #tpu.memory_space<semaphore_mem>>) src(%dma_wait3A_183 : memref<128xf32, #tpu.memory_space<vmem>>) dst(%dma_wait3A_188 : memref<10240xf32, #tpu.memory_space<vmem_shared>>)
        tpu.yield
      }) : () -> ()
      %add3A_165 = arith.constant 2 : i32
      %add3A_166 = arith.addi %add3A_142, %add3A_165 : i32
      %lt3A_167 = arith.constant 40 : i32
      %lt3A_168 = arith.cmpi slt, %add3A_166, %lt3A_167 : i32
      %convert_element_type3A_169 = arith.extui %lt3A_168 : i1 to i32
      %cond3A_170 = arith.constant 0 : i32
      %cond3A_171 = arith.cmpi ne, %convert_element_type3A_169, %cond3A_170 : i32
      scf.if %cond3A_171 {
        %dma_start3A_172 = arith.constant 1 : i32
        %dma_start3A_173 = arith.constant 0 : i32
        %dma_start3A_174 = arith.constant 0 : i32
        %dma_start3A_175 = tpu.memref_slice %arg12[%dma_start3A_172, %dma_start3A_173, %dma_start3A_174] : memref<2x128x128xf32, #tpu.memory_space<vmem>> -> memref<1x128x128xf32, #tpu.memory_space<vmem>>
        %dma_start3A_176 = tpu.memref_squeeze %dma_start3A_175 : memref<1x128x128xf32, #tpu.memory_space<vmem>> -> memref<128x128xf32, #tpu.memory_space<vmem>>
        %dma_start3A_177 = arith.constant 0 : i32
        %dma_start3A_178 = tpu.memref_slice %arg10[%add3A_166, %dma_start3A_177] : memref<40x128xi32, #tpu.memory_space<vmem>> -> memref<1x128xi32, #tpu.memory_space<vmem>>
        %dma_start3A_179 = tpu.memref_squeeze %dma_start3A_178 : memref<1x128xi32, #tpu.memory_space<vmem>> -> memref<128xi32, #tpu.memory_space<vmem>>
        %dma_start3A_180 = arith.constant 0 : i32
        %dma_start3A_181 = arith.constant 0 : i32
        %dma_start3A_182 = tpu.memref_slice %arg2[%dma_start3A_180, %dma_start3A_181] : memref<10000x128xf32, #tpu.memory_space<hbm>> -> memref<10000x128xf32, #tpu.memory_space<hbm>>
        tpu.enqueue_indirect_dma source(%dma_start3A_182 : memref<10000x128xf32, #tpu.memory_space<hbm>>) target(%dma_start3A_176 : memref<128x128xf32, #tpu.memory_space<vmem>>) offsets(%dma_start3A_179 : memref<128xi32, #tpu.memory_space<vmem>>) semaphore(%arg17 : memref<!tpu.dma_semaphore, #tpu.memory_space<semaphore_mem>>)
        %dma_start3A_183 = arith.constant 1 : i32
        %dma_start3A_184 = arith.constant 0 : i32
        %dma_start3A_185 = tpu.memref_slice %arg13[%dma_start3A_183, %dma_start3A_184] : memref<2x128xf32, #tpu.memory_space<vmem>> -> memref<1x128xf32, #tpu.memory_space<vmem>>
        %dma_start3A_186 = tpu.memref_squeeze %dma_start3A_185 : memref<1x128xf32, #tpu.memory_space<vmem>> -> memref<128xf32, #tpu.memory_space<vmem>>
        %dma_start3A_187 = arith.constant 0 : i32
        %dma_start3A_188 = tpu.memref_slice %arg10[%add3A_166, %dma_start3A_187] : memref<40x128xi32, #tpu.memory_space<vmem>> -> memref<1x128xi32, #tpu.memory_space<vmem>>
        %dma_start3A_189 = tpu.memref_squeeze %dma_start3A_188 : memref<1x128xi32, #tpu.memory_space<vmem>> -> memref<128xi32, #tpu.memory_space<vmem>>
        %dma_start3A_190 = arith.constant 0 : i32
        %dma_start3A_191 = tpu.memref_slice %arg3[%dma_start3A_190] : memref<10000xf32, #tpu.memory_space<hbm>> -> memref<10000xf32, #tpu.memory_space<hbm>>
        tpu.enqueue_indirect_dma source(%dma_start3A_191 : memref<10000xf32, #tpu.memory_space<hbm>>) target(%dma_start3A_186 : memref<128xf32, #tpu.memory_space<vmem>>) offsets(%dma_start3A_189 : memref<128xi32, #tpu.memory_space<vmem>>) semaphore(%arg19 : memref<!tpu.dma_semaphore, #tpu.memory_space<semaphore_mem>>)
      } else {
      }
    }
    %scan3A_52 = arith.constant 20 : i32
    "tpu.region"() ({
      %run_scoped3A = tpu.sem_alloc : memref<!tpu.dma_semaphore, #tpu.memory_space<semaphore_mem>>
      %dma_start3A_112 = arith.constant 40 : i32
      %dma_start3A_113 = arith.constant 0 : i32
      %dma_start3A_114 = tpu.memref_slice %arg4[%add3A, %dma_start3A_112, %dma_start3A_113] : memref<32x80x128xi32, #tpu.memory_space<hbm>> -> memref<1x40x128xi32, #tpu.memory_space<hbm>>
      %dma_start3A_115 = tpu.memref_squeeze %dma_start3A_114 : memref<1x40x128xi32, #tpu.memory_space<hbm>> -> memref<40x128xi32, #tpu.memory_space<hbm>>
      %dma_start3A_116 = arith.constant 40 : i32
      %dma_start3A_117 = arith.constant 0 : i32
      %dma_start3A_118 = tpu.memref_slice %arg4[%add3A, %dma_start3A_116, %dma_start3A_117] : memref<32x80x128xi32, #tpu.memory_space<hbm>> -> memref<1x40x128xi32, #tpu.memory_space<hbm>>
      %dma_start3A_119 = tpu.memref_squeeze %dma_start3A_118 : memref<1x40x128xi32, #tpu.memory_space<hbm>> -> memref<40x128xi32, #tpu.memory_space<hbm>>
      tpu.enqueue_dma source(%dma_start3A_119 : memref<40x128xi32, #tpu.memory_space<hbm>>) target(%arg10 : memref<40x128xi32, #tpu.memory_space<vmem>>) target_semaphore(%run_scoped3A : memref<!tpu.dma_semaphore, #tpu.memory_space<semaphore_mem>>)
      %dma_wait3A = arith.constant 40 : i32
      %dma_wait3A_120 = arith.constant 0 : i32
      %dma_wait3A_121 = tpu.memref_slice %arg4[%add3A, %dma_wait3A, %dma_wait3A_120] : memref<32x80x128xi32, #tpu.memory_space<hbm>> -> memref<1x40x128xi32, #tpu.memory_space<hbm>>
      %dma_wait3A_122 = tpu.memref_squeeze %dma_wait3A_121 : memref<1x40x128xi32, #tpu.memory_space<hbm>> -> memref<40x128xi32, #tpu.memory_space<hbm>>
      %dma_wait3A_123 = arith.constant 40 : i32
      %dma_wait3A_124 = arith.constant 0 : i32
      %dma_wait3A_125 = tpu.memref_slice %arg4[%add3A, %dma_wait3A_123, %dma_wait3A_124] : memref<32x80x128xi32, #tpu.memory_space<hbm>> -> memref<1x40x128xi32, #tpu.memory_space<hbm>>
      %dma_wait3A_126 = tpu.memref_squeeze %dma_wait3A_125 : memref<1x40x128xi32, #tpu.memory_space<hbm>> -> memref<40x128xi32, #tpu.memory_space<hbm>>
      tpu.wait_dma2 semaphore(%run_scoped3A : memref<!tpu.dma_semaphore, #tpu.memory_space<semaphore_mem>>) src(%dma_wait3A_126 : memref<40x128xi32, #tpu.memory_space<hbm>>) dst(%arg10 : memref<40x128xi32, #tpu.memory_space<vmem>>)
      tpu.yield
    }) : () -> ()
    "tpu.region"() ({
      %run_scoped3A = tpu.sem_alloc : memref<!tpu.dma_semaphore, #tpu.memory_space<semaphore_mem>>
      %dma_start3A_112 = arith.constant 40 : i32
      %dma_start3A_113 = arith.constant 0 : i32
      %dma_start3A_114 = tpu.memref_slice %arg5[%add3A, %dma_start3A_112, %dma_start3A_113] : memref<32x80x128xi32, #tpu.memory_space<hbm>> -> memref<1x40x128xi32, #tpu.memory_space<hbm>>
      %dma_start3A_115 = tpu.memref_squeeze %dma_start3A_114 : memref<1x40x128xi32, #tpu.memory_space<hbm>> -> memref<40x128xi32, #tpu.memory_space<hbm>>
      %dma_start3A_116 = arith.constant 40 : i32
      %dma_start3A_117 = arith.constant 0 : i32
      %dma_start3A_118 = tpu.memref_slice %arg5[%add3A, %dma_start3A_116, %dma_start3A_117] : memref<32x80x128xi32, #tpu.memory_space<hbm>> -> memref<1x40x128xi32, #tpu.memory_space<hbm>>
      %dma_start3A_119 = tpu.memref_squeeze %dma_start3A_118 : memref<1x40x128xi32, #tpu.memory_space<hbm>> -> memref<40x128xi32, #tpu.memory_space<hbm>>
      tpu.enqueue_dma source(%dma_start3A_119 : memref<40x128xi32, #tpu.memory_space<hbm>>) target(%arg11 : memref<40x128xi32, #tpu.memory_space<vmem>>) target_semaphore(%run_scoped3A : memref<!tpu.dma_semaphore, #tpu.memory_space<semaphore_mem>>)
      %dma_wait3A = arith.constant 40 : i32
      %dma_wait3A_120 = arith.constant 0 : i32
      %dma_wait3A_121 = tpu.memref_slice %arg5[%add3A, %dma_wait3A, %dma_wait3A_120] : memref<32x80x128xi32, #tpu.memory_space<hbm>> -> memref<1x40x128xi32, #tpu.memory_space<hbm>>
      %dma_wait3A_122 = tpu.memref_squeeze %dma_wait3A_121 : memref<1x40x128xi32, #tpu.memory_space<hbm>> -> memref<40x128xi32, #tpu.memory_space<hbm>>
      %dma_wait3A_123 = arith.constant 40 : i32
      %dma_wait3A_124 = arith.constant 0 : i32
      %dma_wait3A_125 = tpu.memref_slice %arg5[%add3A, %dma_wait3A_123, %dma_wait3A_124] : memref<32x80x128xi32, #tpu.memory_space<hbm>> -> memref<1x40x128xi32, #tpu.memory_space<hbm>>
      %dma_wait3A_126 = tpu.memref_squeeze %dma_wait3A_125 : memref<1x40x128xi32, #tpu.memory_space<hbm>> -> memref<40x128xi32, #tpu.memory_space<hbm>>
      tpu.wait_dma2 semaphore(%run_scoped3A : memref<!tpu.dma_semaphore, #tpu.memory_space<semaphore_mem>>) src(%dma_wait3A_126 : memref<40x128xi32, #tpu.memory_space<hbm>>) dst(%arg11 : memref<40x128xi32, #tpu.memory_space<vmem>>)
      tpu.yield
    }) : () -> ()
    %dma_start3A_53 = arith.constant 0 : i32
    %dma_start3A_54 = arith.constant 0 : i32
    %dma_start3A_55 = arith.constant 0 : i32
    %dma_start3A_56 = arith.constant 0 : i32
    %dma_start3A_57 = tpu.memref_slice %arg12[%dma_start3A_54, %dma_start3A_55, %dma_start3A_56] : memref<2x128x128xf32, #tpu.memory_space<vmem>> -> memref<1x128x128xf32, #tpu.memory_space<vmem>>
    %dma_start3A_58 = tpu.memref_squeeze %dma_start3A_57 : memref<1x128x128xf32, #tpu.memory_space<vmem>> -> memref<128x128xf32, #tpu.memory_space<vmem>>
    %dma_start3A_59 = arith.constant 0 : i32
    %dma_start3A_60 = tpu.memref_slice %arg10[%dma_start3A_53, %dma_start3A_59] : memref<40x128xi32, #tpu.memory_space<vmem>> -> memref<1x128xi32, #tpu.memory_space<vmem>>
    %dma_start3A_61 = tpu.memref_squeeze %dma_start3A_60 : memref<1x128xi32, #tpu.memory_space<vmem>> -> memref<128xi32, #tpu.memory_space<vmem>>
    %dma_start3A_62 = arith.constant 0 : i32
    %dma_start3A_63 = arith.constant 0 : i32
    %dma_start3A_64 = tpu.memref_slice %arg2[%dma_start3A_62, %dma_start3A_63] : memref<10000x128xf32, #tpu.memory_space<hbm>> -> memref<10000x128xf32, #tpu.memory_space<hbm>>
    tpu.enqueue_indirect_dma source(%dma_start3A_64 : memref<10000x128xf32, #tpu.memory_space<hbm>>) target(%dma_start3A_58 : memref<128x128xf32, #tpu.memory_space<vmem>>) offsets(%dma_start3A_61 : memref<128xi32, #tpu.memory_space<vmem>>) semaphore(%arg16 : memref<!tpu.dma_semaphore, #tpu.memory_space<semaphore_mem>>)
    %dma_start3A_65 = arith.constant 0 : i32
    %dma_start3A_66 = arith.constant 0 : i32
    %dma_start3A_67 = arith.constant 0 : i32
    %dma_start3A_68 = tpu.memref_slice %arg13[%dma_start3A_66, %dma_start3A_67] : memref<2x128xf32, #tpu.memory_space<vmem>> -> memref<1x128xf32, #tpu.memory_space<vmem>>
    %dma_start3A_69 = tpu.memref_squeeze %dma_start3A_68 : memref<1x128xf32, #tpu.memory_space<vmem>> -> memref<128xf32, #tpu.memory_space<vmem>>
    %dma_start3A_70 = arith.constant 0 : i32
    %dma_start3A_71 = tpu.memref_slice %arg10[%dma_start3A_65, %dma_start3A_70] : memref<40x128xi32, #tpu.memory_space<vmem>> -> memref<1x128xi32, #tpu.memory_space<vmem>>
    %dma_start3A_72 = tpu.memref_squeeze %dma_start3A_71 : memref<1x128xi32, #tpu.memory_space<vmem>> -> memref<128xi32, #tpu.memory_space<vmem>>
    %dma_start3A_73 = arith.constant 0 : i32
    %dma_start3A_74 = tpu.memref_slice %arg3[%dma_start3A_73] : memref<10000xf32, #tpu.memory_space<hbm>> -> memref<10000xf32, #tpu.memory_space<hbm>>
    tpu.enqueue_indirect_dma source(%dma_start3A_74 : memref<10000xf32, #tpu.memory_space<hbm>>) target(%dma_start3A_69 : memref<128xf32, #tpu.memory_space<vmem>>) offsets(%dma_start3A_72 : memref<128xi32, #tpu.memory_space<vmem>>) semaphore(%arg18 : memref<!tpu.dma_semaphore, #tpu.memory_space<semaphore_mem>>)
    %dma_start3A_75 = arith.constant 1 : i32
    %dma_start3A_76 = arith.constant 1 : i32
    %dma_start3A_77 = arith.constant 0 : i32
    %dma_start3A_78 = arith.constant 0 : i32
    %dma_start3A_79 = tpu.memref_slice %arg12[%dma_start3A_76, %dma_start3A_77, %dma_start3A_78] : memref<2x128x128xf32, #tpu.memory_space<vmem>> -> memref<1x128x128xf32, #tpu.memory_space<vmem>>
    %dma_start3A_80 = tpu.memref_squeeze %dma_start3A_79 : memref<1x128x128xf32, #tpu.memory_space<vmem>> -> memref<128x128xf32, #tpu.memory_space<vmem>>
    %dma_start3A_81 = arith.constant 0 : i32
    %dma_start3A_82 = tpu.memref_slice %arg10[%dma_start3A_75, %dma_start3A_81] : memref<40x128xi32, #tpu.memory_space<vmem>> -> memref<1x128xi32, #tpu.memory_space<vmem>>
    %dma_start3A_83 = tpu.memref_squeeze %dma_start3A_82 : memref<1x128xi32, #tpu.memory_space<vmem>> -> memref<128xi32, #tpu.memory_space<vmem>>
    %dma_start3A_84 = arith.constant 0 : i32
    %dma_start3A_85 = arith.constant 0 : i32
    %dma_start3A_86 = tpu.memref_slice %arg2[%dma_start3A_84, %dma_start3A_85] : memref<10000x128xf32, #tpu.memory_space<hbm>> -> memref<10000x128xf32, #tpu.memory_space<hbm>>
    tpu.enqueue_indirect_dma source(%dma_start3A_86 : memref<10000x128xf32, #tpu.memory_space<hbm>>) target(%dma_start3A_80 : memref<128x128xf32, #tpu.memory_space<vmem>>) offsets(%dma_start3A_83 : memref<128xi32, #tpu.memory_space<vmem>>) semaphore(%arg17 : memref<!tpu.dma_semaphore, #tpu.memory_space<semaphore_mem>>)
    %dma_start3A_87 = arith.constant 1 : i32
    %dma_start3A_88 = arith.constant 1 : i32
    %dma_start3A_89 = arith.constant 0 : i32
    %dma_start3A_90 = tpu.memref_slice %arg13[%dma_start3A_88, %dma_start3A_89] : memref<2x128xf32, #tpu.memory_space<vmem>> -> memref<1x128xf32, #tpu.memory_space<vmem>>
    %dma_start3A_91 = tpu.memref_squeeze %dma_start3A_90 : memref<1x128xf32, #tpu.memory_space<vmem>> -> memref<128xf32, #tpu.memory_space<vmem>>
    %dma_start3A_92 = arith.constant 0 : i32
    %dma_start3A_93 = tpu.memref_slice %arg10[%dma_start3A_87, %dma_start3A_92] : memref<40x128xi32, #tpu.memory_space<vmem>> -> memref<1x128xi32, #tpu.memory_space<vmem>>
    %dma_start3A_94 = tpu.memref_squeeze %dma_start3A_93 : memref<1x128xi32, #tpu.memory_space<vmem>> -> memref<128xi32, #tpu.memory_space<vmem>>
    %dma_start3A_95 = arith.constant 0 : i32
    %dma_start3A_96 = tpu.memref_slice %arg3[%dma_start3A_95] : memref<10000xf32, #tpu.memory_space<hbm>> -> memref<10000xf32, #tpu.memory_space<hbm>>
    tpu.enqueue_indirect_dma source(%dma_start3A_96 : memref<10000xf32, #tpu.memory_space<hbm>>) target(%dma_start3A_91 : memref<128xf32, #tpu.memory_space<vmem>>) offsets(%dma_start3A_94 : memref<128xi32, #tpu.memory_space<vmem>>) semaphore(%arg19 : memref<!tpu.dma_semaphore, #tpu.memory_space<semaphore_mem>>)
    %scan3A_97 = arith.constant 0 : i32
    %scan3A_98 = arith.constant 0 : i32
    %scan3A_99 = arith.constant 20 : i32
    %scan3A_100 = arith.addi %scan3A_98, %scan3A_99 : i32
    %scan3A_101 = arith.constant 1 : i32
    scf.for %scan3A_112 = %scan3A_98 to %scan3A_100 step %scan3A_101  : i32 {
      %mul3A_113 = arith.constant 2 : i32
      %mul3A_114 = arith.muli %scan3A_112, %mul3A_113 : i32
      %add3A_115 = arith.constant 0 : i32
      %add3A_116 = arith.addi %mul3A_114, %add3A_115 : i32
      %dma_wait3A = arith.constant 0 : i32
      %dma_wait3A_117 = arith.constant 0 : i32
      %dma_wait3A_118 = arith.constant 0 : i32
      %dma_wait3A_119 = tpu.memref_slice %arg12[%dma_wait3A, %dma_wait3A_117, %dma_wait3A_118] : memref<2x128x128xf32, #tpu.memory_space<vmem>> -> memref<1x128x128xf32, #tpu.memory_space<vmem>>
      %dma_wait3A_120 = tpu.memref_squeeze %dma_wait3A_119 : memref<1x128x128xf32, #tpu.memory_space<vmem>> -> memref<128x128xf32, #tpu.memory_space<vmem>>
      %dma_wait3A_121 = arith.constant 0 : i32
      %dma_wait3A_122 = tpu.memref_slice %arg10[%add3A_116, %dma_wait3A_121] : memref<40x128xi32, #tpu.memory_space<vmem>> -> memref<1x128xi32, #tpu.memory_space<vmem>>
      %dma_wait3A_123 = tpu.memref_squeeze %dma_wait3A_122 : memref<1x128xi32, #tpu.memory_space<vmem>> -> memref<128xi32, #tpu.memory_space<vmem>>
      %dma_wait3A_124 = arith.constant 0 : i32
      %dma_wait3A_125 = arith.constant 0 : i32
      %dma_wait3A_126 = tpu.memref_slice %arg2[%dma_wait3A_124, %dma_wait3A_125] : memref<10000x128xf32, #tpu.memory_space<hbm>> -> memref<10000x128xf32, #tpu.memory_space<hbm>>
      tpu.wait_indirect_dma semaphore(%arg16 : memref<!tpu.dma_semaphore, #tpu.memory_space<semaphore_mem>>) src(%dma_wait3A_126 : memref<10000x128xf32, #tpu.memory_space<hbm>>) dst(%dma_wait3A_120 : memref<128x128xf32, #tpu.memory_space<vmem>>)
      %run_scoped3A = arith.constant 0 : i32
      "tpu.region"() ({
        %run_scoped3A_172 = tpu.sem_alloc : memref<!tpu.dma_semaphore, #tpu.memory_space<semaphore_mem>>
        %dma_start3A_173 = arith.constant 0 : i32
        %dma_start3A_174 = arith.constant 0 : i32
        %dma_start3A_175 = tpu.memref_slice %arg12[%run_scoped3A, %dma_start3A_173, %dma_start3A_174] : memref<2x128x128xf32, #tpu.memory_space<vmem>> -> memref<1x128x128xf32, #tpu.memory_space<vmem>>
        %dma_start3A_176 = tpu.memref_squeeze %dma_start3A_175 : memref<1x128x128xf32, #tpu.memory_space<vmem>> -> memref<128x128xf32, #tpu.memory_space<vmem>>
        %dma_start3A_177 = arith.constant 0 : i32
        %dma_start3A_178 = tpu.memref_slice %arg11[%add3A_116, %dma_start3A_177] : memref<40x128xi32, #tpu.memory_space<vmem>> -> memref<1x128xi32, #tpu.memory_space<vmem>>
        %dma_start3A_179 = tpu.memref_squeeze %dma_start3A_178 : memref<1x128xi32, #tpu.memory_space<vmem>> -> memref<128xi32, #tpu.memory_space<vmem>>
        %dma_start3A_180 = arith.constant 0 : i32
        %dma_start3A_181 = arith.constant 0 : i32
        %dma_start3A_182 = tpu.memref_slice %arg14[%dma_start3A_180, %dma_start3A_181] : memref<10240x128xf32, #tpu.memory_space<vmem_shared>> -> memref<10240x128xf32, #tpu.memory_space<vmem_shared>>
        tpu.enqueue_indirect_dma source(%dma_start3A_176 : memref<128x128xf32, #tpu.memory_space<vmem>>) target(%dma_start3A_182 : memref<10240x128xf32, #tpu.memory_space<vmem_shared>>) offsets(%dma_start3A_179 : memref<128xi32, #tpu.memory_space<vmem>>) semaphore(%run_scoped3A_172 : memref<!tpu.dma_semaphore, #tpu.memory_space<semaphore_mem>>) {add = true}
        %dma_wait3A_183 = arith.constant 0 : i32
        %dma_wait3A_184 = arith.constant 0 : i32
        %dma_wait3A_185 = tpu.memref_slice %arg12[%run_scoped3A, %dma_wait3A_183, %dma_wait3A_184] : memref<2x128x128xf32, #tpu.memory_space<vmem>> -> memref<1x128x128xf32, #tpu.memory_space<vmem>>
        %dma_wait3A_186 = tpu.memref_squeeze %dma_wait3A_185 : memref<1x128x128xf32, #tpu.memory_space<vmem>> -> memref<128x128xf32, #tpu.memory_space<vmem>>
        %dma_wait3A_187 = arith.constant 0 : i32
        %dma_wait3A_188 = tpu.memref_slice %arg11[%add3A_116, %dma_wait3A_187] : memref<40x128xi32, #tpu.memory_space<vmem>> -> memref<1x128xi32, #tpu.memory_space<vmem>>
        %dma_wait3A_189 = tpu.memref_squeeze %dma_wait3A_188 : memref<1x128xi32, #tpu.memory_space<vmem>> -> memref<128xi32, #tpu.memory_space<vmem>>
        %dma_wait3A_190 = arith.constant 0 : i32
        %dma_wait3A_191 = arith.constant 0 : i32
        %dma_wait3A_192 = tpu.memref_slice %arg14[%dma_wait3A_190, %dma_wait3A_191] : memref<10240x128xf32, #tpu.memory_space<vmem_shared>> -> memref<10240x128xf32, #tpu.memory_space<vmem_shared>>
        tpu.wait_indirect_dma semaphore(%run_scoped3A_172 : memref<!tpu.dma_semaphore, #tpu.memory_space<semaphore_mem>>) src(%dma_wait3A_186 : memref<128x128xf32, #tpu.memory_space<vmem>>) dst(%dma_wait3A_192 : memref<10240x128xf32, #tpu.memory_space<vmem_shared>>)
        tpu.yield
      }) : () -> ()
      %dma_wait3A_127 = arith.constant 0 : i32
      %dma_wait3A_128 = arith.constant 0 : i32
      %dma_wait3A_129 = tpu.memref_slice %arg13[%dma_wait3A_127, %dma_wait3A_128] : memref<2x128xf32, #tpu.memory_space<vmem>> -> memref<1x128xf32, #tpu.memory_space<vmem>>
      %dma_wait3A_130 = tpu.memref_squeeze %dma_wait3A_129 : memref<1x128xf32, #tpu.memory_space<vmem>> -> memref<128xf32, #tpu.memory_space<vmem>>
      %dma_wait3A_131 = arith.constant 0 : i32
      %dma_wait3A_132 = tpu.memref_slice %arg10[%add3A_116, %dma_wait3A_131] : memref<40x128xi32, #tpu.memory_space<vmem>> -> memref<1x128xi32, #tpu.memory_space<vmem>>
      %dma_wait3A_133 = tpu.memref_squeeze %dma_wait3A_132 : memref<1x128xi32, #tpu.memory_space<vmem>> -> memref<128xi32, #tpu.memory_space<vmem>>
      %dma_wait3A_134 = arith.constant 0 : i32
      %dma_wait3A_135 = tpu.memref_slice %arg3[%dma_wait3A_134] : memref<10000xf32, #tpu.memory_space<hbm>> -> memref<10000xf32, #tpu.memory_space<hbm>>
      tpu.wait_indirect_dma semaphore(%arg18 : memref<!tpu.dma_semaphore, #tpu.memory_space<semaphore_mem>>) src(%dma_wait3A_135 : memref<10000xf32, #tpu.memory_space<hbm>>) dst(%dma_wait3A_130 : memref<128xf32, #tpu.memory_space<vmem>>)
      %run_scoped3A_136 = arith.constant 0 : i32
      "tpu.region"() ({
        %run_scoped3A_172 = tpu.sem_alloc : memref<!tpu.dma_semaphore, #tpu.memory_space<semaphore_mem>>
        %dma_start3A_173 = arith.constant 0 : i32
        %dma_start3A_174 = tpu.memref_slice %arg13[%run_scoped3A_136, %dma_start3A_173] : memref<2x128xf32, #tpu.memory_space<vmem>> -> memref<1x128xf32, #tpu.memory_space<vmem>>
        %dma_start3A_175 = tpu.memref_squeeze %dma_start3A_174 : memref<1x128xf32, #tpu.memory_space<vmem>> -> memref<128xf32, #tpu.memory_space<vmem>>
        %dma_start3A_176 = arith.constant 0 : i32
        %dma_start3A_177 = tpu.memref_slice %arg11[%add3A_116, %dma_start3A_176] : memref<40x128xi32, #tpu.memory_space<vmem>> -> memref<1x128xi32, #tpu.memory_space<vmem>>
        %dma_start3A_178 = tpu.memref_squeeze %dma_start3A_177 : memref<1x128xi32, #tpu.memory_space<vmem>> -> memref<128xi32, #tpu.memory_space<vmem>>
        %dma_start3A_179 = arith.constant 0 : i32
        %dma_start3A_180 = tpu.memref_slice %arg15[%dma_start3A_179] : memref<10240xf32, #tpu.memory_space<vmem_shared>> -> memref<10240xf32, #tpu.memory_space<vmem_shared>>
        tpu.enqueue_indirect_dma source(%dma_start3A_175 : memref<128xf32, #tpu.memory_space<vmem>>) target(%dma_start3A_180 : memref<10240xf32, #tpu.memory_space<vmem_shared>>) offsets(%dma_start3A_178 : memref<128xi32, #tpu.memory_space<vmem>>) semaphore(%run_scoped3A_172 : memref<!tpu.dma_semaphore, #tpu.memory_space<semaphore_mem>>) {add = true}
        %dma_wait3A_181 = arith.constant 0 : i32
        %dma_wait3A_182 = tpu.memref_slice %arg13[%run_scoped3A_136, %dma_wait3A_181] : memref<2x128xf32, #tpu.memory_space<vmem>> -> memref<1x128xf32, #tpu.memory_space<vmem>>
        %dma_wait3A_183 = tpu.memref_squeeze %dma_wait3A_182 : memref<1x128xf32, #tpu.memory_space<vmem>> -> memref<128xf32, #tpu.memory_space<vmem>>
        %dma_wait3A_184 = arith.constant 0 : i32
        %dma_wait3A_185 = tpu.memref_slice %arg11[%add3A_116, %dma_wait3A_184] : memref<40x128xi32, #tpu.memory_space<vmem>> -> memref<1x128xi32, #tpu.memory_space<vmem>>
        %dma_wait3A_186 = tpu.memref_squeeze %dma_wait3A_185 : memref<1x128xi32, #tpu.memory_space<vmem>> -> memref<128xi32, #tpu.memory_space<vmem>>
        %dma_wait3A_187 = arith.constant 0 : i32
        %dma_wait3A_188 = tpu.memref_slice %arg15[%dma_wait3A_187] : memref<10240xf32, #tpu.memory_space<vmem_shared>> -> memref<10240xf32, #tpu.memory_space<vmem_shared>>
        tpu.wait_indirect_dma semaphore(%run_scoped3A_172 : memref<!tpu.dma_semaphore, #tpu.memory_space<semaphore_mem>>) src(%dma_wait3A_183 : memref<128xf32, #tpu.memory_space<vmem>>) dst(%dma_wait3A_188 : memref<10240xf32, #tpu.memory_space<vmem_shared>>)
        tpu.yield
      }) : () -> ()
      %add3A_137 = arith.constant 2 : i32
      %add3A_138 = arith.addi %add3A_116, %add3A_137 : i32
      %lt3A = arith.constant 40 : i32
      %lt3A_139 = arith.cmpi slt, %add3A_138, %lt3A : i32
      %convert_element_type3A = arith.extui %lt3A_139 : i1 to i32
      %cond3A = arith.constant 0 : i32
      %cond3A_140 = arith.cmpi ne, %convert_element_type3A, %cond3A : i32
      scf.if %cond3A_140 {
        %dma_start3A_172 = arith.constant 0 : i32
        %dma_start3A_173 = arith.constant 0 : i32
        %dma_start3A_174 = arith.constant 0 : i32
        %dma_start3A_175 = tpu.memref_slice %arg12[%dma_start3A_172, %dma_start3A_173, %dma_start3A_174] : memref<2x128x128xf32, #tpu.memory_space<vmem>> -> memref<1x128x128xf32, #tpu.memory_space<vmem>>
        %dma_start3A_176 = tpu.memref_squeeze %dma_start3A_175 : memref<1x128x128xf32, #tpu.memory_space<vmem>> -> memref<128x128xf32, #tpu.memory_space<vmem>>
        %dma_start3A_177 = arith.constant 0 : i32
        %dma_start3A_178 = tpu.memref_slice %arg10[%add3A_138, %dma_start3A_177] : memref<40x128xi32, #tpu.memory_space<vmem>> -> memref<1x128xi32, #tpu.memory_space<vmem>>
        %dma_start3A_179 = tpu.memref_squeeze %dma_start3A_178 : memref<1x128xi32, #tpu.memory_space<vmem>> -> memref<128xi32, #tpu.memory_space<vmem>>
        %dma_start3A_180 = arith.constant 0 : i32
        %dma_start3A_181 = arith.constant 0 : i32
        %dma_start3A_182 = tpu.memref_slice %arg2[%dma_start3A_180, %dma_start3A_181] : memref<10000x128xf32, #tpu.memory_space<hbm>> -> memref<10000x128xf32, #tpu.memory_space<hbm>>
        tpu.enqueue_indirect_dma source(%dma_start3A_182 : memref<10000x128xf32, #tpu.memory_space<hbm>>) target(%dma_start3A_176 : memref<128x128xf32, #tpu.memory_space<vmem>>) offsets(%dma_start3A_179 : memref<128xi32, #tpu.memory_space<vmem>>) semaphore(%arg16 : memref<!tpu.dma_semaphore, #tpu.memory_space<semaphore_mem>>)
        %dma_start3A_183 = arith.constant 0 : i32
        %dma_start3A_184 = arith.constant 0 : i32
        %dma_start3A_185 = tpu.memref_slice %arg13[%dma_start3A_183, %dma_start3A_184] : memref<2x128xf32, #tpu.memory_space<vmem>> -> memref<1x128xf32, #tpu.memory_space<vmem>>
        %dma_start3A_186 = tpu.memref_squeeze %dma_start3A_185 : memref<1x128xf32, #tpu.memory_space<vmem>> -> memref<128xf32, #tpu.memory_space<vmem>>
        %dma_start3A_187 = arith.constant 0 : i32
        %dma_start3A_188 = tpu.memref_slice %arg10[%add3A_138, %dma_start3A_187] : memref<40x128xi32, #tpu.memory_space<vmem>> -> memref<1x128xi32, #tpu.memory_space<vmem>>
        %dma_start3A_189 = tpu.memref_squeeze %dma_start3A_188 : memref<1x128xi32, #tpu.memory_space<vmem>> -> memref<128xi32, #tpu.memory_space<vmem>>
        %dma_start3A_190 = arith.constant 0 : i32
        %dma_start3A_191 = tpu.memref_slice %arg3[%dma_start3A_190] : memref<10000xf32, #tpu.memory_space<hbm>> -> memref<10000xf32, #tpu.memory_space<hbm>>
        tpu.enqueue_indirect_dma source(%dma_start3A_191 : memref<10000xf32, #tpu.memory_space<hbm>>) target(%dma_start3A_186 : memref<128xf32, #tpu.memory_space<vmem>>) offsets(%dma_start3A_189 : memref<128xi32, #tpu.memory_space<vmem>>) semaphore(%arg18 : memref<!tpu.dma_semaphore, #tpu.memory_space<semaphore_mem>>)
      } else {
      }
      %add3A_141 = arith.constant 1 : i32
      %add3A_142 = arith.addi %mul3A_114, %add3A_141 : i32
      %dma_wait3A_143 = arith.constant 1 : i32
      %dma_wait3A_144 = arith.constant 0 : i32
      %dma_wait3A_145 = arith.constant 0 : i32
      %dma_wait3A_146 = tpu.memref_slice %arg12[%dma_wait3A_143, %dma_wait3A_144, %dma_wait3A_145] : memref<2x128x128xf32, #tpu.memory_space<vmem>> -> memref<1x128x128xf32, #tpu.memory_space<vmem>>
      %dma_wait3A_147 = tpu.memref_squeeze %dma_wait3A_146 : memref<1x128x128xf32, #tpu.memory_space<vmem>> -> memref<128x128xf32, #tpu.memory_space<vmem>>
      %dma_wait3A_148 = arith.constant 0 : i32
      %dma_wait3A_149 = tpu.memref_slice %arg10[%add3A_142, %dma_wait3A_148] : memref<40x128xi32, #tpu.memory_space<vmem>> -> memref<1x128xi32, #tpu.memory_space<vmem>>
      %dma_wait3A_150 = tpu.memref_squeeze %dma_wait3A_149 : memref<1x128xi32, #tpu.memory_space<vmem>> -> memref<128xi32, #tpu.memory_space<vmem>>
      %dma_wait3A_151 = arith.constant 0 : i32
      %dma_wait3A_152 = arith.constant 0 : i32
      %dma_wait3A_153 = tpu.memref_slice %arg2[%dma_wait3A_151, %dma_wait3A_152] : memref<10000x128xf32, #tpu.memory_space<hbm>> -> memref<10000x128xf32, #tpu.memory_space<hbm>>
      tpu.wait_indirect_dma semaphore(%arg17 : memref<!tpu.dma_semaphore, #tpu.memory_space<semaphore_mem>>) src(%dma_wait3A_153 : memref<10000x128xf32, #tpu.memory_space<hbm>>) dst(%dma_wait3A_147 : memref<128x128xf32, #tpu.memory_space<vmem>>)
      %run_scoped3A_154 = arith.constant 1 : i32
      "tpu.region"() ({
        %run_scoped3A_172 = tpu.sem_alloc : memref<!tpu.dma_semaphore, #tpu.memory_space<semaphore_mem>>
        %dma_start3A_173 = arith.constant 0 : i32
        %dma_start3A_174 = arith.constant 0 : i32
        %dma_start3A_175 = tpu.memref_slice %arg12[%run_scoped3A_154, %dma_start3A_173, %dma_start3A_174] : memref<2x128x128xf32, #tpu.memory_space<vmem>> -> memref<1x128x128xf32, #tpu.memory_space<vmem>>
        %dma_start3A_176 = tpu.memref_squeeze %dma_start3A_175 : memref<1x128x128xf32, #tpu.memory_space<vmem>> -> memref<128x128xf32, #tpu.memory_space<vmem>>
        %dma_start3A_177 = arith.constant 0 : i32
        %dma_start3A_178 = tpu.memref_slice %arg11[%add3A_142, %dma_start3A_177] : memref<40x128xi32, #tpu.memory_space<vmem>> -> memref<1x128xi32, #tpu.memory_space<vmem>>
        %dma_start3A_179 = tpu.memref_squeeze %dma_start3A_178 : memref<1x128xi32, #tpu.memory_space<vmem>> -> memref<128xi32, #tpu.memory_space<vmem>>
        %dma_start3A_180 = arith.constant 0 : i32
        %dma_start3A_181 = arith.constant 0 : i32
        %dma_start3A_182 = tpu.memref_slice %arg14[%dma_start3A_180, %dma_start3A_181] : memref<10240x128xf32, #tpu.memory_space<vmem_shared>> -> memref<10240x128xf32, #tpu.memory_space<vmem_shared>>
        tpu.enqueue_indirect_dma source(%dma_start3A_176 : memref<128x128xf32, #tpu.memory_space<vmem>>) target(%dma_start3A_182 : memref<10240x128xf32, #tpu.memory_space<vmem_shared>>) offsets(%dma_start3A_179 : memref<128xi32, #tpu.memory_space<vmem>>) semaphore(%run_scoped3A_172 : memref<!tpu.dma_semaphore, #tpu.memory_space<semaphore_mem>>) {add = true}
        %dma_wait3A_183 = arith.constant 0 : i32
        %dma_wait3A_184 = arith.constant 0 : i32
        %dma_wait3A_185 = tpu.memref_slice %arg12[%run_scoped3A_154, %dma_wait3A_183, %dma_wait3A_184] : memref<2x128x128xf32, #tpu.memory_space<vmem>> -> memref<1x128x128xf32, #tpu.memory_space<vmem>>
        %dma_wait3A_186 = tpu.memref_squeeze %dma_wait3A_185 : memref<1x128x128xf32, #tpu.memory_space<vmem>> -> memref<128x128xf32, #tpu.memory_space<vmem>>
        %dma_wait3A_187 = arith.constant 0 : i32
        %dma_wait3A_188 = tpu.memref_slice %arg11[%add3A_142, %dma_wait3A_187] : memref<40x128xi32, #tpu.memory_space<vmem>> -> memref<1x128xi32, #tpu.memory_space<vmem>>
        %dma_wait3A_189 = tpu.memref_squeeze %dma_wait3A_188 : memref<1x128xi32, #tpu.memory_space<vmem>> -> memref<128xi32, #tpu.memory_space<vmem>>
        %dma_wait3A_190 = arith.constant 0 : i32
        %dma_wait3A_191 = arith.constant 0 : i32
        %dma_wait3A_192 = tpu.memref_slice %arg14[%dma_wait3A_190, %dma_wait3A_191] : memref<10240x128xf32, #tpu.memory_space<vmem_shared>> -> memref<10240x128xf32, #tpu.memory_space<vmem_shared>>
        tpu.wait_indirect_dma semaphore(%run_scoped3A_172 : memref<!tpu.dma_semaphore, #tpu.memory_space<semaphore_mem>>) src(%dma_wait3A_186 : memref<128x128xf32, #tpu.memory_space<vmem>>) dst(%dma_wait3A_192 : memref<10240x128xf32, #tpu.memory_space<vmem_shared>>)
        tpu.yield
      }) : () -> ()
      %dma_wait3A_155 = arith.constant 1 : i32
      %dma_wait3A_156 = arith.constant 0 : i32
      %dma_wait3A_157 = tpu.memref_slice %arg13[%dma_wait3A_155, %dma_wait3A_156] : memref<2x128xf32, #tpu.memory_space<vmem>> -> memref<1x128xf32, #tpu.memory_space<vmem>>
      %dma_wait3A_158 = tpu.memref_squeeze %dma_wait3A_157 : memref<1x128xf32, #tpu.memory_space<vmem>> -> memref<128xf32, #tpu.memory_space<vmem>>
      %dma_wait3A_159 = arith.constant 0 : i32
      %dma_wait3A_160 = tpu.memref_slice %arg10[%add3A_142, %dma_wait3A_159] : memref<40x128xi32, #tpu.memory_space<vmem>> -> memref<1x128xi32, #tpu.memory_space<vmem>>
      %dma_wait3A_161 = tpu.memref_squeeze %dma_wait3A_160 : memref<1x128xi32, #tpu.memory_space<vmem>> -> memref<128xi32, #tpu.memory_space<vmem>>
      %dma_wait3A_162 = arith.constant 0 : i32
      %dma_wait3A_163 = tpu.memref_slice %arg3[%dma_wait3A_162] : memref<10000xf32, #tpu.memory_space<hbm>> -> memref<10000xf32, #tpu.memory_space<hbm>>
      tpu.wait_indirect_dma semaphore(%arg19 : memref<!tpu.dma_semaphore, #tpu.memory_space<semaphore_mem>>) src(%dma_wait3A_163 : memref<10000xf32, #tpu.memory_space<hbm>>) dst(%dma_wait3A_158 : memref<128xf32, #tpu.memory_space<vmem>>)
      %run_scoped3A_164 = arith.constant 1 : i32
      "tpu.region"() ({
        %run_scoped3A_172 = tpu.sem_alloc : memref<!tpu.dma_semaphore, #tpu.memory_space<semaphore_mem>>
        %dma_start3A_173 = arith.constant 0 : i32
        %dma_start3A_174 = tpu.memref_slice %arg13[%run_scoped3A_164, %dma_start3A_173] : memref<2x128xf32, #tpu.memory_space<vmem>> -> memref<1x128xf32, #tpu.memory_space<vmem>>
        %dma_start3A_175 = tpu.memref_squeeze %dma_start3A_174 : memref<1x128xf32, #tpu.memory_space<vmem>> -> memref<128xf32, #tpu.memory_space<vmem>>
        %dma_start3A_176 = arith.constant 0 : i32
        %dma_start3A_177 = tpu.memref_slice %arg11[%add3A_142, %dma_start3A_176] : memref<40x128xi32, #tpu.memory_space<vmem>> -> memref<1x128xi32, #tpu.memory_space<vmem>>
        %dma_start3A_178 = tpu.memref_squeeze %dma_start3A_177 : memref<1x128xi32, #tpu.memory_space<vmem>> -> memref<128xi32, #tpu.memory_space<vmem>>
        %dma_start3A_179 = arith.constant 0 : i32
        %dma_start3A_180 = tpu.memref_slice %arg15[%dma_start3A_179] : memref<10240xf32, #tpu.memory_space<vmem_shared>> -> memref<10240xf32, #tpu.memory_space<vmem_shared>>
        tpu.enqueue_indirect_dma source(%dma_start3A_175 : memref<128xf32, #tpu.memory_space<vmem>>) target(%dma_start3A_180 : memref<10240xf32, #tpu.memory_space<vmem_shared>>) offsets(%dma_start3A_178 : memref<128xi32, #tpu.memory_space<vmem>>) semaphore(%run_scoped3A_172 : memref<!tpu.dma_semaphore, #tpu.memory_space<semaphore_mem>>) {add = true}
        %dma_wait3A_181 = arith.constant 0 : i32
        %dma_wait3A_182 = tpu.memref_slice %arg13[%run_scoped3A_164, %dma_wait3A_181] : memref<2x128xf32, #tpu.memory_space<vmem>> -> memref<1x128xf32, #tpu.memory_space<vmem>>
        %dma_wait3A_183 = tpu.memref_squeeze %dma_wait3A_182 : memref<1x128xf32, #tpu.memory_space<vmem>> -> memref<128xf32, #tpu.memory_space<vmem>>
        %dma_wait3A_184 = arith.constant 0 : i32
        %dma_wait3A_185 = tpu.memref_slice %arg11[%add3A_142, %dma_wait3A_184] : memref<40x128xi32, #tpu.memory_space<vmem>> -> memref<1x128xi32, #tpu.memory_space<vmem>>
        %dma_wait3A_186 = tpu.memref_squeeze %dma_wait3A_185 : memref<1x128xi32, #tpu.memory_space<vmem>> -> memref<128xi32, #tpu.memory_space<vmem>>
        %dma_wait3A_187 = arith.constant 0 : i32
        %dma_wait3A_188 = tpu.memref_slice %arg15[%dma_wait3A_187] : memref<10240xf32, #tpu.memory_space<vmem_shared>> -> memref<10240xf32, #tpu.memory_space<vmem_shared>>
        tpu.wait_indirect_dma semaphore(%run_scoped3A_172 : memref<!tpu.dma_semaphore, #tpu.memory_space<semaphore_mem>>) src(%dma_wait3A_183 : memref<128xf32, #tpu.memory_space<vmem>>) dst(%dma_wait3A_188 : memref<10240xf32, #tpu.memory_space<vmem_shared>>)
        tpu.yield
      }) : () -> ()
      %add3A_165 = arith.constant 2 : i32
      %add3A_166 = arith.addi %add3A_142, %add3A_165 : i32
      %lt3A_167 = arith.constant 40 : i32
      %lt3A_168 = arith.cmpi slt, %add3A_166, %lt3A_167 : i32
      %convert_element_type3A_169 = arith.extui %lt3A_168 : i1 to i32
      %cond3A_170 = arith.constant 0 : i32
      %cond3A_171 = arith.cmpi ne, %convert_element_type3A_169, %cond3A_170 : i32
      scf.if %cond3A_171 {
        %dma_start3A_172 = arith.constant 1 : i32
        %dma_start3A_173 = arith.constant 0 : i32
        %dma_start3A_174 = arith.constant 0 : i32
        %dma_start3A_175 = tpu.memref_slice %arg12[%dma_start3A_172, %dma_start3A_173, %dma_start3A_174] : memref<2x128x128xf32, #tpu.memory_space<vmem>> -> memref<1x128x128xf32, #tpu.memory_space<vmem>>
        %dma_start3A_176 = tpu.memref_squeeze %dma_start3A_175 : memref<1x128x128xf32, #tpu.memory_space<vmem>> -> memref<128x128xf32, #tpu.memory_space<vmem>>
        %dma_start3A_177 = arith.constant 0 : i32
        %dma_start3A_178 = tpu.memref_slice %arg10[%add3A_166, %dma_start3A_177] : memref<40x128xi32, #tpu.memory_space<vmem>> -> memref<1x128xi32, #tpu.memory_space<vmem>>
        %dma_start3A_179 = tpu.memref_squeeze %dma_start3A_178 : memref<1x128xi32, #tpu.memory_space<vmem>> -> memref<128xi32, #tpu.memory_space<vmem>>
        %dma_start3A_180 = arith.constant 0 : i32
        %dma_start3A_181 = arith.constant 0 : i32
        %dma_start3A_182 = tpu.memref_slice %arg2[%dma_start3A_180, %dma_start3A_181] : memref<10000x128xf32, #tpu.memory_space<hbm>> -> memref<10000x128xf32, #tpu.memory_space<hbm>>
        tpu.enqueue_indirect_dma source(%dma_start3A_182 : memref<10000x128xf32, #tpu.memory_space<hbm>>) target(%dma_start3A_176 : memref<128x128xf32, #tpu.memory_space<vmem>>) offsets(%dma_start3A_179 : memref<128xi32, #tpu.memory_space<vmem>>) semaphore(%arg17 : memref<!tpu.dma_semaphore, #tpu.memory_space<semaphore_mem>>)
        %dma_start3A_183 = arith.constant 1 : i32
        %dma_start3A_184 = arith.constant 0 : i32
        %dma_start3A_185 = tpu.memref_slice %arg13[%dma_start3A_183, %dma_start3A_184] : memref<2x128xf32, #tpu.memory_space<vmem>> -> memref<1x128xf32, #tpu.memory_space<vmem>>
        %dma_start3A_186 = tpu.memref_squeeze %dma_start3A_185 : memref<1x128xf32, #tpu.memory_space<vmem>> -> memref<128xf32, #tpu.memory_space<vmem>>
        %dma_start3A_187 = arith.constant 0 : i32
        %dma_start3A_188 = tpu.memref_slice %arg10[%add3A_166, %dma_start3A_187] : memref<40x128xi32, #tpu.memory_space<vmem>> -> memref<1x128xi32, #tpu.memory_space<vmem>>
        %dma_start3A_189 = tpu.memref_squeeze %dma_start3A_188 : memref<1x128xi32, #tpu.memory_space<vmem>> -> memref<128xi32, #tpu.memory_space<vmem>>
        %dma_start3A_190 = arith.constant 0 : i32
        %dma_start3A_191 = tpu.memref_slice %arg3[%dma_start3A_190] : memref<10000xf32, #tpu.memory_space<hbm>> -> memref<10000xf32, #tpu.memory_space<hbm>>
        tpu.enqueue_indirect_dma source(%dma_start3A_191 : memref<10000xf32, #tpu.memory_space<hbm>>) target(%dma_start3A_186 : memref<128xf32, #tpu.memory_space<vmem>>) offsets(%dma_start3A_189 : memref<128xi32, #tpu.memory_space<vmem>>) semaphore(%arg19 : memref<!tpu.dma_semaphore, #tpu.memory_space<semaphore_mem>>)
      } else {
      }
    }
    %scan3A_102 = arith.constant 20 : i32
    %barrier3A_103 = arith.constant 0 : index
    tpu.barrier barrier_id(%barrier3A_103)
    %mul3A_104 = arith.constant 640 : i32
    %mul3A_105 = arith.muli %arg1, %mul3A_104 : i32
    %mul3A_106 = arith.constant 640 : i32
    %mul3A_107 = arith.muli %arg1, %mul3A_106 : i32
    "tpu.region"() ({
      %run_scoped3A = tpu.sem_alloc : memref<!tpu.dma_semaphore, #tpu.memory_space<semaphore_mem>>
      %dma_start3A_112 = arith.constant 0 : i32
      %dma_start3A_113 = tpu.memref_slice %arg8[%arg0, %mul3A_107, %dma_start3A_112] : memref<2x10240x128xf32, #tpu.memory_space<hbm>> -> memref<1x640x128xf32, #tpu.memory_space<hbm>>
      %dma_start3A_114 = tpu.memref_squeeze %dma_start3A_113 : memref<1x640x128xf32, #tpu.memory_space<hbm>> -> memref<640x128xf32, #tpu.memory_space<hbm>>
      %dma_start3A_115 = arith.constant 0 : i32
      %dma_start3A_116 = tpu.memref_slice %arg14[%mul3A_105, %dma_start3A_115] : memref<10240x128xf32, #tpu.memory_space<vmem_shared>> -> memref<640x128xf32, #tpu.memory_space<vmem_shared>>
      tpu.enqueue_dma source(%dma_start3A_116 : memref<640x128xf32, #tpu.memory_space<vmem_shared>>) target(%dma_start3A_114 : memref<640x128xf32, #tpu.memory_space<hbm>>) target_semaphore(%run_scoped3A : memref<!tpu.dma_semaphore, #tpu.memory_space<semaphore_mem>>)
      %dma_wait3A = arith.constant 0 : i32
      %dma_wait3A_117 = tpu.memref_slice %arg8[%arg0, %mul3A_107, %dma_wait3A] : memref<2x10240x128xf32, #tpu.memory_space<hbm>> -> memref<1x640x128xf32, #tpu.memory_space<hbm>>
      %dma_wait3A_118 = tpu.memref_squeeze %dma_wait3A_117 : memref<1x640x128xf32, #tpu.memory_space<hbm>> -> memref<640x128xf32, #tpu.memory_space<hbm>>
      %dma_wait3A_119 = arith.constant 0 : i32
      %dma_wait3A_120 = tpu.memref_slice %arg14[%mul3A_105, %dma_wait3A_119] : memref<10240x128xf32, #tpu.memory_space<vmem_shared>> -> memref<640x128xf32, #tpu.memory_space<vmem_shared>>
      tpu.wait_dma2 semaphore(%run_scoped3A : memref<!tpu.dma_semaphore, #tpu.memory_space<semaphore_mem>>) src(%dma_wait3A_120 : memref<640x128xf32, #tpu.memory_space<vmem_shared>>) dst(%dma_wait3A_118 : memref<640x128xf32, #tpu.memory_space<hbm>>)
      tpu.yield
    }) : () -> ()
    %mul3A_108 = arith.constant 640 : i32
    %mul3A_109 = arith.muli %arg1, %mul3A_108 : i32
    %mul3A_110 = arith.constant 640 : i32
    %mul3A_111 = arith.muli %arg1, %mul3A_110 : i32
    "tpu.region"() ({
      %run_scoped3A = tpu.sem_alloc : memref<!tpu.dma_semaphore, #tpu.memory_space<semaphore_mem>>
      %dma_start3A_112 = tpu.memref_slice %arg9[%arg0, %mul3A_111] : memref<2x10240xf32, #tpu.memory_space<hbm>> -> memref<1x640xf32, #tpu.memory_space<hbm>>
      %dma_start3A_113 = tpu.memref_squeeze %dma_start3A_112 : memref<1x640xf32, #tpu.memory_space<hbm>> -> memref<640xf32, #tpu.memory_space<hbm>>
      %dma_start3A_114 = tpu.memref_slice %arg15[%mul3A_109] : memref<10240xf32, #tpu.memory_space<vmem_shared>> -> memref<640xf32, #tpu.memory_space<vmem_shared>>
      tpu.enqueue_dma source(%dma_start3A_114 : memref<640xf32, #tpu.memory_space<vmem_shared>>) target(%dma_start3A_113 : memref<640xf32, #tpu.memory_space<hbm>>) target_semaphore(%run_scoped3A : memref<!tpu.dma_semaphore, #tpu.memory_space<semaphore_mem>>)
      %dma_wait3A = tpu.memref_slice %arg9[%arg0, %mul3A_111] : memref<2x10240xf32, #tpu.memory_space<hbm>> -> memref<1x640xf32, #tpu.memory_space<hbm>>
      %dma_wait3A_115 = tpu.memref_squeeze %dma_wait3A : memref<1x640xf32, #tpu.memory_space<hbm>> -> memref<640xf32, #tpu.memory_space<hbm>>
      %dma_wait3A_116 = tpu.memref_slice %arg15[%mul3A_109] : memref<10240xf32, #tpu.memory_space<vmem_shared>> -> memref<640xf32, #tpu.memory_space<vmem_shared>>
      tpu.wait_dma2 semaphore(%run_scoped3A : memref<!tpu.dma_semaphore, #tpu.memory_space<semaphore_mem>>) src(%dma_wait3A_116 : memref<640xf32, #tpu.memory_space<vmem_shared>>) dst(%dma_wait3A_115 : memref<640xf32, #tpu.memory_space<hbm>>)
      tpu.yield
    }) : () -> ()
    return
  }
}

#map = affine_map<(d0, d1) -> (0, 0)>
#map1 = affine_map<(d0, d1) -> (0)>
#map2 = affine_map<(d0, d1) -> (0, 0, 0)>
module attributes {stable_mosaic.version = 14 : i64} {
  func.func @_sc_rows_scal(%arg0: i32, %arg1: i32, %arg2: memref<10000x128xf32, #tpu.memory_space<hbm>>, %arg3: memref<10000xf32, #tpu.memory_space<hbm>>, %arg4: memref<32x80x128xi32, #tpu.memory_space<hbm>>, %arg5: memref<32x80x128xi32, #tpu.memory_space<hbm>>, %arg6: memref<640x128xf32, #tpu.memory_space<hbm>>, %arg7: memref<640xf32, #tpu.memory_space<hbm>>, %arg8: memref<2x10240x128xf32, #tpu.memory_space<hbm>>, %arg9: memref<2x10240xf32, #tpu.memory_space<hbm>>, %arg10: memref<40x128xi32, #tpu.memory_space<vmem>>, %arg11: memref<40x128xi32, #tpu.memory_space<vmem>>, %arg12: memref<2x128x128xf32, #tpu.memory_space<vmem>>, %arg13: memref<2x128xf32, #tpu.memory_space<vmem>>, %arg14: memref<10240x128xf32, #tpu.memory_space<vmem_shared>>, %arg15: memref<10240xf32, #tpu.memory_space<vmem_shared>>, %arg16: memref<!tpu.dma_semaphore, #tpu.memory_space<semaphore_mem>>, %arg17: memref<!tpu.dma_semaphore, #tpu.memory_space<semaphore_mem>>, %arg18: memref<!tpu.dma_semaphore, #tpu.memory_space<semaphore_mem>>, %arg19: memref<!tpu.dma_semaphore, #tpu.memory_space<semaphore_mem>>) attributes {dimension_semantics = [#tpu.dimension_semantics<core_parallel>, #tpu.dimension_semantics<subcore_parallel>], iteration_bounds = array<i64: 2, 16>, scalar_prefetch = 0 : i64, scratch_operands = 10 : i64, tpu.core_type = #tpu.core_type<sc_vector_subcore>, window_params = [{transform_indices = #map}, {transform_indices = #map1}, {transform_indices = #map2}, {transform_indices = #map2}, {transform_indices = #map}, {transform_indices = #map1}, {transform_indices = #map2}, {transform_indices = #map}]} {
    %mul3A = arith.constant 16 : i32
    %mul3A_0 = arith.muli %arg0, %mul3A : i32
    %add3A = arith.addi %mul3A_0, %arg1 : i32
    %mul3A_1 = arith.constant 640 : i32
    %mul3A_2 = arith.muli %arg1, %mul3A_1 : i32
    "tpu.region"() ({
      %run_scoped3A = tpu.sem_alloc : memref<!tpu.dma_semaphore, #tpu.memory_space<semaphore_mem>>
      %dma_start3A_112 = arith.constant 0 : i32
      %dma_start3A_113 = tpu.memref_slice %arg14[%mul3A_2, %dma_start3A_112] : memref<10240x128xf32, #tpu.memory_space<vmem_shared>> -> memref<640x128xf32, #tpu.memory_space<vmem_shared>>
      tpu.enqueue_dma source(%arg6 : memref<640x128xf32, #tpu.memory_space<hbm>>) target(%dma_start3A_113 : memref<640x128xf32, #tpu.memory_space<vmem_shared>>) target_semaphore(%run_scoped3A : memref<!tpu.dma_semaphore, #tpu.memory_space<semaphore_mem>>)
      %dma_wait3A = arith.constant 0 : i32
      %dma_wait3A_114 = tpu.memref_slice %arg14[%mul3A_2, %dma_wait3A] : memref<10240x128xf32, #tpu.memory_space<vmem_shared>> -> memref<640x128xf32, #tpu.memory_space<vmem_shared>>
      tpu.wait_dma2 semaphore(%run_scoped3A : memref<!tpu.dma_semaphore, #tpu.memory_space<semaphore_mem>>) src(%arg6 : memref<640x128xf32, #tpu.memory_space<hbm>>) dst(%dma_wait3A_114 : memref<640x128xf32, #tpu.memory_space<vmem_shared>>)
      tpu.yield
    }) : () -> ()
    %mul3A_3 = arith.constant 640 : i32
    %mul3A_4 = arith.muli %arg1, %mul3A_3 : i32
    "tpu.region"() ({
      %run_scoped3A = tpu.sem_alloc : memref<!tpu.dma_semaphore, #tpu.memory_space<semaphore_mem>>
      %dma_start3A_112 = tpu.memref_slice %arg15[%mul3A_4] : memref<10240xf32, #tpu.memory_space<vmem_shared>> -> memref<640xf32, #tpu.memory_space<vmem_shared>>
      tpu.enqueue_dma source(%arg7 : memref<640xf32, #tpu.memory_space<hbm>>) target(%dma_start3A_112 : memref<640xf32, #tpu.memory_space<vmem_shared>>) target_semaphore(%run_scoped3A : memref<!tpu.dma_semaphore, #tpu.memory_space<semaphore_mem>>)
      %dma_wait3A = tpu.memref_slice %arg15[%mul3A_4] : memref<10240xf32, #tpu.memory_space<vmem_shared>> -> memref<640xf32, #tpu.memory_space<vmem_shared>>
      tpu.wait_dma2 semaphore(%run_scoped3A : memref<!tpu.dma_semaphore, #tpu.memory_space<semaphore_mem>>) src(%arg7 : memref<640xf32, #tpu.memory_space<hbm>>) dst(%dma_wait3A : memref<640xf32, #tpu.memory_space<vmem_shared>>)
      tpu.yield
    }) : () -> ()
    %barrier3A = arith.constant 0 : index
    tpu.barrier barrier_id(%barrier3A)
    "tpu.region"() ({
      %run_scoped3A = tpu.sem_alloc : memref<!tpu.dma_semaphore, #tpu.memory_space<semaphore_mem>>
      %dma_start3A_112 = arith.constant 0 : i32
      %dma_start3A_113 = arith.constant 0 : i32
      %dma_start3A_114 = tpu.memref_slice %arg4[%add3A, %dma_start3A_112, %dma_start3A_113] : memref<32x80x128xi32, #tpu.memory_space<hbm>> -> memref<1x40x128xi32, #tpu.memory_space<hbm>>
      %dma_start3A_115 = tpu.memref_squeeze %dma_start3A_114 : memref<1x40x128xi32, #tpu.memory_space<hbm>> -> memref<40x128xi32, #tpu.memory_space<hbm>>
      %dma_start3A_116 = arith.constant 0 : i32
      %dma_start3A_117 = arith.constant 0 : i32
      %dma_start3A_118 = tpu.memref_slice %arg4[%add3A, %dma_start3A_116, %dma_start3A_117] : memref<32x80x128xi32, #tpu.memory_space<hbm>> -> memref<1x40x128xi32, #tpu.memory_space<hbm>>
      %dma_start3A_119 = tpu.memref_squeeze %dma_start3A_118 : memref<1x40x128xi32, #tpu.memory_space<hbm>> -> memref<40x128xi32, #tpu.memory_space<hbm>>
      tpu.enqueue_dma source(%dma_start3A_119 : memref<40x128xi32, #tpu.memory_space<hbm>>) target(%arg10 : memref<40x128xi32, #tpu.memory_space<vmem>>) target_semaphore(%run_scoped3A : memref<!tpu.dma_semaphore, #tpu.memory_space<semaphore_mem>>)
      %dma_wait3A = arith.constant 0 : i32
      %dma_wait3A_120 = arith.constant 0 : i32
      %dma_wait3A_121 = tpu.memref_slice %arg4[%add3A, %dma_wait3A, %dma_wait3A_120] : memref<32x80x128xi32, #tpu.memory_space<hbm>> -> memref<1x40x128xi32, #tpu.memory_space<hbm>>
      %dma_wait3A_122 = tpu.memref_squeeze %dma_wait3A_121 : memref<1x40x128xi32, #tpu.memory_space<hbm>> -> memref<40x128xi32, #tpu.memory_space<hbm>>
      %dma_wait3A_123 = arith.constant 0 : i32
      %dma_wait3A_124 = arith.constant 0 : i32
      %dma_wait3A_125 = tpu.memref_slice %arg4[%add3A, %dma_wait3A_123, %dma_wait3A_124] : memref<32x80x128xi32, #tpu.memory_space<hbm>> -> memref<1x40x128xi32, #tpu.memory_space<hbm>>
      %dma_wait3A_126 = tpu.memref_squeeze %dma_wait3A_125 : memref<1x40x128xi32, #tpu.memory_space<hbm>> -> memref<40x128xi32, #tpu.memory_space<hbm>>
      tpu.wait_dma2 semaphore(%run_scoped3A : memref<!tpu.dma_semaphore, #tpu.memory_space<semaphore_mem>>) src(%dma_wait3A_126 : memref<40x128xi32, #tpu.memory_space<hbm>>) dst(%arg10 : memref<40x128xi32, #tpu.memory_space<vmem>>)
      tpu.yield
    }) : () -> ()
    "tpu.region"() ({
      %run_scoped3A = tpu.sem_alloc : memref<!tpu.dma_semaphore, #tpu.memory_space<semaphore_mem>>
      %dma_start3A_112 = arith.constant 0 : i32
      %dma_start3A_113 = arith.constant 0 : i32
      %dma_start3A_114 = tpu.memref_slice %arg5[%add3A, %dma_start3A_112, %dma_start3A_113] : memref<32x80x128xi32, #tpu.memory_space<hbm>> -> memref<1x40x128xi32, #tpu.memory_space<hbm>>
      %dma_start3A_115 = tpu.memref_squeeze %dma_start3A_114 : memref<1x40x128xi32, #tpu.memory_space<hbm>> -> memref<40x128xi32, #tpu.memory_space<hbm>>
      %dma_start3A_116 = arith.constant 0 : i32
      %dma_start3A_117 = arith.constant 0 : i32
      %dma_start3A_118 = tpu.memref_slice %arg5[%add3A, %dma_start3A_116, %dma_start3A_117] : memref<32x80x128xi32, #tpu.memory_space<hbm>> -> memref<1x40x128xi32, #tpu.memory_space<hbm>>
      %dma_start3A_119 = tpu.memref_squeeze %dma_start3A_118 : memref<1x40x128xi32, #tpu.memory_space<hbm>> -> memref<40x128xi32, #tpu.memory_space<hbm>>
      tpu.enqueue_dma source(%dma_start3A_119 : memref<40x128xi32, #tpu.memory_space<hbm>>) target(%arg11 : memref<40x128xi32, #tpu.memory_space<vmem>>) target_semaphore(%run_scoped3A : memref<!tpu.dma_semaphore, #tpu.memory_space<semaphore_mem>>)
      %dma_wait3A = arith.constant 0 : i32
      %dma_wait3A_120 = arith.constant 0 : i32
      %dma_wait3A_121 = tpu.memref_slice %arg5[%add3A, %dma_wait3A, %dma_wait3A_120] : memref<32x80x128xi32, #tpu.memory_space<hbm>> -> memref<1x40x128xi32, #tpu.memory_space<hbm>>
      %dma_wait3A_122 = tpu.memref_squeeze %dma_wait3A_121 : memref<1x40x128xi32, #tpu.memory_space<hbm>> -> memref<40x128xi32, #tpu.memory_space<hbm>>
      %dma_wait3A_123 = arith.constant 0 : i32
      %dma_wait3A_124 = arith.constant 0 : i32
      %dma_wait3A_125 = tpu.memref_slice %arg5[%add3A, %dma_wait3A_123, %dma_wait3A_124] : memref<32x80x128xi32, #tpu.memory_space<hbm>> -> memref<1x40x128xi32, #tpu.memory_space<hbm>>
      %dma_wait3A_126 = tpu.memref_squeeze %dma_wait3A_125 : memref<1x40x128xi32, #tpu.memory_space<hbm>> -> memref<40x128xi32, #tpu.memory_space<hbm>>
      tpu.wait_dma2 semaphore(%run_scoped3A : memref<!tpu.dma_semaphore, #tpu.memory_space<semaphore_mem>>) src(%dma_wait3A_126 : memref<40x128xi32, #tpu.memory_space<hbm>>) dst(%arg11 : memref<40x128xi32, #tpu.memory_space<vmem>>)
      tpu.yield
    }) : () -> ()
    %dma_start3A = arith.constant 0 : i32
    %dma_start3A_5 = arith.constant 0 : i32
    %dma_start3A_6 = arith.constant 0 : i32
    %dma_start3A_7 = arith.constant 0 : i32
    %dma_start3A_8 = tpu.memref_slice %arg12[%dma_start3A_5, %dma_start3A_6, %dma_start3A_7] : memref<2x128x128xf32, #tpu.memory_space<vmem>> -> memref<1x128x128xf32, #tpu.memory_space<vmem>>
    %dma_start3A_9 = tpu.memref_squeeze %dma_start3A_8 : memref<1x128x128xf32, #tpu.memory_space<vmem>> -> memref<128x128xf32, #tpu.memory_space<vmem>>
    %dma_start3A_10 = arith.constant 0 : i32
    %dma_start3A_11 = tpu.memref_slice %arg10[%dma_start3A, %dma_start3A_10] : memref<40x128xi32, #tpu.memory_space<vmem>> -> memref<1x128xi32, #tpu.memory_space<vmem>>
    %dma_start3A_12 = tpu.memref_squeeze %dma_start3A_11 : memref<1x128xi32, #tpu.memory_space<vmem>> -> memref<128xi32, #tpu.memory_space<vmem>>
    %dma_start3A_13 = arith.constant 0 : i32
    %dma_start3A_14 = arith.constant 0 : i32
    %dma_start3A_15 = tpu.memref_slice %arg2[%dma_start3A_13, %dma_start3A_14] : memref<10000x128xf32, #tpu.memory_space<hbm>> -> memref<10000x128xf32, #tpu.memory_space<hbm>>
    tpu.enqueue_indirect_dma source(%dma_start3A_15 : memref<10000x128xf32, #tpu.memory_space<hbm>>) target(%dma_start3A_9 : memref<128x128xf32, #tpu.memory_space<vmem>>) offsets(%dma_start3A_12 : memref<128xi32, #tpu.memory_space<vmem>>) semaphore(%arg16 : memref<!tpu.dma_semaphore, #tpu.memory_space<semaphore_mem>>)
    %dma_start3A_16 = arith.constant 0 : i32
    %dma_start3A_17 = arith.constant 0 : i32
    %dma_start3A_18 = arith.constant 0 : i32
    %dma_start3A_19 = tpu.memref_slice %arg13[%dma_start3A_17, %dma_start3A_18] : memref<2x128xf32, #tpu.memory_space<vmem>> -> memref<1x128xf32, #tpu.memory_space<vmem>>
    %dma_start3A_20 = tpu.memref_squeeze %dma_start3A_19 : memref<1x128xf32, #tpu.memory_space<vmem>> -> memref<128xf32, #tpu.memory_space<vmem>>
    %dma_start3A_21 = arith.constant 0 : i32
    %dma_start3A_22 = tpu.memref_slice %arg10[%dma_start3A_16, %dma_start3A_21] : memref<40x128xi32, #tpu.memory_space<vmem>> -> memref<1x128xi32, #tpu.memory_space<vmem>>
    %dma_start3A_23 = tpu.memref_squeeze %dma_start3A_22 : memref<1x128xi32, #tpu.memory_space<vmem>> -> memref<128xi32, #tpu.memory_space<vmem>>
    %dma_start3A_24 = arith.constant 0 : i32
    %dma_start3A_25 = tpu.memref_slice %arg3[%dma_start3A_24] : memref<10000xf32, #tpu.memory_space<hbm>> -> memref<10000xf32, #tpu.memory_space<hbm>>
    tpu.enqueue_indirect_dma source(%dma_start3A_25 : memref<10000xf32, #tpu.memory_space<hbm>>) target(%dma_start3A_20 : memref<128xf32, #tpu.memory_space<vmem>>) offsets(%dma_start3A_23 : memref<128xi32, #tpu.memory_space<vmem>>) semaphore(%arg18 : memref<!tpu.dma_semaphore, #tpu.memory_space<semaphore_mem>>)
    %dma_start3A_26 = arith.constant 1 : i32
    %dma_start3A_27 = arith.constant 1 : i32
    %dma_start3A_28 = arith.constant 0 : i32
    %dma_start3A_29 = arith.constant 0 : i32
    %dma_start3A_30 = tpu.memref_slice %arg12[%dma_start3A_27, %dma_start3A_28, %dma_start3A_29] : memref<2x128x128xf32, #tpu.memory_space<vmem>> -> memref<1x128x128xf32, #tpu.memory_space<vmem>>
    %dma_start3A_31 = tpu.memref_squeeze %dma_start3A_30 : memref<1x128x128xf32, #tpu.memory_space<vmem>> -> memref<128x128xf32, #tpu.memory_space<vmem>>
    %dma_start3A_32 = arith.constant 0 : i32
    %dma_start3A_33 = tpu.memref_slice %arg10[%dma_start3A_26, %dma_start3A_32] : memref<40x128xi32, #tpu.memory_space<vmem>> -> memref<1x128xi32, #tpu.memory_space<vmem>>
    %dma_start3A_34 = tpu.memref_squeeze %dma_start3A_33 : memref<1x128xi32, #tpu.memory_space<vmem>> -> memref<128xi32, #tpu.memory_space<vmem>>
    %dma_start3A_35 = arith.constant 0 : i32
    %dma_start3A_36 = arith.constant 0 : i32
    %dma_start3A_37 = tpu.memref_slice %arg2[%dma_start3A_35, %dma_start3A_36] : memref<10000x128xf32, #tpu.memory_space<hbm>> -> memref<10000x128xf32, #tpu.memory_space<hbm>>
    tpu.enqueue_indirect_dma source(%dma_start3A_37 : memref<10000x128xf32, #tpu.memory_space<hbm>>) target(%dma_start3A_31 : memref<128x128xf32, #tpu.memory_space<vmem>>) offsets(%dma_start3A_34 : memref<128xi32, #tpu.memory_space<vmem>>) semaphore(%arg17 : memref<!tpu.dma_semaphore, #tpu.memory_space<semaphore_mem>>)
    %dma_start3A_38 = arith.constant 1 : i32
    %dma_start3A_39 = arith.constant 1 : i32
    %dma_start3A_40 = arith.constant 0 : i32
    %dma_start3A_41 = tpu.memref_slice %arg13[%dma_start3A_39, %dma_start3A_40] : memref<2x128xf32, #tpu.memory_space<vmem>> -> memref<1x128xf32, #tpu.memory_space<vmem>>
    %dma_start3A_42 = tpu.memref_squeeze %dma_start3A_41 : memref<1x128xf32, #tpu.memory_space<vmem>> -> memref<128xf32, #tpu.memory_space<vmem>>
    %dma_start3A_43 = arith.constant 0 : i32
    %dma_start3A_44 = tpu.memref_slice %arg10[%dma_start3A_38, %dma_start3A_43] : memref<40x128xi32, #tpu.memory_space<vmem>> -> memref<1x128xi32, #tpu.memory_space<vmem>>
    %dma_start3A_45 = tpu.memref_squeeze %dma_start3A_44 : memref<1x128xi32, #tpu.memory_space<vmem>> -> memref<128xi32, #tpu.memory_space<vmem>>
    %dma_start3A_46 = arith.constant 0 : i32
    %dma_start3A_47 = tpu.memref_slice %arg3[%dma_start3A_46] : memref<10000xf32, #tpu.memory_space<hbm>> -> memref<10000xf32, #tpu.memory_space<hbm>>
    tpu.enqueue_indirect_dma source(%dma_start3A_47 : memref<10000xf32, #tpu.memory_space<hbm>>) target(%dma_start3A_42 : memref<128xf32, #tpu.memory_space<vmem>>) offsets(%dma_start3A_45 : memref<128xi32, #tpu.memory_space<vmem>>) semaphore(%arg19 : memref<!tpu.dma_semaphore, #tpu.memory_space<semaphore_mem>>)
    %scan3A = arith.constant 0 : i32
    %scan3A_48 = arith.constant 0 : i32
    %scan3A_49 = arith.constant 20 : i32
    %scan3A_50 = arith.addi %scan3A_48, %scan3A_49 : i32
    %scan3A_51 = arith.constant 1 : i32
    scf.for %scan3A_112 = %scan3A_48 to %scan3A_50 step %scan3A_51  : i32 {
      %mul3A_113 = arith.constant 2 : i32
      %mul3A_114 = arith.muli %scan3A_112, %mul3A_113 : i32
      %add3A_115 = arith.constant 0 : i32
      %add3A_116 = arith.addi %mul3A_114, %add3A_115 : i32
      %dma_wait3A = arith.constant 0 : i32
      %dma_wait3A_117 = arith.constant 0 : i32
      %dma_wait3A_118 = arith.constant 0 : i32
      %dma_wait3A_119 = tpu.memref_slice %arg12[%dma_wait3A, %dma_wait3A_117, %dma_wait3A_118] : memref<2x128x128xf32, #tpu.memory_space<vmem>> -> memref<1x128x128xf32, #tpu.memory_space<vmem>>
      %dma_wait3A_120 = tpu.memref_squeeze %dma_wait3A_119 : memref<1x128x128xf32, #tpu.memory_space<vmem>> -> memref<128x128xf32, #tpu.memory_space<vmem>>
      %dma_wait3A_121 = arith.constant 0 : i32
      %dma_wait3A_122 = tpu.memref_slice %arg10[%add3A_116, %dma_wait3A_121] : memref<40x128xi32, #tpu.memory_space<vmem>> -> memref<1x128xi32, #tpu.memory_space<vmem>>
      %dma_wait3A_123 = tpu.memref_squeeze %dma_wait3A_122 : memref<1x128xi32, #tpu.memory_space<vmem>> -> memref<128xi32, #tpu.memory_space<vmem>>
      %dma_wait3A_124 = arith.constant 0 : i32
      %dma_wait3A_125 = arith.constant 0 : i32
      %dma_wait3A_126 = tpu.memref_slice %arg2[%dma_wait3A_124, %dma_wait3A_125] : memref<10000x128xf32, #tpu.memory_space<hbm>> -> memref<10000x128xf32, #tpu.memory_space<hbm>>
      tpu.wait_indirect_dma semaphore(%arg16 : memref<!tpu.dma_semaphore, #tpu.memory_space<semaphore_mem>>) src(%dma_wait3A_126 : memref<10000x128xf32, #tpu.memory_space<hbm>>) dst(%dma_wait3A_120 : memref<128x128xf32, #tpu.memory_space<vmem>>)
      %run_scoped3A = arith.constant 0 : i32
      "tpu.region"() ({
        %run_scoped3A_172 = tpu.sem_alloc : memref<!tpu.dma_semaphore, #tpu.memory_space<semaphore_mem>>
        %dma_start3A_173 = arith.constant 0 : i32
        %dma_start3A_174 = arith.constant 0 : i32
        %dma_start3A_175 = tpu.memref_slice %arg12[%run_scoped3A, %dma_start3A_173, %dma_start3A_174] : memref<2x128x128xf32, #tpu.memory_space<vmem>> -> memref<1x128x128xf32, #tpu.memory_space<vmem>>
        %dma_start3A_176 = tpu.memref_squeeze %dma_start3A_175 : memref<1x128x128xf32, #tpu.memory_space<vmem>> -> memref<128x128xf32, #tpu.memory_space<vmem>>
        %dma_start3A_177 = arith.constant 0 : i32
        %dma_start3A_178 = tpu.memref_slice %arg11[%add3A_116, %dma_start3A_177] : memref<40x128xi32, #tpu.memory_space<vmem>> -> memref<1x128xi32, #tpu.memory_space<vmem>>
        %dma_start3A_179 = tpu.memref_squeeze %dma_start3A_178 : memref<1x128xi32, #tpu.memory_space<vmem>> -> memref<128xi32, #tpu.memory_space<vmem>>
        %dma_start3A_180 = arith.constant 0 : i32
        %dma_start3A_181 = arith.constant 0 : i32
        %dma_start3A_182 = tpu.memref_slice %arg14[%dma_start3A_180, %dma_start3A_181] : memref<10240x128xf32, #tpu.memory_space<vmem_shared>> -> memref<10240x128xf32, #tpu.memory_space<vmem_shared>>
        tpu.enqueue_indirect_dma source(%dma_start3A_176 : memref<128x128xf32, #tpu.memory_space<vmem>>) target(%dma_start3A_182 : memref<10240x128xf32, #tpu.memory_space<vmem_shared>>) offsets(%dma_start3A_179 : memref<128xi32, #tpu.memory_space<vmem>>) semaphore(%run_scoped3A_172 : memref<!tpu.dma_semaphore, #tpu.memory_space<semaphore_mem>>) {add = true}
        %dma_wait3A_183 = arith.constant 0 : i32
        %dma_wait3A_184 = arith.constant 0 : i32
        %dma_wait3A_185 = tpu.memref_slice %arg12[%run_scoped3A, %dma_wait3A_183, %dma_wait3A_184] : memref<2x128x128xf32, #tpu.memory_space<vmem>> -> memref<1x128x128xf32, #tpu.memory_space<vmem>>
        %dma_wait3A_186 = tpu.memref_squeeze %dma_wait3A_185 : memref<1x128x128xf32, #tpu.memory_space<vmem>> -> memref<128x128xf32, #tpu.memory_space<vmem>>
        %dma_wait3A_187 = arith.constant 0 : i32
        %dma_wait3A_188 = tpu.memref_slice %arg11[%add3A_116, %dma_wait3A_187] : memref<40x128xi32, #tpu.memory_space<vmem>> -> memref<1x128xi32, #tpu.memory_space<vmem>>
        %dma_wait3A_189 = tpu.memref_squeeze %dma_wait3A_188 : memref<1x128xi32, #tpu.memory_space<vmem>> -> memref<128xi32, #tpu.memory_space<vmem>>
        %dma_wait3A_190 = arith.constant 0 : i32
        %dma_wait3A_191 = arith.constant 0 : i32
        %dma_wait3A_192 = tpu.memref_slice %arg14[%dma_wait3A_190, %dma_wait3A_191] : memref<10240x128xf32, #tpu.memory_space<vmem_shared>> -> memref<10240x128xf32, #tpu.memory_space<vmem_shared>>
        tpu.wait_indirect_dma semaphore(%run_scoped3A_172 : memref<!tpu.dma_semaphore, #tpu.memory_space<semaphore_mem>>) src(%dma_wait3A_186 : memref<128x128xf32, #tpu.memory_space<vmem>>) dst(%dma_wait3A_192 : memref<10240x128xf32, #tpu.memory_space<vmem_shared>>)
        tpu.yield
      }) : () -> ()
      %dma_wait3A_127 = arith.constant 0 : i32
      %dma_wait3A_128 = arith.constant 0 : i32
      %dma_wait3A_129 = tpu.memref_slice %arg13[%dma_wait3A_127, %dma_wait3A_128] : memref<2x128xf32, #tpu.memory_space<vmem>> -> memref<1x128xf32, #tpu.memory_space<vmem>>
      %dma_wait3A_130 = tpu.memref_squeeze %dma_wait3A_129 : memref<1x128xf32, #tpu.memory_space<vmem>> -> memref<128xf32, #tpu.memory_space<vmem>>
      %dma_wait3A_131 = arith.constant 0 : i32
      %dma_wait3A_132 = tpu.memref_slice %arg10[%add3A_116, %dma_wait3A_131] : memref<40x128xi32, #tpu.memory_space<vmem>> -> memref<1x128xi32, #tpu.memory_space<vmem>>
      %dma_wait3A_133 = tpu.memref_squeeze %dma_wait3A_132 : memref<1x128xi32, #tpu.memory_space<vmem>> -> memref<128xi32, #tpu.memory_space<vmem>>
      %dma_wait3A_134 = arith.constant 0 : i32
      %dma_wait3A_135 = tpu.memref_slice %arg3[%dma_wait3A_134] : memref<10000xf32, #tpu.memory_space<hbm>> -> memref<10000xf32, #tpu.memory_space<hbm>>
      tpu.wait_indirect_dma semaphore(%arg18 : memref<!tpu.dma_semaphore, #tpu.memory_space<semaphore_mem>>) src(%dma_wait3A_135 : memref<10000xf32, #tpu.memory_space<hbm>>) dst(%dma_wait3A_130 : memref<128xf32, #tpu.memory_space<vmem>>)
      %run_scoped3A_136 = arith.constant 0 : i32
      "tpu.region"() ({
        %run_scoped3A_172 = tpu.sem_alloc : memref<!tpu.dma_semaphore, #tpu.memory_space<semaphore_mem>>
        %dma_start3A_173 = arith.constant 0 : i32
        %dma_start3A_174 = tpu.memref_slice %arg13[%run_scoped3A_136, %dma_start3A_173] : memref<2x128xf32, #tpu.memory_space<vmem>> -> memref<1x128xf32, #tpu.memory_space<vmem>>
        %dma_start3A_175 = tpu.memref_squeeze %dma_start3A_174 : memref<1x128xf32, #tpu.memory_space<vmem>> -> memref<128xf32, #tpu.memory_space<vmem>>
        %dma_start3A_176 = arith.constant 0 : i32
        %dma_start3A_177 = tpu.memref_slice %arg11[%add3A_116, %dma_start3A_176] : memref<40x128xi32, #tpu.memory_space<vmem>> -> memref<1x128xi32, #tpu.memory_space<vmem>>
        %dma_start3A_178 = tpu.memref_squeeze %dma_start3A_177 : memref<1x128xi32, #tpu.memory_space<vmem>> -> memref<128xi32, #tpu.memory_space<vmem>>
        %dma_start3A_179 = arith.constant 0 : i32
        %dma_start3A_180 = tpu.memref_slice %arg15[%dma_start3A_179] : memref<10240xf32, #tpu.memory_space<vmem_shared>> -> memref<10240xf32, #tpu.memory_space<vmem_shared>>
        tpu.enqueue_indirect_dma source(%dma_start3A_175 : memref<128xf32, #tpu.memory_space<vmem>>) target(%dma_start3A_180 : memref<10240xf32, #tpu.memory_space<vmem_shared>>) offsets(%dma_start3A_178 : memref<128xi32, #tpu.memory_space<vmem>>) semaphore(%run_scoped3A_172 : memref<!tpu.dma_semaphore, #tpu.memory_space<semaphore_mem>>) {add = true}
        %dma_wait3A_181 = arith.constant 0 : i32
        %dma_wait3A_182 = tpu.memref_slice %arg13[%run_scoped3A_136, %dma_wait3A_181] : memref<2x128xf32, #tpu.memory_space<vmem>> -> memref<1x128xf32, #tpu.memory_space<vmem>>
        %dma_wait3A_183 = tpu.memref_squeeze %dma_wait3A_182 : memref<1x128xf32, #tpu.memory_space<vmem>> -> memref<128xf32, #tpu.memory_space<vmem>>
        %dma_wait3A_184 = arith.constant 0 : i32
        %dma_wait3A_185 = tpu.memref_slice %arg11[%add3A_116, %dma_wait3A_184] : memref<40x128xi32, #tpu.memory_space<vmem>> -> memref<1x128xi32, #tpu.memory_space<vmem>>
        %dma_wait3A_186 = tpu.memref_squeeze %dma_wait3A_185 : memref<1x128xi32, #tpu.memory_space<vmem>> -> memref<128xi32, #tpu.memory_space<vmem>>
        %dma_wait3A_187 = arith.constant 0 : i32
        %dma_wait3A_188 = tpu.memref_slice %arg15[%dma_wait3A_187] : memref<10240xf32, #tpu.memory_space<vmem_shared>> -> memref<10240xf32, #tpu.memory_space<vmem_shared>>
        tpu.wait_indirect_dma semaphore(%run_scoped3A_172 : memref<!tpu.dma_semaphore, #tpu.memory_space<semaphore_mem>>) src(%dma_wait3A_183 : memref<128xf32, #tpu.memory_space<vmem>>) dst(%dma_wait3A_188 : memref<10240xf32, #tpu.memory_space<vmem_shared>>)
        tpu.yield
      }) : () -> ()
      %add3A_137 = arith.constant 2 : i32
      %add3A_138 = arith.addi %add3A_116, %add3A_137 : i32
      %lt3A = arith.constant 40 : i32
      %lt3A_139 = arith.cmpi slt, %add3A_138, %lt3A : i32
      %convert_element_type3A = arith.extui %lt3A_139 : i1 to i32
      %cond3A = arith.constant 0 : i32
      %cond3A_140 = arith.cmpi ne, %convert_element_type3A, %cond3A : i32
      scf.if %cond3A_140 {
        %dma_start3A_172 = arith.constant 0 : i32
        %dma_start3A_173 = arith.constant 0 : i32
        %dma_start3A_174 = arith.constant 0 : i32
        %dma_start3A_175 = tpu.memref_slice %arg12[%dma_start3A_172, %dma_start3A_173, %dma_start3A_174] : memref<2x128x128xf32, #tpu.memory_space<vmem>> -> memref<1x128x128xf32, #tpu.memory_space<vmem>>
        %dma_start3A_176 = tpu.memref_squeeze %dma_start3A_175 : memref<1x128x128xf32, #tpu.memory_space<vmem>> -> memref<128x128xf32, #tpu.memory_space<vmem>>
        %dma_start3A_177 = arith.constant 0 : i32
        %dma_start3A_178 = tpu.memref_slice %arg10[%add3A_138, %dma_start3A_177] : memref<40x128xi32, #tpu.memory_space<vmem>> -> memref<1x128xi32, #tpu.memory_space<vmem>>
        %dma_start3A_179 = tpu.memref_squeeze %dma_start3A_178 : memref<1x128xi32, #tpu.memory_space<vmem>> -> memref<128xi32, #tpu.memory_space<vmem>>
        %dma_start3A_180 = arith.constant 0 : i32
        %dma_start3A_181 = arith.constant 0 : i32
        %dma_start3A_182 = tpu.memref_slice %arg2[%dma_start3A_180, %dma_start3A_181] : memref<10000x128xf32, #tpu.memory_space<hbm>> -> memref<10000x128xf32, #tpu.memory_space<hbm>>
        tpu.enqueue_indirect_dma source(%dma_start3A_182 : memref<10000x128xf32, #tpu.memory_space<hbm>>) target(%dma_start3A_176 : memref<128x128xf32, #tpu.memory_space<vmem>>) offsets(%dma_start3A_179 : memref<128xi32, #tpu.memory_space<vmem>>) semaphore(%arg16 : memref<!tpu.dma_semaphore, #tpu.memory_space<semaphore_mem>>)
        %dma_start3A_183 = arith.constant 0 : i32
        %dma_start3A_184 = arith.constant 0 : i32
        %dma_start3A_185 = tpu.memref_slice %arg13[%dma_start3A_183, %dma_start3A_184] : memref<2x128xf32, #tpu.memory_space<vmem>> -> memref<1x128xf32, #tpu.memory_space<vmem>>
        %dma_start3A_186 = tpu.memref_squeeze %dma_start3A_185 : memref<1x128xf32, #tpu.memory_space<vmem>> -> memref<128xf32, #tpu.memory_space<vmem>>
        %dma_start3A_187 = arith.constant 0 : i32
        %dma_start3A_188 = tpu.memref_slice %arg10[%add3A_138, %dma_start3A_187] : memref<40x128xi32, #tpu.memory_space<vmem>> -> memref<1x128xi32, #tpu.memory_space<vmem>>
        %dma_start3A_189 = tpu.memref_squeeze %dma_start3A_188 : memref<1x128xi32, #tpu.memory_space<vmem>> -> memref<128xi32, #tpu.memory_space<vmem>>
        %dma_start3A_190 = arith.constant 0 : i32
        %dma_start3A_191 = tpu.memref_slice %arg3[%dma_start3A_190] : memref<10000xf32, #tpu.memory_space<hbm>> -> memref<10000xf32, #tpu.memory_space<hbm>>
        tpu.enqueue_indirect_dma source(%dma_start3A_191 : memref<10000xf32, #tpu.memory_space<hbm>>) target(%dma_start3A_186 : memref<128xf32, #tpu.memory_space<vmem>>) offsets(%dma_start3A_189 : memref<128xi32, #tpu.memory_space<vmem>>) semaphore(%arg18 : memref<!tpu.dma_semaphore, #tpu.memory_space<semaphore_mem>>)
      } else {
      }
      %add3A_141 = arith.constant 1 : i32
      %add3A_142 = arith.addi %mul3A_114, %add3A_141 : i32
      %dma_wait3A_143 = arith.constant 1 : i32
      %dma_wait3A_144 = arith.constant 0 : i32
      %dma_wait3A_145 = arith.constant 0 : i32
      %dma_wait3A_146 = tpu.memref_slice %arg12[%dma_wait3A_143, %dma_wait3A_144, %dma_wait3A_145] : memref<2x128x128xf32, #tpu.memory_space<vmem>> -> memref<1x128x128xf32, #tpu.memory_space<vmem>>
      %dma_wait3A_147 = tpu.memref_squeeze %dma_wait3A_146 : memref<1x128x128xf32, #tpu.memory_space<vmem>> -> memref<128x128xf32, #tpu.memory_space<vmem>>
      %dma_wait3A_148 = arith.constant 0 : i32
      %dma_wait3A_149 = tpu.memref_slice %arg10[%add3A_142, %dma_wait3A_148] : memref<40x128xi32, #tpu.memory_space<vmem>> -> memref<1x128xi32, #tpu.memory_space<vmem>>
      %dma_wait3A_150 = tpu.memref_squeeze %dma_wait3A_149 : memref<1x128xi32, #tpu.memory_space<vmem>> -> memref<128xi32, #tpu.memory_space<vmem>>
      %dma_wait3A_151 = arith.constant 0 : i32
      %dma_wait3A_152 = arith.constant 0 : i32
      %dma_wait3A_153 = tpu.memref_slice %arg2[%dma_wait3A_151, %dma_wait3A_152] : memref<10000x128xf32, #tpu.memory_space<hbm>> -> memref<10000x128xf32, #tpu.memory_space<hbm>>
      tpu.wait_indirect_dma semaphore(%arg17 : memref<!tpu.dma_semaphore, #tpu.memory_space<semaphore_mem>>) src(%dma_wait3A_153 : memref<10000x128xf32, #tpu.memory_space<hbm>>) dst(%dma_wait3A_147 : memref<128x128xf32, #tpu.memory_space<vmem>>)
      %run_scoped3A_154 = arith.constant 1 : i32
      "tpu.region"() ({
        %run_scoped3A_172 = tpu.sem_alloc : memref<!tpu.dma_semaphore, #tpu.memory_space<semaphore_mem>>
        %dma_start3A_173 = arith.constant 0 : i32
        %dma_start3A_174 = arith.constant 0 : i32
        %dma_start3A_175 = tpu.memref_slice %arg12[%run_scoped3A_154, %dma_start3A_173, %dma_start3A_174] : memref<2x128x128xf32, #tpu.memory_space<vmem>> -> memref<1x128x128xf32, #tpu.memory_space<vmem>>
        %dma_start3A_176 = tpu.memref_squeeze %dma_start3A_175 : memref<1x128x128xf32, #tpu.memory_space<vmem>> -> memref<128x128xf32, #tpu.memory_space<vmem>>
        %dma_start3A_177 = arith.constant 0 : i32
        %dma_start3A_178 = tpu.memref_slice %arg11[%add3A_142, %dma_start3A_177] : memref<40x128xi32, #tpu.memory_space<vmem>> -> memref<1x128xi32, #tpu.memory_space<vmem>>
        %dma_start3A_179 = tpu.memref_squeeze %dma_start3A_178 : memref<1x128xi32, #tpu.memory_space<vmem>> -> memref<128xi32, #tpu.memory_space<vmem>>
        %dma_start3A_180 = arith.constant 0 : i32
        %dma_start3A_181 = arith.constant 0 : i32
        %dma_start3A_182 = tpu.memref_slice %arg14[%dma_start3A_180, %dma_start3A_181] : memref<10240x128xf32, #tpu.memory_space<vmem_shared>> -> memref<10240x128xf32, #tpu.memory_space<vmem_shared>>
        tpu.enqueue_indirect_dma source(%dma_start3A_176 : memref<128x128xf32, #tpu.memory_space<vmem>>) target(%dma_start3A_182 : memref<10240x128xf32, #tpu.memory_space<vmem_shared>>) offsets(%dma_start3A_179 : memref<128xi32, #tpu.memory_space<vmem>>) semaphore(%run_scoped3A_172 : memref<!tpu.dma_semaphore, #tpu.memory_space<semaphore_mem>>) {add = true}
        %dma_wait3A_183 = arith.constant 0 : i32
        %dma_wait3A_184 = arith.constant 0 : i32
        %dma_wait3A_185 = tpu.memref_slice %arg12[%run_scoped3A_154, %dma_wait3A_183, %dma_wait3A_184] : memref<2x128x128xf32, #tpu.memory_space<vmem>> -> memref<1x128x128xf32, #tpu.memory_space<vmem>>
        %dma_wait3A_186 = tpu.memref_squeeze %dma_wait3A_185 : memref<1x128x128xf32, #tpu.memory_space<vmem>> -> memref<128x128xf32, #tpu.memory_space<vmem>>
        %dma_wait3A_187 = arith.constant 0 : i32
        %dma_wait3A_188 = tpu.memref_slice %arg11[%add3A_142, %dma_wait3A_187] : memref<40x128xi32, #tpu.memory_space<vmem>> -> memref<1x128xi32, #tpu.memory_space<vmem>>
        %dma_wait3A_189 = tpu.memref_squeeze %dma_wait3A_188 : memref<1x128xi32, #tpu.memory_space<vmem>> -> memref<128xi32, #tpu.memory_space<vmem>>
        %dma_wait3A_190 = arith.constant 0 : i32
        %dma_wait3A_191 = arith.constant 0 : i32
        %dma_wait3A_192 = tpu.memref_slice %arg14[%dma_wait3A_190, %dma_wait3A_191] : memref<10240x128xf32, #tpu.memory_space<vmem_shared>> -> memref<10240x128xf32, #tpu.memory_space<vmem_shared>>
        tpu.wait_indirect_dma semaphore(%run_scoped3A_172 : memref<!tpu.dma_semaphore, #tpu.memory_space<semaphore_mem>>) src(%dma_wait3A_186 : memref<128x128xf32, #tpu.memory_space<vmem>>) dst(%dma_wait3A_192 : memref<10240x128xf32, #tpu.memory_space<vmem_shared>>)
        tpu.yield
      }) : () -> ()
      %dma_wait3A_155 = arith.constant 1 : i32
      %dma_wait3A_156 = arith.constant 0 : i32
      %dma_wait3A_157 = tpu.memref_slice %arg13[%dma_wait3A_155, %dma_wait3A_156] : memref<2x128xf32, #tpu.memory_space<vmem>> -> memref<1x128xf32, #tpu.memory_space<vmem>>
      %dma_wait3A_158 = tpu.memref_squeeze %dma_wait3A_157 : memref<1x128xf32, #tpu.memory_space<vmem>> -> memref<128xf32, #tpu.memory_space<vmem>>
      %dma_wait3A_159 = arith.constant 0 : i32
      %dma_wait3A_160 = tpu.memref_slice %arg10[%add3A_142, %dma_wait3A_159] : memref<40x128xi32, #tpu.memory_space<vmem>> -> memref<1x128xi32, #tpu.memory_space<vmem>>
      %dma_wait3A_161 = tpu.memref_squeeze %dma_wait3A_160 : memref<1x128xi32, #tpu.memory_space<vmem>> -> memref<128xi32, #tpu.memory_space<vmem>>
      %dma_wait3A_162 = arith.constant 0 : i32
      %dma_wait3A_163 = tpu.memref_slice %arg3[%dma_wait3A_162] : memref<10000xf32, #tpu.memory_space<hbm>> -> memref<10000xf32, #tpu.memory_space<hbm>>
      tpu.wait_indirect_dma semaphore(%arg19 : memref<!tpu.dma_semaphore, #tpu.memory_space<semaphore_mem>>) src(%dma_wait3A_163 : memref<10000xf32, #tpu.memory_space<hbm>>) dst(%dma_wait3A_158 : memref<128xf32, #tpu.memory_space<vmem>>)
      %run_scoped3A_164 = arith.constant 1 : i32
      "tpu.region"() ({
        %run_scoped3A_172 = tpu.sem_alloc : memref<!tpu.dma_semaphore, #tpu.memory_space<semaphore_mem>>
        %dma_start3A_173 = arith.constant 0 : i32
        %dma_start3A_174 = tpu.memref_slice %arg13[%run_scoped3A_164, %dma_start3A_173] : memref<2x128xf32, #tpu.memory_space<vmem>> -> memref<1x128xf32, #tpu.memory_space<vmem>>
        %dma_start3A_175 = tpu.memref_squeeze %dma_start3A_174 : memref<1x128xf32, #tpu.memory_space<vmem>> -> memref<128xf32, #tpu.memory_space<vmem>>
        %dma_start3A_176 = arith.constant 0 : i32
        %dma_start3A_177 = tpu.memref_slice %arg11[%add3A_142, %dma_start3A_176] : memref<40x128xi32, #tpu.memory_space<vmem>> -> memref<1x128xi32, #tpu.memory_space<vmem>>
        %dma_start3A_178 = tpu.memref_squeeze %dma_start3A_177 : memref<1x128xi32, #tpu.memory_space<vmem>> -> memref<128xi32, #tpu.memory_space<vmem>>
        %dma_start3A_179 = arith.constant 0 : i32
        %dma_start3A_180 = tpu.memref_slice %arg15[%dma_start3A_179] : memref<10240xf32, #tpu.memory_space<vmem_shared>> -> memref<10240xf32, #tpu.memory_space<vmem_shared>>
        tpu.enqueue_indirect_dma source(%dma_start3A_175 : memref<128xf32, #tpu.memory_space<vmem>>) target(%dma_start3A_180 : memref<10240xf32, #tpu.memory_space<vmem_shared>>) offsets(%dma_start3A_178 : memref<128xi32, #tpu.memory_space<vmem>>) semaphore(%run_scoped3A_172 : memref<!tpu.dma_semaphore, #tpu.memory_space<semaphore_mem>>) {add = true}
        %dma_wait3A_181 = arith.constant 0 : i32
        %dma_wait3A_182 = tpu.memref_slice %arg13[%run_scoped3A_164, %dma_wait3A_181] : memref<2x128xf32, #tpu.memory_space<vmem>> -> memref<1x128xf32, #tpu.memory_space<vmem>>
        %dma_wait3A_183 = tpu.memref_squeeze %dma_wait3A_182 : memref<1x128xf32, #tpu.memory_space<vmem>> -> memref<128xf32, #tpu.memory_space<vmem>>
        %dma_wait3A_184 = arith.constant 0 : i32
        %dma_wait3A_185 = tpu.memref_slice %arg11[%add3A_142, %dma_wait3A_184] : memref<40x128xi32, #tpu.memory_space<vmem>> -> memref<1x128xi32, #tpu.memory_space<vmem>>
        %dma_wait3A_186 = tpu.memref_squeeze %dma_wait3A_185 : memref<1x128xi32, #tpu.memory_space<vmem>> -> memref<128xi32, #tpu.memory_space<vmem>>
        %dma_wait3A_187 = arith.constant 0 : i32
        %dma_wait3A_188 = tpu.memref_slice %arg15[%dma_wait3A_187] : memref<10240xf32, #tpu.memory_space<vmem_shared>> -> memref<10240xf32, #tpu.memory_space<vmem_shared>>
        tpu.wait_indirect_dma semaphore(%run_scoped3A_172 : memref<!tpu.dma_semaphore, #tpu.memory_space<semaphore_mem>>) src(%dma_wait3A_183 : memref<128xf32, #tpu.memory_space<vmem>>) dst(%dma_wait3A_188 : memref<10240xf32, #tpu.memory_space<vmem_shared>>)
        tpu.yield
      }) : () -> ()
      %add3A_165 = arith.constant 2 : i32
      %add3A_166 = arith.addi %add3A_142, %add3A_165 : i32
      %lt3A_167 = arith.constant 40 : i32
      %lt3A_168 = arith.cmpi slt, %add3A_166, %lt3A_167 : i32
      %convert_element_type3A_169 = arith.extui %lt3A_168 : i1 to i32
      %cond3A_170 = arith.constant 0 : i32
      %cond3A_171 = arith.cmpi ne, %convert_element_type3A_169, %cond3A_170 : i32
      scf.if %cond3A_171 {
        %dma_start3A_172 = arith.constant 1 : i32
        %dma_start3A_173 = arith.constant 0 : i32
        %dma_start3A_174 = arith.constant 0 : i32
        %dma_start3A_175 = tpu.memref_slice %arg12[%dma_start3A_172, %dma_start3A_173, %dma_start3A_174] : memref<2x128x128xf32, #tpu.memory_space<vmem>> -> memref<1x128x128xf32, #tpu.memory_space<vmem>>
        %dma_start3A_176 = tpu.memref_squeeze %dma_start3A_175 : memref<1x128x128xf32, #tpu.memory_space<vmem>> -> memref<128x128xf32, #tpu.memory_space<vmem>>
        %dma_start3A_177 = arith.constant 0 : i32
        %dma_start3A_178 = tpu.memref_slice %arg10[%add3A_166, %dma_start3A_177] : memref<40x128xi32, #tpu.memory_space<vmem>> -> memref<1x128xi32, #tpu.memory_space<vmem>>
        %dma_start3A_179 = tpu.memref_squeeze %dma_start3A_178 : memref<1x128xi32, #tpu.memory_space<vmem>> -> memref<128xi32, #tpu.memory_space<vmem>>
        %dma_start3A_180 = arith.constant 0 : i32
        %dma_start3A_181 = arith.constant 0 : i32
        %dma_start3A_182 = tpu.memref_slice %arg2[%dma_start3A_180, %dma_start3A_181] : memref<10000x128xf32, #tpu.memory_space<hbm>> -> memref<10000x128xf32, #tpu.memory_space<hbm>>
        tpu.enqueue_indirect_dma source(%dma_start3A_182 : memref<10000x128xf32, #tpu.memory_space<hbm>>) target(%dma_start3A_176 : memref<128x128xf32, #tpu.memory_space<vmem>>) offsets(%dma_start3A_179 : memref<128xi32, #tpu.memory_space<vmem>>) semaphore(%arg17 : memref<!tpu.dma_semaphore, #tpu.memory_space<semaphore_mem>>)
        %dma_start3A_183 = arith.constant 1 : i32
        %dma_start3A_184 = arith.constant 0 : i32
        %dma_start3A_185 = tpu.memref_slice %arg13[%dma_start3A_183, %dma_start3A_184] : memref<2x128xf32, #tpu.memory_space<vmem>> -> memref<1x128xf32, #tpu.memory_space<vmem>>
        %dma_start3A_186 = tpu.memref_squeeze %dma_start3A_185 : memref<1x128xf32, #tpu.memory_space<vmem>> -> memref<128xf32, #tpu.memory_space<vmem>>
        %dma_start3A_187 = arith.constant 0 : i32
        %dma_start3A_188 = tpu.memref_slice %arg10[%add3A_166, %dma_start3A_187] : memref<40x128xi32, #tpu.memory_space<vmem>> -> memref<1x128xi32, #tpu.memory_space<vmem>>
        %dma_start3A_189 = tpu.memref_squeeze %dma_start3A_188 : memref<1x128xi32, #tpu.memory_space<vmem>> -> memref<128xi32, #tpu.memory_space<vmem>>
        %dma_start3A_190 = arith.constant 0 : i32
        %dma_start3A_191 = tpu.memref_slice %arg3[%dma_start3A_190] : memref<10000xf32, #tpu.memory_space<hbm>> -> memref<10000xf32, #tpu.memory_space<hbm>>
        tpu.enqueue_indirect_dma source(%dma_start3A_191 : memref<10000xf32, #tpu.memory_space<hbm>>) target(%dma_start3A_186 : memref<128xf32, #tpu.memory_space<vmem>>) offsets(%dma_start3A_189 : memref<128xi32, #tpu.memory_space<vmem>>) semaphore(%arg19 : memref<!tpu.dma_semaphore, #tpu.memory_space<semaphore_mem>>)
      } else {
      }
    }
    %scan3A_52 = arith.constant 20 : i32
    "tpu.region"() ({
      %run_scoped3A = tpu.sem_alloc : memref<!tpu.dma_semaphore, #tpu.memory_space<semaphore_mem>>
      %dma_start3A_112 = arith.constant 40 : i32
      %dma_start3A_113 = arith.constant 0 : i32
      %dma_start3A_114 = tpu.memref_slice %arg4[%add3A, %dma_start3A_112, %dma_start3A_113] : memref<32x80x128xi32, #tpu.memory_space<hbm>> -> memref<1x40x128xi32, #tpu.memory_space<hbm>>
      %dma_start3A_115 = tpu.memref_squeeze %dma_start3A_114 : memref<1x40x128xi32, #tpu.memory_space<hbm>> -> memref<40x128xi32, #tpu.memory_space<hbm>>
      %dma_start3A_116 = arith.constant 40 : i32
      %dma_start3A_117 = arith.constant 0 : i32
      %dma_start3A_118 = tpu.memref_slice %arg4[%add3A, %dma_start3A_116, %dma_start3A_117] : memref<32x80x128xi32, #tpu.memory_space<hbm>> -> memref<1x40x128xi32, #tpu.memory_space<hbm>>
      %dma_start3A_119 = tpu.memref_squeeze %dma_start3A_118 : memref<1x40x128xi32, #tpu.memory_space<hbm>> -> memref<40x128xi32, #tpu.memory_space<hbm>>
      tpu.enqueue_dma source(%dma_start3A_119 : memref<40x128xi32, #tpu.memory_space<hbm>>) target(%arg10 : memref<40x128xi32, #tpu.memory_space<vmem>>) target_semaphore(%run_scoped3A : memref<!tpu.dma_semaphore, #tpu.memory_space<semaphore_mem>>)
      %dma_wait3A = arith.constant 40 : i32
      %dma_wait3A_120 = arith.constant 0 : i32
      %dma_wait3A_121 = tpu.memref_slice %arg4[%add3A, %dma_wait3A, %dma_wait3A_120] : memref<32x80x128xi32, #tpu.memory_space<hbm>> -> memref<1x40x128xi32, #tpu.memory_space<hbm>>
      %dma_wait3A_122 = tpu.memref_squeeze %dma_wait3A_121 : memref<1x40x128xi32, #tpu.memory_space<hbm>> -> memref<40x128xi32, #tpu.memory_space<hbm>>
      %dma_wait3A_123 = arith.constant 40 : i32
      %dma_wait3A_124 = arith.constant 0 : i32
      %dma_wait3A_125 = tpu.memref_slice %arg4[%add3A, %dma_wait3A_123, %dma_wait3A_124] : memref<32x80x128xi32, #tpu.memory_space<hbm>> -> memref<1x40x128xi32, #tpu.memory_space<hbm>>
      %dma_wait3A_126 = tpu.memref_squeeze %dma_wait3A_125 : memref<1x40x128xi32, #tpu.memory_space<hbm>> -> memref<40x128xi32, #tpu.memory_space<hbm>>
      tpu.wait_dma2 semaphore(%run_scoped3A : memref<!tpu.dma_semaphore, #tpu.memory_space<semaphore_mem>>) src(%dma_wait3A_126 : memref<40x128xi32, #tpu.memory_space<hbm>>) dst(%arg10 : memref<40x128xi32, #tpu.memory_space<vmem>>)
      tpu.yield
    }) : () -> ()
    "tpu.region"() ({
      %run_scoped3A = tpu.sem_alloc : memref<!tpu.dma_semaphore, #tpu.memory_space<semaphore_mem>>
      %dma_start3A_112 = arith.constant 40 : i32
      %dma_start3A_113 = arith.constant 0 : i32
      %dma_start3A_114 = tpu.memref_slice %arg5[%add3A, %dma_start3A_112, %dma_start3A_113] : memref<32x80x128xi32, #tpu.memory_space<hbm>> -> memref<1x40x128xi32, #tpu.memory_space<hbm>>
      %dma_start3A_115 = tpu.memref_squeeze %dma_start3A_114 : memref<1x40x128xi32, #tpu.memory_space<hbm>> -> memref<40x128xi32, #tpu.memory_space<hbm>>
      %dma_start3A_116 = arith.constant 40 : i32
      %dma_start3A_117 = arith.constant 0 : i32
      %dma_start3A_118 = tpu.memref_slice %arg5[%add3A, %dma_start3A_116, %dma_start3A_117] : memref<32x80x128xi32, #tpu.memory_space<hbm>> -> memref<1x40x128xi32, #tpu.memory_space<hbm>>
      %dma_start3A_119 = tpu.memref_squeeze %dma_start3A_118 : memref<1x40x128xi32, #tpu.memory_space<hbm>> -> memref<40x128xi32, #tpu.memory_space<hbm>>
      tpu.enqueue_dma source(%dma_start3A_119 : memref<40x128xi32, #tpu.memory_space<hbm>>) target(%arg11 : memref<40x128xi32, #tpu.memory_space<vmem>>) target_semaphore(%run_scoped3A : memref<!tpu.dma_semaphore, #tpu.memory_space<semaphore_mem>>)
      %dma_wait3A = arith.constant 40 : i32
      %dma_wait3A_120 = arith.constant 0 : i32
      %dma_wait3A_121 = tpu.memref_slice %arg5[%add3A, %dma_wait3A, %dma_wait3A_120] : memref<32x80x128xi32, #tpu.memory_space<hbm>> -> memref<1x40x128xi32, #tpu.memory_space<hbm>>
      %dma_wait3A_122 = tpu.memref_squeeze %dma_wait3A_121 : memref<1x40x128xi32, #tpu.memory_space<hbm>> -> memref<40x128xi32, #tpu.memory_space<hbm>>
      %dma_wait3A_123 = arith.constant 40 : i32
      %dma_wait3A_124 = arith.constant 0 : i32
      %dma_wait3A_125 = tpu.memref_slice %arg5[%add3A, %dma_wait3A_123, %dma_wait3A_124] : memref<32x80x128xi32, #tpu.memory_space<hbm>> -> memref<1x40x128xi32, #tpu.memory_space<hbm>>
      %dma_wait3A_126 = tpu.memref_squeeze %dma_wait3A_125 : memref<1x40x128xi32, #tpu.memory_space<hbm>> -> memref<40x128xi32, #tpu.memory_space<hbm>>
      tpu.wait_dma2 semaphore(%run_scoped3A : memref<!tpu.dma_semaphore, #tpu.memory_space<semaphore_mem>>) src(%dma_wait3A_126 : memref<40x128xi32, #tpu.memory_space<hbm>>) dst(%arg11 : memref<40x128xi32, #tpu.memory_space<vmem>>)
      tpu.yield
    }) : () -> ()
    %dma_start3A_53 = arith.constant 0 : i32
    %dma_start3A_54 = arith.constant 0 : i32
    %dma_start3A_55 = arith.constant 0 : i32
    %dma_start3A_56 = arith.constant 0 : i32
    %dma_start3A_57 = tpu.memref_slice %arg12[%dma_start3A_54, %dma_start3A_55, %dma_start3A_56] : memref<2x128x128xf32, #tpu.memory_space<vmem>> -> memref<1x128x128xf32, #tpu.memory_space<vmem>>
    %dma_start3A_58 = tpu.memref_squeeze %dma_start3A_57 : memref<1x128x128xf32, #tpu.memory_space<vmem>> -> memref<128x128xf32, #tpu.memory_space<vmem>>
    %dma_start3A_59 = arith.constant 0 : i32
    %dma_start3A_60 = tpu.memref_slice %arg10[%dma_start3A_53, %dma_start3A_59] : memref<40x128xi32, #tpu.memory_space<vmem>> -> memref<1x128xi32, #tpu.memory_space<vmem>>
    %dma_start3A_61 = tpu.memref_squeeze %dma_start3A_60 : memref<1x128xi32, #tpu.memory_space<vmem>> -> memref<128xi32, #tpu.memory_space<vmem>>
    %dma_start3A_62 = arith.constant 0 : i32
    %dma_start3A_63 = arith.constant 0 : i32
    %dma_start3A_64 = tpu.memref_slice %arg2[%dma_start3A_62, %dma_start3A_63] : memref<10000x128xf32, #tpu.memory_space<hbm>> -> memref<10000x128xf32, #tpu.memory_space<hbm>>
    tpu.enqueue_indirect_dma source(%dma_start3A_64 : memref<10000x128xf32, #tpu.memory_space<hbm>>) target(%dma_start3A_58 : memref<128x128xf32, #tpu.memory_space<vmem>>) offsets(%dma_start3A_61 : memref<128xi32, #tpu.memory_space<vmem>>) semaphore(%arg16 : memref<!tpu.dma_semaphore, #tpu.memory_space<semaphore_mem>>)
    %dma_start3A_65 = arith.constant 0 : i32
    %dma_start3A_66 = arith.constant 0 : i32
    %dma_start3A_67 = arith.constant 0 : i32
    %dma_start3A_68 = tpu.memref_slice %arg13[%dma_start3A_66, %dma_start3A_67] : memref<2x128xf32, #tpu.memory_space<vmem>> -> memref<1x128xf32, #tpu.memory_space<vmem>>
    %dma_start3A_69 = tpu.memref_squeeze %dma_start3A_68 : memref<1x128xf32, #tpu.memory_space<vmem>> -> memref<128xf32, #tpu.memory_space<vmem>>
    %dma_start3A_70 = arith.constant 0 : i32
    %dma_start3A_71 = tpu.memref_slice %arg10[%dma_start3A_65, %dma_start3A_70] : memref<40x128xi32, #tpu.memory_space<vmem>> -> memref<1x128xi32, #tpu.memory_space<vmem>>
    %dma_start3A_72 = tpu.memref_squeeze %dma_start3A_71 : memref<1x128xi32, #tpu.memory_space<vmem>> -> memref<128xi32, #tpu.memory_space<vmem>>
    %dma_start3A_73 = arith.constant 0 : i32
    %dma_start3A_74 = tpu.memref_slice %arg3[%dma_start3A_73] : memref<10000xf32, #tpu.memory_space<hbm>> -> memref<10000xf32, #tpu.memory_space<hbm>>
    tpu.enqueue_indirect_dma source(%dma_start3A_74 : memref<10000xf32, #tpu.memory_space<hbm>>) target(%dma_start3A_69 : memref<128xf32, #tpu.memory_space<vmem>>) offsets(%dma_start3A_72 : memref<128xi32, #tpu.memory_space<vmem>>) semaphore(%arg18 : memref<!tpu.dma_semaphore, #tpu.memory_space<semaphore_mem>>)
    %dma_start3A_75 = arith.constant 1 : i32
    %dma_start3A_76 = arith.constant 1 : i32
    %dma_start3A_77 = arith.constant 0 : i32
    %dma_start3A_78 = arith.constant 0 : i32
    %dma_start3A_79 = tpu.memref_slice %arg12[%dma_start3A_76, %dma_start3A_77, %dma_start3A_78] : memref<2x128x128xf32, #tpu.memory_space<vmem>> -> memref<1x128x128xf32, #tpu.memory_space<vmem>>
    %dma_start3A_80 = tpu.memref_squeeze %dma_start3A_79 : memref<1x128x128xf32, #tpu.memory_space<vmem>> -> memref<128x128xf32, #tpu.memory_space<vmem>>
    %dma_start3A_81 = arith.constant 0 : i32
    %dma_start3A_82 = tpu.memref_slice %arg10[%dma_start3A_75, %dma_start3A_81] : memref<40x128xi32, #tpu.memory_space<vmem>> -> memref<1x128xi32, #tpu.memory_space<vmem>>
    %dma_start3A_83 = tpu.memref_squeeze %dma_start3A_82 : memref<1x128xi32, #tpu.memory_space<vmem>> -> memref<128xi32, #tpu.memory_space<vmem>>
    %dma_start3A_84 = arith.constant 0 : i32
    %dma_start3A_85 = arith.constant 0 : i32
    %dma_start3A_86 = tpu.memref_slice %arg2[%dma_start3A_84, %dma_start3A_85] : memref<10000x128xf32, #tpu.memory_space<hbm>> -> memref<10000x128xf32, #tpu.memory_space<hbm>>
    tpu.enqueue_indirect_dma source(%dma_start3A_86 : memref<10000x128xf32, #tpu.memory_space<hbm>>) target(%dma_start3A_80 : memref<128x128xf32, #tpu.memory_space<vmem>>) offsets(%dma_start3A_83 : memref<128xi32, #tpu.memory_space<vmem>>) semaphore(%arg17 : memref<!tpu.dma_semaphore, #tpu.memory_space<semaphore_mem>>)
    %dma_start3A_87 = arith.constant 1 : i32
    %dma_start3A_88 = arith.constant 1 : i32
    %dma_start3A_89 = arith.constant 0 : i32
    %dma_start3A_90 = tpu.memref_slice %arg13[%dma_start3A_88, %dma_start3A_89] : memref<2x128xf32, #tpu.memory_space<vmem>> -> memref<1x128xf32, #tpu.memory_space<vmem>>
    %dma_start3A_91 = tpu.memref_squeeze %dma_start3A_90 : memref<1x128xf32, #tpu.memory_space<vmem>> -> memref<128xf32, #tpu.memory_space<vmem>>
    %dma_start3A_92 = arith.constant 0 : i32
    %dma_start3A_93 = tpu.memref_slice %arg10[%dma_start3A_87, %dma_start3A_92] : memref<40x128xi32, #tpu.memory_space<vmem>> -> memref<1x128xi32, #tpu.memory_space<vmem>>
    %dma_start3A_94 = tpu.memref_squeeze %dma_start3A_93 : memref<1x128xi32, #tpu.memory_space<vmem>> -> memref<128xi32, #tpu.memory_space<vmem>>
    %dma_start3A_95 = arith.constant 0 : i32
    %dma_start3A_96 = tpu.memref_slice %arg3[%dma_start3A_95] : memref<10000xf32, #tpu.memory_space<hbm>> -> memref<10000xf32, #tpu.memory_space<hbm>>
    tpu.enqueue_indirect_dma source(%dma_start3A_96 : memref<10000xf32, #tpu.memory_space<hbm>>) target(%dma_start3A_91 : memref<128xf32, #tpu.memory_space<vmem>>) offsets(%dma_start3A_94 : memref<128xi32, #tpu.memory_space<vmem>>) semaphore(%arg19 : memref<!tpu.dma_semaphore, #tpu.memory_space<semaphore_mem>>)
    %scan3A_97 = arith.constant 0 : i32
    %scan3A_98 = arith.constant 0 : i32
    %scan3A_99 = arith.constant 20 : i32
    %scan3A_100 = arith.addi %scan3A_98, %scan3A_99 : i32
    %scan3A_101 = arith.constant 1 : i32
    scf.for %scan3A_112 = %scan3A_98 to %scan3A_100 step %scan3A_101  : i32 {
      %mul3A_113 = arith.constant 2 : i32
      %mul3A_114 = arith.muli %scan3A_112, %mul3A_113 : i32
      %add3A_115 = arith.constant 0 : i32
      %add3A_116 = arith.addi %mul3A_114, %add3A_115 : i32
      %dma_wait3A = arith.constant 0 : i32
      %dma_wait3A_117 = arith.constant 0 : i32
      %dma_wait3A_118 = arith.constant 0 : i32
      %dma_wait3A_119 = tpu.memref_slice %arg12[%dma_wait3A, %dma_wait3A_117, %dma_wait3A_118] : memref<2x128x128xf32, #tpu.memory_space<vmem>> -> memref<1x128x128xf32, #tpu.memory_space<vmem>>
      %dma_wait3A_120 = tpu.memref_squeeze %dma_wait3A_119 : memref<1x128x128xf32, #tpu.memory_space<vmem>> -> memref<128x128xf32, #tpu.memory_space<vmem>>
      %dma_wait3A_121 = arith.constant 0 : i32
      %dma_wait3A_122 = tpu.memref_slice %arg10[%add3A_116, %dma_wait3A_121] : memref<40x128xi32, #tpu.memory_space<vmem>> -> memref<1x128xi32, #tpu.memory_space<vmem>>
      %dma_wait3A_123 = tpu.memref_squeeze %dma_wait3A_122 : memref<1x128xi32, #tpu.memory_space<vmem>> -> memref<128xi32, #tpu.memory_space<vmem>>
      %dma_wait3A_124 = arith.constant 0 : i32
      %dma_wait3A_125 = arith.constant 0 : i32
      %dma_wait3A_126 = tpu.memref_slice %arg2[%dma_wait3A_124, %dma_wait3A_125] : memref<10000x128xf32, #tpu.memory_space<hbm>> -> memref<10000x128xf32, #tpu.memory_space<hbm>>
      tpu.wait_indirect_dma semaphore(%arg16 : memref<!tpu.dma_semaphore, #tpu.memory_space<semaphore_mem>>) src(%dma_wait3A_126 : memref<10000x128xf32, #tpu.memory_space<hbm>>) dst(%dma_wait3A_120 : memref<128x128xf32, #tpu.memory_space<vmem>>)
      %run_scoped3A = arith.constant 0 : i32
      "tpu.region"() ({
        %run_scoped3A_172 = tpu.sem_alloc : memref<!tpu.dma_semaphore, #tpu.memory_space<semaphore_mem>>
        %dma_start3A_173 = arith.constant 0 : i32
        %dma_start3A_174 = arith.constant 0 : i32
        %dma_start3A_175 = tpu.memref_slice %arg12[%run_scoped3A, %dma_start3A_173, %dma_start3A_174] : memref<2x128x128xf32, #tpu.memory_space<vmem>> -> memref<1x128x128xf32, #tpu.memory_space<vmem>>
        %dma_start3A_176 = tpu.memref_squeeze %dma_start3A_175 : memref<1x128x128xf32, #tpu.memory_space<vmem>> -> memref<128x128xf32, #tpu.memory_space<vmem>>
        %dma_start3A_177 = arith.constant 0 : i32
        %dma_start3A_178 = tpu.memref_slice %arg11[%add3A_116, %dma_start3A_177] : memref<40x128xi32, #tpu.memory_space<vmem>> -> memref<1x128xi32, #tpu.memory_space<vmem>>
        %dma_start3A_179 = tpu.memref_squeeze %dma_start3A_178 : memref<1x128xi32, #tpu.memory_space<vmem>> -> memref<128xi32, #tpu.memory_space<vmem>>
        %dma_start3A_180 = arith.constant 0 : i32
        %dma_start3A_181 = arith.constant 0 : i32
        %dma_start3A_182 = tpu.memref_slice %arg14[%dma_start3A_180, %dma_start3A_181] : memref<10240x128xf32, #tpu.memory_space<vmem_shared>> -> memref<10240x128xf32, #tpu.memory_space<vmem_shared>>
        tpu.enqueue_indirect_dma source(%dma_start3A_176 : memref<128x128xf32, #tpu.memory_space<vmem>>) target(%dma_start3A_182 : memref<10240x128xf32, #tpu.memory_space<vmem_shared>>) offsets(%dma_start3A_179 : memref<128xi32, #tpu.memory_space<vmem>>) semaphore(%run_scoped3A_172 : memref<!tpu.dma_semaphore, #tpu.memory_space<semaphore_mem>>) {add = true}
        %dma_wait3A_183 = arith.constant 0 : i32
        %dma_wait3A_184 = arith.constant 0 : i32
        %dma_wait3A_185 = tpu.memref_slice %arg12[%run_scoped3A, %dma_wait3A_183, %dma_wait3A_184] : memref<2x128x128xf32, #tpu.memory_space<vmem>> -> memref<1x128x128xf32, #tpu.memory_space<vmem>>
        %dma_wait3A_186 = tpu.memref_squeeze %dma_wait3A_185 : memref<1x128x128xf32, #tpu.memory_space<vmem>> -> memref<128x128xf32, #tpu.memory_space<vmem>>
        %dma_wait3A_187 = arith.constant 0 : i32
        %dma_wait3A_188 = tpu.memref_slice %arg11[%add3A_116, %dma_wait3A_187] : memref<40x128xi32, #tpu.memory_space<vmem>> -> memref<1x128xi32, #tpu.memory_space<vmem>>
        %dma_wait3A_189 = tpu.memref_squeeze %dma_wait3A_188 : memref<1x128xi32, #tpu.memory_space<vmem>> -> memref<128xi32, #tpu.memory_space<vmem>>
        %dma_wait3A_190 = arith.constant 0 : i32
        %dma_wait3A_191 = arith.constant 0 : i32
        %dma_wait3A_192 = tpu.memref_slice %arg14[%dma_wait3A_190, %dma_wait3A_191] : memref<10240x128xf32, #tpu.memory_space<vmem_shared>> -> memref<10240x128xf32, #tpu.memory_space<vmem_shared>>
        tpu.wait_indirect_dma semaphore(%run_scoped3A_172 : memref<!tpu.dma_semaphore, #tpu.memory_space<semaphore_mem>>) src(%dma_wait3A_186 : memref<128x128xf32, #tpu.memory_space<vmem>>) dst(%dma_wait3A_192 : memref<10240x128xf32, #tpu.memory_space<vmem_shared>>)
        tpu.yield
      }) : () -> ()
      %dma_wait3A_127 = arith.constant 0 : i32
      %dma_wait3A_128 = arith.constant 0 : i32
      %dma_wait3A_129 = tpu.memref_slice %arg13[%dma_wait3A_127, %dma_wait3A_128] : memref<2x128xf32, #tpu.memory_space<vmem>> -> memref<1x128xf32, #tpu.memory_space<vmem>>
      %dma_wait3A_130 = tpu.memref_squeeze %dma_wait3A_129 : memref<1x128xf32, #tpu.memory_space<vmem>> -> memref<128xf32, #tpu.memory_space<vmem>>
      %dma_wait3A_131 = arith.constant 0 : i32
      %dma_wait3A_132 = tpu.memref_slice %arg10[%add3A_116, %dma_wait3A_131] : memref<40x128xi32, #tpu.memory_space<vmem>> -> memref<1x128xi32, #tpu.memory_space<vmem>>
      %dma_wait3A_133 = tpu.memref_squeeze %dma_wait3A_132 : memref<1x128xi32, #tpu.memory_space<vmem>> -> memref<128xi32, #tpu.memory_space<vmem>>
      %dma_wait3A_134 = arith.constant 0 : i32
      %dma_wait3A_135 = tpu.memref_slice %arg3[%dma_wait3A_134] : memref<10000xf32, #tpu.memory_space<hbm>> -> memref<10000xf32, #tpu.memory_space<hbm>>
      tpu.wait_indirect_dma semaphore(%arg18 : memref<!tpu.dma_semaphore, #tpu.memory_space<semaphore_mem>>) src(%dma_wait3A_135 : memref<10000xf32, #tpu.memory_space<hbm>>) dst(%dma_wait3A_130 : memref<128xf32, #tpu.memory_space<vmem>>)
      %run_scoped3A_136 = arith.constant 0 : i32
      "tpu.region"() ({
        %run_scoped3A_172 = tpu.sem_alloc : memref<!tpu.dma_semaphore, #tpu.memory_space<semaphore_mem>>
        %dma_start3A_173 = arith.constant 0 : i32
        %dma_start3A_174 = tpu.memref_slice %arg13[%run_scoped3A_136, %dma_start3A_173] : memref<2x128xf32, #tpu.memory_space<vmem>> -> memref<1x128xf32, #tpu.memory_space<vmem>>
        %dma_start3A_175 = tpu.memref_squeeze %dma_start3A_174 : memref<1x128xf32, #tpu.memory_space<vmem>> -> memref<128xf32, #tpu.memory_space<vmem>>
        %dma_start3A_176 = arith.constant 0 : i32
        %dma_start3A_177 = tpu.memref_slice %arg11[%add3A_116, %dma_start3A_176] : memref<40x128xi32, #tpu.memory_space<vmem>> -> memref<1x128xi32, #tpu.memory_space<vmem>>
        %dma_start3A_178 = tpu.memref_squeeze %dma_start3A_177 : memref<1x128xi32, #tpu.memory_space<vmem>> -> memref<128xi32, #tpu.memory_space<vmem>>
        %dma_start3A_179 = arith.constant 0 : i32
        %dma_start3A_180 = tpu.memref_slice %arg15[%dma_start3A_179] : memref<10240xf32, #tpu.memory_space<vmem_shared>> -> memref<10240xf32, #tpu.memory_space<vmem_shared>>
        tpu.enqueue_indirect_dma source(%dma_start3A_175 : memref<128xf32, #tpu.memory_space<vmem>>) target(%dma_start3A_180 : memref<10240xf32, #tpu.memory_space<vmem_shared>>) offsets(%dma_start3A_178 : memref<128xi32, #tpu.memory_space<vmem>>) semaphore(%run_scoped3A_172 : memref<!tpu.dma_semaphore, #tpu.memory_space<semaphore_mem>>) {add = true}
        %dma_wait3A_181 = arith.constant 0 : i32
        %dma_wait3A_182 = tpu.memref_slice %arg13[%run_scoped3A_136, %dma_wait3A_181] : memref<2x128xf32, #tpu.memory_space<vmem>> -> memref<1x128xf32, #tpu.memory_space<vmem>>
        %dma_wait3A_183 = tpu.memref_squeeze %dma_wait3A_182 : memref<1x128xf32, #tpu.memory_space<vmem>> -> memref<128xf32, #tpu.memory_space<vmem>>
        %dma_wait3A_184 = arith.constant 0 : i32
        %dma_wait3A_185 = tpu.memref_slice %arg11[%add3A_116, %dma_wait3A_184] : memref<40x128xi32, #tpu.memory_space<vmem>> -> memref<1x128xi32, #tpu.memory_space<vmem>>
        %dma_wait3A_186 = tpu.memref_squeeze %dma_wait3A_185 : memref<1x128xi32, #tpu.memory_space<vmem>> -> memref<128xi32, #tpu.memory_space<vmem>>
        %dma_wait3A_187 = arith.constant 0 : i32
        %dma_wait3A_188 = tpu.memref_slice %arg15[%dma_wait3A_187] : memref<10240xf32, #tpu.memory_space<vmem_shared>> -> memref<10240xf32, #tpu.memory_space<vmem_shared>>
        tpu.wait_indirect_dma semaphore(%run_scoped3A_172 : memref<!tpu.dma_semaphore, #tpu.memory_space<semaphore_mem>>) src(%dma_wait3A_183 : memref<128xf32, #tpu.memory_space<vmem>>) dst(%dma_wait3A_188 : memref<10240xf32, #tpu.memory_space<vmem_shared>>)
        tpu.yield
      }) : () -> ()
      %add3A_137 = arith.constant 2 : i32
      %add3A_138 = arith.addi %add3A_116, %add3A_137 : i32
      %lt3A = arith.constant 40 : i32
      %lt3A_139 = arith.cmpi slt, %add3A_138, %lt3A : i32
      %convert_element_type3A = arith.extui %lt3A_139 : i1 to i32
      %cond3A = arith.constant 0 : i32
      %cond3A_140 = arith.cmpi ne, %convert_element_type3A, %cond3A : i32
      scf.if %cond3A_140 {
        %dma_start3A_172 = arith.constant 0 : i32
        %dma_start3A_173 = arith.constant 0 : i32
        %dma_start3A_174 = arith.constant 0 : i32
        %dma_start3A_175 = tpu.memref_slice %arg12[%dma_start3A_172, %dma_start3A_173, %dma_start3A_174] : memref<2x128x128xf32, #tpu.memory_space<vmem>> -> memref<1x128x128xf32, #tpu.memory_space<vmem>>
        %dma_start3A_176 = tpu.memref_squeeze %dma_start3A_175 : memref<1x128x128xf32, #tpu.memory_space<vmem>> -> memref<128x128xf32, #tpu.memory_space<vmem>>
        %dma_start3A_177 = arith.constant 0 : i32
        %dma_start3A_178 = tpu.memref_slice %arg10[%add3A_138, %dma_start3A_177] : memref<40x128xi32, #tpu.memory_space<vmem>> -> memref<1x128xi32, #tpu.memory_space<vmem>>
        %dma_start3A_179 = tpu.memref_squeeze %dma_start3A_178 : memref<1x128xi32, #tpu.memory_space<vmem>> -> memref<128xi32, #tpu.memory_space<vmem>>
        %dma_start3A_180 = arith.constant 0 : i32
        %dma_start3A_181 = arith.constant 0 : i32
        %dma_start3A_182 = tpu.memref_slice %arg2[%dma_start3A_180, %dma_start3A_181] : memref<10000x128xf32, #tpu.memory_space<hbm>> -> memref<10000x128xf32, #tpu.memory_space<hbm>>
        tpu.enqueue_indirect_dma source(%dma_start3A_182 : memref<10000x128xf32, #tpu.memory_space<hbm>>) target(%dma_start3A_176 : memref<128x128xf32, #tpu.memory_space<vmem>>) offsets(%dma_start3A_179 : memref<128xi32, #tpu.memory_space<vmem>>) semaphore(%arg16 : memref<!tpu.dma_semaphore, #tpu.memory_space<semaphore_mem>>)
        %dma_start3A_183 = arith.constant 0 : i32
        %dma_start3A_184 = arith.constant 0 : i32
        %dma_start3A_185 = tpu.memref_slice %arg13[%dma_start3A_183, %dma_start3A_184] : memref<2x128xf32, #tpu.memory_space<vmem>> -> memref<1x128xf32, #tpu.memory_space<vmem>>
        %dma_start3A_186 = tpu.memref_squeeze %dma_start3A_185 : memref<1x128xf32, #tpu.memory_space<vmem>> -> memref<128xf32, #tpu.memory_space<vmem>>
        %dma_start3A_187 = arith.constant 0 : i32
        %dma_start3A_188 = tpu.memref_slice %arg10[%add3A_138, %dma_start3A_187] : memref<40x128xi32, #tpu.memory_space<vmem>> -> memref<1x128xi32, #tpu.memory_space<vmem>>
        %dma_start3A_189 = tpu.memref_squeeze %dma_start3A_188 : memref<1x128xi32, #tpu.memory_space<vmem>> -> memref<128xi32, #tpu.memory_space<vmem>>
        %dma_start3A_190 = arith.constant 0 : i32
        %dma_start3A_191 = tpu.memref_slice %arg3[%dma_start3A_190] : memref<10000xf32, #tpu.memory_space<hbm>> -> memref<10000xf32, #tpu.memory_space<hbm>>
        tpu.enqueue_indirect_dma source(%dma_start3A_191 : memref<10000xf32, #tpu.memory_space<hbm>>) target(%dma_start3A_186 : memref<128xf32, #tpu.memory_space<vmem>>) offsets(%dma_start3A_189 : memref<128xi32, #tpu.memory_space<vmem>>) semaphore(%arg18 : memref<!tpu.dma_semaphore, #tpu.memory_space<semaphore_mem>>)
      } else {
      }
      %add3A_141 = arith.constant 1 : i32
      %add3A_142 = arith.addi %mul3A_114, %add3A_141 : i32
      %dma_wait3A_143 = arith.constant 1 : i32
      %dma_wait3A_144 = arith.constant 0 : i32
      %dma_wait3A_145 = arith.constant 0 : i32
      %dma_wait3A_146 = tpu.memref_slice %arg12[%dma_wait3A_143, %dma_wait3A_144, %dma_wait3A_145] : memref<2x128x128xf32, #tpu.memory_space<vmem>> -> memref<1x128x128xf32, #tpu.memory_space<vmem>>
      %dma_wait3A_147 = tpu.memref_squeeze %dma_wait3A_146 : memref<1x128x128xf32, #tpu.memory_space<vmem>> -> memref<128x128xf32, #tpu.memory_space<vmem>>
      %dma_wait3A_148 = arith.constant 0 : i32
      %dma_wait3A_149 = tpu.memref_slice %arg10[%add3A_142, %dma_wait3A_148] : memref<40x128xi32, #tpu.memory_space<vmem>> -> memref<1x128xi32, #tpu.memory_space<vmem>>
      %dma_wait3A_150 = tpu.memref_squeeze %dma_wait3A_149 : memref<1x128xi32, #tpu.memory_space<vmem>> -> memref<128xi32, #tpu.memory_space<vmem>>
      %dma_wait3A_151 = arith.constant 0 : i32
      %dma_wait3A_152 = arith.constant 0 : i32
      %dma_wait3A_153 = tpu.memref_slice %arg2[%dma_wait3A_151, %dma_wait3A_152] : memref<10000x128xf32, #tpu.memory_space<hbm>> -> memref<10000x128xf32, #tpu.memory_space<hbm>>
      tpu.wait_indirect_dma semaphore(%arg17 : memref<!tpu.dma_semaphore, #tpu.memory_space<semaphore_mem>>) src(%dma_wait3A_153 : memref<10000x128xf32, #tpu.memory_space<hbm>>) dst(%dma_wait3A_147 : memref<128x128xf32, #tpu.memory_space<vmem>>)
      %run_scoped3A_154 = arith.constant 1 : i32
      "tpu.region"() ({
        %run_scoped3A_172 = tpu.sem_alloc : memref<!tpu.dma_semaphore, #tpu.memory_space<semaphore_mem>>
        %dma_start3A_173 = arith.constant 0 : i32
        %dma_start3A_174 = arith.constant 0 : i32
        %dma_start3A_175 = tpu.memref_slice %arg12[%run_scoped3A_154, %dma_start3A_173, %dma_start3A_174] : memref<2x128x128xf32, #tpu.memory_space<vmem>> -> memref<1x128x128xf32, #tpu.memory_space<vmem>>
        %dma_start3A_176 = tpu.memref_squeeze %dma_start3A_175 : memref<1x128x128xf32, #tpu.memory_space<vmem>> -> memref<128x128xf32, #tpu.memory_space<vmem>>
        %dma_start3A_177 = arith.constant 0 : i32
        %dma_start3A_178 = tpu.memref_slice %arg11[%add3A_142, %dma_start3A_177] : memref<40x128xi32, #tpu.memory_space<vmem>> -> memref<1x128xi32, #tpu.memory_space<vmem>>
        %dma_start3A_179 = tpu.memref_squeeze %dma_start3A_178 : memref<1x128xi32, #tpu.memory_space<vmem>> -> memref<128xi32, #tpu.memory_space<vmem>>
        %dma_start3A_180 = arith.constant 0 : i32
        %dma_start3A_181 = arith.constant 0 : i32
        %dma_start3A_182 = tpu.memref_slice %arg14[%dma_start3A_180, %dma_start3A_181] : memref<10240x128xf32, #tpu.memory_space<vmem_shared>> -> memref<10240x128xf32, #tpu.memory_space<vmem_shared>>
        tpu.enqueue_indirect_dma source(%dma_start3A_176 : memref<128x128xf32, #tpu.memory_space<vmem>>) target(%dma_start3A_182 : memref<10240x128xf32, #tpu.memory_space<vmem_shared>>) offsets(%dma_start3A_179 : memref<128xi32, #tpu.memory_space<vmem>>) semaphore(%run_scoped3A_172 : memref<!tpu.dma_semaphore, #tpu.memory_space<semaphore_mem>>) {add = true}
        %dma_wait3A_183 = arith.constant 0 : i32
        %dma_wait3A_184 = arith.constant 0 : i32
        %dma_wait3A_185 = tpu.memref_slice %arg12[%run_scoped3A_154, %dma_wait3A_183, %dma_wait3A_184] : memref<2x128x128xf32, #tpu.memory_space<vmem>> -> memref<1x128x128xf32, #tpu.memory_space<vmem>>
        %dma_wait3A_186 = tpu.memref_squeeze %dma_wait3A_185 : memref<1x128x128xf32, #tpu.memory_space<vmem>> -> memref<128x128xf32, #tpu.memory_space<vmem>>
        %dma_wait3A_187 = arith.constant 0 : i32
        %dma_wait3A_188 = tpu.memref_slice %arg11[%add3A_142, %dma_wait3A_187] : memref<40x128xi32, #tpu.memory_space<vmem>> -> memref<1x128xi32, #tpu.memory_space<vmem>>
        %dma_wait3A_189 = tpu.memref_squeeze %dma_wait3A_188 : memref<1x128xi32, #tpu.memory_space<vmem>> -> memref<128xi32, #tpu.memory_space<vmem>>
        %dma_wait3A_190 = arith.constant 0 : i32
        %dma_wait3A_191 = arith.constant 0 : i32
        %dma_wait3A_192 = tpu.memref_slice %arg14[%dma_wait3A_190, %dma_wait3A_191] : memref<10240x128xf32, #tpu.memory_space<vmem_shared>> -> memref<10240x128xf32, #tpu.memory_space<vmem_shared>>
        tpu.wait_indirect_dma semaphore(%run_scoped3A_172 : memref<!tpu.dma_semaphore, #tpu.memory_space<semaphore_mem>>) src(%dma_wait3A_186 : memref<128x128xf32, #tpu.memory_space<vmem>>) dst(%dma_wait3A_192 : memref<10240x128xf32, #tpu.memory_space<vmem_shared>>)
        tpu.yield
      }) : () -> ()
      %dma_wait3A_155 = arith.constant 1 : i32
      %dma_wait3A_156 = arith.constant 0 : i32
      %dma_wait3A_157 = tpu.memref_slice %arg13[%dma_wait3A_155, %dma_wait3A_156] : memref<2x128xf32, #tpu.memory_space<vmem>> -> memref<1x128xf32, #tpu.memory_space<vmem>>
      %dma_wait3A_158 = tpu.memref_squeeze %dma_wait3A_157 : memref<1x128xf32, #tpu.memory_space<vmem>> -> memref<128xf32, #tpu.memory_space<vmem>>
      %dma_wait3A_159 = arith.constant 0 : i32
      %dma_wait3A_160 = tpu.memref_slice %arg10[%add3A_142, %dma_wait3A_159] : memref<40x128xi32, #tpu.memory_space<vmem>> -> memref<1x128xi32, #tpu.memory_space<vmem>>
      %dma_wait3A_161 = tpu.memref_squeeze %dma_wait3A_160 : memref<1x128xi32, #tpu.memory_space<vmem>> -> memref<128xi32, #tpu.memory_space<vmem>>
      %dma_wait3A_162 = arith.constant 0 : i32
      %dma_wait3A_163 = tpu.memref_slice %arg3[%dma_wait3A_162] : memref<10000xf32, #tpu.memory_space<hbm>> -> memref<10000xf32, #tpu.memory_space<hbm>>
      tpu.wait_indirect_dma semaphore(%arg19 : memref<!tpu.dma_semaphore, #tpu.memory_space<semaphore_mem>>) src(%dma_wait3A_163 : memref<10000xf32, #tpu.memory_space<hbm>>) dst(%dma_wait3A_158 : memref<128xf32, #tpu.memory_space<vmem>>)
      %run_scoped3A_164 = arith.constant 1 : i32
      "tpu.region"() ({
        %run_scoped3A_172 = tpu.sem_alloc : memref<!tpu.dma_semaphore, #tpu.memory_space<semaphore_mem>>
        %dma_start3A_173 = arith.constant 0 : i32
        %dma_start3A_174 = tpu.memref_slice %arg13[%run_scoped3A_164, %dma_start3A_173] : memref<2x128xf32, #tpu.memory_space<vmem>> -> memref<1x128xf32, #tpu.memory_space<vmem>>
        %dma_start3A_175 = tpu.memref_squeeze %dma_start3A_174 : memref<1x128xf32, #tpu.memory_space<vmem>> -> memref<128xf32, #tpu.memory_space<vmem>>
        %dma_start3A_176 = arith.constant 0 : i32
        %dma_start3A_177 = tpu.memref_slice %arg11[%add3A_142, %dma_start3A_176] : memref<40x128xi32, #tpu.memory_space<vmem>> -> memref<1x128xi32, #tpu.memory_space<vmem>>
        %dma_start3A_178 = tpu.memref_squeeze %dma_start3A_177 : memref<1x128xi32, #tpu.memory_space<vmem>> -> memref<128xi32, #tpu.memory_space<vmem>>
        %dma_start3A_179 = arith.constant 0 : i32
        %dma_start3A_180 = tpu.memref_slice %arg15[%dma_start3A_179] : memref<10240xf32, #tpu.memory_space<vmem_shared>> -> memref<10240xf32, #tpu.memory_space<vmem_shared>>
        tpu.enqueue_indirect_dma source(%dma_start3A_175 : memref<128xf32, #tpu.memory_space<vmem>>) target(%dma_start3A_180 : memref<10240xf32, #tpu.memory_space<vmem_shared>>) offsets(%dma_start3A_178 : memref<128xi32, #tpu.memory_space<vmem>>) semaphore(%run_scoped3A_172 : memref<!tpu.dma_semaphore, #tpu.memory_space<semaphore_mem>>) {add = true}
        %dma_wait3A_181 = arith.constant 0 : i32
        %dma_wait3A_182 = tpu.memref_slice %arg13[%run_scoped3A_164, %dma_wait3A_181] : memref<2x128xf32, #tpu.memory_space<vmem>> -> memref<1x128xf32, #tpu.memory_space<vmem>>
        %dma_wait3A_183 = tpu.memref_squeeze %dma_wait3A_182 : memref<1x128xf32, #tpu.memory_space<vmem>> -> memref<128xf32, #tpu.memory_space<vmem>>
        %dma_wait3A_184 = arith.constant 0 : i32
        %dma_wait3A_185 = tpu.memref_slice %arg11[%add3A_142, %dma_wait3A_184] : memref<40x128xi32, #tpu.memory_space<vmem>> -> memref<1x128xi32, #tpu.memory_space<vmem>>
        %dma_wait3A_186 = tpu.memref_squeeze %dma_wait3A_185 : memref<1x128xi32, #tpu.memory_space<vmem>> -> memref<128xi32, #tpu.memory_space<vmem>>
        %dma_wait3A_187 = arith.constant 0 : i32
        %dma_wait3A_188 = tpu.memref_slice %arg15[%dma_wait3A_187] : memref<10240xf32, #tpu.memory_space<vmem_shared>> -> memref<10240xf32, #tpu.memory_space<vmem_shared>>
        tpu.wait_indirect_dma semaphore(%run_scoped3A_172 : memref<!tpu.dma_semaphore, #tpu.memory_space<semaphore_mem>>) src(%dma_wait3A_183 : memref<128xf32, #tpu.memory_space<vmem>>) dst(%dma_wait3A_188 : memref<10240xf32, #tpu.memory_space<vmem_shared>>)
        tpu.yield
      }) : () -> ()
      %add3A_165 = arith.constant 2 : i32
      %add3A_166 = arith.addi %add3A_142, %add3A_165 : i32
      %lt3A_167 = arith.constant 40 : i32
      %lt3A_168 = arith.cmpi slt, %add3A_166, %lt3A_167 : i32
      %convert_element_type3A_169 = arith.extui %lt3A_168 : i1 to i32
      %cond3A_170 = arith.constant 0 : i32
      %cond3A_171 = arith.cmpi ne, %convert_element_type3A_169, %cond3A_170 : i32
      scf.if %cond3A_171 {
        %dma_start3A_172 = arith.constant 1 : i32
        %dma_start3A_173 = arith.constant 0 : i32
        %dma_start3A_174 = arith.constant 0 : i32
        %dma_start3A_175 = tpu.memref_slice %arg12[%dma_start3A_172, %dma_start3A_173, %dma_start3A_174] : memref<2x128x128xf32, #tpu.memory_space<vmem>> -> memref<1x128x128xf32, #tpu.memory_space<vmem>>
        %dma_start3A_176 = tpu.memref_squeeze %dma_start3A_175 : memref<1x128x128xf32, #tpu.memory_space<vmem>> -> memref<128x128xf32, #tpu.memory_space<vmem>>
        %dma_start3A_177 = arith.constant 0 : i32
        %dma_start3A_178 = tpu.memref_slice %arg10[%add3A_166, %dma_start3A_177] : memref<40x128xi32, #tpu.memory_space<vmem>> -> memref<1x128xi32, #tpu.memory_space<vmem>>
        %dma_start3A_179 = tpu.memref_squeeze %dma_start3A_178 : memref<1x128xi32, #tpu.memory_space<vmem>> -> memref<128xi32, #tpu.memory_space<vmem>>
        %dma_start3A_180 = arith.constant 0 : i32
        %dma_start3A_181 = arith.constant 0 : i32
        %dma_start3A_182 = tpu.memref_slice %arg2[%dma_start3A_180, %dma_start3A_181] : memref<10000x128xf32, #tpu.memory_space<hbm>> -> memref<10000x128xf32, #tpu.memory_space<hbm>>
        tpu.enqueue_indirect_dma source(%dma_start3A_182 : memref<10000x128xf32, #tpu.memory_space<hbm>>) target(%dma_start3A_176 : memref<128x128xf32, #tpu.memory_space<vmem>>) offsets(%dma_start3A_179 : memref<128xi32, #tpu.memory_space<vmem>>) semaphore(%arg17 : memref<!tpu.dma_semaphore, #tpu.memory_space<semaphore_mem>>)
        %dma_start3A_183 = arith.constant 1 : i32
        %dma_start3A_184 = arith.constant 0 : i32
        %dma_start3A_185 = tpu.memref_slice %arg13[%dma_start3A_183, %dma_start3A_184] : memref<2x128xf32, #tpu.memory_space<vmem>> -> memref<1x128xf32, #tpu.memory_space<vmem>>
        %dma_start3A_186 = tpu.memref_squeeze %dma_start3A_185 : memref<1x128xf32, #tpu.memory_space<vmem>> -> memref<128xf32, #tpu.memory_space<vmem>>
        %dma_start3A_187 = arith.constant 0 : i32
        %dma_start3A_188 = tpu.memref_slice %arg10[%add3A_166, %dma_start3A_187] : memref<40x128xi32, #tpu.memory_space<vmem>> -> memref<1x128xi32, #tpu.memory_space<vmem>>
        %dma_start3A_189 = tpu.memref_squeeze %dma_start3A_188 : memref<1x128xi32, #tpu.memory_space<vmem>> -> memref<128xi32, #tpu.memory_space<vmem>>
        %dma_start3A_190 = arith.constant 0 : i32
        %dma_start3A_191 = tpu.memref_slice %arg3[%dma_start3A_190] : memref<10000xf32, #tpu.memory_space<hbm>> -> memref<10000xf32, #tpu.memory_space<hbm>>
        tpu.enqueue_indirect_dma source(%dma_start3A_191 : memref<10000xf32, #tpu.memory_space<hbm>>) target(%dma_start3A_186 : memref<128xf32, #tpu.memory_space<vmem>>) offsets(%dma_start3A_189 : memref<128xi32, #tpu.memory_space<vmem>>) semaphore(%arg19 : memref<!tpu.dma_semaphore, #tpu.memory_space<semaphore_mem>>)
      } else {
      }
    }
    %scan3A_102 = arith.constant 20 : i32
    %barrier3A_103 = arith.constant 0 : index
    tpu.barrier barrier_id(%barrier3A_103)
    %mul3A_104 = arith.constant 640 : i32
    %mul3A_105 = arith.muli %arg1, %mul3A_104 : i32
    %mul3A_106 = arith.constant 640 : i32
    %mul3A_107 = arith.muli %arg1, %mul3A_106 : i32
    "tpu.region"() ({
      %run_scoped3A = tpu.sem_alloc : memref<!tpu.dma_semaphore, #tpu.memory_space<semaphore_mem>>
      %dma_start3A_112 = arith.constant 0 : i32
      %dma_start3A_113 = tpu.memref_slice %arg8[%arg0, %mul3A_107, %dma_start3A_112] : memref<2x10240x128xf32, #tpu.memory_space<hbm>> -> memref<1x640x128xf32, #tpu.memory_space<hbm>>
      %dma_start3A_114 = tpu.memref_squeeze %dma_start3A_113 : memref<1x640x128xf32, #tpu.memory_space<hbm>> -> memref<640x128xf32, #tpu.memory_space<hbm>>
      %dma_start3A_115 = arith.constant 0 : i32
      %dma_start3A_116 = tpu.memref_slice %arg14[%mul3A_105, %dma_start3A_115] : memref<10240x128xf32, #tpu.memory_space<vmem_shared>> -> memref<640x128xf32, #tpu.memory_space<vmem_shared>>
      tpu.enqueue_dma source(%dma_start3A_116 : memref<640x128xf32, #tpu.memory_space<vmem_shared>>) target(%dma_start3A_114 : memref<640x128xf32, #tpu.memory_space<hbm>>) target_semaphore(%run_scoped3A : memref<!tpu.dma_semaphore, #tpu.memory_space<semaphore_mem>>)
      %dma_wait3A = arith.constant 0 : i32
      %dma_wait3A_117 = tpu.memref_slice %arg8[%arg0, %mul3A_107, %dma_wait3A] : memref<2x10240x128xf32, #tpu.memory_space<hbm>> -> memref<1x640x128xf32, #tpu.memory_space<hbm>>
      %dma_wait3A_118 = tpu.memref_squeeze %dma_wait3A_117 : memref<1x640x128xf32, #tpu.memory_space<hbm>> -> memref<640x128xf32, #tpu.memory_space<hbm>>
      %dma_wait3A_119 = arith.constant 0 : i32
      %dma_wait3A_120 = tpu.memref_slice %arg14[%mul3A_105, %dma_wait3A_119] : memref<10240x128xf32, #tpu.memory_space<vmem_shared>> -> memref<640x128xf32, #tpu.memory_space<vmem_shared>>
      tpu.wait_dma2 semaphore(%run_scoped3A : memref<!tpu.dma_semaphore, #tpu.memory_space<semaphore_mem>>) src(%dma_wait3A_120 : memref<640x128xf32, #tpu.memory_space<vmem_shared>>) dst(%dma_wait3A_118 : memref<640x128xf32, #tpu.memory_space<hbm>>)
      tpu.yield
    }) : () -> ()
    %mul3A_108 = arith.constant 640 : i32
    %mul3A_109 = arith.muli %arg1, %mul3A_108 : i32
    %mul3A_110 = arith.constant 640 : i32
    %mul3A_111 = arith.muli %arg1, %mul3A_110 : i32
    "tpu.region"() ({
      %run_scoped3A = tpu.sem_alloc : memref<!tpu.dma_semaphore, #tpu.memory_space<semaphore_mem>>
      %dma_start3A_112 = tpu.memref_slice %arg9[%arg0, %mul3A_111] : memref<2x10240xf32, #tpu.memory_space<hbm>> -> memref<1x640xf32, #tpu.memory_space<hbm>>
      %dma_start3A_113 = tpu.memref_squeeze %dma_start3A_112 : memref<1x640xf32, #tpu.memory_space<hbm>> -> memref<640xf32, #tpu.memory_space<hbm>>
      %dma_start3A_114 = tpu.memref_slice %arg15[%mul3A_109] : memref<10240xf32, #tpu.memory_space<vmem_shared>> -> memref<640xf32, #tpu.memory_space<vmem_shared>>
      tpu.enqueue_dma source(%dma_start3A_114 : memref<640xf32, #tpu.memory_space<vmem_shared>>) target(%dma_start3A_113 : memref<640xf32, #tpu.memory_space<hbm>>) target_semaphore(%run_scoped3A : memref<!tpu.dma_semaphore, #tpu.memory_space<semaphore_mem>>)
      %dma_wait3A = tpu.memref_slice %arg9[%arg0, %mul3A_111] : memref<2x10240xf32, #tpu.memory_space<hbm>> -> memref<1x640xf32, #tpu.memory_space<hbm>>
      %dma_wait3A_115 = tpu.memref_squeeze %dma_wait3A : memref<1x640xf32, #tpu.memory_space<hbm>> -> memref<640xf32, #tpu.memory_space<hbm>>
      %dma_wait3A_116 = tpu.memref_slice %arg15[%mul3A_109] : memref<10240xf32, #tpu.memory_space<vmem_shared>> -> memref<640xf32, #tpu.memory_space<vmem_shared>>
      tpu.wait_dma2 semaphore(%run_scoped3A : memref<!tpu.dma_semaphore, #tpu.memory_space<semaphore_mem>>) src(%dma_wait3A_116 : memref<640xf32, #tpu.memory_space<vmem_shared>>) dst(%dma_wait3A_115 : memref<640xf32, #tpu.memory_space<hbm>>)
      tpu.yield
    }) : () -> ()
    return
  }
}

module attributes {stable_mosaic.version = 14 : i64} {
  func.func @_mm_body(%arg0: i32, %arg1: memref<1000x128xf32, #tpu.memory_space<vmem>>, %arg2: memref<128x128xf32, #tpu.memory_space<vmem>>, %arg3: memref<1000x128xf32, #tpu.memory_space<vmem>>) attributes {dimension_semantics = [#tpu.dimension_semantics<arbitrary>], iteration_bounds = array<i64: 10>, scalar_prefetch = 0 : i64, scratch_operands = 0 : i64, tpu.core_type = #tpu.core_type<tc>, window_params = [{transform_indices = @transform_0, window_bounds = array<i64: 1000, 128>}, {pipeline_mode = #tpu.pipeline_mode<synchronous>, transform_indices = @transform_1, window_bounds = array<i64: 128, 128>}, {transform_indices = @transform_2, window_bounds = array<i64: 1000, 128>}]} {
    %get3A = arith.constant 0 : index
    %get3A_0 = arith.constant 0 : index
    %get3A_1 = vector.load %arg1[%get3A, %get3A_0] : memref<1000x128xf32, #tpu.memory_space<vmem>>, vector<1000x128xf32>
    %get3A_2 = arith.constant 0 : index
    %get3A_3 = arith.constant 0 : index
    %get3A_4 = vector.load %arg2[%get3A_2, %get3A_3] : memref<128x128xf32, #tpu.memory_space<vmem>>, vector<128x128xf32>
    %dot_general3A = arith.constant dense<0.000000e+00> : vector<1000x128xf32>
    %dot_general3A_5 = tpu.matmul %get3A_1, %get3A_4, %dot_general3A {dimension_numbers = #tpu.dot_dimension_numbers<[1], [0], [0], [1], [0, 0, 1, 1], [], []>, transpose_lhs_hint = false} : vector<1000x128xf32>, vector<128x128xf32>, vector<1000x128xf32> -> vector<1000x128xf32>
    %swap3A = arith.constant 0 : index
    %swap3A_6 = arith.constant 0 : index
    %swap3A_7 = vector.load %arg3[%swap3A, %swap3A_6] : memref<1000x128xf32, #tpu.memory_space<vmem>>, vector<1000x128xf32>
    tpu.vector_store %arg3[%swap3A, %swap3A_6], %dot_general3A_5 {strides = array<i32>} : memref<1000x128xf32, #tpu.memory_space<vmem>>, vector<1000x128xf32>,
    return
  }
  func.func @transform_0(%arg0: i32) -> (i32, i32) {
    %c0_i32 = arith.constant 0 : i32
    %c0_i32_0 = arith.constant 0 : i32
    return %arg0, %c0_i32 : i32, i32
  }
  func.func @transform_1(%arg0: i32) -> (i32, i32) {
    %c0_i32 = arith.constant 0 : i32
    %c0_i32_0 = arith.constant 0 : i32
    %c0_i32_1 = arith.constant 0 : i32
    return %c0_i32, %c0_i32_0 : i32, i32
  }
  func.func @transform_2(%arg0: i32) -> (i32, i32) {
    %c0_i32 = arith.constant 0 : i32
    %c0_i32_0 = arith.constant 0 : i32
    return %arg0, %c0_i32 : i32, i32
  }
}

module attributes {stable_mosaic.version = 14 : i64} {
  func.func @_k2_body(%arg0: i32, %arg1: memref<1000x1xf32, #tpu.memory_space<vmem>>, %arg2: memref<1000x1xf32, #tpu.memory_space<vmem>>, %arg3: memref<1000x128xf32, #tpu.memory_space<vmem>>, %arg4: memref<1000x1xf32, #tpu.memory_space<vmem>>, %arg5: memref<1000x128xf32, #tpu.memory_space<vmem>>) attributes {dimension_semantics = [#tpu.dimension_semantics<arbitrary>], iteration_bounds = array<i64: 10>, scalar_prefetch = 0 : i64, scratch_operands = 0 : i64, tpu.core_type = #tpu.core_type<tc>, window_params = [{transform_indices = @transform_0, window_bounds = array<i64: 1000, 1>}, {transform_indices = @transform_1, window_bounds = array<i64: 1000, 1>}, {transform_indices = @transform_2, window_bounds = array<i64: 1000, 128>}, {transform_indices = @transform_3, window_bounds = array<i64: 1000, 1>}, {transform_indices = @transform_4, window_bounds = array<i64: 1000, 128>}]} {
    %get3A = arith.constant 0 : index
    %get3A_0 = arith.constant 0 : index
    %get3A_1 = vector.load %arg1[%get3A, %get3A_0] : memref<1000x1xf32, #tpu.memory_space<vmem>>, vector<1000x1xf32>
    %get3A_2 = arith.constant 0 : index
    %get3A_3 = arith.constant 0 : index
    %get3A_4 = vector.load %arg2[%get3A_2, %get3A_3] : memref<1000x1xf32, #tpu.memory_space<vmem>>, vector<1000x1xf32>
    %add3A = arith.addf %get3A_1, %get3A_4 : vector<1000x1xf32>
    %add3A_5 = arith.constant 1.000000e+00 : f32
    %add3A_6 = vector.broadcast %add3A_5 : f32 to vector<1000x1xf32>
    %add3A_7 = arith.addf %add3A, %add3A_6 : vector<1000x1xf32>
    %rsqrt3A = math.rsqrt %add3A_7 : vector<1000x1xf32>
    %swap3A = arith.constant 0 : index
    %swap3A_8 = arith.constant 0 : index
    %swap3A_9 = vector.load %arg4[%swap3A, %swap3A_8] : memref<1000x1xf32, #tpu.memory_space<vmem>>, vector<1000x1xf32>
    tpu.vector_store %arg4[%swap3A, %swap3A_8], %rsqrt3A {strides = array<i32>} : memref<1000x1xf32, #tpu.memory_space<vmem>>, vector<1000x1xf32>,
    %get3A_10 = arith.constant 0 : index
    %get3A_11 = arith.constant 0 : index
    %get3A_12 = vector.load %arg3[%get3A_10, %get3A_11] : memref<1000x128xf32, #tpu.memory_space<vmem>>, vector<1000x128xf32>
    %mul3A = vector.broadcast %rsqrt3A : vector<1000x1xf32> to vector<1000x128xf32>
    %mul3A_13 = arith.mulf %get3A_12, %mul3A : vector<1000x128xf32>
    %swap3A_14 = arith.constant 0 : index
    %swap3A_15 = arith.constant 0 : index
    %swap3A_16 = vector.load %arg5[%swap3A_14, %swap3A_15] : memref<1000x128xf32, #tpu.memory_space<vmem>>, vector<1000x128xf32>
    tpu.vector_store %arg5[%swap3A_14, %swap3A_15], %mul3A_13 {strides = array<i32>} : memref<1000x128xf32, #tpu.memory_space<vmem>>, vector<1000x128xf32>,
    return
  }
  func.func @transform_0(%arg0: i32) -> (i32, i32) {
    %c0_i32 = arith.constant 0 : i32
    %c0_i32_0 = arith.constant 0 : i32
    return %arg0, %c0_i32 : i32, i32
  }
  func.func @transform_1(%arg0: i32) -> (i32, i32) {
    %c0_i32 = arith.constant 0 : i32
    %c0_i32_0 = arith.constant 0 : i32
    return %arg0, %c0_i32 : i32, i32
  }
  func.func @transform_2(%arg0: i32) -> (i32, i32) {
    %c0_i32 = arith.constant 0 : i32
    %c0_i32_0 = arith.constant 0 : i32
    return %arg0, %c0_i32 : i32, i32
  }
  func.func @transform_3(%arg0: i32) -> (i32, i32) {
    %c0_i32 = arith.constant 0 : i32
    %c0_i32_0 = arith.constant 0 : i32
    return %arg0, %c0_i32 : i32, i32
  }
  func.func @transform_4(%arg0: i32) -> (i32, i32) {
    %c0_i32 = arith.constant 0 : i32
    %c0_i32_0 = arith.constant 0 : i32
    return %arg0, %c0_i32 : i32, i32
  }
}

module attributes {stable_mosaic.version = 14 : i64} {
  func.func @_k3_body(%arg0: i32, %arg1: memref<1000x128xf32, #tpu.memory_space<vmem>>, %arg2: memref<1000x128xf32, #tpu.memory_space<vmem>>, %arg3: memref<1000x128xf32, #tpu.memory_space<vmem>>, %arg4: memref<1000x1xf32, #tpu.memory_space<vmem>>, %arg5: memref<1x128xf32, #tpu.memory_space<vmem>>, %arg6: memref<1000x128xf32, #tpu.memory_space<vmem>>, %arg7: memref<1000x1xf32, #tpu.memory_space<vmem>>) attributes {dimension_semantics = [#tpu.dimension_semantics<arbitrary>], iteration_bounds = array<i64: 10>, scalar_prefetch = 0 : i64, scratch_operands = 0 : i64, tpu.core_type = #tpu.core_type<tc>, window_params = [{transform_indices = @transform_0, window_bounds = array<i64: 1000, 128>}, {transform_indices = @transform_1, window_bounds = array<i64: 1000, 128>}, {transform_indices = @transform_2, window_bounds = array<i64: 1000, 128>}, {transform_indices = @transform_3, window_bounds = array<i64: 1000, 1>}, {pipeline_mode = #tpu.pipeline_mode<synchronous>, transform_indices = @transform_4, window_bounds = array<i64: 1, 128>}, {transform_indices = @transform_5, window_bounds = array<i64: 1000, 128>}, {transform_indices = @transform_6, window_bounds = array<i64: 1000, 1>}]} {
    %get3A = arith.constant 0 : index
    %get3A_0 = arith.constant 0 : index
    %get3A_1 = vector.load %arg4[%get3A, %get3A_0] : memref<1000x1xf32, #tpu.memory_space<vmem>>, vector<1000x1xf32>
    %get3A_2 = arith.constant 0 : index
    %get3A_3 = arith.constant 0 : index
    %get3A_4 = vector.load %arg1[%get3A_2, %get3A_3] : memref<1000x128xf32, #tpu.memory_space<vmem>>, vector<1000x128xf32>
    %get3A_5 = arith.constant 0 : index
    %get3A_6 = arith.constant 0 : index
    %get3A_7 = vector.load %arg2[%get3A_5, %get3A_6] : memref<1000x128xf32, #tpu.memory_space<vmem>>, vector<1000x128xf32>
    %add3A = arith.addf %get3A_4, %get3A_7 : vector<1000x128xf32>
    %mul3A = vector.broadcast %get3A_1 : vector<1000x1xf32> to vector<1000x128xf32>
    %mul3A_8 = arith.mulf %mul3A, %add3A : vector<1000x128xf32>
    %mul3A_9 = arith.mulf %get3A_1, %get3A_1 : vector<1000x1xf32>
    %get3A_10 = arith.constant 0 : index
    %get3A_11 = arith.constant 0 : index
    %get3A_12 = vector.load %arg3[%get3A_10, %get3A_11] : memref<1000x128xf32, #tpu.memory_space<vmem>>, vector<1000x128xf32>
    %mul3A_13 = vector.broadcast %mul3A_9 : vector<1000x1xf32> to vector<1000x128xf32>
    %mul3A_14 = arith.mulf %mul3A_13, %get3A_12 : vector<1000x128xf32>
    %add3A_15 = arith.addf %mul3A_8, %mul3A_14 : vector<1000x128xf32>
    %get3A_16 = arith.constant 0 : index
    %get3A_17 = arith.constant 0 : index
    %get3A_18 = vector.load %arg5[%get3A_16, %get3A_17] : memref<1x128xf32, #tpu.memory_space<vmem>>, vector<1x128xf32>
    %add3A_19 = vector.broadcast %get3A_18 : vector<1x128xf32> to vector<1000x128xf32>
    %add3A_20 = arith.addf %add3A_15, %add3A_19 : vector<1000x128xf32>
    %swap3A = arith.constant 0 : index
    %swap3A_21 = arith.constant 0 : index
    %swap3A_22 = vector.load %arg6[%swap3A, %swap3A_21] : memref<1000x128xf32, #tpu.memory_space<vmem>>, vector<1000x128xf32>
    tpu.vector_store %arg6[%swap3A, %swap3A_21], %add3A_20 {strides = array<i32>} : memref<1000x128xf32, #tpu.memory_space<vmem>>, vector<1000x128xf32>,
    %mul3A_23 = arith.mulf %add3A_20, %add3A_20 : vector<1000x128xf32>
    %reduce_sum3A = arith.constant dense<0.000000e+00> : vector<1000xf32>
    %reduce_sum3A_24 = vector.multi_reduction <add>, %mul3A_23, %reduce_sum3A [1] : vector<1000x128xf32> to vector<1000xf32>
    %broadcast_in_dim3A = vector.shape_cast %reduce_sum3A_24 : vector<1000xf32> to vector<1000x1xf32>
    %swap3A_25 = arith.constant 0 : index
    %swap3A_26 = arith.constant 0 : index
    %swap3A_27 = vector.load %arg7[%swap3A_25, %swap3A_26] : memref<1000x1xf32, #tpu.memory_space<vmem>>, vector<1000x1xf32>
    tpu.vector_store %arg7[%swap3A_25, %swap3A_26], %broadcast_in_dim3A {strides = array<i32>} : memref<1000x1xf32, #tpu.memory_space<vmem>>, vector<1000x1xf32>,
    return
  }
  func.func @transform_0(%arg0: i32) -> (i32, i32) {
    %c0_i32 = arith.constant 0 : i32
    %c0_i32_0 = arith.constant 0 : i32
    return %arg0, %c0_i32 : i32, i32
  }
  func.func @transform_1(%arg0: i32) -> (i32, i32) {
    %c0_i32 = arith.constant 0 : i32
    %c0_i32_0 = arith.constant 0 : i32
    return %arg0, %c0_i32 : i32, i32
  }
  func.func @transform_2(%arg0: i32) -> (i32, i32) {
    %c0_i32 = arith.constant 0 : i32
    %c0_i32_0 = arith.constant 0 : i32
    return %arg0, %c0_i32 : i32, i32
  }
  func.func @transform_3(%arg0: i32) -> (i32, i32) {
    %c0_i32 = arith.constant 0 : i32
    %c0_i32_0 = arith.constant 0 : i32
    return %arg0, %c0_i32 : i32, i32
  }
  func.func @transform_4(%arg0: i32) -> (i32, i32) {
    %c0_i32 = arith.constant 0 : i32
    %c0_i32_0 = arith.constant 0 : i32
    %c0_i32_1 = arith.constant 0 : i32
    return %c0_i32, %c0_i32_0 : i32, i32
  }
  func.func @transform_5(%arg0: i32) -> (i32, i32) {
    %c0_i32 = arith.constant 0 : i32
    %c0_i32_0 = arith.constant 0 : i32
    return %arg0, %c0_i32 : i32, i32
  }
  func.func @transform_6(%arg0: i32) -> (i32, i32) {
    %c0_i32 = arith.constant 0 : i32
    %c0_i32_0 = arith.constant 0 : i32
    return %arg0, %c0_i32 : i32, i32
  }
}

module attributes {stable_mosaic.version = 14 : i64} {
  func.func @_k4b_body(%arg0: memref<10000x1xf32, #tpu.memory_space<vmem>>, %arg1: memref<10000x128xf32, #tpu.memory_space<vmem>>, %arg2: memref<10000x1xf32, #tpu.memory_space<vmem>>, %arg3: memref<10000x128xf32, #tpu.memory_space<vmem>>) attributes {dimension_semantics = [], scalar_prefetch = 0 : i64, scratch_operands = 0 : i64, tpu.core_type = #tpu.core_type<tc>} {
    %get3A = arith.constant 0 : index
    %get3A_0 = arith.constant 0 : index
    %get3A_1 = vector.load %arg0[%get3A, %get3A_0] : memref<10000x1xf32, #tpu.memory_space<vmem>>, vector<10000x1xf32>
    %reduce_max3A = vector.shape_cast %get3A_1 : vector<10000x1xf32> to vector<1x10000x1xf32>
    %reduce_max3A_2 = arith.constant dense<0xFF800000> : vector<1xf32>
    %reduce_max3A_3 = vector.multi_reduction <maximumf>, %reduce_max3A, %reduce_max3A_2 [1, 2] : vector<1x10000x1xf32> to vector<1xf32>
    %reduce_max3A_4 = vector.shape_cast %reduce_max3A_3 : vector<1xf32> to vector<1x1x1xf32>
    %reduce_max3A_5 = vector.extract %reduce_max3A_4[0, 0, 0] : f32 from vector<1x1x1xf32>
    %sub3A = vector.broadcast %reduce_max3A_5 : f32 to vector<10000x1xf32>
    %sub3A_6 = arith.subf %get3A_1, %sub3A : vector<10000x1xf32>
    %exp3A = math.exp %sub3A_6 : vector<10000x1xf32>
    %reduce_sum3A = vector.shape_cast %exp3A : vector<10000x1xf32> to vector<1x10000x1xf32>
    %reduce_sum3A_7 = arith.constant dense<0.000000e+00> : vector<1xf32>
    %reduce_sum3A_8 = vector.multi_reduction <add>, %reduce_sum3A, %reduce_sum3A_7 [1, 2] : vector<1x10000x1xf32> to vector<1xf32>
    %reduce_sum3A_9 = vector.shape_cast %reduce_sum3A_8 : vector<1xf32> to vector<1x1x1xf32>
    %reduce_sum3A_10 = vector.extract %reduce_sum3A_9[0, 0, 0] : f32 from vector<1x1x1xf32>
    %div3A = vector.broadcast %reduce_sum3A_10 : f32 to vector<10000x1xf32>
    %div3A_11 = arith.divf %exp3A, %div3A : vector<10000x1xf32>
    %sub3A_12 = vector.broadcast %reduce_max3A_5 : f32 to vector<10000x1xf32>
    %sub3A_13 = arith.subf %get3A_1, %sub3A_12 : vector<10000x1xf32>
    %log3A = math.log %reduce_sum3A_10 : f32
    %sub3A_14 = vector.broadcast %log3A : f32 to vector<10000x1xf32>
    %sub3A_15 = arith.subf %sub3A_13, %sub3A_14 : vector<10000x1xf32>
    %mul3A = arith.mulf %div3A_11, %sub3A_15 : vector<10000x1xf32>
    %reduce_sum3A_16 = vector.shape_cast %mul3A : vector<10000x1xf32> to vector<1x10000x1xf32>
    %reduce_sum3A_17 = arith.constant dense<0.000000e+00> : vector<1xf32>
    %reduce_sum3A_18 = vector.multi_reduction <add>, %reduce_sum3A_16, %reduce_sum3A_17 [1, 2] : vector<1x10000x1xf32> to vector<1xf32>
    %reduce_sum3A_19 = vector.shape_cast %reduce_sum3A_18 : vector<1xf32> to vector<1x1x1xf32>
    %reduce_sum3A_20 = vector.extract %reduce_sum3A_19[0, 0, 0] : f32 from vector<1x1x1xf32>
    %neg3A = arith.constant 0.000000e+00 : f32
    %neg3A_21 = arith.subf %neg3A, %reduce_sum3A_20 : f32
    %add3A = vector.broadcast %neg3A_21 : f32 to vector<10000x1xf32>
    %add3A_22 = arith.addf %sub3A_15, %add3A : vector<10000x1xf32>
    %mul3A_23 = arith.mulf %div3A_11, %add3A_22 : vector<10000x1xf32>
    %swap3A = arith.constant 0 : index
    %swap3A_24 = arith.constant 0 : index
    %swap3A_25 = vector.load %arg2[%swap3A, %swap3A_24] : memref<10000x1xf32, #tpu.memory_space<vmem>>, vector<10000x1xf32>
    tpu.vector_store %arg2[%swap3A, %swap3A_24], %mul3A_23 {strides = array<i32>} : memref<10000x1xf32, #tpu.memory_space<vmem>>, vector<10000x1xf32>,
    %get3A_26 = arith.constant 0 : index
    %get3A_27 = arith.constant 0 : index
    %get3A_28 = vector.load %arg1[%get3A_26, %get3A_27] : memref<10000x128xf32, #tpu.memory_space<vmem>>, vector<10000x128xf32>
    %mul3A_29 = vector.broadcast %mul3A_23 : vector<10000x1xf32> to vector<10000x128xf32>
    %mul3A_30 = arith.mulf %mul3A_29, %get3A_28 : vector<10000x128xf32>
    %swap3A_31 = arith.constant 0 : index
    %swap3A_32 = arith.constant 0 : index
    %swap3A_33 = vector.load %arg3[%swap3A_31, %swap3A_32] : memref<10000x128xf32, #tpu.memory_space<vmem>>, vector<10000x128xf32>
    tpu.vector_store %arg3[%swap3A_31, %swap3A_32], %mul3A_30 {strides = array<i32>} : memref<10000x128xf32, #tpu.memory_space<vmem>>, vector<10000x128xf32>,
    return
  }
}

module attributes {stable_mosaic.version = 14 : i64} {
  func.func @_k4a_body(%arg0: i32, %arg1: memref<1000x128xf32, #tpu.memory_space<vmem>>, %arg2: memref<1000x128xf32, #tpu.memory_space<vmem>>, %arg3: memref<1000x128xf32, #tpu.memory_space<vmem>>, %arg4: memref<1000x1xf32, #tpu.memory_space<vmem>>, %arg5: memref<1000x1xf32, #tpu.memory_space<vmem>>, %arg6: memref<1000x1xf32, #tpu.memory_space<vmem>>, %arg7: memref<1000x1xf32, #tpu.memory_space<vmem>>, %arg8: memref<1000x1xf32, #tpu.memory_space<vmem>>, %arg9: memref<1x1xf32, #tpu.memory_space<vmem>>, %arg10: memref<1000x1xf32, #tpu.memory_space<vmem>>, %arg11: memref<1000x128xf32, #tpu.memory_space<vmem>>) attributes {dimension_semantics = [#tpu.dimension_semantics<arbitrary>], iteration_bounds = array<i64: 10>, scalar_prefetch = 0 : i64, scratch_operands = 0 : i64, tpu.core_type = #tpu.core_type<tc>, window_params = [{transform_indices = @transform_0, window_bounds = array<i64: 1000, 128>}, {transform_indices = @transform_1, window_bounds = array<i64: 1000, 128>}, {transform_indices = @transform_2, window_bounds = array<i64: 1000, 128>}, {transform_indices = @transform_3, window_bounds = array<i64: 1000, 1>}, {transform_indices = @transform_4, window_bounds = array<i64: 1000, 1>}, {transform_indices = @transform_5, window_bounds = array<i64: 1000, 1>}, {transform_indices = @transform_6, window_bounds = array<i64: 1000, 1>}, {transform_indices = @transform_7, window_bounds = array<i64: 1000, 1>}, {pipeline_mode = #tpu.pipeline_mode<synchronous>, transform_indices = @transform_8, window_bounds = array<i64: 1, 1>}, {transform_indices = @transform_9, window_bounds = array<i64: 1000, 1>}, {transform_indices = @transform_10, window_bounds = array<i64: 1000, 128>}]} {
    %get3A = arith.constant 0 : index
    %get3A_0 = arith.constant 0 : index
    %get3A_1 = vector.load %arg2[%get3A, %get3A_0] : memref<1000x128xf32, #tpu.memory_space<vmem>>, vector<1000x128xf32>
    %get3A_2 = arith.constant 0 : index
    %get3A_3 = arith.constant 0 : index
    %get3A_4 = vector.load %arg3[%get3A_2, %get3A_3] : memref<1000x128xf32, #tpu.memory_space<vmem>>, vector<1000x128xf32>
    %add3A = arith.addf %get3A_1, %get3A_4 : vector<1000x128xf32>
    %get3A_5 = arith.constant 0 : index
    %get3A_6 = arith.constant 0 : index
    %get3A_7 = vector.load %arg4[%get3A_5, %get3A_6] : memref<1000x1xf32, #tpu.memory_space<vmem>>, vector<1000x1xf32>
    %get3A_8 = arith.constant 0 : index
    %get3A_9 = arith.constant 0 : index
    %get3A_10 = vector.load %arg5[%get3A_8, %get3A_9] : memref<1000x1xf32, #tpu.memory_space<vmem>>, vector<1000x1xf32>
    %add3A_11 = arith.addf %get3A_7, %get3A_10 : vector<1000x1xf32>
    %get3A_12 = arith.constant 0 : index
    %get3A_13 = arith.constant 0 : index
    %get3A_14 = vector.load %arg1[%get3A_12, %get3A_13] : memref<1000x128xf32, #tpu.memory_space<vmem>>, vector<1000x128xf32>
    %mul3A = arith.mulf %get3A_14, %add3A : vector<1000x128xf32>
    %reduce_sum3A = arith.constant dense<0.000000e+00> : vector<1000xf32>
    %reduce_sum3A_15 = vector.multi_reduction <add>, %mul3A, %reduce_sum3A [1] : vector<1000x128xf32> to vector<1000xf32>
    %broadcast_in_dim3A = vector.shape_cast %reduce_sum3A_15 : vector<1000xf32> to vector<1000x1xf32>
    %mul3A_16 = arith.constant 5.000000e-01 : f32
    %mul3A_17 = vector.broadcast %mul3A_16 : f32 to vector<1000x1xf32>
    %mul3A_18 = arith.mulf %mul3A_17, %add3A_11 : vector<1000x1xf32>
    %get3A_19 = arith.constant 0 : index
    %get3A_20 = arith.constant 0 : index
    %get3A_21 = vector.load %arg6[%get3A_19, %get3A_20] : memref<1000x1xf32, #tpu.memory_space<vmem>>, vector<1000x1xf32>
    %mul3A_22 = arith.mulf %mul3A_18, %get3A_21 : vector<1000x1xf32>
    %get3A_23 = arith.constant 0 : index
    %get3A_24 = arith.constant 0 : index
    %get3A_25 = vector.load %arg7[%get3A_23, %get3A_24] : memref<1000x1xf32, #tpu.memory_space<vmem>>, vector<1000x1xf32>
    %get3A_26 = arith.constant 0 : index
    %get3A_27 = arith.constant 0 : index
    %get3A_28 = vector.load %arg8[%get3A_26, %get3A_27] : memref<1000x1xf32, #tpu.memory_space<vmem>>, vector<1000x1xf32>
    %add3A_29 = arith.addf %get3A_25, %get3A_28 : vector<1000x1xf32>
    %mul3A_30 = arith.constant 5.000000e-01 : f32
    %mul3A_31 = vector.broadcast %mul3A_30 : f32 to vector<1000x1xf32>
    %mul3A_32 = arith.mulf %mul3A_31, %add3A_29 : vector<1000x1xf32>
    %add3A_33 = arith.addf %mul3A_22, %mul3A_32 : vector<1000x1xf32>
    %sub3A = arith.subf %add3A_33, %broadcast_in_dim3A : vector<1000x1xf32>
    %neg3A = arith.constant 0.000000e+00 : f32
    %neg3A_34 = vector.broadcast %neg3A : f32 to vector<1000x1xf32>
    %neg3A_35 = arith.subf %neg3A_34, %sub3A : vector<1000x1xf32>
    %get3A_36 = arith.constant 0 : index
    %get3A_37 = arith.constant 0 : index
    %get3A_38 = vector.load %arg9[%get3A_36, %get3A_37] : memref<1x1xf32, #tpu.memory_space<vmem>>, vector<1x1xf32>
    %div3A = vector.broadcast %get3A_38 : vector<1x1xf32> to vector<1000x1xf32>
    %div3A_39 = arith.divf %neg3A_35, %div3A : vector<1000x1xf32>
    %swap3A = arith.constant 0 : index
    %swap3A_40 = arith.constant 0 : index
    %swap3A_41 = vector.load %arg10[%swap3A, %swap3A_40] : memref<1000x1xf32, #tpu.memory_space<vmem>>, vector<1000x1xf32>
    tpu.vector_store %arg10[%swap3A, %swap3A_40], %div3A_39 {strides = array<i32>} : memref<1000x1xf32, #tpu.memory_space<vmem>>, vector<1000x1xf32>,
    %swap3A_42 = arith.constant 0 : index
    %swap3A_43 = arith.constant 0 : index
    %swap3A_44 = vector.load %arg11[%swap3A_42, %swap3A_43] : memref<1000x128xf32, #tpu.memory_space<vmem>>, vector<1000x128xf32>
    tpu.vector_store %arg11[%swap3A_42, %swap3A_43], %add3A {strides = array<i32>} : memref<1000x128xf32, #tpu.memory_space<vmem>>, vector<1000x128xf32>,
    return
  }
  func.func @transform_0(%arg0: i32) -> (i32, i32) {
    %c0_i32 = arith.constant 0 : i32
    %c0_i32_0 = arith.constant 0 : i32
    return %arg0, %c0_i32 : i32, i32
  }
  func.func @transform_1(%arg0: i32) -> (i32, i32) {
    %c0_i32 = arith.constant 0 : i32
    %c0_i32_0 = arith.constant 0 : i32
    return %arg0, %c0_i32 : i32, i32
  }
  func.func @transform_2(%arg0: i32) -> (i32, i32) {
    %c0_i32 = arith.constant 0 : i32
    %c0_i32_0 = arith.constant 0 : i32
    return %arg0, %c0_i32 : i32, i32
  }
  func.func @transform_3(%arg0: i32) -> (i32, i32) {
    %c0_i32 = arith.constant 0 : i32
    %c0_i32_0 = arith.constant 0 : i32
    return %arg0, %c0_i32 : i32, i32
  }
  func.func @transform_4(%arg0: i32) -> (i32, i32) {
    %c0_i32 = arith.constant 0 : i32
    %c0_i32_0 = arith.constant 0 : i32
    return %arg0, %c0_i32 : i32, i32
  }
  func.func @transform_5(%arg0: i32) -> (i32, i32) {
    %c0_i32 = arith.constant 0 : i32
    %c0_i32_0 = arith.constant 0 : i32
    return %arg0, %c0_i32 : i32, i32
  }
  func.func @transform_6(%arg0: i32) -> (i32, i32) {
    %c0_i32 = arith.constant 0 : i32
    %c0_i32_0 = arith.constant 0 : i32
    return %arg0, %c0_i32 : i32, i32
  }
  func.func @transform_7(%arg0: i32) -> (i32, i32) {
    %c0_i32 = arith.constant 0 : i32
    %c0_i32_0 = arith.constant 0 : i32
    return %arg0, %c0_i32 : i32, i32
  }
  func.func @transform_8(%arg0: i32) -> (i32, i32) {
    %c0_i32 = arith.constant 0 : i32
    %c0_i32_0 = arith.constant 0 : i32
    %c0_i32_1 = arith.constant 0 : i32
    return %c0_i32, %c0_i32_0 : i32, i32
  }
  func.func @transform_9(%arg0: i32) -> (i32, i32) {
    %c0_i32 = arith.constant 0 : i32
    %c0_i32_0 = arith.constant 0 : i32
    return %arg0, %c0_i32 : i32, i32
  }
  func.func @transform_10(%arg0: i32) -> (i32, i32) {
    %c0_i32 = arith.constant 0 : i32
    %c0_i32_0 = arith.constant 0 : i32
    return %arg0, %c0_i32 : i32, i32
  }
}

module attributes {stable_mosaic.version = 14 : i64} {
  func.func @_k5_body(%arg0: i32, %arg1: memref<1000x128xf32, #tpu.memory_space<vmem>>, %arg2: memref<1000x1xf32, #tpu.memory_space<vmem>>, %arg3: memref<1000x1xf32, #tpu.memory_space<vmem>>, %arg4: memref<1000x1xf32, #tpu.memory_space<vmem>>, %arg5: memref<1000x128xf32, #tpu.memory_space<vmem>>, %arg6: memref<1000x1xf32, #tpu.memory_space<vmem>>, %arg7: memref<1000x1xf32, #tpu.memory_space<vmem>>, %arg8: memref<1000x128xf32, #tpu.memory_space<vmem>>, %arg9: memref<1000x128xf32, #tpu.memory_space<vmem>>, %arg10: memref<1x1xf32, #tpu.memory_space<vmem>>, %arg11: memref<1000x128xf32, #tpu.memory_space<vmem>>) attributes {dimension_semantics = [#tpu.dimension_semantics<arbitrary>], iteration_bounds = array<i64: 10>, scalar_prefetch = 0 : i64, scratch_operands = 0 : i64, tpu.core_type = #tpu.core_type<tc>, window_params = [{transform_indices = @transform_0, window_bounds = array<i64: 1000, 128>}, {transform_indices = @transform_1, window_bounds = array<i64: 1000, 1>}, {transform_indices = @transform_2, window_bounds = array<i64: 1000, 1>}, {transform_indices = @transform_3, window_bounds = array<i64: 1000, 1>}, {transform_indices = @transform_4, window_bounds = array<i64: 1000, 128>}, {transform_indices = @transform_5, window_bounds = array<i64: 1000, 1>}, {transform_indices = @transform_6, window_bounds = array<i64: 1000, 1>}, {transform_indices = @transform_7, window_bounds = array<i64: 1000, 128>}, {transform_indices = @transform_8, window_bounds = array<i64: 1000, 128>}, {pipeline_mode = #tpu.pipeline_mode<synchronous>, transform_indices = @transform_9, window_bounds = array<i64: 1, 1>}, {transform_indices = @transform_10, window_bounds = array<i64: 1000, 128>}]} {
    %get3A = arith.constant 0 : index
    %get3A_0 = arith.constant 0 : index
    %get3A_1 = vector.load %arg3[%get3A, %get3A_0] : memref<1000x1xf32, #tpu.memory_space<vmem>>, vector<1000x1xf32>
    %get3A_2 = arith.constant 0 : index
    %get3A_3 = arith.constant 0 : index
    %get3A_4 = vector.load %arg4[%get3A_2, %get3A_3] : memref<1000x1xf32, #tpu.memory_space<vmem>>, vector<1000x1xf32>
    %add3A = arith.addf %get3A_1, %get3A_4 : vector<1000x1xf32>
    %get3A_5 = arith.constant 0 : index
    %get3A_6 = arith.constant 0 : index
    %get3A_7 = vector.load %arg6[%get3A_5, %get3A_6] : memref<1000x1xf32, #tpu.memory_space<vmem>>, vector<1000x1xf32>
    %get3A_8 = arith.constant 0 : index
    %get3A_9 = arith.constant 0 : index
    %get3A_10 = vector.load %arg7[%get3A_8, %get3A_9] : memref<1000x1xf32, #tpu.memory_space<vmem>>, vector<1000x1xf32>
    %add3A_11 = arith.addf %get3A_7, %get3A_10 : vector<1000x1xf32>
    %get3A_12 = arith.constant 0 : index
    %get3A_13 = arith.constant 0 : index
    %get3A_14 = vector.load %arg1[%get3A_12, %get3A_13] : memref<1000x128xf32, #tpu.memory_space<vmem>>, vector<1000x128xf32>
    %get3A_15 = arith.constant 0 : index
    %get3A_16 = arith.constant 0 : index
    %get3A_17 = vector.load %arg2[%get3A_15, %get3A_16] : memref<1000x1xf32, #tpu.memory_space<vmem>>, vector<1000x1xf32>
    %mul3A = vector.broadcast %add3A : vector<1000x1xf32> to vector<1000x128xf32>
    %mul3A_18 = arith.mulf %mul3A, %get3A_14 : vector<1000x128xf32>
    %get3A_19 = arith.constant 0 : index
    %get3A_20 = arith.constant 0 : index
    %get3A_21 = vector.load %arg5[%get3A_19, %get3A_20] : memref<1000x128xf32, #tpu.memory_space<vmem>>, vector<1000x128xf32>
    %sub3A = arith.subf %mul3A_18, %get3A_21 : vector<1000x128xf32>
    %mul3A_22 = vector.broadcast %get3A_17 : vector<1000x1xf32> to vector<1000x128xf32>
    %mul3A_23 = arith.mulf %mul3A_22, %sub3A : vector<1000x128xf32>
    %mul3A_24 = vector.broadcast %add3A_11 : vector<1000x1xf32> to vector<1000x128xf32>
    %mul3A_25 = arith.mulf %mul3A_24, %get3A_14 : vector<1000x128xf32>
    %add3A_26 = arith.addf %mul3A_23, %mul3A_25 : vector<1000x128xf32>
    %get3A_27 = arith.constant 0 : index
    %get3A_28 = arith.constant 0 : index
    %get3A_29 = vector.load %arg8[%get3A_27, %get3A_28] : memref<1000x128xf32, #tpu.memory_space<vmem>>, vector<1000x128xf32>
    %get3A_30 = arith.constant 0 : index
    %get3A_31 = arith.constant 0 : index
    %get3A_32 = vector.load %arg9[%get3A_30, %get3A_31] : memref<1000x128xf32, #tpu.memory_space<vmem>>, vector<1000x128xf32>
    %add3A_33 = arith.addf %get3A_29, %get3A_32 : vector<1000x128xf32>
    %sub3A_34 = arith.subf %add3A_26, %add3A_33 : vector<1000x128xf32>
    %get3A_35 = arith.constant 0 : index
    %get3A_36 = arith.constant 0 : index
    %get3A_37 = vector.load %arg10[%get3A_35, %get3A_36] : memref<1x1xf32, #tpu.memory_space<vmem>>, vector<1x1xf32>
    %mul3A_38 = vector.broadcast %get3A_37 : vector<1x1xf32> to vector<1000x128xf32>
    %mul3A_39 = arith.mulf %mul3A_38, %sub3A_34 : vector<1000x128xf32>
    %add3A_40 = arith.addf %get3A_14, %mul3A_39 : vector<1000x128xf32>
    %swap3A = arith.constant 0 : index
    %swap3A_41 = arith.constant 0 : index
    %swap3A_42 = vector.load %arg11[%swap3A, %swap3A_41] : memref<1000x128xf32, #tpu.memory_space<vmem>>, vector<1000x128xf32>
    tpu.vector_store %arg11[%swap3A, %swap3A_41], %add3A_40 {strides = array<i32>} : memref<1000x128xf32, #tpu.memory_space<vmem>>, vector<1000x128xf32>,
    return
  }
  func.func @transform_0(%arg0: i32) -> (i32, i32) {
    %c0_i32 = arith.constant 0 : i32
    %c0_i32_0 = arith.constant 0 : i32
    return %arg0, %c0_i32 : i32, i32
  }
  func.func @transform_1(%arg0: i32) -> (i32, i32) {
    %c0_i32 = arith.constant 0 : i32
    %c0_i32_0 = arith.constant 0 : i32
    return %arg0, %c0_i32 : i32, i32
  }
  func.func @transform_2(%arg0: i32) -> (i32, i32) {
    %c0_i32 = arith.constant 0 : i32
    %c0_i32_0 = arith.constant 0 : i32
    return %arg0, %c0_i32 : i32, i32
  }
  func.func @transform_3(%arg0: i32) -> (i32, i32) {
    %c0_i32 = arith.constant 0 : i32
    %c0_i32_0 = arith.constant 0 : i32
    return %arg0, %c0_i32 : i32, i32
  }
  func.func @transform_4(%arg0: i32) -> (i32, i32) {
    %c0_i32 = arith.constant 0 : i32
    %c0_i32_0 = arith.constant 0 : i32
    return %arg0, %c0_i32 : i32, i32
  }
  func.func @transform_5(%arg0: i32) -> (i32, i32) {
    %c0_i32 = arith.constant 0 : i32
    %c0_i32_0 = arith.constant 0 : i32
    return %arg0, %c0_i32 : i32, i32
  }
  func.func @transform_6(%arg0: i32) -> (i32, i32) {
    %c0_i32 = arith.constant 0 : i32
    %c0_i32_0 = arith.constant 0 : i32
    return %arg0, %c0_i32 : i32, i32
  }
  func.func @transform_7(%arg0: i32) -> (i32, i32) {
    %c0_i32 = arith.constant 0 : i32
    %c0_i32_0 = arith.constant 0 : i32
    return %arg0, %c0_i32 : i32, i32
  }
  func.func @transform_8(%arg0: i32) -> (i32, i32) {
    %c0_i32 = arith.constant 0 : i32
    %c0_i32_0 = arith.constant 0 : i32
    return %arg0, %c0_i32 : i32, i32
  }
  func.func @transform_9(%arg0: i32) -> (i32, i32) {
    %c0_i32 = arith.constant 0 : i32
    %c0_i32_0 = arith.constant 0 : i32
    %c0_i32_1 = arith.constant 0 : i32
    return %c0_i32, %c0_i32_0 : i32, i32
  }
  func.func @transform_10(%arg0: i32) -> (i32, i32) {
    %c0_i32 = arith.constant 0 : i32
    %c0_i32_0 = arith.constant 0 : i32
    return %arg0, %c0_i32 : i32, i32
  }
}

</mosaic_0001>

<sc_bundles>
// kernel: kernel.12.cloned.1.call-start
scs
__scs_entry_jumppad:
0x0: {  	(pc) =	sbr.rel $0x88, $3  }
0x1: {  	(tag) =	ssettag $0x0;
	lr =	simm.s32 $0x1  }
0x2: {  	[smem:$0x3F9B] =	sst lr;
	_ =	strace $0xD0000000  }
0x3: {  	_ = 	snop  }
0x4: {  	_ = 	snop  }
0x5: {  	_ = 	snop  }
0x6: {  	_ = 	snop  }
0x7: {  	_ = 	snop  }
__scs_overlays_trampoline_lowered:
0x8: {  	[smem:$0x3FAA] =	sst s0  }
0x9: {  	[smem:$0x3FAB] =	sst s1  }
0xa: {  	[smem:$0x3FAC] =	sst s2  }
0xb: {  	[smem:$0x3FAD] =	sst s3  }
0xc: {  	[smem:$0x3FAE] =	sst s4  }
0xd: {  	[smem:$0x3FAF] =	sst s5  }
0xe: {  	[smem:$0x3FB0] =	sst s6  }
0xf: {  	[smem:$0x3FB1] =	sst s7  }
0x10: {  	[smem:$0x3FB2] =	sst s8  }
0x11: {  	[smem:$0x3FB3] =	sst s9;
	s0 =	simm.s32 @!p0 $0x0  }
0x12: {  	s1 =	sld [smem:$0x3F99];
	s0 =	simm.s32 @p0 $0x1  }
0x13: {  	[smem:$0x3FB4] =	sst s0;
	s0 =	simm.s32 @!p1 $0x0  }
0x14: {  	s2 =	sld [smem:$0x3F98];
	s0 =	simm.s32 @p1 $0x1  }
0x15: {  	[smem:$0x3FB5] =	sst s0;
	s0 =	simm.s32 @!p2 $0x0  }
0x16: {  	s3 =	sld [smem:$0x3FDB];
	s0 =	simm.s32 @p2 $0x1  }
0x17: {  	s4 =	simm.s32 $0x1BF5;
	[smem:$0x3FB7] =	sst s0  }
0x18: {  	s0 =	sld [smem:$0x3F9A];
	_ =	swait.ge [sflag:s4], $0x0  }
0x19: {  	s7 =	sld [smem:$0x3F9B]  }
0x1a: {  	s8 =	sadd.s32 $0xFFFFE003, lr  }
0x1b: {  	s9 =	sadd.s32 $0xFFFFFEF7, lr;
	s5 =	simm.s32 $0xFFFFFFFF;
	p2 =	slt.u32 s8, $0xFFFFF086  }
0x1c: {  	p1 =	slt.u32 s9, $0xF7A;
	s5 =	simm.s32 @!p2 $0x0  }
0x1d: {  	s5 =	simm.s32 @p1 $0x1;
	p0 =	seq.s32 s7, s2  }
0x1e: {  	s7 =	smul.u32 @!p0 $0xF7A, s2;
	p2 =	seq.s32 @!p0 s5, $0x0  }
0x1f: {  	s9 =	smul.u32 $0xF7A, s1;
	s8 =	simm.s32 @!p0 $0x1BF5;
	p2 =	por !p2, p0  }
0x20: {  	[sflag:s8] =	ssyncset.s32 @!p0 $0xFFFFF086;
	s6 =	sadd.s32 @!p0 s3, s7;
	s7 =	simm.s32 @!p0 $0x108  }
0x21: {  	s3 =	sadd.s32 s3, s9;
	s6 =	sadd.s32 @!p0 $0x88, s6;
	s7 =	simm.s32 @p2 $0x1082  }
0x22: {  	[simem:s7], [sflag:s8] =	dma.local @!p0 [hbm:s6], $0xF7A  }
0x23: {  	s9 =	sor.u32 $0xD0000000, s2;
	s6 =	simm.s32 $0x108;
	_ =	swait.ge @!p0 [sflag:s8], $0x0  }
0x24: {  	s3 =	sadd.s32 $0x88, s3;
	s6 =	simm.s32 @!p1 $0x1082;
	[sflag:s4] =	ssyncset.s32 $0xFFFFF086  }
0x25: {  	[simem:s6], [sflag:s4] =	dma.local [hbm:s3], $0xF7A  }
0x26: {  	[smem:$0x3F9B] =	sst s1;
	(tag) =	ssettag s2;
	_ =	strace s9  }
0x27: {  	s1 =	sld [smem:$0x3FAB]  }
0x28: {  	s2 =	sld [smem:$0x3FAC]  }
0x29: {  	s4 =	sld [smem:$0x3FAE]  }
0x2a: {  	p0 =	seq.s32 s5, $0x0;
	s5 =	sld [smem:$0x3FAF]  }
0x2b: {  	s6 =	sld [smem:$0x3FB0]  }
0x2c: {  	s7 =	sld [smem:$0x3FB1]  }
0x2d: {  	s3 =	simm.s32 $0x108;
	s8 =	sld [smem:$0x3FB2]  }
0x2e: {  	s3 =	simm.s32 @!p0 $0x1082;
	s9 =	sld [smem:$0x3FB3]  }
0x2f: {  	lr =	sadd.s32 s0, s3;
	s0 =	sld [smem:$0x3FAA]  }
0x30: {  	s3 =	sld [smem:$0x3FAD]  }
0x31: {  	[smem:$0x3FB6] =	sst s10  }
0x32: {  	s10 =	sld [smem:$0x3FB4];
	_ =	sdelay $0x3  }
0x33: {  	p0 =	seq.s32 s10, $0x1;
	s10 =	sld [smem:$0x3FB6];
	_ =	sdelay $0x3  }
0x34: {  	[smem:$0x3FB6] =	sst s10  }
0x35: {  	s10 =	sld [smem:$0x3FB5];
	_ =	sdelay $0x3  }
0x36: {  	p1 =	seq.s32 s10, $0x1;
	s10 =	sld [smem:$0x3FB6];
	_ =	sdelay $0x3  }
0x37: {  	[smem:$0x3FB6] =	sst s10  }
0x38: {  	s10 =	sld [smem:$0x3FB7]  }
0x39: {  	_ = 	snop;
	(pc) =	sbr.ind lr, $3  }
0x3a: {  	_ = 	snop  }
0x3b: {  	_ = 	snop  }
0x3c: {  	p2 =	seq.s32 s10, $0x1;
	s10 =	sld [smem:$0x3FB6]  }
0x3d: {  	_ =	shalt  }
0x3e: {  	_ =	shalt  }
0x3f: {  	_ =	shalt  }
0x40: {  	_ =	shalt  }
0x41: {  	_ =	shalt  }
0x42: {  	_ =	shalt  }
0x43: {  	_ =	shalt  }
0x44: {  	_ =	shalt  }
0x45: {  	_ =	shalt  }
0x46: {  	_ =	shalt  }
0x47: {  	_ =	shalt  }
0x48: {  	_ =	shalt  }
0x49: {  	_ =	shalt  }
0x4a: {  	_ =	shalt  }
0x4b: {  	_ =	shalt  }
0x4c: {  	_ =	shalt  }
0x4d: {  	_ =	shalt  }
0x4e: {  	_ =	shalt  }
0x4f: {  	_ =	shalt  }
0x50: {  	_ =	shalt  }
0x51: {  	_ =	shalt  }
0x52: {  	_ =	shalt  }
0x53: {  	_ =	shalt  }
0x54: {  	_ =	shalt  }
0x55: {  	_ =	shalt  }
0x56: {  	_ =	shalt  }
0x57: {  	_ =	shalt  }
0x58: {  	_ =	shalt  }
0x59: {  	_ =	shalt  }
0x5a: {  	_ =	shalt  }
0x5b: {  	_ =	shalt  }
0x5c: {  	_ =	shalt  }
0x5d: {  	_ =	shalt  }
0x5e: {  	_ =	shalt  }
0x5f: {  	_ =	shalt  }
0x60: {  	_ =	shalt  }
0x61: {  	_ =	shalt  }
0x62: {  	_ =	shalt  }
0x63: {  	_ =	shalt  }
0x64: {  	_ =	shalt  }
0x65: {  	_ =	shalt  }
0x66: {  	_ =	shalt  }
0x67: {  	_ =	shalt  }
0x68: {  	_ =	shalt  }
0x69: {  	_ =	shalt  }
0x6a: {  	_ =	shalt  }
0x6b: {  	_ =	shalt  }
0x6c: {  	_ =	shalt  }
0x6d: {  	_ =	shalt  }
0x6e: {  	_ =	shalt  }
0x6f: {  	_ =	shalt  }
0x70: {  	_ =	shalt  }
0x71: {  	_ =	shalt  }
0x72: {  	_ =	shalt  }
0x73: {  	_ =	shalt  }
0x74: {  	_ =	shalt  }
0x75: {  	_ =	shalt  }
0x76: {  	_ =	shalt  }
0x77: {  	_ =	shalt  }
0x78: {  	_ =	shalt  }
0x79: {  	_ =	shalt  }
0x7a: {  	_ =	shalt  }
0x7b: {  	_ =	shalt  }
0x7c: {  	_ =	shalt  }
0x7d: {  	_ =	shalt  }
0x7e: {  	_ =	shalt  }
0x7f: {  	_ =	shalt  }
0x80: {  	_ =	shalt  }
0x81: {  	_ =	shalt  }
0x82: {  	_ =	shalt  }
0x83: {  	_ =	shalt  }
0x84: {  	_ =	shalt  }
0x85: {  	_ =	shalt  }
0x86: {  	_ =	shalt  }
0x87: {  	_ =	shalt  }
.Lfunc_end0:
.L_simem_size_0:
called_computation_lowered:
.L_overlay_start_0:
0x88: {  	s2 =	sld [smem:$0x3FD9]  }
0x89: {  	s3 =	sld [smem:$0x3FFE];
	_ =	sdelay $0x1  }
0x8a: {  	s1 =	srdreg.scid  }
0x8b: {  	s0 =	sand.u32 $0x1, s1  }
0x8c: {  	s16 =	sshll.u32 s0, $0xA;
	s2 =	sadd.s32 s3, s2  }
0x8d: {  	s2 =	sadd.s32 s2, s16  }
0x8e: {  	[smem:$0x3FC2] =	sst s2  }
0x8f: {  	_ = 	snop  }
0x90: {  	(tm) =	ssettm $0x1  }
0x91: {  	s17 =	sld [smem:$0x3FFB];
	_ =	sdelay $0x3  }
0x92: {  	_ =	strace s17  }
0x93: {  	s2 =	sld [smem:$0x3FFC];
	_ =	sdelay $0x3  }
0x94: {  	_ =	strace s2  }
0x95: {  	s2 =	sld [smem:$0x3FFD];
	_ =	sdelay $0x3  }
0x96: {  	_ =	strace s2  }
0x97: {  	_ =	strace $0x8FFFFFFF  }
0x98: {  	s18 =	sld [smem:$0x3FDB];
	_ =	sdelay $0x1  }
0x99: {  	s19 =	simm.s32 $_scs_section_size  }
0x9a: {  	s4 =	simm.s32 $_size__tile_overlayer_lowered;
	s5 =	simm.s32 $_tile_overlayer_lowered  }
0x9b: {  	s22 =	simm.s32 $0x1BFF;
	s21 =	sshll.u32 s5, $0x1;
	s2 =	sadd.s32 s19, s18  }
0x9c: {  	s6 =	simm.s32 $0x0;
	s20 =	sshll.u32 s4, $0x1;
	s4 =	sadd.s32 s21, s2  }
0x9d: {  	[timem:s6], [sflag:s22] =	dma.local [hbm:s4], s20  }
0x9e: {  	_ =	swait.ge [sflag:s22], s20  }
0x9f: {  	s3 =	ssub.s32 $0x0, s20;
	[sflag:s22] =	ssyncset.done $0x0  }
0xa0: {  	[sflag:s22] =	ssyncadd.s32 s3;
	_ =	sdelay $0x1  }
0xa1: {  	s23 =	simm.s32 $0x1B8B  }
0xa2: {  	_ =	swait.ge [sflag:s23], $0x1  }
0xa3: {  	[sflag:s23] =	ssyncset.done $0x0  }
0xa4: {  	s25 =	simm.s32 $0x1B8E;
	s24 =	sld [smem:$0x3FFE];
	[sflag:s23] =	ssyncadd.s32 $0xFFFFFFFF  }
0xa5: {  	s26 =	simm.s32 $execute0_lowered;
	[smem:$0x3FD2] =	sst s25  }
0xa6: {  	s4 =	sshll.u32 s26, $0x1;
	_ =	strace $0x80000046;
	[dreg:$0x1] =	wrdreg $0xFFFFFFFF  }
0xa7: {  	s28 =	simm.s32 $_size_execute0_lowered;
	s2 =	sadd.s32 s2, s4;
	[dreg:$0x0] =	wrdreg $0x0  }
0xa8: {  	s4 =	sshll.u32 s28, $0x1;
	[dreg:$0x2] =	wrdreg s2  }
0xa9: {  	[dreg:$0x3] =	wrdreg s4  }
0xaa: {  	[dreg:$0x4] =	wrdreg $0xC0  }
0xab: {  	_ =	task [dreg:s6], $0x5FFFF  }
0xac: {  	[dreg:$0x1] =	wrdreg $0xFFFFFFFF  }
0xad: {  	[dreg:$0x0] =	wrdreg $0x60  }
0xae: {  	[dreg:$0x2] =	wrdreg s24  }
0xaf: {  	[dreg:$0x3] =	wrdreg $0x28800  }
0xb0: {  	[dreg:$0x4] =	wrdreg $0x9  }
0xb1: {  	_ =	task.clear_ibuf [dreg:s6], $0x5FFFF;
	_ =	strace $0x90000046  }
0xb2: {  	s29 =	simm.s32 $0x9;
	_ =	strace $0x80000048  }
0xb3: {  	_ =	swait.ge [sflag:s29], $0x1  }
0xb4: {  	[sflag:s29] =	ssyncadd.s32 $0xFFFFFFFF  }
0xb5: {  	_ =	strace $0x90000048  }
0xb6: {  	_ =	sfence  }
0xb7: {  	s30 =	sld [smem:$0x0];
	_ =	sdelay $0x2  }
0xb8: {  	s31 =	sshll.u32 s1, $0xD;
	s1 =	sshrl.u32 s1, $0x2  }
0xb9: {  	s3 =	sand.u32 $0x4000, s31;
	s1 =	sadd.s32 s1, s30  }
0xba: {  	s0 =	sor.u32 s3, s0;
	s1 =	sshll.u32 s1, $0x11  }
0xbb: {  	s0 =	sor.u32 s1, s0  }
0xbc: {  	s0 =	sadd.s32 $0x8F2B, s0  }
0xbd: {  	[sflag:s0] =	ssyncadd.remote.s32 $0x1  }
0xbe: {  	_ =	sfence.sel $0xFFFF  }
0xbf: {  	[dreg:$0x0] =	wrdreg $0xFFFFFFFF;
	(pc) =	sbr.abs _section_cstart, $3  }
0xc0: {  	[dreg:$0x1] =	wrdreg $0xFFFFFFFF  }
0xc1: {  	_ =	task.clear_ibuf [dreg:s6], $0x2FFFF;
	_ =	strace $0x9FFFFFFF  }
0xc2: {  	(tm) =	ssettm $0x7FFFFFFF  }
0xc3: {  	_ =	shalt  }
tec
execute0_lowered:
.L_overlay_start_1:
0x0: {  	(tag) =	ssettag $0x1  }
0x1: {  	s0 =	srdreg.scid;
	s6 =	rddreg [dreg:$0x0]  }
0x2: {  	s2 =	rddreg [dreg:$0x1];
	s3 =	simm.s32 $0x0;
	s13 =	simm.s32 $0x80  }
0x3: {  	s14 =	simm.s32 $0x20;
	s15 =	simm.s32 $0x10;
	s16 =	simm.s32 $0x0  }
0x4: {  	s5 =	sand.u32 $0x1, s0;
	s0 =	stileid.u32;
	[smem:$0x7FF] =	sst s3  }
0x5: {  	s1 =	sshll.u32 s5, $0x4;
	s7 =	smul.u32 $0x500, s0;
	s8 =	sshll.u32 s5, $0x7  }
0x6: {  	s28 =	ssub.s32 $0x2, s5;
	s10 =	smul.u32 $0xA00, s0;
	s5 =	sadd.s32 $0x2D600, s6  }
0x7: {  	s31 =	sshll.u32 s0, $0x6;
	s4 =	sor.u32 s0, s1;
	s1 =	rddreg [dreg:$0x2]  }
0x8: {  	_ =	strace $0x80000047;
	s29 =	sshrl.u32 s28, $0x1;
	s4 =	smul.u32 $0x500, s4  }
0x9: {  	s7 =	sor.u32 s8, s7;
	s12 =	ssub.s32 s28, s29;
	s30 =	sshrl.u32 s10, $0x2  }
0xa: {  	s7 =	sshrl.u32 s7, $0x3;
	s10 =	sadd.s32 s30, s2;
	s9 =	sadd.s32 s4, s6  }
0xb: {  	s4 =	sadd.s32 $0x2D400, s6;
	s11 =	sadd.s32 s7, s6;
	s6 =	sor.u32 $0x1C01, s31  }
0xc: {  	s10 =	sshrl.u32 s10, $0x3;
	s7 =	sadd.s32 $0xF400, s9;
	s8 =	sadd.s32 $0x2D800, s11  }
0xd: {  	s9 =	smax.u32 s12, $0x1;
	s11 =	simm.s32 $0x1;
	s12 =	simm.s32 $0x2800  }
.LBB2_1:
0xe: {  	[spmem:s10], [sflag:s6] =	dma.local [hbm:s4], $0x50  }
0xf: {  	_ =	swait.ge [sflag:s11], $0x50  }
0x10: {  	[sflag:s11] =	ssyncset.done $0x0  }
0x11: {  	[sflag:s11] =	ssyncadd.s32 $0xFFFFFFB0  }
0x12: {  	[tilespmem:s3], [sflag:$0x1] =	stream.linear.gather [hbm4b:s7+s3], $0x2800, $0x38;
	[tilespmem:$0x2B00] =	vst v63  }
0x13: {  	_ =	swait.ge [sflag:s11], $0x2800  }
0x14: {  	[sflag:s11] =	ssyncset.done $0x0  }
0x15: {  	[sflag:s11] =	ssyncadd.s32 $0xFFFFD800  }
0x16: {  	[tilespmem:s12], [sflag:$0x1] =	stream.linear.gather [hbm4b:s5+s3], $0x80, $0x38;
	[tilespmem:$0x2B00] =	vst v63  }
0x17: {  	_ =	swait.ge [sflag:s11], $0x80  }
0x18: {  	[sflag:s11] =	ssyncset.done $0x0  }
0x19: {  	[sflag:s11] =	ssyncadd.s32 $0xFFFFFF80  }
0x1a: {  	s17 =	simm.s32 $0x0;
	[bflag:$0x0] =	sbarrier.arrive $0xFFFF  }
0x1b: {  	[spmem:s2] =	stream.indirect.scatter.add.f32 [tilespmem:s12], [sflag:$0x1], $0x1, s17, s13, $0xb8;
	[tilespmem:$0x2B00] =	vst v63  }
0x1c: {  	_ =	swait.ge [sflag:s11], $0x80  }
0x1d: {  	s17 =	simm.s32 $0x200;
	[sflag:s11] =	ssyncset.done $0x0  }
.LBB2_2:
0x1e: {  	s18 =	sshra.s32 s17, $0x2;
	[sflag:s11] =	ssyncadd.s32 $0xFFFFFF80;
	p0 =	sne.s32 s17, $0x9E00  }
0x1f: {  	[spmem:s2] =	stream.indirect.scatter.add.f32 [tilespmem:s12], [sflag:$0x1], $0x1, s18, s13, $0xb8;
	[tilespmem:$0x2B00] =	vst v63  }
.Ltmp0:
0x20: {  	_ = 	snop;
	(pc) =	sbr.rel @p0 .LBB2_2-.Ltmp0, $4  }
0x21: {  	_ = 	snop  }
0x22: {  	s17 =	sadd.s32 $0x200, s17  }
0x23: {  	_ =	swait.ge [sflag:s11], $0x80  }
0x24: {  	[sflag:s11] =	ssyncset.done $0x0  }
0x25: {  	s16 =	sadd.s32 $0x1, s16  }
0x26: {  	[sflag:s11] =	ssyncadd.s32 $0xFFFFFF80;
	p0 =	sne.s32 s16, s9  }
.Ltmp1:
0x27: {  	[bflag:$0x0] =	sbarrier.arrive $0xFFFF;
	(pc) =	sbr.rel @p0 .LBB2_1-.Ltmp1, $4  }
0x28: {  	[hbm:s8@s14], [sflag:s6] =	dma.strided [spmem:s10@s15], $0x50, s11, $0x10   }
0x29: {  	_ =	swait.ge [sflag:s11], $0x50  }
0x2a: {  	[sflag:s11] =	ssyncset.done $0x0  }
0x2b: {  	[sflag:s11] =	ssyncadd.s32 $0xFFFFFFB0  }
0x2c: {  	_ =	sfence.sel $0x180000  }
0x2d: {  	[bflag:$0x0] =	sbarrier.arrive $0xFFFF  }
0x2e: {  	p0 =	sne.s32 s0, $0x0;
	_ =	strace $0x90000047  }
0x2f: {  	s0 =	sadd.s32 @!p0 $0x100000, s1;
	[bflag:$0x2] =	sbarrier.arrive $0xFFFF  }
0x30: {  	[sflag:s0] =	ssyncadd.tile.s32 @!p0 $0x1;
	_ =	shalt  }
.Lfunc_end2:
_tile_overlayer_lowered:
.L_overlay_start_2:
0x31: {  	(tag) =	ssettag $0x2  }
0x32: {  	s0 =	rddreg [dreg:$0x0];
	s2 =	stileid.u32  }
0x33: {  	s1 =	rddreg [dreg:$0x1];
	p0 =	sne.s32 s2, $0x0  }
0x34: {  	s3 =	rddreg [dreg:$0x2];
	[bflag:$0x3] =	sbarrier.arrive $0xFFFF;
	s2 =	simm.s32 @!p0 $0x1C01  }
0x35: {  	[timem:s3], [sflag:s2] =	dma.local @!p0 [hbm:s0], s1  }
0x36: {  	s0 =	simm.s32 @!p0 $0x1  }
0x37: {  	_ =	swait.ge @!p0 [sflag:s0], s1  }
0x38: {  	s1 =	ssub.s32 @!p0 $0x0, s1;
	[sflag:s0] =	ssyncset.done @!p0 $0x0  }
0x39: {  	[sflag:s0] =	ssyncadd.s32 @!p0 s1  }
0x3a: {  	[bflag:$0x3] =	sbarrier.arrive $0xFFFF  }
0x3b: {  	_ =	shalt  }

// kernel: kernel.15.cloned.1.call-start
scs
__scs_entry_jumppad:
0x0: {  	(pc) =	sbr.rel $0x88, $3  }
0x1: {  	(tag) =	ssettag $0x0;
	lr =	simm.s32 $0x1  }
0x2: {  	[smem:$0x3F9B] =	sst lr;
	_ =	strace $0xD0000000  }
0x3: {  	_ = 	snop  }
0x4: {  	_ = 	snop  }
0x5: {  	_ = 	snop  }
0x6: {  	_ = 	snop  }
0x7: {  	_ = 	snop  }
__scs_overlays_trampoline_lowered:
0x8: {  	[smem:$0x3FAA] =	sst s0  }
0x9: {  	[smem:$0x3FAB] =	sst s1  }
0xa: {  	[smem:$0x3FAC] =	sst s2  }
0xb: {  	[smem:$0x3FAD] =	sst s3  }
0xc: {  	[smem:$0x3FAE] =	sst s4  }
0xd: {  	[smem:$0x3FAF] =	sst s5  }
0xe: {  	[smem:$0x3FB0] =	sst s6  }
0xf: {  	[smem:$0x3FB1] =	sst s7  }
0x10: {  	[smem:$0x3FB2] =	sst s8  }
0x11: {  	[smem:$0x3FB3] =	sst s9;
	s0 =	simm.s32 @!p0 $0x0  }
0x12: {  	s1 =	sld [smem:$0x3F99];
	s0 =	simm.s32 @p0 $0x1  }
0x13: {  	[smem:$0x3FB4] =	sst s0;
	s0 =	simm.s32 @!p1 $0x0  }
0x14: {  	s2 =	sld [smem:$0x3F98];
	s0 =	simm.s32 @p1 $0x1  }
0x15: {  	[smem:$0x3FB5] =	sst s0;
	s0 =	simm.s32 @!p2 $0x0  }
0x16: {  	s3 =	sld [smem:$0x3FDB];
	s0 =	simm.s32 @p2 $0x1  }
0x17: {  	s4 =	simm.s32 $0x1BF5;
	[smem:$0x3FB7] =	sst s0  }
0x18: {  	s0 =	sld [smem:$0x3F9A];
	_ =	swait.ge [sflag:s4], $0x0  }
0x19: {  	s7 =	sld [smem:$0x3F9B]  }
0x1a: {  	s8 =	sadd.s32 $0xFFFFE003, lr  }
0x1b: {  	s9 =	sadd.s32 $0xFFFFFEF7, lr;
	s5 =	simm.s32 $0xFFFFFFFF;
	p2 =	slt.u32 s8, $0xFFFFF086  }
0x1c: {  	p1 =	slt.u32 s9, $0xF7A;
	s5 =	simm.s32 @!p2 $0x0  }
0x1d: {  	s5 =	simm.s32 @p1 $0x1;
	p0 =	seq.s32 s7, s2  }
0x1e: {  	s7 =	smul.u32 @!p0 $0xF7A, s2;
	p2 =	seq.s32 @!p0 s5, $0x0  }
0x1f: {  	s9 =	smul.u32 $0xF7A, s1;
	s8 =	simm.s32 @!p0 $0x1BF5;
	p2 =	por !p2, p0  }
0x20: {  	[sflag:s8] =	ssyncset.s32 @!p0 $0xFFFFF086;
	s6 =	sadd.s32 @!p0 s3, s7;
	s7 =	simm.s32 @!p0 $0x108  }
0x21: {  	s3 =	sadd.s32 s3, s9;
	s6 =	sadd.s32 @!p0 $0x88, s6;
	s7 =	simm.s32 @p2 $0x1082  }
0x22: {  	[simem:s7], [sflag:s8] =	dma.local @!p0 [hbm:s6], $0xF7A  }
0x23: {  	s9 =	sor.u32 $0xD0000000, s2;
	s6 =	simm.s32 $0x108;
	_ =	swait.ge @!p0 [sflag:s8], $0x0  }
0x24: {  	s3 =	sadd.s32 $0x88, s3;
	s6 =	simm.s32 @!p1 $0x1082;
	[sflag:s4] =	ssyncset.s32 $0xFFFFF086  }
0x25: {  	[simem:s6], [sflag:s4] =	dma.local [hbm:s3], $0xF7A  }
0x26: {  	[smem:$0x3F9B] =	sst s1;
	(tag) =	ssettag s2;
	_ =	strace s9  }
0x27: {  	s1 =	sld [smem:$0x3FAB]  }
0x28: {  	s2 =	sld [smem:$0x3FAC]  }
0x29: {  	s4 =	sld [smem:$0x3FAE]  }
0x2a: {  	p0 =	seq.s32 s5, $0x0;
	s5 =	sld [smem:$0x3FAF]  }
0x2b: {  	s6 =	sld [smem:$0x3FB0]  }
0x2c: {  	s7 =	sld [smem:$0x3FB1]  }
0x2d: {  	s3 =	simm.s32 $0x108;
	s8 =	sld [smem:$0x3FB2]  }
0x2e: {  	s3 =	simm.s32 @!p0 $0x1082;
	s9 =	sld [smem:$0x3FB3]  }
0x2f: {  	lr =	sadd.s32 s0, s3;
	s0 =	sld [smem:$0x3FAA]  }
0x30: {  	s3 =	sld [smem:$0x3FAD]  }
0x31: {  	[smem:$0x3FB6] =	sst s10  }
0x32: {  	s10 =	sld [smem:$0x3FB4];
	_ =	sdelay $0x3  }
0x33: {  	p0 =	seq.s32 s10, $0x1;
	s10 =	sld [smem:$0x3FB6];
	_ =	sdelay $0x3  }
0x34: {  	[smem:$0x3FB6] =	sst s10  }
0x35: {  	s10 =	sld [smem:$0x3FB5];
	_ =	sdelay $0x3  }
0x36: {  	p1 =	seq.s32 s10, $0x1;
	s10 =	sld [smem:$0x3FB6];
	_ =	sdelay $0x3  }
0x37: {  	[smem:$0x3FB6] =	sst s10  }
0x38: {  	s10 =	sld [smem:$0x3FB7]  }
0x39: {  	_ = 	snop;
	(pc) =	sbr.ind lr, $3  }
0x3a: {  	_ = 	snop  }
0x3b: {  	_ = 	snop  }
0x3c: {  	p2 =	seq.s32 s10, $0x1;
	s10 =	sld [smem:$0x3FB6]  }
0x3d: {  	_ =	shalt  }
0x3e: {  	_ =	shalt  }
0x3f: {  	_ =	shalt  }
0x40: {  	_ =	shalt  }
0x41: {  	_ =	shalt  }
0x42: {  	_ =	shalt  }
0x43: {  	_ =	shalt  }
0x44: {  	_ =	shalt  }
0x45: {  	_ =	shalt  }
0x46: {  	_ =	shalt  }
0x47: {  	_ =	shalt  }
0x48: {  	_ =	shalt  }
0x49: {  	_ =	shalt  }
0x4a: {  	_ =	shalt  }
0x4b: {  	_ =	shalt  }
0x4c: {  	_ =	shalt  }
0x4d: {  	_ =	shalt  }
0x4e: {  	_ =	shalt  }
0x4f: {  	_ =	shalt  }
0x50: {  	_ =	shalt  }
0x51: {  	_ =	shalt  }
0x52: {  	_ =	shalt  }
0x53: {  	_ =	shalt  }
0x54: {  	_ =	shalt  }
0x55: {  	_ =	shalt  }
0x56: {  	_ =	shalt  }
0x57: {  	_ =	shalt  }
0x58: {  	_ =	shalt  }
0x59: {  	_ =	shalt  }
0x5a: {  	_ =	shalt  }
0x5b: {  	_ =	shalt  }
0x5c: {  	_ =	shalt  }
0x5d: {  	_ =	shalt  }
0x5e: {  	_ =	shalt  }
0x5f: {  	_ =	shalt  }
0x60: {  	_ =	shalt  }
0x61: {  	_ =	shalt  }
0x62: {  	_ =	shalt  }
0x63: {  	_ =	shalt  }
0x64: {  	_ =	shalt  }
0x65: {  	_ =	shalt  }
0x66: {  	_ =	shalt  }
0x67: {  	_ =	shalt  }
0x68: {  	_ =	shalt  }
0x69: {  	_ =	shalt  }
0x6a: {  	_ =	shalt  }
0x6b: {  	_ =	shalt  }
0x6c: {  	_ =	shalt  }
0x6d: {  	_ =	shalt  }
0x6e: {  	_ =	shalt  }
0x6f: {  	_ =	shalt  }
0x70: {  	_ =	shalt  }
0x71: {  	_ =	shalt  }
0x72: {  	_ =	shalt  }
0x73: {  	_ =	shalt  }
0x74: {  	_ =	shalt  }
0x75: {  	_ =	shalt  }
0x76: {  	_ =	shalt  }
0x77: {  	_ =	shalt  }
0x78: {  	_ =	shalt  }
0x79: {  	_ =	shalt  }
0x7a: {  	_ =	shalt  }
0x7b: {  	_ =	shalt  }
0x7c: {  	_ =	shalt  }
0x7d: {  	_ =	shalt  }
0x7e: {  	_ =	shalt  }
0x7f: {  	_ =	shalt  }
0x80: {  	_ =	shalt  }
0x81: {  	_ =	shalt  }
0x82: {  	_ =	shalt  }
0x83: {  	_ =	shalt  }
0x84: {  	_ =	shalt  }
0x85: {  	_ =	shalt  }
0x86: {  	_ =	shalt  }
0x87: {  	_ =	shalt  }
.Lfunc_end0:
.L_simem_size_0:
called_computation.1_lowered:
.L_overlay_start_0:
0x88: {  	s2 =	sld [smem:$0x3FD9]  }
0x89: {  	s3 =	sld [smem:$0x3FFE];
	_ =	sdelay $0x1  }
0x8a: {  	s1 =	srdreg.scid  }
0x8b: {  	s0 =	sand.u32 $0x1, s1  }
0x8c: {  	s16 =	sshll.u32 s0, $0xA;
	s2 =	sadd.s32 s3, s2  }
0x8d: {  	s2 =	sadd.s32 s2, s16  }
0x8e: {  	[smem:$0x3FC2] =	sst s2  }
0x8f: {  	_ = 	snop  }
0x90: {  	(tm) =	ssettm $0x1  }
0x91: {  	s17 =	sld [smem:$0x3FFB];
	_ =	sdelay $0x3  }
0x92: {  	_ =	strace s17  }
0x93: {  	s2 =	sld [smem:$0x3FFC];
	_ =	sdelay $0x3  }
0x94: {  	_ =	strace s2  }
0x95: {  	s2 =	sld [smem:$0x3FFD];
	_ =	sdelay $0x3  }
0x96: {  	_ =	strace s2  }
0x97: {  	_ =	strace $0x8FFFFFFF  }
0x98: {  	s18 =	sld [smem:$0x3FDB];
	_ =	sdelay $0x1  }
0x99: {  	s19 =	simm.s32 $_scs_section_size  }
0x9a: {  	s4 =	simm.s32 $_size__tile_overlayer_lowered;
	s5 =	simm.s32 $_tile_overlayer_lowered  }
0x9b: {  	s22 =	simm.s32 $0x1BFF;
	s21 =	sshll.u32 s5, $0x1;
	s2 =	sadd.s32 s19, s18  }
0x9c: {  	s6 =	simm.s32 $0x0;
	s20 =	sshll.u32 s4, $0x1;
	s4 =	sadd.s32 s21, s2  }
0x9d: {  	[timem:s6], [sflag:s22] =	dma.local [hbm:s4], s20  }
0x9e: {  	_ =	swait.ge [sflag:s22], s20  }
0x9f: {  	s3 =	ssub.s32 $0x0, s20;
	[sflag:s22] =	ssyncset.done $0x0  }
0xa0: {  	[sflag:s22] =	ssyncadd.s32 s3;
	_ =	sdelay $0x1  }
0xa1: {  	s23 =	simm.s32 $0x1B8B  }
0xa2: {  	_ =	swait.ge [sflag:s23], $0x1  }
0xa3: {  	[sflag:s23] =	ssyncset.done $0x0  }
0xa4: {  	s25 =	simm.s32 $0x1B8E;
	s24 =	sld [smem:$0x3FFE];
	[sflag:s23] =	ssyncadd.s32 $0xFFFFFFFF  }
0xa5: {  	s26 =	simm.s32 $execute0_lowered;
	[smem:$0x3FD2] =	sst s25  }
0xa6: {  	s4 =	sshll.u32 s26, $0x1;
	_ =	strace $0x80000049;
	[dreg:$0x1] =	wrdreg $0xFFFFFFFF  }
0xa7: {  	s28 =	simm.s32 $_size_execute0_lowered;
	s2 =	sadd.s32 s2, s4;
	[dreg:$0x0] =	wrdreg $0x0  }
0xa8: {  	s4 =	sshll.u32 s28, $0x1;
	[dreg:$0x2] =	wrdreg s2  }
0xa9: {  	[dreg:$0x3] =	wrdreg s4  }
0xaa: {  	[dreg:$0x4] =	wrdreg $0xC0  }
0xab: {  	_ =	task [dreg:s6], $0x5FFFF  }
0xac: {  	[dreg:$0x1] =	wrdreg $0xFFFFFFFF  }
0xad: {  	[dreg:$0x0] =	wrdreg $0x60  }
0xae: {  	[dreg:$0x2] =	wrdreg s24  }
0xaf: {  	[dreg:$0x3] =	wrdreg $0xA8000  }
0xb0: {  	[dreg:$0x4] =	wrdreg $0x9  }
0xb1: {  	_ =	task.clear_ibuf [dreg:s6], $0x5FFFF;
	_ =	strace $0x90000049  }
0xb2: {  	s29 =	simm.s32 $0x9;
	_ =	strace $0x8000004B  }
0xb3: {  	_ =	swait.ge [sflag:s29], $0x1  }
0xb4: {  	[sflag:s29] =	ssyncadd.s32 $0xFFFFFFFF  }
0xb5: {  	_ =	strace $0x9000004B  }
0xb6: {  	_ =	sfence  }
0xb7: {  	s30 =	sld [smem:$0x0];
	_ =	sdelay $0x2  }
0xb8: {  	s31 =	sshll.u32 s1, $0xD;
	s1 =	sshrl.u32 s1, $0x2  }
0xb9: {  	s3 =	sand.u32 $0x4000, s31;
	s1 =	sadd.s32 s1, s30  }
0xba: {  	s0 =	sor.u32 s3, s0;
	s1 =	sshll.u32 s1, $0x11  }
0xbb: {  	s0 =	sor.u32 s1, s0  }
0xbc: {  	s0 =	sadd.s32 $0x8F2B, s0  }
0xbd: {  	[sflag:s0] =	ssyncadd.remote.s32 $0x1  }
0xbe: {  	_ =	sfence.sel $0xFFFF  }
0xbf: {  	[dreg:$0x0] =	wrdreg $0xFFFFFFFF;
	(pc) =	sbr.abs _section_cstart, $3  }
0xc0: {  	[dreg:$0x1] =	wrdreg $0xFFFFFFFF  }
0xc1: {  	_ =	task.clear_ibuf [dreg:s6], $0x2FFFF;
	_ =	strace $0x9FFFFFFF  }
0xc2: {  	(tm) =	ssettm $0x7FFFFFFF  }
0xc3: {  	_ =	shalt  }
tec
execute0_lowered:
.L_overlay_start_1:
0x0: {  	(tag) =	ssettag $0x1  }
0x1: {  	s6 =	rddreg [dreg:$0x0]  }
0x2: {  	s1 =	rddreg [dreg:$0x1];
	s2 =	srdreg.scid  }
0x3: {  	s0 =	rddreg [dreg:$0x2];
	s3 =	simm.s32 $0x0;
	s16 =	simm.s32 $0x80  }
0x4: {  	s17 =	simm.s32 $0x2800;
	s18 =	simm.s32 $0x6800;
	s19 =	simm.s32 $0x1  }
0x5: {  	s20 =	simm.s32 $0x2;
	s21 =	simm.s32 $0x2700;
	s22 =	simm.s32 $0x2780  }
0x6: {  	s23 =	simm.s32 $0x0;
	s7 =	sand.u32 $0x1, s2;
	s2 =	stileid.u32  }
0x7: {  	[smem:$0x7FF] =	sst s3;
	s4 =	sadd.s32 $0x7BA00, s6;
	s5 =	smul.u32 $0x140000, s7  }
0x8: {  	s9 =	sadd.s32 $0x5400, s6;
	s10 =	sadd.s32 $0xF400, s6;
	s8 =	smul.u32 $0x14000, s2  }
0x9: {  	_ =	strace $0x8000004A;
	s11 =	sshll.u32 s7, $0x4;
	s7 =	ssub.s32 $0x2, s7  }
0xa: {  	s12 =	smul.u32 $0x50000, s2;
	s31 =	sshll.u32 s2, $0x6;
	s11 =	sor.u32 s2, s11  }
0xb: {  	s28 =	sshrl.u32 s7, $0x1;
	s8 =	sadd.s32 s8, s5;
	s5 =	sadd.s32 $0xC9E00, s6  }
0xc: {  	s29 =	smul.u32 $0x2800, s11;
	s14 =	ssub.s32 s7, s28;
	s30 =	sshrl.u32 s12, $0x2  }
0xd: {  	s8 =	sshrl.u32 s8, $0x3;
	s15 =	sadd.s32 s30, s1;
	s12 =	smax.u32 s14, $0x1  }
0xe: {  	s14 =	simm.s32 $0x3;
	s13 =	sadd.s32 s8, s6;
	s11 =	sshrl.u32 s29, $0x3  }
0xf: {  	s7 =	sadd.s32 s9, s11;
	s8 =	sadd.s32 s10, s11;
	s11 =	sadd.s32 $0x280, s11  }
0x10: {  	s6 =	sor.u32 $0x1C03, s31;
	s9 =	sadd.s32 s9, s11;
	s10 =	sadd.s32 s10, s11  }
0x11: {  	s11 =	sadd.s32 $0xCC600, s13;
	s13 =	sshrl.u32 s15, $0x3;
	s15 =	simm.s32 $0x1400  }
.LBB2_1:
0x12: {  	[spmem:s13], [sflag:s6] =	dma.local [hbm:s5], $0x2800  }
0x13: {  	_ =	swait.ge [sflag:s14], $0x2800  }
0x14: {  	[sflag:s14] =	ssyncset.done $0x0  }
0x15: {  	[sflag:s14] =	ssyncadd.s32 $0xFFFFD800  }
0x16: {  	[bflag:$0x0] =	sbarrier.arrive $0xFFFF  }
0x17: {  	[tilespmem:s3], [sflag:$0x3] =	stream.linear.gather [hbm4b:s7+s3], $0x1400, $0x38;
	[tilespmem:$0x1E800] =	vst v63  }
0x18: {  	_ =	swait.ge [sflag:s14], $0x1400  }
0x19: {  	[sflag:s14] =	ssyncset.done $0x0  }
0x1a: {  	[sflag:s14] =	ssyncadd.s32 $0xFFFFEC00  }
0x1b: {  	[tilespmem:s15], [sflag:$0x3] =	stream.linear.gather [hbm4b:s8+s3], $0x1400, $0x38;
	[tilespmem:$0x1E800] =	vst v63  }
0x1c: {  	_ =	swait.ge [sflag:s14], $0x1400  }
0x1d: {  	[sflag:s14] =	ssyncset.done $0x0  }
0x1e: {  	[sflag:s14] =	ssyncadd.s32 $0xFFFFEC00  }
0x1f: {  	[tilespmem:s17], [sflag:$0x1] =	stream.indirect.gather [hbm4b:s4+s16], $0x80, s3, s16, $0xb8;
	[tilespmem:$0x1E800] =	vst v63  }
0x20: {  	_ = 	snop  }
0x21: {  	[tilespmem:s18], [sflag:$0x2] =	stream.indirect.gather [hbm4b:s4+s16], $0x80, s16, s16, $0xb8;
	[tilespmem:$0x1E800] =	vst v63  }
0x22: {  	_ =	swait.ge [sflag:s19], $0x4000  }
0x23: {  	[sflag:s19] =	ssyncset.done $0x0  }
0x24: {  	s24 =	simm.s32 $0x1400;
	[sflag:s19] =	ssyncadd.s32 $0xFFFFC000  }
0x25: {  	[spmem:s1] =	stream.indirect.scatter.add.f32 [tilespmem:s17], [sflag:$0x3], $0x80, s24, s16, $0xb8;
	[tilespmem:$0x1E800] =	vst v63  }
0x26: {  	_ =	swait.ge [sflag:s14], $0x4000  }
0x27: {  	[sflag:s14] =	ssyncset.done $0x0  }
0x28: {  	s30 =	simm.s32 $0x100;
	[sflag:s14] =	ssyncadd.s32 $0xFFFFC000  }
0x29: {  	[tilespmem:s17], [sflag:$0x1] =	stream.indirect.gather [hbm4b:s4+s16], $0x80, s30, s16, $0xb8;
	[tilespmem:$0x1E800] =	vst v63  }
0x2a: {  	_ =	swait.ge [sflag:s20], $0x4000  }
0x2b: {  	[sflag:s20] =	ssyncset.done $0x0  }
0x2c: {  	s31 =	simm.s32 $0x1480;
	[sflag:s20] =	ssyncadd.s32 $0xFFFFC000  }
0x2d: {  	[spmem:s1] =	stream.indirect.scatter.add.f32 [tilespmem:s18], [sflag:$0x3], $0x80, s31, s16, $0xb8;
	[tilespmem:$0x1E800] =	vst v63  }
0x2e: {  	_ =	swait.ge [sflag:s14], $0x4000  }
0x2f: {  	[sflag:s14] =	ssyncset.done $0x0  }
0x30: {  	s25 =	simm.s32 $0x180;
	s24 =	simm.s32 $0x400;
	[sflag:s14] =	ssyncadd.s32 $0xFFFFC000  }
.LBB2_2:
0x31: {  	[tilespmem:s18], [sflag:$0x2] =	stream.indirect.gather [hbm4b:s4+s16], $0x80, s25, s16, $0xb8;
	[tilespmem:$0x1E800] =	vst v63  }
0x32: {  	s25 =	smov.u32 s24  }
0x33: {  	p0 =	sne.s32 s24, $0x4800;
	s24 =	sadd.s32 $0x400, s24;
	_ =	swait.ge [sflag:s19], $0x4000  }
0x34: {  	s25 =	sshra.s32 s25, $0x2;
	[sflag:s19] =	ssyncset.done $0x0  }
0x35: {  	s26 =	sadd.s32 $0x1400, s25;
	[sflag:s19] =	ssyncadd.s32 $0xFFFFC000  }
0x36: {  	[spmem:s1] =	stream.indirect.scatter.add.f32 [tilespmem:s17], [sflag:$0x3], $0x80, s26, s16, $0xb8;
	[tilespmem:$0x1E800] =	vst v63  }
0x37: {  	_ =	swait.ge [sflag:s14], $0x4000  }
0x38: {  	[sflag:s14] =	ssyncset.done $0x0  }
0x39: {  	s26 =	sadd.s32 $0x100, s25;
	[sflag:s14] =	ssyncadd.s32 $0xFFFFC000  }
0x3a: {  	[tilespmem:s17], [sflag:$0x1] =	stream.indirect.gather [hbm4b:s4+s16], $0x80, s26, s16, $0xb8;
	[tilespmem:$0x1E800] =	vst v63  }
0x3b: {  	_ =	swait.ge [sflag:s20], $0x4000  }
0x3c: {  	[sflag:s20] =	ssyncset.done $0x0  }
.Ltmp0:
0x3d: {  	s26 =	sadd.s32 $0x1480, s25;
	[sflag:s20] =	ssyncadd.s32 $0xFFFFC000;
	(pc) =	sbr.rel @p0 .LBB2_2-.Ltmp0, $4  }
0x3e: {  	[spmem:s1] =	stream.indirect.scatter.add.f32 [tilespmem:s18], [sflag:$0x3], $0x80, s26, s16, $0xb8;
	[tilespmem:$0x1E800] =	vst v63  }
0x3f: {  	_ =	swait.ge [sflag:s14], $0x4000  }
0x40: {  	[sflag:s14] =	ssyncset.done $0x0  }
0x41: {  	s25 =	sadd.s32 $0x180, s25;
	[sflag:s14] =	ssyncadd.s32 $0xFFFFC000  }
0x42: {  	[tilespmem:s18], [sflag:$0x2] =	stream.indirect.gather [hbm4b:s4+s16], $0x80, s25, s16, $0xb8;
	[tilespmem:$0x1E800] =	vst v63  }
0x43: {  	_ =	swait.ge [sflag:s19], $0x4000  }
0x44: {  	[sflag:s19] =	ssyncset.done $0x0  }
0x45: {  	[sflag:s19] =	ssyncadd.s32 $0xFFFFC000  }
0x46: {  	[spmem:s1] =	stream.indirect.scatter.add.f32 [tilespmem:s17], [sflag:$0x3], $0x80, s21, s16, $0xb8;
	[tilespmem:$0x1E800] =	vst v63  }
0x47: {  	_ =	swait.ge [sflag:s14], $0x4000  }
0x48: {  	[sflag:s14] =	ssyncset.done $0x0  }
0x49: {  	[sflag:s14] =	ssyncadd.s32 $0xFFFFC000  }
0x4a: {  	_ =	swait.ge [sflag:s20], $0x4000  }
0x4b: {  	[sflag:s20] =	ssyncset.done $0x0  }
0x4c: {  	[sflag:s20] =	ssyncadd.s32 $0xFFFFC000  }
0x4d: {  	[spmem:s1] =	stream.indirect.scatter.add.f32 [tilespmem:s18], [sflag:$0x3], $0x80, s22, s16, $0xb8;
	[tilespmem:$0x1E800] =	vst v63  }
0x4e: {  	_ =	swait.ge [sflag:s14], $0x4000  }
0x4f: {  	[sflag:s14] =	ssyncset.done $0x0  }
0x50: {  	s24 =	simm.s32 $0x0;
	[sflag:s14] =	ssyncadd.s32 $0xFFFFC000  }
0x51: {  	[tilespmem:s24], [sflag:$0x3] =	stream.linear.gather [hbm4b:s9+s24], $0x1400, $0x38;
	[tilespmem:$0x1E800] =	vst v63  }
0x52: {  	_ =	swait.ge [sflag:s14], $0x1400  }
0x53: {  	[sflag:s14] =	ssyncset.done $0x0  }
0x54: {  	[sflag:s14] =	ssyncadd.s32 $0xFFFFEC00  }
0x55: {  	[tilespmem:s15], [sflag:$0x3] =	stream.linear.gather [hbm4b:s10+s24], $0x1400, $0x38;
	[tilespmem:$0x1E800] =	vst v63  }
0x56: {  	_ =	swait.ge [sflag:s14], $0x1400  }
0x57: {  	[sflag:s14] =	ssyncset.done $0x0  }
0x58: {  	[sflag:s14] =	ssyncadd.s32 $0xFFFFEC00  }
0x59: {  	[tilespmem:s17], [sflag:$0x1] =	stream.indirect.gather [hbm4b:s4+s16], $0x80, s24, s16, $0xb8;
	[tilespmem:$0x1E800] =	vst v63  }
0x5a: {  	_ = 	snop  }
0x5b: {  	[tilespmem:s18], [sflag:$0x2] =	stream.indirect.gather [hbm4b:s4+s16], $0x80, s16, s16, $0xb8;
	[tilespmem:$0x1E800] =	vst v63  }
0x5c: {  	_ =	swait.ge [sflag:s19], $0x4000  }
0x5d: {  	[sflag:s19] =	ssyncset.done $0x0  }
0x5e: {  	s29 =	simm.s32 $0x1400;
	[sflag:s19] =	ssyncadd.s32 $0xFFFFC000  }
0x5f: {  	[spmem:s1] =	stream.indirect.scatter.add.f32 [tilespmem:s17], [sflag:$0x3], $0x80, s29, s16, $0xb8;
	[tilespmem:$0x1E800] =	vst v63  }
0x60: {  	_ =	swait.ge [sflag:s14], $0x4000  }
0x61: {  	[sflag:s14] =	ssyncset.done $0x0  }
0x62: {  	s30 =	simm.s32 $0x100;
	[sflag:s14] =	ssyncadd.s32 $0xFFFFC000  }
0x63: {  	[tilespmem:s17], [sflag:$0x1] =	stream.indirect.gather [hbm4b:s4+s16], $0x80, s30, s16, $0xb8;
	[tilespmem:$0x1E800] =	vst v63  }
0x64: {  	_ =	swait.ge [sflag:s20], $0x4000  }
0x65: {  	[sflag:s20] =	ssyncset.done $0x0  }
0x66: {  	s31 =	simm.s32 $0x1480;
	[sflag:s20] =	ssyncadd.s32 $0xFFFFC000  }
0x67: {  	[spmem:s1] =	stream.indirect.scatter.add.f32 [tilespmem:s18], [sflag:$0x3], $0x80, s31, s16, $0xb8;
	[tilespmem:$0x1E800] =	vst v63  }
0x68: {  	_ =	swait.ge [sflag:s14], $0x4000  }
0x69: {  	[sflag:s14] =	ssyncset.done $0x0  }
0x6a: {  	s25 =	simm.s32 $0x180;
	s24 =	simm.s32 $0x400;
	[sflag:s14] =	ssyncadd.s32 $0xFFFFC000  }
.LBB2_4:
0x6b: {  	[tilespmem:s18], [sflag:$0x2] =	stream.indirect.gather [hbm4b:s4+s16], $0x80, s25, s16, $0xb8;
	[tilespmem:$0x1E800] =	vst v63  }
0x6c: {  	s25 =	smov.u32 s24  }
0x6d: {  	p0 =	sne.s32 s24, $0x4800;
	s24 =	sadd.s32 $0x400, s24;
	_ =	swait.ge [sflag:s19], $0x4000  }
0x6e: {  	s25 =	sshra.s32 s25, $0x2;
	[sflag:s19] =	ssyncset.done $0x0  }
0x6f: {  	s26 =	sadd.s32 $0x1400, s25;
	[sflag:s19] =	ssyncadd.s32 $0xFFFFC000  }
0x70: {  	[spmem:s1] =	stream.indirect.scatter.add.f32 [tilespmem:s17], [sflag:$0x3], $0x80, s26, s16, $0xb8;
	[tilespmem:$0x1E800] =	vst v63  }
0x71: {  	_ =	swait.ge [sflag:s14], $0x4000  }
0x72: {  	[sflag:s14] =	ssyncset.done $0x0  }
0x73: {  	s26 =	sadd.s32 $0x100, s25;
	[sflag:s14] =	ssyncadd.s32 $0xFFFFC000  }
0x74: {  	[tilespmem:s17], [sflag:$0x1] =	stream.indirect.gather [hbm4b:s4+s16], $0x80, s26, s16, $0xb8;
	[tilespmem:$0x1E800] =	vst v63  }
0x75: {  	_ =	swait.ge [sflag:s20], $0x4000  }
0x76: {  	[sflag:s20] =	ssyncset.done $0x0  }
.Ltmp1:
0x77: {  	s26 =	sadd.s32 $0x1480, s25;
	[sflag:s20] =	ssyncadd.s32 $0xFFFFC000;
	(pc) =	sbr.rel @p0 .LBB2_4-.Ltmp1, $4  }
0x78: {  	[spmem:s1] =	stream.indirect.scatter.add.f32 [tilespmem:s18], [sflag:$0x3], $0x80, s26, s16, $0xb8;
	[tilespmem:$0x1E800] =	vst v63  }
0x79: {  	_ =	swait.ge [sflag:s14], $0x4000  }
0x7a: {  	[sflag:s14] =	ssyncset.done $0x0  }
0x7b: {  	s25 =	sadd.s32 $0x180, s25;
	[sflag:s14] =	ssyncadd.s32 $0xFFFFC000  }
0x7c: {  	[tilespmem:s18], [sflag:$0x2] =	stream.indirect.gather [hbm4b:s4+s16], $0x80, s25, s16, $0xb8;
	[tilespmem:$0x1E800] =	vst v63  }
0x7d: {  	_ =	swait.ge [sflag:s19], $0x4000  }
0x7e: {  	[sflag:s19] =	ssyncset.done $0x0  }
0x7f: {  	[sflag:s19] =	ssyncadd.s32 $0xFFFFC000  }
0x80: {  	[spmem:s1] =	stream.indirect.scatter.add.f32 [tilespmem:s17], [sflag:$0x3], $0x80, s21, s16, $0xb8;
	[tilespmem:$0x1E800] =	vst v63  }
0x81: {  	_ =	swait.ge [sflag:s14], $0x4000  }
0x82: {  	[sflag:s14] =	ssyncset.done $0x0  }
0x83: {  	[sflag:s14] =	ssyncadd.s32 $0xFFFFC000  }
0x84: {  	_ =	swait.ge [sflag:s20], $0x4000  }
0x85: {  	[sflag:s20] =	ssyncset.done $0x0  }
0x86: {  	[sflag:s20] =	ssyncadd.s32 $0xFFFFC000  }
0x87: {  	[spmem:s1] =	stream.indirect.scatter.add.f32 [tilespmem:s18], [sflag:$0x3], $0x80, s22, s16, $0xb8;
	[tilespmem:$0x1E800] =	vst v63  }
0x88: {  	_ =	swait.ge [sflag:s14], $0x4000  }
0x89: {  	s23 =	sadd.s32 $0x1, s23;
	[sflag:s14] =	ssyncset.done $0x0  }
0x8a: {  	p0 =	sne.s32 s23, s12;
	[sflag:s14] =	ssyncadd.s32 $0xFFFFC000  }
.Ltmp2:
0x8b: {  	[bflag:$0x0] =	sbarrier.arrive $0xFFFF;
	(pc) =	sbr.rel @p0 .LBB2_1-.Ltmp2, $4  }
0x8c: {  	[hbm:s11], [sflag:s6] =	dma.local [spmem:s13], $0x2800  }
0x8d: {  	_ =	swait.ge [sflag:s14], $0x2800  }
0x8e: {  	[sflag:s14] =	ssyncset.done $0x0  }
0x8f: {  	[sflag:s14] =	ssyncadd.s32 $0xFFFFD800  }
0x90: {  	_ =	sfence.sel $0x180000  }
0x91: {  	[bflag:$0x0] =	sbarrier.arrive $0xFFFF  }
0x92: {  	p0 =	sne.s32 s2, $0x0;
	_ =	strace $0x9000004A  }
0x93: {  	s0 =	sadd.s32 @!p0 $0x100000, s0;
	[bflag:$0x2] =	sbarrier.arrive $0xFFFF  }
0x94: {  	[sflag:s0] =	ssyncadd.tile.s32 @!p0 $0x1;
	_ =	shalt  }
.Lfunc_end2:
_tile_overlayer_lowered:
.L_overlay_start_2:
0x95: {  	(tag) =	ssettag $0x2  }
0x96: {  	s0 =	rddreg [dreg:$0x0];
	s2 =	stileid.u32  }
0x97: {  	s1 =	rddreg [dreg:$0x1];
	p0 =	sne.s32 s2, $0x0  }
0x98: {  	s3 =	rddreg [dreg:$0x2];
	[bflag:$0x3] =	sbarrier.arrive $0xFFFF;
	s2 =	simm.s32 @!p0 $0x1C03  }
0x99: {  	[timem:s3], [sflag:s2] =	dma.local @!p0 [hbm:s0], s1  }
0x9a: {  	s0 =	simm.s32 @!p0 $0x3  }
0x9b: {  	_ =	swait.ge @!p0 [sflag:s0], s1  }
0x9c: {  	s1 =	ssub.s32 @!p0 $0x0, s1;
	[sflag:s0] =	ssyncset.done @!p0 $0x0  }
0x9d: {  	[sflag:s0] =	ssyncadd.s32 @!p0 s1  }
0x9e: {  	[bflag:$0x3] =	sbarrier.arrive $0xFFFF  }
0x9f: {  	_ =	shalt  }

// kernel: kernel.18.cloned.1.call-start
scs
__scs_entry_jumppad:
0x0: {  	(pc) =	sbr.rel $0x88, $3  }
0x1: {  	(tag) =	ssettag $0x0;
	lr =	simm.s32 $0x1  }
0x2: {  	[smem:$0x3F9B] =	sst lr;
	_ =	strace $0xD0000000  }
0x3: {  	_ = 	snop  }
0x4: {  	_ = 	snop  }
0x5: {  	_ = 	snop  }
0x6: {  	_ = 	snop  }
0x7: {  	_ = 	snop  }
__scs_overlays_trampoline_lowered:
0x8: {  	[smem:$0x3FAA] =	sst s0  }
0x9: {  	[smem:$0x3FAB] =	sst s1  }
0xa: {  	[smem:$0x3FAC] =	sst s2  }
0xb: {  	[smem:$0x3FAD] =	sst s3  }
0xc: {  	[smem:$0x3FAE] =	sst s4  }
0xd: {  	[smem:$0x3FAF] =	sst s5  }
0xe: {  	[smem:$0x3FB0] =	sst s6  }
0xf: {  	[smem:$0x3FB1] =	sst s7  }
0x10: {  	[smem:$0x3FB2] =	sst s8  }
0x11: {  	[smem:$0x3FB3] =	sst s9;
	s0 =	simm.s32 @!p0 $0x0  }
0x12: {  	s1 =	sld [smem:$0x3F99];
	s0 =	simm.s32 @p0 $0x1  }
0x13: {  	[smem:$0x3FB4] =	sst s0;
	s0 =	simm.s32 @!p1 $0x0  }
0x14: {  	s2 =	sld [smem:$0x3F98];
	s0 =	simm.s32 @p1 $0x1  }
0x15: {  	[smem:$0x3FB5] =	sst s0;
	s0 =	simm.s32 @!p2 $0x0  }
0x16: {  	s3 =	sld [smem:$0x3FDB];
	s0 =	simm.s32 @p2 $0x1  }
0x17: {  	s4 =	simm.s32 $0x1BF5;
	[smem:$0x3FB7] =	sst s0  }
0x18: {  	s0 =	sld [smem:$0x3F9A];
	_ =	swait.ge [sflag:s4], $0x0  }
0x19: {  	s7 =	sld [smem:$0x3F9B]  }
0x1a: {  	s8 =	sadd.s32 $0xFFFFE003, lr  }
0x1b: {  	s9 =	sadd.s32 $0xFFFFFEF7, lr;
	s5 =	simm.s32 $0xFFFFFFFF;
	p2 =	slt.u32 s8, $0xFFFFF086  }
0x1c: {  	p1 =	slt.u32 s9, $0xF7A;
	s5 =	simm.s32 @!p2 $0x0  }
0x1d: {  	s5 =	simm.s32 @p1 $0x1;
	p0 =	seq.s32 s7, s2  }
0x1e: {  	s7 =	smul.u32 @!p0 $0xF7A, s2;
	p2 =	seq.s32 @!p0 s5, $0x0  }
0x1f: {  	s9 =	smul.u32 $0xF7A, s1;
	s8 =	simm.s32 @!p0 $0x1BF5;
	p2 =	por !p2, p0  }
0x20: {  	[sflag:s8] =	ssyncset.s32 @!p0 $0xFFFFF086;
	s6 =	sadd.s32 @!p0 s3, s7;
	s7 =	simm.s32 @!p0 $0x108  }
0x21: {  	s3 =	sadd.s32 s3, s9;
	s6 =	sadd.s32 @!p0 $0x88, s6;
	s7 =	simm.s32 @p2 $0x1082  }
0x22: {  	[simem:s7], [sflag:s8] =	dma.local @!p0 [hbm:s6], $0xF7A  }
0x23: {  	s9 =	sor.u32 $0xD0000000, s2;
	s6 =	simm.s32 $0x108;
	_ =	swait.ge @!p0 [sflag:s8], $0x0  }
0x24: {  	s3 =	sadd.s32 $0x88, s3;
	s6 =	simm.s32 @!p1 $0x1082;
	[sflag:s4] =	ssyncset.s32 $0xFFFFF086  }
0x25: {  	[simem:s6], [sflag:s4] =	dma.local [hbm:s3], $0xF7A  }
0x26: {  	[smem:$0x3F9B] =	sst s1;
	(tag) =	ssettag s2;
	_ =	strace s9  }
0x27: {  	s1 =	sld [smem:$0x3FAB]  }
0x28: {  	s2 =	sld [smem:$0x3FAC]  }
0x29: {  	s4 =	sld [smem:$0x3FAE]  }
0x2a: {  	p0 =	seq.s32 s5, $0x0;
	s5 =	sld [smem:$0x3FAF]  }
0x2b: {  	s6 =	sld [smem:$0x3FB0]  }
0x2c: {  	s7 =	sld [smem:$0x3FB1]  }
0x2d: {  	s3 =	simm.s32 $0x108;
	s8 =	sld [smem:$0x3FB2]  }
0x2e: {  	s3 =	simm.s32 @!p0 $0x1082;
	s9 =	sld [smem:$0x3FB3]  }
0x2f: {  	lr =	sadd.s32 s0, s3;
	s0 =	sld [smem:$0x3FAA]  }
0x30: {  	s3 =	sld [smem:$0x3FAD]  }
0x31: {  	[smem:$0x3FB6] =	sst s10  }
0x32: {  	s10 =	sld [smem:$0x3FB4];
	_ =	sdelay $0x3  }
0x33: {  	p0 =	seq.s32 s10, $0x1;
	s10 =	sld [smem:$0x3FB6];
	_ =	sdelay $0x3  }
0x34: {  	[smem:$0x3FB6] =	sst s10  }
0x35: {  	s10 =	sld [smem:$0x3FB5];
	_ =	sdelay $0x3  }
0x36: {  	p1 =	seq.s32 s10, $0x1;
	s10 =	sld [smem:$0x3FB6];
	_ =	sdelay $0x3  }
0x37: {  	[smem:$0x3FB6] =	sst s10  }
0x38: {  	s10 =	sld [smem:$0x3FB7]  }
0x39: {  	_ = 	snop;
	(pc) =	sbr.ind lr, $3  }
0x3a: {  	_ = 	snop  }
0x3b: {  	_ = 	snop  }
0x3c: {  	p2 =	seq.s32 s10, $0x1;
	s10 =	sld [smem:$0x3FB6]  }
0x3d: {  	_ =	shalt  }
0x3e: {  	_ =	shalt  }
0x3f: {  	_ =	shalt  }
0x40: {  	_ =	shalt  }
0x41: {  	_ =	shalt  }
0x42: {  	_ =	shalt  }
0x43: {  	_ =	shalt  }
0x44: {  	_ =	shalt  }
0x45: {  	_ =	shalt  }
0x46: {  	_ =	shalt  }
0x47: {  	_ =	shalt  }
0x48: {  	_ =	shalt  }
0x49: {  	_ =	shalt  }
0x4a: {  	_ =	shalt  }
0x4b: {  	_ =	shalt  }
0x4c: {  	_ =	shalt  }
0x4d: {  	_ =	shalt  }
0x4e: {  	_ =	shalt  }
0x4f: {  	_ =	shalt  }
0x50: {  	_ =	shalt  }
0x51: {  	_ =	shalt  }
0x52: {  	_ =	shalt  }
0x53: {  	_ =	shalt  }
0x54: {  	_ =	shalt  }
0x55: {  	_ =	shalt  }
0x56: {  	_ =	shalt  }
0x57: {  	_ =	shalt  }
0x58: {  	_ =	shalt  }
0x59: {  	_ =	shalt  }
0x5a: {  	_ =	shalt  }
0x5b: {  	_ =	shalt  }
0x5c: {  	_ =	shalt  }
0x5d: {  	_ =	shalt  }
0x5e: {  	_ =	shalt  }
0x5f: {  	_ =	shalt  }
0x60: {  	_ =	shalt  }
0x61: {  	_ =	shalt  }
0x62: {  	_ =	shalt  }
0x63: {  	_ =	shalt  }
0x64: {  	_ =	shalt  }
0x65: {  	_ =	shalt  }
0x66: {  	_ =	shalt  }
0x67: {  	_ =	shalt  }
0x68: {  	_ =	shalt  }
0x69: {  	_ =	shalt  }
0x6a: {  	_ =	shalt  }
0x6b: {  	_ =	shalt  }
0x6c: {  	_ =	shalt  }
0x6d: {  	_ =	shalt  }
0x6e: {  	_ =	shalt  }
0x6f: {  	_ =	shalt  }
0x70: {  	_ =	shalt  }
0x71: {  	_ =	shalt  }
0x72: {  	_ =	shalt  }
0x73: {  	_ =	shalt  }
0x74: {  	_ =	shalt  }
0x75: {  	_ =	shalt  }
0x76: {  	_ =	shalt  }
0x77: {  	_ =	shalt  }
0x78: {  	_ =	shalt  }
0x79: {  	_ =	shalt  }
0x7a: {  	_ =	shalt  }
0x7b: {  	_ =	shalt  }
0x7c: {  	_ =	shalt  }
0x7d: {  	_ =	shalt  }
0x7e: {  	_ =	shalt  }
0x7f: {  	_ =	shalt  }
0x80: {  	_ =	shalt  }
0x81: {  	_ =	shalt  }
0x82: {  	_ =	shalt  }
0x83: {  	_ =	shalt  }
0x84: {  	_ =	shalt  }
0x85: {  	_ =	shalt  }
0x86: {  	_ =	shalt  }
0x87: {  	_ =	shalt  }
.Lfunc_end0:
.L_simem_size_0:
called_computation.2_lowered:
.L_overlay_start_0:
0x88: {  	s2 =	sld [smem:$0x3FD9]  }
0x89: {  	s3 =	sld [smem:$0x3FFE];
	_ =	sdelay $0x1  }
0x8a: {  	s1 =	srdreg.scid  }
0x8b: {  	s0 =	sand.u32 $0x1, s1  }
0x8c: {  	s17 =	sshll.u32 s0, $0xA;
	s2 =	sadd.s32 s3, s2  }
0x8d: {  	s2 =	sadd.s32 s2, s17  }
0x8e: {  	[smem:$0x3FC2] =	sst s2  }
0x8f: {  	_ = 	snop  }
0x90: {  	s2 =	sld [smem:$0x3FD0];
	(tm) =	ssettm $0x1  }
0x91: {  	s18 =	sld [smem:$0x3FFB];
	_ =	sdelay $0x3  }
0x92: {  	_ =	strace s18  }
0x93: {  	s3 =	sld [smem:$0x3FFC];
	_ =	sdelay $0x3  }
0x94: {  	_ =	strace s3  }
0x95: {  	s3 =	sld [smem:$0x3FFD];
	_ =	sdelay $0x3  }
0x96: {  	_ =	strace s3  }
0x97: {  	_ =	strace $0x8FFFFFFF  }
0x98: {  	s19 =	sld [smem:$0x3FDB];
	_ =	sdelay $0x1  }
0x99: {  	s4 =	simm.s32 $_scs_section_size  }
0x9a: {  	s5 =	simm.s32 $_size__tile_overlayer_lowered;
	s6 =	simm.s32 $_tile_overlayer_lowered  }
0x9b: {  	s22 =	simm.s32 $0x1BFF;
	s21 =	sshll.u32 s6, $0x1;
	s3 =	sadd.s32 s4, s19  }
0x9c: {  	s7 =	simm.s32 $0x0;
	s20 =	sshll.u32 s5, $0x1;
	s5 =	sadd.s32 s21, s3  }
0x9d: {  	[timem:s7], [sflag:s22] =	dma.local [hbm:s5], s20  }
0x9e: {  	_ =	swait.ge [sflag:s22], s20  }
0x9f: {  	s4 =	ssub.s32 $0x0, s20;
	[sflag:s22] =	ssyncset.done $0x0  }
0xa0: {  	[sflag:s22] =	ssyncadd.s32 s4;
	_ =	sdelay $0x1  }
0xa1: {  	s23 =	simm.s32 $0x1B8B  }
0xa2: {  	_ =	swait.ge [sflag:s23], $0x1  }
0xa3: {  	[sflag:s23] =	ssyncset.done $0x0  }
0xa4: {  	s25 =	simm.s32 $0x1B8E;
	s24 =	sld [smem:$0x3FFE];
	[sflag:s23] =	ssyncadd.s32 $0xFFFFFFFF  }
0xa5: {  	s26 =	simm.s32 $execute0_lowered;
	[smem:$0x3FD2] =	sst s25  }
0xa6: {  	s5 =	sshll.u32 s26, $0x1;
	_ =	strace $0x8000004C;
	[dreg:$0x1] =	wrdreg $0xFFFFFFFF  }
0xa7: {  	s28 =	simm.s32 $_size_execute0_lowered;
	s3 =	sadd.s32 s3, s5;
	[dreg:$0x0] =	wrdreg $0x0  }
0xa8: {  	s5 =	sshll.u32 s28, $0x1;
	[dreg:$0x2] =	wrdreg s3  }
0xa9: {  	[dreg:$0x3] =	wrdreg s5  }
0xaa: {  	[dreg:$0x4] =	wrdreg $0xC0  }
0xab: {  	_ =	task [dreg:s7], $0x5FFFF  }
0xac: {  	[dreg:$0x1] =	wrdreg $0xFFFFFFFF  }
0xad: {  	[dreg:$0x0] =	wrdreg $0x60  }
0xae: {  	[dreg:$0x2] =	wrdreg s2  }
0xaf: {  	[dreg:$0x3] =	wrdreg s24  }
0xb0: {  	[dreg:$0x4] =	wrdreg $0xA9000  }
0xb1: {  	[dreg:$0x5] =	wrdreg $0x1E9000  }
0xb2: {  	[dreg:$0x6] =	wrdreg $0x9  }
0xb3: {  	_ =	task.clear_ibuf [dreg:s7], $0x7FFFF;
	_ =	strace $0x9000004C  }
0xb4: {  	s29 =	simm.s32 $0x9;
	_ =	strace $0x8000004E  }
0xb5: {  	_ =	swait.ge [sflag:s29], $0x1  }
0xb6: {  	[sflag:s29] =	ssyncadd.s32 $0xFFFFFFFF  }
0xb7: {  	_ =	strace $0x9000004E  }
0xb8: {  	_ =	sfence  }
0xb9: {  	s30 =	sld [smem:$0x0];
	_ =	sdelay $0x2  }
0xba: {  	s31 =	sshll.u32 s1, $0xD;
	s1 =	sshrl.u32 s1, $0x2  }
0xbb: {  	s3 =	sand.u32 $0x4000, s31;
	s1 =	sadd.s32 s1, s30  }
0xbc: {  	s0 =	sor.u32 s3, s0;
	s1 =	sshll.u32 s1, $0x11  }
0xbd: {  	s0 =	sor.u32 s1, s0  }
0xbe: {  	s0 =	sadd.s32 $0x8F2B, s0  }
0xbf: {  	[sflag:s0] =	ssyncadd.remote.s32 $0x1  }
0xc0: {  	_ =	sfence.sel $0xFFFF  }
0xc1: {  	[dreg:$0x0] =	wrdreg $0xFFFFFFFF;
	(pc) =	sbr.abs _section_cstart, $3  }
0xc2: {  	[dreg:$0x1] =	wrdreg $0xFFFFFFFF  }
0xc3: {  	_ =	task.clear_ibuf [dreg:s7], $0x2FFFF;
	_ =	strace $0x9FFFFFFF  }
0xc4: {  	(tm) =	ssettm $0x7FFFFFFF  }
0xc5: {  	_ =	shalt  }
tec
execute0_lowered:
.L_overlay_start_1:
0x0: {  	(tag) =	ssettag $0x1  }
0x1: {  	s1 =	rddreg [dreg:$0x0]  }
0x2: {  	s0 =	rddreg [dreg:$0x1]  }
0x3: {  	s2 =	rddreg [dreg:$0x2]  }
0x4: {  	s3 =	rddreg [dreg:$0x3]  }
0x5: {  	s5 =	simm.s32 $0x0;
	s4 =	srdreg.scid;
	s14 =	stileid.u32  }
0x6: {  	s18 =	simm.s32 $0x5;
	s28 =	simm.s32 $0x3;
	s29 =	simm.s32 $0x2  }
0x7: {  	s30 =	simm.s32 $0x4;
	s31 =	simm.s32 $0x2700;
	s8 =	smul.u32 $0x14000, s14  }
0x8: {  	[smem:$0x7FF] =	sst s5;
	s4 =	sand.u32 $0x1, s4;
	s9 =	smul.u32 $0x500, s14  }
0x9: {  	s6 =	sadd.s32 $0xA2C00, s0;
	s12 =	sadd.s32 $0x5400, s0;
	s22 =	smul.u32 $0x50000, s14  }
0xa: {  	s13 =	sadd.s32 $0xF400, s0;
	s10 =	sadd.s32 $0xC9E00, s0;
	s23 =	smul.u32 $0xA00, s14  }
0xb: {  	s20 =	sadd.s32 $0x2D400, s0;
	s24 =	sshll.u32 s14, $0x6;
	s7 =	smul.u32 $0x140000, s4  }
0xc: {  	_ =	strace $0x8000004D;
	s19 =	sshll.u32 s4, $0x7;
	[dreg:$0x5] =	wrdreg s10  }
0xd: {  	[dreg:$0x6] =	wrdreg s20;
	s21 =	sshll.u32 s4, $0x4;
	s4 =	ssub.s32 $0x2, s4  }
0xe: {  	s20 =	simm.s32 $0x1400;
	s11 =	sshrl.u32 s4, $0x1;
	s10 =	sshrl.u32 s23, $0x2  }
0xf: {  	s23 =	simm.s32 $0xA800;
	s7 =	sadd.s32 s8, s7;
	s8 =	sor.u32 s19, s9  }
0x10: {  	s9 =	sshrl.u32 s22, $0x2;
	s4 =	ssub.s32 s4, s11;
	s19 =	sadd.s32 s10, s3  }
0x11: {  	s22 =	simm.s32 $0x2800;
	s7 =	sshrl.u32 s7, $0x3;
	s8 =	sshrl.u32 s8, $0x3  }
0x12: {  	s17 =	sadd.s32 s9, s2;
	s9 =	sor.u32 $0x1C05, s24;
	s16 =	smax.u32 s4, $0x1  }
0x13: {  	s7 =	sadd.s32 s7, s0;
	s0 =	sadd.s32 s8, s0;
	s8 =	sor.u32 s14, s21  }
0x14: {  	s19 =	sshrl.u32 s19, $0x3;
	s24 =	simm.s32 $0x6800;
	s8 =	smul.u32 $0x2800, s8  }
0x15: {  	s4 =	simm.s32 $0x0;
	s17 =	sshrl.u32 s17, $0x3;
	s21 =	simm.s32 $0x80  }
0x16: {  	s14 =	sadd.s32 $0xCC600, s7;
	s15 =	sadd.s32 $0xA3200, s0;
	s8 =	sshrl.u32 s8, $0x3  }
0x17: {  	s0 =	simm.s32 $0x2780;
	s25 =	sadd.s32 s12, s8;
	s26 =	sadd.s32 $0x280, s8  }
0x18: {  	s11 =	sadd.s32 s13, s8;
	[dreg:$0x7] =	wrdreg s25;
	s12 =	sadd.s32 s12, s26  }
0x19: {  	s13 =	sadd.s32 s13, s26;
	s25 =	simm.s32 $0xA880;
	s26 =	simm.s32 $0x1  }
.LBB2_1:
0x1a: {  	s7 =	rddreg [dreg:$0x5]  }
0x1b: {  	[spmem:s17], [sflag:s9] =	dma.local [hbm:s7], $0x2800  }
0x1c: {  	_ =	swait.ge [sflag:s18], $0x2800  }
0x1d: {  	[sflag:s18] =	ssyncset.done $0x0  }
0x1e: {  	s10 =	rddreg [dreg:$0x6];
	[sflag:s18] =	ssyncadd.s32 $0xFFFFD800  }
0x1f: {  	[spmem:s19], [sflag:s9] =	dma.local [hbm:s10], $0x50  }
0x20: {  	_ =	swait.ge [sflag:s18], $0x50  }
0x21: {  	[sflag:s18] =	ssyncset.done $0x0  }
0x22: {  	[sflag:s18] =	ssyncadd.s32 $0xFFFFFFB0  }
0x23: {  	[bflag:$0x0] =	sbarrier.arrive $0xFFFF  }
0x24: {  	s8 =	rddreg [dreg:$0x7]  }
0x25: {  	[tilespmem:s5], [sflag:$0x5] =	stream.linear.gather [hbm4b:s8+s5], $0x1400, $0x38;
	[tilespmem:$0x1EB80] =	vst v63  }
0x26: {  	_ =	swait.ge [sflag:s18], $0x1400  }
0x27: {  	[sflag:s18] =	ssyncset.done $0x0  }
0x28: {  	[sflag:s18] =	ssyncadd.s32 $0xFFFFEC00  }
0x29: {  	[tilespmem:s20], [sflag:$0x5] =	stream.linear.gather [hbm4b:s11+s5], $0x1400, $0x38;
	[tilespmem:$0x1EB80] =	vst v63  }
0x2a: {  	_ =	swait.ge [sflag:s18], $0x1400  }
0x2b: {  	[sflag:s18] =	ssyncset.done $0x0  }
0x2c: {  	[sflag:s18] =	ssyncadd.s32 $0xFFFFEC00  }
0x2d: {  	[tilespmem:s22], [sflag:$0x1] =	stream.indirect.gather [hbm4b:s1+s21], $0x80, s5, s21, $0xb8;
	[tilespmem:$0x1EB80] =	vst v63  }
0x2e: {  	_ = 	snop  }
0x2f: {  	[tilespmem:s23], [sflag:$0x3] =	stream.indirect.gather [hbm4b:s6+s21], $0x1, s5, s21, $0xb8;
	[tilespmem:$0x1EB80] =	vst v63  }
0x30: {  	_ = 	snop  }
0x31: {  	[tilespmem:s24], [sflag:$0x2] =	stream.indirect.gather [hbm4b:s1+s21], $0x80, s21, s21, $0xb8;
	[tilespmem:$0x1EB80] =	vst v63  }
0x32: {  	_ = 	snop  }
0x33: {  	[tilespmem:s25], [sflag:$0x4] =	stream.indirect.gather [hbm4b:s6+s21], $0x1, s21, s21, $0xb8;
	[tilespmem:$0x1EB80] =	vst v63  }
0x34: {  	_ =	swait.ge [sflag:s26], $0x4000  }
0x35: {  	[sflag:s26] =	ssyncset.done $0x0  }
0x36: {  	s10 =	simm.s32 $0x1400;
	[sflag:s26] =	ssyncadd.s32 $0xFFFFC000  }
0x37: {  	[spmem:s2] =	stream.indirect.scatter.add.f32 [tilespmem:s22], [sflag:$0x5], $0x80, s10, s21, $0xb8;
	[tilespmem:$0x1EB80] =	vst v63  }
0x38: {  	_ =	swait.ge [sflag:s18], $0x4000  }
0x39: {  	[sflag:s18] =	ssyncset.done $0x0  }
0x3a: {  	[sflag:s18] =	ssyncadd.s32 $0xFFFFC000  }
0x3b: {  	_ =	swait.ge [sflag:s28], $0x80  }
0x3c: {  	[sflag:s28] =	ssyncset.done $0x0  }
0x3d: {  	[sflag:s28] =	ssyncadd.s32 $0xFFFFFF80  }
0x3e: {  	[spmem:s3] =	stream.indirect.scatter.add.f32 [tilespmem:s23], [sflag:$0x5], $0x1, s10, s21, $0xb8;
	[tilespmem:$0x1EB80] =	vst v63  }
0x3f: {  	_ =	swait.ge [sflag:s18], $0x80  }
0x40: {  	[sflag:s18] =	ssyncset.done $0x0  }
0x41: {  	s8 =	simm.s32 $0x100;
	[sflag:s18] =	ssyncadd.s32 $0xFFFFFF80  }
0x42: {  	[tilespmem:s22], [sflag:$0x1] =	stream.indirect.gather [hbm4b:s1+s21], $0x80, s8, s21, $0xb8;
	[tilespmem:$0x1EB80] =	vst v63  }
0x43: {  	_ = 	snop  }
0x44: {  	[tilespmem:s23], [sflag:$0x3] =	stream.indirect.gather [hbm4b:s6+s21], $0x1, s8, s21, $0xb8;
	[tilespmem:$0x1EB80] =	vst v63  }
0x45: {  	_ =	swait.ge [sflag:s29], $0x4000  }
0x46: {  	[sflag:s29] =	ssyncset.done $0x0  }
0x47: {  	s10 =	simm.s32 $0x1480;
	[sflag:s29] =	ssyncadd.s32 $0xFFFFC000  }
0x48: {  	[spmem:s2] =	stream.indirect.scatter.add.f32 [tilespmem:s24], [sflag:$0x5], $0x80, s10, s21, $0xb8;
	[tilespmem:$0x1EB80] =	vst v63  }
0x49: {  	_ =	swait.ge [sflag:s18], $0x4000  }
0x4a: {  	[sflag:s18] =	ssyncset.done $0x0  }
0x4b: {  	[sflag:s18] =	ssyncadd.s32 $0xFFFFC000  }
0x4c: {  	_ =	swait.ge [sflag:s30], $0x80  }
0x4d: {  	[sflag:s30] =	ssyncset.done $0x0  }
0x4e: {  	[sflag:s30] =	ssyncadd.s32 $0xFFFFFF80  }
0x4f: {  	[spmem:s3] =	stream.indirect.scatter.add.f32 [tilespmem:s25], [sflag:$0x5], $0x1, s10, s21, $0xb8;
	[tilespmem:$0x1EB80] =	vst v63  }
0x50: {  	_ =	swait.ge [sflag:s18], $0x80  }
0x51: {  	[sflag:s18] =	ssyncset.done $0x0  }
0x52: {  	s7 =	simm.s32 $0x400;
	s8 =	simm.s32 $0x180;
	[sflag:s18] =	ssyncadd.s32 $0xFFFFFF80  }
0x53: {  	[tilespmem:s24], [sflag:$0x2] =	stream.indirect.gather [hbm4b:s1+s21], $0x80, s8, s21, $0xb8;
	[tilespmem:$0x1EB80] =	vst v63  }
.LBB2_2:
0x54: {  	[tilespmem:s25], [sflag:$0x4] =	stream.indirect.gather [hbm4b:s6+s21], $0x1, s8, s21, $0xb8;
	[tilespmem:$0x1EB80] =	vst v63  }
0x55: {  	s8 =	smov.u32 s7  }
0x56: {  	p0 =	sne.s32 s7, $0x4800;
	s7 =	sadd.s32 $0x400, s7;
	_ =	swait.ge [sflag:s26], $0x4000  }
0x57: {  	s8 =	sshra.s32 s8, $0x2;
	[sflag:s26] =	ssyncset.done $0x0  }
0x58: {  	s10 =	sadd.s32 $0x1400, s8;
	[sflag:s26] =	ssyncadd.s32 $0xFFFFC000  }
0x59: {  	[spmem:s2] =	stream.indirect.scatter.add.f32 [tilespmem:s22], [sflag:$0x5], $0x80, s10, s21, $0xb8;
	[tilespmem:$0x1EB80] =	vst v63  }
0x5a: {  	_ =	swait.ge [sflag:s18], $0x4000  }
0x5b: {  	[sflag:s18] =	ssyncset.done $0x0  }
0x5c: {  	[sflag:s18] =	ssyncadd.s32 $0xFFFFC000  }
0x5d: {  	_ =	swait.ge [sflag:s28], $0x80  }
0x5e: {  	[sflag:s28] =	ssyncset.done $0x0  }
0x5f: {  	[sflag:s28] =	ssyncadd.s32 $0xFFFFFF80  }
0x60: {  	[spmem:s3] =	stream.indirect.scatter.add.f32 [tilespmem:s23], [sflag:$0x5], $0x1, s10, s21, $0xb8;
	[tilespmem:$0x1EB80] =	vst v63  }
0x61: {  	_ =	swait.ge [sflag:s18], $0x80  }
0x62: {  	[sflag:s18] =	ssyncset.done $0x0  }
0x63: {  	s10 =	sadd.s32 $0x100, s8;
	[sflag:s18] =	ssyncadd.s32 $0xFFFFFF80  }
0x64: {  	[tilespmem:s22], [sflag:$0x1] =	stream.indirect.gather [hbm4b:s1+s21], $0x80, s10, s21, $0xb8;
	[tilespmem:$0x1EB80] =	vst v63  }
0x65: {  	_ = 	snop  }
0x66: {  	[tilespmem:s23], [sflag:$0x3] =	stream.indirect.gather [hbm4b:s6+s21], $0x1, s10, s21, $0xb8;
	[tilespmem:$0x1EB80] =	vst v63  }
0x67: {  	_ =	swait.ge [sflag:s29], $0x4000  }
0x68: {  	[sflag:s29] =	ssyncset.done $0x0  }
0x69: {  	s10 =	sadd.s32 $0x1480, s8;
	[sflag:s29] =	ssyncadd.s32 $0xFFFFC000  }
0x6a: {  	[spmem:s2] =	stream.indirect.scatter.add.f32 [tilespmem:s24], [sflag:$0x5], $0x80, s10, s21, $0xb8;
	[tilespmem:$0x1EB80] =	vst v63  }
0x6b: {  	_ =	swait.ge [sflag:s18], $0x4000  }
0x6c: {  	[sflag:s18] =	ssyncset.done $0x0  }
0x6d: {  	[sflag:s18] =	ssyncadd.s32 $0xFFFFC000  }
0x6e: {  	_ =	swait.ge [sflag:s30], $0x80  }
0x6f: {  	[sflag:s30] =	ssyncset.done $0x0  }
0x70: {  	[sflag:s30] =	ssyncadd.s32 $0xFFFFFF80  }
0x71: {  	[spmem:s3] =	stream.indirect.scatter.add.f32 [tilespmem:s25], [sflag:$0x5], $0x1, s10, s21, $0xb8;
	[tilespmem:$0x1EB80] =	vst v63  }
.Ltmp0:
0x72: {  	_ = 	snop;
	(pc) =	sbr.rel @p0 .LBB2_2-.Ltmp0, $4  }
0x73: {  	_ =	swait.ge [sflag:s18], $0x80  }
0x74: {  	[sflag:s18] =	ssyncset.done $0x0  }
0x75: {  	s8 =	sadd.s32 $0x180, s8;
	[sflag:s18] =	ssyncadd.s32 $0xFFFFFF80  }
0x76: {  	[tilespmem:s24], [sflag:$0x2] =	stream.indirect.gather [hbm4b:s1+s21], $0x80, s8, s21, $0xb8;
	[tilespmem:$0x1EB80] =	vst v63  }
0x77: {  	[tilespmem:s25], [sflag:$0x4] =	stream.indirect.gather [hbm4b:s6+s21], $0x1, s8, s21, $0xb8;
	[tilespmem:$0x1EB80] =	vst v63  }
0x78: {  	_ =	swait.ge [sflag:s26], $0x4000  }
0x79: {  	[sflag:s26] =	ssyncset.done $0x0  }
0x7a: {  	[sflag:s26] =	ssyncadd.s32 $0xFFFFC000  }
0x7b: {  	[spmem:s2] =	stream.indirect.scatter.add.f32 [tilespmem:s22], [sflag:$0x5], $0x80, s31, s21, $0xb8;
	[tilespmem:$0x1EB80] =	vst v63  }
0x7c: {  	_ =	swait.ge [sflag:s18], $0x4000  }
0x7d: {  	[sflag:s18] =	ssyncset.done $0x0  }
0x7e: {  	[sflag:s18] =	ssyncadd.s32 $0xFFFFC000  }
0x7f: {  	_ =	swait.ge [sflag:s28], $0x80  }
0x80: {  	[sflag:s28] =	ssyncset.done $0x0  }
0x81: {  	[sflag:s28] =	ssyncadd.s32 $0xFFFFFF80  }
0x82: {  	[spmem:s3] =	stream.indirect.scatter.add.f32 [tilespmem:s23], [sflag:$0x5], $0x1, s31, s21, $0xb8;
	[tilespmem:$0x1EB80] =	vst v63  }
0x83: {  	_ =	swait.ge [sflag:s18], $0x80  }
0x84: {  	[sflag:s18] =	ssyncset.done $0x0  }
0x85: {  	[sflag:s18] =	ssyncadd.s32 $0xFFFFFF80  }
0x86: {  	_ =	swait.ge [sflag:s29], $0x4000  }
0x87: {  	[sflag:s29] =	ssyncset.done $0x0  }
0x88: {  	[sflag:s29] =	ssyncadd.s32 $0xFFFFC000  }
0x89: {  	[spmem:s2] =	stream.indirect.scatter.add.f32 [tilespmem:s24], [sflag:$0x5], $0x80, s0, s21, $0xb8;
	[tilespmem:$0x1EB80] =	vst v63  }
0x8a: {  	_ =	swait.ge [sflag:s18], $0x4000  }
0x8b: {  	[sflag:s18] =	ssyncset.done $0x0  }
0x8c: {  	[sflag:s18] =	ssyncadd.s32 $0xFFFFC000  }
0x8d: {  	_ =	swait.ge [sflag:s30], $0x80  }
0x8e: {  	[sflag:s30] =	ssyncset.done $0x0  }
0x8f: {  	[sflag:s30] =	ssyncadd.s32 $0xFFFFFF80  }
0x90: {  	[spmem:s3] =	stream.indirect.scatter.add.f32 [tilespmem:s25], [sflag:$0x5], $0x1, s0, s21, $0xb8;
	[tilespmem:$0x1EB80] =	vst v63  }
0x91: {  	_ =	swait.ge [sflag:s18], $0x80  }
0x92: {  	[sflag:s18] =	ssyncset.done $0x0  }
0x93: {  	s7 =	simm.s32 $0x0;
	[sflag:s18] =	ssyncadd.s32 $0xFFFFFF80  }
0x94: {  	[tilespmem:s7], [sflag:$0x5] =	stream.linear.gather [hbm4b:s12+s7], $0x1400, $0x38;
	[tilespmem:$0x1EB80] =	vst v63  }
0x95: {  	_ =	swait.ge [sflag:s18], $0x1400  }
0x96: {  	[sflag:s18] =	ssyncset.done $0x0  }
0x97: {  	[sflag:s18] =	ssyncadd.s32 $0xFFFFEC00  }
0x98: {  	[tilespmem:s20], [sflag:$0x5] =	stream.linear.gather [hbm4b:s13+s7], $0x1400, $0x38;
	[tilespmem:$0x1EB80] =	vst v63  }
0x99: {  	_ =	swait.ge [sflag:s18], $0x1400  }
0x9a: {  	[sflag:s18] =	ssyncset.done $0x0  }
0x9b: {  	[sflag:s18] =	ssyncadd.s32 $0xFFFFEC00  }
0x9c: {  	[tilespmem:s22], [sflag:$0x1] =	stream.indirect.gather [hbm4b:s1+s21], $0x80, s7, s21, $0xb8;
	[tilespmem:$0x1EB80] =	vst v63  }
0x9d: {  	_ = 	snop  }
0x9e: {  	[tilespmem:s23], [sflag:$0x3] =	stream.indirect.gather [hbm4b:s6+s21], $0x1, s7, s21, $0xb8;
	[tilespmem:$0x1EB80] =	vst v63  }
0x9f: {  	_ = 	snop  }
0xa0: {  	[tilespmem:s24], [sflag:$0x2] =	stream.indirect.gather [hbm4b:s1+s21], $0x80, s21, s21, $0xb8;
	[tilespmem:$0x1EB80] =	vst v63  }
0xa1: {  	_ = 	snop  }
0xa2: {  	[tilespmem:s25], [sflag:$0x4] =	stream.indirect.gather [hbm4b:s6+s21], $0x1, s21, s21, $0xb8;
	[tilespmem:$0x1EB80] =	vst v63  }
0xa3: {  	_ =	swait.ge [sflag:s26], $0x4000  }
0xa4: {  	[sflag:s26] =	ssyncset.done $0x0  }
0xa5: {  	s10 =	simm.s32 $0x1400;
	[sflag:s26] =	ssyncadd.s32 $0xFFFFC000  }
0xa6: {  	[spmem:s2] =	stream.indirect.scatter.add.f32 [tilespmem:s22], [sflag:$0x5], $0x80, s10, s21, $0xb8;
	[tilespmem:$0x1EB80] =	vst v63  }
0xa7: {  	_ =	swait.ge [sflag:s18], $0x4000  }
0xa8: {  	[sflag:s18] =	ssyncset.done $0x0  }
0xa9: {  	[sflag:s18] =	ssyncadd.s32 $0xFFFFC000  }
0xaa: {  	_ =	swait.ge [sflag:s28], $0x80  }
0xab: {  	[sflag:s28] =	ssyncset.done $0x0  }
0xac: {  	[sflag:s28] =	ssyncadd.s32 $0xFFFFFF80  }
0xad: {  	[spmem:s3] =	stream.indirect.scatter.add.f32 [tilespmem:s23], [sflag:$0x5], $0x1, s10, s21, $0xb8;
	[tilespmem:$0x1EB80] =	vst v63  }
0xae: {  	_ =	swait.ge [sflag:s18], $0x80  }
0xaf: {  	[sflag:s18] =	ssyncset.done $0x0  }
0xb0: {  	s8 =	simm.s32 $0x100;
	[sflag:s18] =	ssyncadd.s32 $0xFFFFFF80  }
0xb1: {  	[tilespmem:s22], [sflag:$0x1] =	stream.indirect.gather [hbm4b:s1+s21], $0x80, s8, s21, $0xb8;
	[tilespmem:$0x1EB80] =	vst v63  }
0xb2: {  	_ = 	snop  }
0xb3: {  	[tilespmem:s23], [sflag:$0x3] =	stream.indirect.gather [hbm4b:s6+s21], $0x1, s8, s21, $0xb8;
	[tilespmem:$0x1EB80] =	vst v63  }
0xb4: {  	_ =	swait.ge [sflag:s29], $0x4000  }
0xb5: {  	[sflag:s29] =	ssyncset.done $0x0  }
0xb6: {  	s10 =	simm.s32 $0x1480;
	[sflag:s29] =	ssyncadd.s32 $0xFFFFC000  }
0xb7: {  	[spmem:s2] =	stream.indirect.scatter.add.f32 [tilespmem:s24], [sflag:$0x5], $0x80, s10, s21, $0xb8;
	[tilespmem:$0x1EB80] =	vst v63  }
0xb8: {  	_ =	swait.ge [sflag:s18], $0x4000  }
0xb9: {  	[sflag:s18] =	ssyncset.done $0x0  }
0xba: {  	[sflag:s18] =	ssyncadd.s32 $0xFFFFC000  }
0xbb: {  	_ =	swait.ge [sflag:s30], $0x80  }
0xbc: {  	[sflag:s30] =	ssyncset.done $0x0  }
0xbd: {  	[sflag:s30] =	ssyncadd.s32 $0xFFFFFF80  }
0xbe: {  	[spmem:s3] =	stream.indirect.scatter.add.f32 [tilespmem:s25], [sflag:$0x5], $0x1, s10, s21, $0xb8;
	[tilespmem:$0x1EB80] =	vst v63  }
0xbf: {  	_ =	swait.ge [sflag:s18], $0x80  }
0xc0: {  	[sflag:s18] =	ssyncset.done $0x0  }
0xc1: {  	s7 =	simm.s32 $0x400;
	s8 =	simm.s32 $0x180;
	[sflag:s18] =	ssyncadd.s32 $0xFFFFFF80  }
0xc2: {  	[tilespmem:s24], [sflag:$0x2] =	stream.indirect.gather [hbm4b:s1+s21], $0x80, s8, s21, $0xb8;
	[tilespmem:$0x1EB80] =	vst v63  }
.LBB2_4:
0xc3: {  	[tilespmem:s25], [sflag:$0x4] =	stream.indirect.gather [hbm4b:s6+s21], $0x1, s8, s21, $0xb8;
	[tilespmem:$0x1EB80] =	vst v63  }
0xc4: {  	s8 =	smov.u32 s7  }
0xc5: {  	p0 =	sne.s32 s7, $0x4800;
	s7 =	sadd.s32 $0x400, s7;
	_ =	swait.ge [sflag:s26], $0x4000  }
0xc6: {  	s8 =	sshra.s32 s8, $0x2;
	[sflag:s26] =	ssyncset.done $0x0  }
0xc7: {  	s10 =	sadd.s32 $0x1400, s8;
	[sflag:s26] =	ssyncadd.s32 $0xFFFFC000  }
0xc8: {  	[spmem:s2] =	stream.indirect.scatter.add.f32 [tilespmem:s22], [sflag:$0x5], $0x80, s10, s21, $0xb8;
	[tilespmem:$0x1EB80] =	vst v63  }
0xc9: {  	_ =	swait.ge [sflag:s18], $0x4000  }
0xca: {  	[sflag:s18] =	ssyncset.done $0x0  }
0xcb: {  	[sflag:s18] =	ssyncadd.s32 $0xFFFFC000  }
0xcc: {  	_ =	swait.ge [sflag:s28], $0x80  }
0xcd: {  	[sflag:s28] =	ssyncset.done $0x0  }
0xce: {  	[sflag:s28] =	ssyncadd.s32 $0xFFFFFF80  }
0xcf: {  	[spmem:s3] =	stream.indirect.scatter.add.f32 [tilespmem:s23], [sflag:$0x5], $0x1, s10, s21, $0xb8;
	[tilespmem:$0x1EB80] =	vst v63  }
0xd0: {  	_ =	swait.ge [sflag:s18], $0x80  }
0xd1: {  	[sflag:s18] =	ssyncset.done $0x0  }
0xd2: {  	s10 =	sadd.s32 $0x100, s8;
	[sflag:s18] =	ssyncadd.s32 $0xFFFFFF80  }
0xd3: {  	[tilespmem:s22], [sflag:$0x1] =	stream.indirect.gather [hbm4b:s1+s21], $0x80, s10, s21, $0xb8;
	[tilespmem:$0x1EB80] =	vst v63  }
0xd4: {  	_ = 	snop  }
0xd5: {  	[tilespmem:s23], [sflag:$0x3] =	stream.indirect.gather [hbm4b:s6+s21], $0x1, s10, s21, $0xb8;
	[tilespmem:$0x1EB80] =	vst v63  }
0xd6: {  	_ =	swait.ge [sflag:s29], $0x4000  }
0xd7: {  	[sflag:s29] =	ssyncset.done $0x0  }
0xd8: {  	s10 =	sadd.s32 $0x1480, s8;
	[sflag:s29] =	ssyncadd.s32 $0xFFFFC000  }
0xd9: {  	[spmem:s2] =	stream.indirect.scatter.add.f32 [tilespmem:s24], [sflag:$0x5], $0x80, s10, s21, $0xb8;
	[tilespmem:$0x1EB80] =	vst v63  }
0xda: {  	_ =	swait.ge [sflag:s18], $0x4000  }
0xdb: {  	[sflag:s18] =	ssyncset.done $0x0  }
0xdc: {  	[sflag:s18] =	ssyncadd.s32 $0xFFFFC000  }
0xdd: {  	_ =	swait.ge [sflag:s30], $0x80  }
0xde: {  	[sflag:s30] =	ssyncset.done $0x0  }
0xdf: {  	[sflag:s30] =	ssyncadd.s32 $0xFFFFFF80  }
0xe0: {  	[spmem:s3] =	stream.indirect.scatter.add.f32 [tilespmem:s25], [sflag:$0x5], $0x1, s10, s21, $0xb8;
	[tilespmem:$0x1EB80] =	vst v63  }
.Ltmp1:
0xe1: {  	_ = 	snop;
	(pc) =	sbr.rel @p0 .LBB2_4-.Ltmp1, $4  }
0xe2: {  	_ =	swait.ge [sflag:s18], $0x80  }
0xe3: {  	[sflag:s18] =	ssyncset.done $0x0  }
0xe4: {  	s8 =	sadd.s32 $0x180, s8;
	[sflag:s18] =	ssyncadd.s32 $0xFFFFFF80  }
0xe5: {  	[tilespmem:s24], [sflag:$0x2] =	stream.indirect.gather [hbm4b:s1+s21], $0x80, s8, s21, $0xb8;
	[tilespmem:$0x1EB80] =	vst v63  }
0xe6: {  	[tilespmem:s25], [sflag:$0x4] =	stream.indirect.gather [hbm4b:s6+s21], $0x1, s8, s21, $0xb8;
	[tilespmem:$0x1EB80] =	vst v63  }
0xe7: {  	_ =	swait.ge [sflag:s26], $0x4000  }
0xe8: {  	[sflag:s26] =	ssyncset.done $0x0  }
0xe9: {  	[sflag:s26] =	ssyncadd.s32 $0xFFFFC000  }
0xea: {  	[spmem:s2] =	stream.indirect.scatter.add.f32 [tilespmem:s22], [sflag:$0x5], $0x80, s31, s21, $0xb8;
	[tilespmem:$0x1EB80] =	vst v63  }
0xeb: {  	_ =	swait.ge [sflag:s18], $0x4000  }
0xec: {  	[sflag:s18] =	ssyncset.done $0x0  }
0xed: {  	[sflag:s18] =	ssyncadd.s32 $0xFFFFC000  }
0xee: {  	_ =	swait.ge [sflag:s28], $0x80  }
0xef: {  	[sflag:s28] =	ssyncset.done $0x0  }
0xf0: {  	[sflag:s28] =	ssyncadd.s32 $0xFFFFFF80  }
0xf1: {  	[spmem:s3] =	stream.indirect.scatter.add.f32 [tilespmem:s23], [sflag:$0x5], $0x1, s31, s21, $0xb8;
	[tilespmem:$0x1EB80] =	vst v63  }
0xf2: {  	_ =	swait.ge [sflag:s18], $0x80  }
0xf3: {  	[sflag:s18] =	ssyncset.done $0x0  }
0xf4: {  	[sflag:s18] =	ssyncadd.s32 $0xFFFFFF80  }
0xf5: {  	_ =	swait.ge [sflag:s29], $0x4000  }
0xf6: {  	[sflag:s29] =	ssyncset.done $0x0  }
0xf7: {  	[sflag:s29] =	ssyncadd.s32 $0xFFFFC000  }
0xf8: {  	[spmem:s2] =	stream.indirect.scatter.add.f32 [tilespmem:s24], [sflag:$0x5], $0x80, s0, s21, $0xb8;
	[tilespmem:$0x1EB80] =	vst v63  }
0xf9: {  	_ =	swait.ge [sflag:s18], $0x4000  }
0xfa: {  	[sflag:s18] =	ssyncset.done $0x0  }
0xfb: {  	[sflag:s18] =	ssyncadd.s32 $0xFFFFC000  }
0xfc: {  	_ =	swait.ge [sflag:s30], $0x80  }
0xfd: {  	[sflag:s30] =	ssyncset.done $0x0  }
0xfe: {  	[sflag:s30] =	ssyncadd.s32 $0xFFFFFF80  }
0xff: {  	[spmem:s3] =	stream.indirect.scatter.add.f32 [tilespmem:s25], [sflag:$0x5], $0x1, s0, s21, $0xb8;
	[tilespmem:$0x1EB80] =	vst v63  }
0x100: {  	_ =	swait.ge [sflag:s18], $0x80  }
0x101: {  	[sflag:s18] =	ssyncset.done $0x0  }
0x102: {  	[sflag:s18] =	ssyncadd.s32 $0xFFFFFF80  }
0x103: {  	[bflag:$0x0] =	sbarrier.arrive $0xFFFF  }
0x104: {  	[hbm:s14], [sflag:s9] =	dma.local [spmem:s17], $0x2800  }
0x105: {  	s4 =	sadd.s32 $0x1, s4;
	_ =	swait.ge [sflag:s18], $0x2800  }
0x106: {  	s7 =	simm.s32 $0x20;
	p0 =	sne.s32 s4, s16;
	[sflag:s18] =	ssyncset.done $0x0  }
.Ltmp2:
0x107: {  	s10 =	simm.s32 $0x10;
	[sflag:s18] =	ssyncadd.s32 $0xFFFFD800;
	(pc) =	sbr.rel @p0 .LBB2_1-.Ltmp2, $4  }
0x108: {  	[hbm:s15@s7], [sflag:s9] =	dma.strided [spmem:s19@s10], $0x50, s26, $0x10   }
0x109: {  	_ =	swait.ge [sflag:s18], $0x50  }
0x10a: {  	[sflag:s18] =	ssyncset.done $0x0  }
0x10b: {  	[sflag:s18] =	ssyncadd.s32 $0xFFFFFFB0  }
0x10c: {  	_ =	sfence.sel $0x180000  }
0x10d: {  	[bflag:$0x0] =	sbarrier.arrive $0xFFFF  }
0x10e: {  	_ =	strace $0x9000004D  }
0x10f: {  	s0 =	stileid.u32;
	[bflag:$0x2] =	sbarrier.arrive $0xFFFF  }
0x110: {  	p0 =	sne.s32 s0, $0x0;
	s0 =	rddreg [dreg:$0x4]  }
0x111: {  	s0 =	sadd.s32 @!p0 $0x100000, s0  }
0x112: {  	[sflag:s0] =	ssyncadd.tile.s32 @!p0 $0x1;
	_ =	shalt  }
.Lfunc_end2:
_tile_overlayer_lowered:
.L_overlay_start_2:
0x113: {  	(tag) =	ssettag $0x2  }
0x114: {  	s0 =	rddreg [dreg:$0x0];
	s2 =	stileid.u32  }
0x115: {  	s1 =	rddreg [dreg:$0x1];
	p0 =	sne.s32 s2, $0x0  }
0x116: {  	s3 =	rddreg [dreg:$0x2];
	[bflag:$0x3] =	sbarrier.arrive $0xFFFF;
	s2 =	simm.s32 @!p0 $0x1C05  }
0x117: {  	[timem:s3], [sflag:s2] =	dma.local @!p0 [hbm:s0], s1  }
0x118: {  	s0 =	simm.s32 @!p0 $0x5  }
0x119: {  	_ =	swait.ge @!p0 [sflag:s0], s1  }
0x11a: {  	s1 =	ssub.s32 @!p0 $0x0, s1;
	[sflag:s0] =	ssyncset.done @!p0 $0x0  }
0x11b: {  	[sflag:s0] =	ssyncadd.s32 @!p0 s1  }
0x11c: {  	[bflag:$0x3] =	sbarrier.arrive $0xFFFF  }
0x11d: {  	_ =	shalt  }

// kernel: kernel.21.cloned.1.call-start
scs
__scs_entry_jumppad:
0x0: {  	(pc) =	sbr.rel $0x88, $3  }
0x1: {  	(tag) =	ssettag $0x0;
	lr =	simm.s32 $0x1  }
0x2: {  	[smem:$0x3F9B] =	sst lr;
	_ =	strace $0xD0000000  }
0x3: {  	_ = 	snop  }
0x4: {  	_ = 	snop  }
0x5: {  	_ = 	snop  }
0x6: {  	_ = 	snop  }
0x7: {  	_ = 	snop  }
__scs_overlays_trampoline_lowered:
0x8: {  	[smem:$0x3FAA] =	sst s0  }
0x9: {  	[smem:$0x3FAB] =	sst s1  }
0xa: {  	[smem:$0x3FAC] =	sst s2  }
0xb: {  	[smem:$0x3FAD] =	sst s3  }
0xc: {  	[smem:$0x3FAE] =	sst s4  }
0xd: {  	[smem:$0x3FAF] =	sst s5  }
0xe: {  	[smem:$0x3FB0] =	sst s6  }
0xf: {  	[smem:$0x3FB1] =	sst s7  }
0x10: {  	[smem:$0x3FB2] =	sst s8  }
0x11: {  	[smem:$0x3FB3] =	sst s9;
	s0 =	simm.s32 @!p0 $0x0  }
0x12: {  	s1 =	sld [smem:$0x3F99];
	s0 =	simm.s32 @p0 $0x1  }
0x13: {  	[smem:$0x3FB4] =	sst s0;
	s0 =	simm.s32 @!p1 $0x0  }
0x14: {  	s2 =	sld [smem:$0x3F98];
	s0 =	simm.s32 @p1 $0x1  }
0x15: {  	[smem:$0x3FB5] =	sst s0;
	s0 =	simm.s32 @!p2 $0x0  }
0x16: {  	s3 =	sld [smem:$0x3FDB];
	s0 =	simm.s32 @p2 $0x1  }
0x17: {  	s4 =	simm.s32 $0x1BF5;
	[smem:$0x3FB7] =	sst s0  }
0x18: {  	s0 =	sld [smem:$0x3F9A];
	_ =	swait.ge [sflag:s4], $0x0  }
0x19: {  	s7 =	sld [smem:$0x3F9B]  }
0x1a: {  	s8 =	sadd.s32 $0xFFFFE003, lr  }
0x1b: {  	s9 =	sadd.s32 $0xFFFFFEF7, lr;
	s5 =	simm.s32 $0xFFFFFFFF;
	p2 =	slt.u32 s8, $0xFFFFF086  }
0x1c: {  	p1 =	slt.u32 s9, $0xF7A;
	s5 =	simm.s32 @!p2 $0x0  }
0x1d: {  	s5 =	simm.s32 @p1 $0x1;
	p0 =	seq.s32 s7, s2  }
0x1e: {  	s7 =	smul.u32 @!p0 $0xF7A, s2;
	p2 =	seq.s32 @!p0 s5, $0x0  }
0x1f: {  	s9 =	smul.u32 $0xF7A, s1;
	s8 =	simm.s32 @!p0 $0x1BF5;
	p2 =	por !p2, p0  }
0x20: {  	[sflag:s8] =	ssyncset.s32 @!p0 $0xFFFFF086;
	s6 =	sadd.s32 @!p0 s3, s7;
	s7 =	simm.s32 @!p0 $0x108  }
0x21: {  	s3 =	sadd.s32 s3, s9;
	s6 =	sadd.s32 @!p0 $0x88, s6;
	s7 =	simm.s32 @p2 $0x1082  }
0x22: {  	[simem:s7], [sflag:s8] =	dma.local @!p0 [hbm:s6], $0xF7A  }
0x23: {  	s9 =	sor.u32 $0xD0000000, s2;
	s6 =	simm.s32 $0x108;
	_ =	swait.ge @!p0 [sflag:s8], $0x0  }
0x24: {  	s3 =	sadd.s32 $0x88, s3;
	s6 =	simm.s32 @!p1 $0x1082;
	[sflag:s4] =	ssyncset.s32 $0xFFFFF086  }
0x25: {  	[simem:s6], [sflag:s4] =	dma.local [hbm:s3], $0xF7A  }
0x26: {  	[smem:$0x3F9B] =	sst s1;
	(tag) =	ssettag s2;
	_ =	strace s9  }
0x27: {  	s1 =	sld [smem:$0x3FAB]  }
0x28: {  	s2 =	sld [smem:$0x3FAC]  }
0x29: {  	s4 =	sld [smem:$0x3FAE]  }
0x2a: {  	p0 =	seq.s32 s5, $0x0;
	s5 =	sld [smem:$0x3FAF]  }
0x2b: {  	s6 =	sld [smem:$0x3FB0]  }
0x2c: {  	s7 =	sld [smem:$0x3FB1]  }
0x2d: {  	s3 =	simm.s32 $0x108;
	s8 =	sld [smem:$0x3FB2]  }
0x2e: {  	s3 =	simm.s32 @!p0 $0x1082;
	s9 =	sld [smem:$0x3FB3]  }
0x2f: {  	lr =	sadd.s32 s0, s3;
	s0 =	sld [smem:$0x3FAA]  }
0x30: {  	s3 =	sld [smem:$0x3FAD]  }
0x31: {  	[smem:$0x3FB6] =	sst s10  }
0x32: {  	s10 =	sld [smem:$0x3FB4];
	_ =	sdelay $0x3  }
0x33: {  	p0 =	seq.s32 s10, $0x1;
	s10 =	sld [smem:$0x3FB6];
	_ =	sdelay $0x3  }
0x34: {  	[smem:$0x3FB6] =	sst s10  }
0x35: {  	s10 =	sld [smem:$0x3FB5];
	_ =	sdelay $0x3  }
0x36: {  	p1 =	seq.s32 s10, $0x1;
	s10 =	sld [smem:$0x3FB6];
	_ =	sdelay $0x3  }
0x37: {  	[smem:$0x3FB6] =	sst s10  }
0x38: {  	s10 =	sld [smem:$0x3FB7]  }
0x39: {  	_ = 	snop;
	(pc) =	sbr.ind lr, $3  }
0x3a: {  	_ = 	snop  }
0x3b: {  	_ = 	snop  }
0x3c: {  	p2 =	seq.s32 s10, $0x1;
	s10 =	sld [smem:$0x3FB6]  }
0x3d: {  	_ =	shalt  }
0x3e: {  	_ =	shalt  }
0x3f: {  	_ =	shalt  }
0x40: {  	_ =	shalt  }
0x41: {  	_ =	shalt  }
0x42: {  	_ =	shalt  }
0x43: {  	_ =	shalt  }
0x44: {  	_ =	shalt  }
0x45: {  	_ =	shalt  }
0x46: {  	_ =	shalt  }
0x47: {  	_ =	shalt  }
0x48: {  	_ =	shalt  }
0x49: {  	_ =	shalt  }
0x4a: {  	_ =	shalt  }
0x4b: {  	_ =	shalt  }
0x4c: {  	_ =	shalt  }
0x4d: {  	_ =	shalt  }
0x4e: {  	_ =	shalt  }
0x4f: {  	_ =	shalt  }
0x50: {  	_ =	shalt  }
0x51: {  	_ =	shalt  }
0x52: {  	_ =	shalt  }
0x53: {  	_ =	shalt  }
0x54: {  	_ =	shalt  }
0x55: {  	_ =	shalt  }
0x56: {  	_ =	shalt  }
0x57: {  	_ =	shalt  }
0x58: {  	_ =	shalt  }
0x59: {  	_ =	shalt  }
0x5a: {  	_ =	shalt  }
0x5b: {  	_ =	shalt  }
0x5c: {  	_ =	shalt  }
0x5d: {  	_ =	shalt  }
0x5e: {  	_ =	shalt  }
0x5f: {  	_ =	shalt  }
0x60: {  	_ =	shalt  }
0x61: {  	_ =	shalt  }
0x62: {  	_ =	shalt  }
0x63: {  	_ =	shalt  }
0x64: {  	_ =	shalt  }
0x65: {  	_ =	shalt  }
0x66: {  	_ =	shalt  }
0x67: {  	_ =	shalt  }
0x68: {  	_ =	shalt  }
0x69: {  	_ =	shalt  }
0x6a: {  	_ =	shalt  }
0x6b: {  	_ =	shalt  }
0x6c: {  	_ =	shalt  }
0x6d: {  	_ =	shalt  }
0x6e: {  	_ =	shalt  }
0x6f: {  	_ =	shalt  }
0x70: {  	_ =	shalt  }
0x71: {  	_ =	shalt  }
0x72: {  	_ =	shalt  }
0x73: {  	_ =	shalt  }
0x74: {  	_ =	shalt  }
0x75: {  	_ =	shalt  }
0x76: {  	_ =	shalt  }
0x77: {  	_ =	shalt  }
0x78: {  	_ =	shalt  }
0x79: {  	_ =	shalt  }
0x7a: {  	_ =	shalt  }
0x7b: {  	_ =	shalt  }
0x7c: {  	_ =	shalt  }
0x7d: {  	_ =	shalt  }
0x7e: {  	_ =	shalt  }
0x7f: {  	_ =	shalt  }
0x80: {  	_ =	shalt  }
0x81: {  	_ =	shalt  }
0x82: {  	_ =	shalt  }
0x83: {  	_ =	shalt  }
0x84: {  	_ =	shalt  }
0x85: {  	_ =	shalt  }
0x86: {  	_ =	shalt  }
0x87: {  	_ =	shalt  }
.Lfunc_end0:
.L_simem_size_0:
called_computation.3_lowered:
.L_overlay_start_0:
0x88: {  	s2 =	sld [smem:$0x3FD9]  }
0x89: {  	s3 =	sld [smem:$0x3FFE];
	_ =	sdelay $0x1  }
0x8a: {  	s1 =	srdreg.scid  }
0x8b: {  	s0 =	sand.u32 $0x1, s1  }
0x8c: {  	s17 =	sshll.u32 s0, $0xA;
	s2 =	sadd.s32 s3, s2  }
0x8d: {  	s2 =	sadd.s32 s2, s17  }
0x8e: {  	[smem:$0x3FC2] =	sst s2  }
0x8f: {  	_ = 	snop  }
0x90: {  	s2 =	sld [smem:$0x3FD0];
	(tm) =	ssettm $0x1  }
0x91: {  	s18 =	sld [smem:$0x3FFB];
	_ =	sdelay $0x3  }
0x92: {  	_ =	strace s18  }
0x93: {  	s3 =	sld [smem:$0x3FFC];
	_ =	sdelay $0x3  }
0x94: {  	_ =	strace s3  }
0x95: {  	s3 =	sld [smem:$0x3FFD];
	_ =	sdelay $0x3  }
0x96: {  	_ =	strace s3  }
0x97: {  	_ =	strace $0x8FFFFFFF  }
0x98: {  	s19 =	sld [smem:$0x3FDB];
	_ =	sdelay $0x1  }
0x99: {  	s4 =	simm.s32 $_scs_section_size  }
0x9a: {  	s5 =	simm.s32 $_size__tile_overlayer_lowered;
	s6 =	simm.s32 $_tile_overlayer_lowered  }
0x9b: {  	s22 =	simm.s32 $0x1BFF;
	s21 =	sshll.u32 s6, $0x1;
	s3 =	sadd.s32 s4, s19  }
0x9c: {  	s7 =	simm.s32 $0x0;
	s20 =	sshll.u32 s5, $0x1;
	s5 =	sadd.s32 s21, s3  }
0x9d: {  	[timem:s7], [sflag:s22] =	dma.local [hbm:s5], s20  }
0x9e: {  	_ =	swait.ge [sflag:s22], s20  }
0x9f: {  	s4 =	ssub.s32 $0x0, s20;
	[sflag:s22] =	ssyncset.done $0x0  }
0xa0: {  	[sflag:s22] =	ssyncadd.s32 s4;
	_ =	sdelay $0x1  }
0xa1: {  	s23 =	simm.s32 $0x1B8B  }
0xa2: {  	_ =	swait.ge [sflag:s23], $0x1  }
0xa3: {  	[sflag:s23] =	ssyncset.done $0x0  }
0xa4: {  	s25 =	simm.s32 $0x1B8E;
	s24 =	sld [smem:$0x3FFE];
	[sflag:s23] =	ssyncadd.s32 $0xFFFFFFFF  }
0xa5: {  	s26 =	simm.s32 $execute0_lowered;
	[smem:$0x3FD2] =	sst s25  }
0xa6: {  	s5 =	sshll.u32 s26, $0x1;
	_ =	strace $0x8000004F;
	[dreg:$0x1] =	wrdreg $0xFFFFFFFF  }
0xa7: {  	s28 =	simm.s32 $_size_execute0_lowered;
	s3 =	sadd.s32 s3, s5;
	[dreg:$0x0] =	wrdreg $0x0  }
0xa8: {  	s5 =	sshll.u32 s28, $0x1;
	[dreg:$0x2] =	wrdreg s3  }
0xa9: {  	[dreg:$0x3] =	wrdreg s5  }
0xaa: {  	[dreg:$0x4] =	wrdreg $0xC0  }
0xab: {  	_ =	task [dreg:s7], $0x5FFFF  }
0xac: {  	[dreg:$0x1] =	wrdreg $0xFFFFFFFF  }
0xad: {  	[dreg:$0x0] =	wrdreg $0x60  }
0xae: {  	[dreg:$0x2] =	wrdreg s2  }
0xaf: {  	[dreg:$0x3] =	wrdreg s24  }
0xb0: {  	[dreg:$0x4] =	wrdreg $0xA9000  }
0xb1: {  	[dreg:$0x5] =	wrdreg $0x1E9000  }
0xb2: {  	[dreg:$0x6] =	wrdreg $0x9  }
0xb3: {  	_ =	task.clear_ibuf [dreg:s7], $0x7FFFF;
	_ =	strace $0x9000004F  }
0xb4: {  	s29 =	simm.s32 $0x9;
	_ =	strace $0x80000051  }
0xb5: {  	_ =	swait.ge [sflag:s29], $0x1  }
0xb6: {  	[sflag:s29] =	ssyncadd.s32 $0xFFFFFFFF  }
0xb7: {  	_ =	strace $0x90000051  }
0xb8: {  	_ =	sfence  }
0xb9: {  	s30 =	sld [smem:$0x0];
	_ =	sdelay $0x2  }
0xba: {  	s31 =	sshll.u32 s1, $0xD;
	s1 =	sshrl.u32 s1, $0x2  }
0xbb: {  	s3 =	sand.u32 $0x4000, s31;
	s1 =	sadd.s32 s1, s30  }
0xbc: {  	s0 =	sor.u32 s3, s0;
	s1 =	sshll.u32 s1, $0x11  }
0xbd: {  	s0 =	sor.u32 s1, s0  }
0xbe: {  	s0 =	sadd.s32 $0x8F2B, s0  }
0xbf: {  	[sflag:s0] =	ssyncadd.remote.s32 $0x1  }
0xc0: {  	_ =	sfence.sel $0xFFFF  }
0xc1: {  	[dreg:$0x0] =	wrdreg $0xFFFFFFFF;
	(pc) =	sbr.abs _section_cstart, $3  }
0xc2: {  	[dreg:$0x1] =	wrdreg $0xFFFFFFFF  }
0xc3: {  	_ =	task.clear_ibuf [dreg:s7], $0x2FFFF;
	_ =	strace $0x9FFFFFFF  }
0xc4: {  	(tm) =	ssettm $0x7FFFFFFF  }
0xc5: {  	_ =	shalt  }
tec
execute0_lowered:
.L_overlay_start_1:
0x0: {  	(tag) =	ssettag $0x1  }
0x1: {  	s1 =	rddreg [dreg:$0x0]  }
0x2: {  	s0 =	rddreg [dreg:$0x1]  }
0x3: {  	s2 =	rddreg [dreg:$0x2]  }
0x4: {  	s3 =	rddreg [dreg:$0x3]  }
0x5: {  	s5 =	simm.s32 $0x0;
	s4 =	srdreg.scid;
	s14 =	stileid.u32  }
0x6: {  	s18 =	simm.s32 $0x5;
	s28 =	simm.s32 $0x3;
	s29 =	simm.s32 $0x2  }
0x7: {  	s30 =	simm.s32 $0x4;
	s31 =	simm.s32 $0x2700;
	s8 =	smul.u32 $0x14000, s14  }
0x8: {  	[smem:$0x7FF] =	sst s5;
	s4 =	sand.u32 $0x1, s4;
	s9 =	smul.u32 $0x500, s14  }
0x9: {  	s6 =	sadd.s32 $0x5400, s0;
	s12 =	sadd.s32 $0x23400, s0;
	s22 =	smul.u32 $0x50000, s14  }
0xa: {  	s13 =	sadd.s32 $0x19400, s0;
	s10 =	sadd.s32 $0xC9E00, s0;
	s23 =	smul.u32 $0xA00, s14  }
0xb: {  	s20 =	sadd.s32 $0x2D400, s0;
	s24 =	sshll.u32 s14, $0x6;
	s7 =	smul.u32 $0x140000, s4  }
0xc: {  	_ =	strace $0x80000050;
	s19 =	sshll.u32 s4, $0x7;
	[dreg:$0x5] =	wrdreg s10  }
0xd: {  	[dreg:$0x6] =	wrdreg s20;
	s21 =	sshll.u32 s4, $0x4;
	s4 =	ssub.s32 $0x2, s4  }
0xe: {  	s20 =	simm.s32 $0x1400;
	s11 =	sshrl.u32 s4, $0x1;
	s10 =	sshrl.u32 s23, $0x2  }
0xf: {  	s23 =	simm.s32 $0xA800;
	s7 =	sadd.s32 s8, s7;
	s8 =	sor.u32 s19, s9  }
0x10: {  	s9 =	sshrl.u32 s22, $0x2;
	s4 =	ssub.s32 s4, s11;
	s19 =	sadd.s32 s10, s3  }
0x11: {  	s22 =	simm.s32 $0x2800;
	s7 =	sshrl.u32 s7, $0x3;
	s8 =	sshrl.u32 s8, $0x3  }
0x12: {  	s17 =	sadd.s32 s9, s2;
	s9 =	sor.u32 $0x1C05, s24;
	s16 =	smax.u32 s4, $0x1  }
0x13: {  	s7 =	sadd.s32 s7, s0;
	s0 =	sadd.s32 s8, s0;
	s8 =	sor.u32 s14, s21  }
0x14: {  	s19 =	sshrl.u32 s19, $0x3;
	s24 =	simm.s32 $0x6800;
	s8 =	smul.u32 $0x2800, s8  }
0x15: {  	s4 =	simm.s32 $0x0;
	s17 =	sshrl.u32 s17, $0x3;
	s21 =	simm.s32 $0x80  }
0x16: {  	s14 =	sadd.s32 $0xCC600, s7;
	s15 =	sadd.s32 $0x5A00, s0;
	s8 =	sshrl.u32 s8, $0x3  }
0x17: {  	s0 =	simm.s32 $0x2780;
	s25 =	sadd.s32 s12, s8;
	s26 =	sadd.s32 $0x280, s8  }
0x18: {  	s11 =	sadd.s32 s13, s8;
	[dreg:$0x7] =	wrdreg s25;
	s12 =	sadd.s32 s12, s26  }
0x19: {  	s13 =	sadd.s32 s13, s26;
	s25 =	simm.s32 $0xA880;
	s26 =	simm.s32 $0x1  }
.LBB2_1:
0x1a: {  	s7 =	rddreg [dreg:$0x5]  }
0x1b: {  	[spmem:s17], [sflag:s9] =	dma.local [hbm:s7], $0x2800  }
0x1c: {  	_ =	swait.ge [sflag:s18], $0x2800  }
0x1d: {  	[sflag:s18] =	ssyncset.done $0x0  }
0x1e: {  	s10 =	rddreg [dreg:$0x6];
	[sflag:s18] =	ssyncadd.s32 $0xFFFFD800  }
0x1f: {  	[spmem:s19], [sflag:s9] =	dma.local [hbm:s10], $0x50  }
0x20: {  	_ =	swait.ge [sflag:s18], $0x50  }
0x21: {  	[sflag:s18] =	ssyncset.done $0x0  }
0x22: {  	[sflag:s18] =	ssyncadd.s32 $0xFFFFFFB0  }
0x23: {  	[bflag:$0x0] =	sbarrier.arrive $0xFFFF  }
0x24: {  	s8 =	rddreg [dreg:$0x7]  }
0x25: {  	[tilespmem:s5], [sflag:$0x5] =	stream.linear.gather [hbm4b:s8+s5], $0x1400, $0x38;
	[tilespmem:$0x1EB80] =	vst v63  }
0x26: {  	_ =	swait.ge [sflag:s18], $0x1400  }
0x27: {  	[sflag:s18] =	ssyncset.done $0x0  }
0x28: {  	[sflag:s18] =	ssyncadd.s32 $0xFFFFEC00  }
0x29: {  	[tilespmem:s20], [sflag:$0x5] =	stream.linear.gather [hbm4b:s11+s5], $0x1400, $0x38;
	[tilespmem:$0x1EB80] =	vst v63  }
0x2a: {  	_ =	swait.ge [sflag:s18], $0x1400  }
0x2b: {  	[sflag:s18] =	ssyncset.done $0x0  }
0x2c: {  	[sflag:s18] =	ssyncadd.s32 $0xFFFFEC00  }
0x2d: {  	[tilespmem:s22], [sflag:$0x1] =	stream.indirect.gather [hbm4b:s1+s21], $0x80, s5, s21, $0xb8;
	[tilespmem:$0x1EB80] =	vst v63  }
0x2e: {  	_ = 	snop  }
0x2f: {  	[tilespmem:s23], [sflag:$0x3] =	stream.indirect.gather [hbm4b:s6+s21], $0x1, s5, s21, $0xb8;
	[tilespmem:$0x1EB80] =	vst v63  }
0x30: {  	_ = 	snop  }
0x31: {  	[tilespmem:s24], [sflag:$0x2] =	stream.indirect.gather [hbm4b:s1+s21], $0x80, s21, s21, $0xb8;
	[tilespmem:$0x1EB80] =	vst v63  }
0x32: {  	_ = 	snop  }
0x33: {  	[tilespmem:s25], [sflag:$0x4] =	stream.indirect.gather [hbm4b:s6+s21], $0x1, s21, s21, $0xb8;
	[tilespmem:$0x1EB80] =	vst v63  }
0x34: {  	_ =	swait.ge [sflag:s26], $0x4000  }
0x35: {  	[sflag:s26] =	ssyncset.done $0x0  }
0x36: {  	s10 =	simm.s32 $0x1400;
	[sflag:s26] =	ssyncadd.s32 $0xFFFFC000  }
0x37: {  	[spmem:s2] =	stream.indirect.scatter.add.f32 [tilespmem:s22], [sflag:$0x5], $0x80, s10, s21, $0xb8;
	[tilespmem:$0x1EB80] =	vst v63  }
0x38: {  	_ =	swait.ge [sflag:s18], $0x4000  }
0x39: {  	[sflag:s18] =	ssyncset.done $0x0  }
0x3a: {  	[sflag:s18] =	ssyncadd.s32 $0xFFFFC000  }
0x3b: {  	_ =	swait.ge [sflag:s28], $0x80  }
0x3c: {  	[sflag:s28] =	ssyncset.done $0x0  }
0x3d: {  	[sflag:s28] =	ssyncadd.s32 $0xFFFFFF80  }
0x3e: {  	[spmem:s3] =	stream.indirect.scatter.add.f32 [tilespmem:s23], [sflag:$0x5], $0x1, s10, s21, $0xb8;
	[tilespmem:$0x1EB80] =	vst v63  }
0x3f: {  	_ =	swait.ge [sflag:s18], $0x80  }
0x40: {  	[sflag:s18] =	ssyncset.done $0x0  }
0x41: {  	s8 =	simm.s32 $0x100;
	[sflag:s18] =	ssyncadd.s32 $0xFFFFFF80  }
0x42: {  	[tilespmem:s22], [sflag:$0x1] =	stream.indirect.gather [hbm4b:s1+s21], $0x80, s8, s21, $0xb8;
	[tilespmem:$0x1EB80] =	vst v63  }
0x43: {  	_ = 	snop  }
0x44: {  	[tilespmem:s23], [sflag:$0x3] =	stream.indirect.gather [hbm4b:s6+s21], $0x1, s8, s21, $0xb8;
	[tilespmem:$0x1EB80] =	vst v63  }
0x45: {  	_ =	swait.ge [sflag:s29], $0x4000  }
0x46: {  	[sflag:s29] =	ssyncset.done $0x0  }
0x47: {  	s10 =	simm.s32 $0x1480;
	[sflag:s29] =	ssyncadd.s32 $0xFFFFC000  }
0x48: {  	[spmem:s2] =	stream.indirect.scatter.add.f32 [tilespmem:s24], [sflag:$0x5], $0x80, s10, s21, $0xb8;
	[tilespmem:$0x1EB80] =	vst v63  }
0x49: {  	_ =	swait.ge [sflag:s18], $0x4000  }
0x4a: {  	[sflag:s18] =	ssyncset.done $0x0  }
0x4b: {  	[sflag:s18] =	ssyncadd.s32 $0xFFFFC000  }
0x4c: {  	_ =	swait.ge [sflag:s30], $0x80  }
0x4d: {  	[sflag:s30] =	ssyncset.done $0x0  }
0x4e: {  	[sflag:s30] =	ssyncadd.s32 $0xFFFFFF80  }
0x4f: {  	[spmem:s3] =	stream.indirect.scatter.add.f32 [tilespmem:s25], [sflag:$0x5], $0x1, s10, s21, $0xb8;
	[tilespmem:$0x1EB80] =	vst v63  }
0x50: {  	_ =	swait.ge [sflag:s18], $0x80  }
0x51: {  	[sflag:s18] =	ssyncset.done $0x0  }
0x52: {  	s7 =	simm.s32 $0x400;
	s8 =	simm.s32 $0x180;
	[sflag:s18] =	ssyncadd.s32 $0xFFFFFF80  }
0x53: {  	[tilespmem:s24], [sflag:$0x2] =	stream.indirect.gather [hbm4b:s1+s21], $0x80, s8, s21, $0xb8;
	[tilespmem:$0x1EB80] =	vst v63  }
.LBB2_2:
0x54: {  	[tilespmem:s25], [sflag:$0x4] =	stream.indirect.gather [hbm4b:s6+s21], $0x1, s8, s21, $0xb8;
	[tilespmem:$0x1EB80] =	vst v63  }
0x55: {  	s8 =	smov.u32 s7  }
0x56: {  	p0 =	sne.s32 s7, $0x4800;
	s7 =	sadd.s32 $0x400, s7;
	_ =	swait.ge [sflag:s26], $0x4000  }
0x57: {  	s8 =	sshra.s32 s8, $0x2;
	[sflag:s26] =	ssyncset.done $0x0  }
0x58: {  	s10 =	sadd.s32 $0x1400, s8;
	[sflag:s26] =	ssyncadd.s32 $0xFFFFC000  }
0x59: {  	[spmem:s2] =	stream.indirect.scatter.add.f32 [tilespmem:s22], [sflag:$0x5], $0x80, s10, s21, $0xb8;
	[tilespmem:$0x1EB80] =	vst v63  }
0x5a: {  	_ =	swait.ge [sflag:s18], $0x4000  }
0x5b: {  	[sflag:s18] =	ssyncset.done $0x0  }
0x5c: {  	[sflag:s18] =	ssyncadd.s32 $0xFFFFC000  }
0x5d: {  	_ =	swait.ge [sflag:s28], $0x80  }
0x5e: {  	[sflag:s28] =	ssyncset.done $0x0  }
0x5f: {  	[sflag:s28] =	ssyncadd.s32 $0xFFFFFF80  }
0x60: {  	[spmem:s3] =	stream.indirect.scatter.add.f32 [tilespmem:s23], [sflag:$0x5], $0x1, s10, s21, $0xb8;
	[tilespmem:$0x1EB80] =	vst v63  }
0x61: {  	_ =	swait.ge [sflag:s18], $0x80  }
0x62: {  	[sflag:s18] =	ssyncset.done $0x0  }
0x63: {  	s10 =	sadd.s32 $0x100, s8;
	[sflag:s18] =	ssyncadd.s32 $0xFFFFFF80  }
0x64: {  	[tilespmem:s22], [sflag:$0x1] =	stream.indirect.gather [hbm4b:s1+s21], $0x80, s10, s21, $0xb8;
	[tilespmem:$0x1EB80] =	vst v63  }
0x65: {  	_ = 	snop  }
0x66: {  	[tilespmem:s23], [sflag:$0x3] =	stream.indirect.gather [hbm4b:s6+s21], $0x1, s10, s21, $0xb8;
	[tilespmem:$0x1EB80] =	vst v63  }
0x67: {  	_ =	swait.ge [sflag:s29], $0x4000  }
0x68: {  	[sflag:s29] =	ssyncset.done $0x0  }
0x69: {  	s10 =	sadd.s32 $0x1480, s8;
	[sflag:s29] =	ssyncadd.s32 $0xFFFFC000  }
0x6a: {  	[spmem:s2] =	stream.indirect.scatter.add.f32 [tilespmem:s24], [sflag:$0x5], $0x80, s10, s21, $0xb8;
	[tilespmem:$0x1EB80] =	vst v63  }
0x6b: {  	_ =	swait.ge [sflag:s18], $0x4000  }
0x6c: {  	[sflag:s18] =	ssyncset.done $0x0  }
0x6d: {  	[sflag:s18] =	ssyncadd.s32 $0xFFFFC000  }
0x6e: {  	_ =	swait.ge [sflag:s30], $0x80  }
0x6f: {  	[sflag:s30] =	ssyncset.done $0x0  }
0x70: {  	[sflag:s30] =	ssyncadd.s32 $0xFFFFFF80  }
0x71: {  	[spmem:s3] =	stream.indirect.scatter.add.f32 [tilespmem:s25], [sflag:$0x5], $0x1, s10, s21, $0xb8;
	[tilespmem:$0x1EB80] =	vst v63  }
.Ltmp0:
0x72: {  	_ = 	snop;
	(pc) =	sbr.rel @p0 .LBB2_2-.Ltmp0, $4  }
0x73: {  	_ =	swait.ge [sflag:s18], $0x80  }
0x74: {  	[sflag:s18] =	ssyncset.done $0x0  }
0x75: {  	s8 =	sadd.s32 $0x180, s8;
	[sflag:s18] =	ssyncadd.s32 $0xFFFFFF80  }
0x76: {  	[tilespmem:s24], [sflag:$0x2] =	stream.indirect.gather [hbm4b:s1+s21], $0x80, s8, s21, $0xb8;
	[tilespmem:$0x1EB80] =	vst v63  }
0x77: {  	[tilespmem:s25], [sflag:$0x4] =	stream.indirect.gather [hbm4b:s6+s21], $0x1, s8, s21, $0xb8;
	[tilespmem:$0x1EB80] =	vst v63  }
0x78: {  	_ =	swait.ge [sflag:s26], $0x4000  }
0x79: {  	[sflag:s26] =	ssyncset.done $0x0  }
0x7a: {  	[sflag:s26] =	ssyncadd.s32 $0xFFFFC000  }
0x7b: {  	[spmem:s2] =	stream.indirect.scatter.add.f32 [tilespmem:s22], [sflag:$0x5], $0x80, s31, s21, $0xb8;
	[tilespmem:$0x1EB80] =	vst v63  }
0x7c: {  	_ =	swait.ge [sflag:s18], $0x4000  }
0x7d: {  	[sflag:s18] =	ssyncset.done $0x0  }
0x7e: {  	[sflag:s18] =	ssyncadd.s32 $0xFFFFC000  }
0x7f: {  	_ =	swait.ge [sflag:s28], $0x80  }
0x80: {  	[sflag:s28] =	ssyncset.done $0x0  }
0x81: {  	[sflag:s28] =	ssyncadd.s32 $0xFFFFFF80  }
0x82: {  	[spmem:s3] =	stream.indirect.scatter.add.f32 [tilespmem:s23], [sflag:$0x5], $0x1, s31, s21, $0xb8;
	[tilespmem:$0x1EB80] =	vst v63  }
0x83: {  	_ =	swait.ge [sflag:s18], $0x80  }
0x84: {  	[sflag:s18] =	ssyncset.done $0x0  }
0x85: {  	[sflag:s18] =	ssyncadd.s32 $0xFFFFFF80  }
0x86: {  	_ =	swait.ge [sflag:s29], $0x4000  }
0x87: {  	[sflag:s29] =	ssyncset.done $0x0  }
0x88: {  	[sflag:s29] =	ssyncadd.s32 $0xFFFFC000  }
0x89: {  	[spmem:s2] =	stream.indirect.scatter.add.f32 [tilespmem:s24], [sflag:$0x5], $0x80, s0, s21, $0xb8;
	[tilespmem:$0x1EB80] =	vst v63  }
0x8a: {  	_ =	swait.ge [sflag:s18], $0x4000  }
0x8b: {  	[sflag:s18] =	ssyncset.done $0x0  }
0x8c: {  	[sflag:s18] =	ssyncadd.s32 $0xFFFFC000  }
0x8d: {  	_ =	swait.ge [sflag:s30], $0x80  }
0x8e: {  	[sflag:s30] =	ssyncset.done $0x0  }
0x8f: {  	[sflag:s30] =	ssyncadd.s32 $0xFFFFFF80  }
0x90: {  	[spmem:s3] =	stream.indirect.scatter.add.f32 [tilespmem:s25], [sflag:$0x5], $0x1, s0, s21, $0xb8;
	[tilespmem:$0x1EB80] =	vst v63  }
0x91: {  	_ =	swait.ge [sflag:s18], $0x80  }
0x92: {  	[sflag:s18] =	ssyncset.done $0x0  }
0x93: {  	s7 =	simm.s32 $0x0;
	[sflag:s18] =	ssyncadd.s32 $0xFFFFFF80  }
0x94: {  	[tilespmem:s7], [sflag:$0x5] =	stream.linear.gather [hbm4b:s12+s7], $0x1400, $0x38;
	[tilespmem:$0x1EB80] =	vst v63  }
0x95: {  	_ =	swait.ge [sflag:s18], $0x1400  }
0x96: {  	[sflag:s18] =	ssyncset.done $0x0  }
0x97: {  	[sflag:s18] =	ssyncadd.s32 $0xFFFFEC00  }
0x98: {  	[tilespmem:s20], [sflag:$0x5] =	stream.linear.gather [hbm4b:s13+s7], $0x1400, $0x38;
	[tilespmem:$0x1EB80] =	vst v63  }
0x99: {  	_ =	swait.ge [sflag:s18], $0x1400  }
0x9a: {  	[sflag:s18] =	ssyncset.done $0x0  }
0x9b: {  	[sflag:s18] =	ssyncadd.s32 $0xFFFFEC00  }
0x9c: {  	[tilespmem:s22], [sflag:$0x1] =	stream.indirect.gather [hbm4b:s1+s21], $0x80, s7, s21, $0xb8;
	[tilespmem:$0x1EB80] =	vst v63  }
0x9d: {  	_ = 	snop  }
0x9e: {  	[tilespmem:s23], [sflag:$0x3] =	stream.indirect.gather [hbm4b:s6+s21], $0x1, s7, s21, $0xb8;
	[tilespmem:$0x1EB80] =	vst v63  }
0x9f: {  	_ = 	snop  }
0xa0: {  	[tilespmem:s24], [sflag:$0x2] =	stream.indirect.gather [hbm4b:s1+s21], $0x80, s21, s21, $0xb8;
	[tilespmem:$0x1EB80] =	vst v63  }
0xa1: {  	_ = 	snop  }
0xa2: {  	[tilespmem:s25], [sflag:$0x4] =	stream.indirect.gather [hbm4b:s6+s21], $0x1, s21, s21, $0xb8;
	[tilespmem:$0x1EB80] =	vst v63  }
0xa3: {  	_ =	swait.ge [sflag:s26], $0x4000  }
0xa4: {  	[sflag:s26] =	ssyncset.done $0x0  }
0xa5: {  	s10 =	simm.s32 $0x1400;
	[sflag:s26] =	ssyncadd.s32 $0xFFFFC000  }
0xa6: {  	[spmem:s2] =	stream.indirect.scatter.add.f32 [tilespmem:s22], [sflag:$0x5], $0x80, s10, s21, $0xb8;
	[tilespmem:$0x1EB80] =	vst v63  }
0xa7: {  	_ =	swait.ge [sflag:s18], $0x4000  }
0xa8: {  	[sflag:s18] =	ssyncset.done $0x0  }
0xa9: {  	[sflag:s18] =	ssyncadd.s32 $0xFFFFC000  }
0xaa: {  	_ =	swait.ge [sflag:s28], $0x80  }
0xab: {  	[sflag:s28] =	ssyncset.done $0x0  }
0xac: {  	[sflag:s28] =	ssyncadd.s32 $0xFFFFFF80  }
0xad: {  	[spmem:s3] =	stream.indirect.scatter.add.f32 [tilespmem:s23], [sflag:$0x5], $0x1, s10, s21, $0xb8;
	[tilespmem:$0x1EB80] =	vst v63  }
0xae: {  	_ =	swait.ge [sflag:s18], $0x80  }
0xaf: {  	[sflag:s18] =	ssyncset.done $0x0  }
0xb0: {  	s8 =	simm.s32 $0x100;
	[sflag:s18] =	ssyncadd.s32 $0xFFFFFF80  }
0xb1: {  	[tilespmem:s22], [sflag:$0x1] =	stream.indirect.gather [hbm4b:s1+s21], $0x80, s8, s21, $0xb8;
	[tilespmem:$0x1EB80] =	vst v63  }
0xb2: {  	_ = 	snop  }
0xb3: {  	[tilespmem:s23], [sflag:$0x3] =	stream.indirect.gather [hbm4b:s6+s21], $0x1, s8, s21, $0xb8;
	[tilespmem:$0x1EB80] =	vst v63  }
0xb4: {  	_ =	swait.ge [sflag:s29], $0x4000  }
0xb5: {  	[sflag:s29] =	ssyncset.done $0x0  }
0xb6: {  	s10 =	simm.s32 $0x1480;
	[sflag:s29] =	ssyncadd.s32 $0xFFFFC000  }
0xb7: {  	[spmem:s2] =	stream.indirect.scatter.add.f32 [tilespmem:s24], [sflag:$0x5], $0x80, s10, s21, $0xb8;
	[tilespmem:$0x1EB80] =	vst v63  }
0xb8: {  	_ =	swait.ge [sflag:s18], $0x4000  }
0xb9: {  	[sflag:s18] =	ssyncset.done $0x0  }
0xba: {  	[sflag:s18] =	ssyncadd.s32 $0xFFFFC000  }
0xbb: {  	_ =	swait.ge [sflag:s30], $0x80  }
0xbc: {  	[sflag:s30] =	ssyncset.done $0x0  }
0xbd: {  	[sflag:s30] =	ssyncadd.s32 $0xFFFFFF80  }
0xbe: {  	[spmem:s3] =	stream.indirect.scatter.add.f32 [tilespmem:s25], [sflag:$0x5], $0x1, s10, s21, $0xb8;
	[tilespmem:$0x1EB80] =	vst v63  }
0xbf: {  	_ =	swait.ge [sflag:s18], $0x80  }
0xc0: {  	[sflag:s18] =	ssyncset.done $0x0  }
0xc1: {  	s7 =	simm.s32 $0x400;
	s8 =	simm.s32 $0x180;
	[sflag:s18] =	ssyncadd.s32 $0xFFFFFF80  }
0xc2: {  	[tilespmem:s24], [sflag:$0x2] =	stream.indirect.gather [hbm4b:s1+s21], $0x80, s8, s21, $0xb8;
	[tilespmem:$0x1EB80] =	vst v63  }
.LBB2_4:
0xc3: {  	[tilespmem:s25], [sflag:$0x4] =	stream.indirect.gather [hbm4b:s6+s21], $0x1, s8, s21, $0xb8;
	[tilespmem:$0x1EB80] =	vst v63  }
0xc4: {  	s8 =	smov.u32 s7  }
0xc5: {  	p0 =	sne.s32 s7, $0x4800;
	s7 =	sadd.s32 $0x400, s7;
	_ =	swait.ge [sflag:s26], $0x4000  }
0xc6: {  	s8 =	sshra.s32 s8, $0x2;
	[sflag:s26] =	ssyncset.done $0x0  }
0xc7: {  	s10 =	sadd.s32 $0x1400, s8;
	[sflag:s26] =	ssyncadd.s32 $0xFFFFC000  }
0xc8: {  	[spmem:s2] =	stream.indirect.scatter.add.f32 [tilespmem:s22], [sflag:$0x5], $0x80, s10, s21, $0xb8;
	[tilespmem:$0x1EB80] =	vst v63  }
0xc9: {  	_ =	swait.ge [sflag:s18], $0x4000  }
0xca: {  	[sflag:s18] =	ssyncset.done $0x0  }
0xcb: {  	[sflag:s18] =	ssyncadd.s32 $0xFFFFC000  }
0xcc: {  	_ =	swait.ge [sflag:s28], $0x80  }
0xcd: {  	[sflag:s28] =	ssyncset.done $0x0  }
0xce: {  	[sflag:s28] =	ssyncadd.s32 $0xFFFFFF80  }
0xcf: {  	[spmem:s3] =	stream.indirect.scatter.add.f32 [tilespmem:s23], [sflag:$0x5], $0x1, s10, s21, $0xb8;
	[tilespmem:$0x1EB80] =	vst v63  }
0xd0: {  	_ =	swait.ge [sflag:s18], $0x80  }
0xd1: {  	[sflag:s18] =	ssyncset.done $0x0  }
0xd2: {  	s10 =	sadd.s32 $0x100, s8;
	[sflag:s18] =	ssyncadd.s32 $0xFFFFFF80  }
0xd3: {  	[tilespmem:s22], [sflag:$0x1] =	stream.indirect.gather [hbm4b:s1+s21], $0x80, s10, s21, $0xb8;
	[tilespmem:$0x1EB80] =	vst v63  }
0xd4: {  	_ = 	snop  }
0xd5: {  	[tilespmem:s23], [sflag:$0x3] =	stream.indirect.gather [hbm4b:s6+s21], $0x1, s10, s21, $0xb8;
	[tilespmem:$0x1EB80] =	vst v63  }
0xd6: {  	_ =	swait.ge [sflag:s29], $0x4000  }
0xd7: {  	[sflag:s29] =	ssyncset.done $0x0  }
0xd8: {  	s10 =	sadd.s32 $0x1480, s8;
	[sflag:s29] =	ssyncadd.s32 $0xFFFFC000  }
0xd9: {  	[spmem:s2] =	stream.indirect.scatter.add.f32 [tilespmem:s24], [sflag:$0x5], $0x80, s10, s21, $0xb8;
	[tilespmem:$0x1EB80] =	vst v63  }
0xda: {  	_ =	swait.ge [sflag:s18], $0x4000  }
0xdb: {  	[sflag:s18] =	ssyncset.done $0x0  }
0xdc: {  	[sflag:s18] =	ssyncadd.s32 $0xFFFFC000  }
0xdd: {  	_ =	swait.ge [sflag:s30], $0x80  }
0xde: {  	[sflag:s30] =	ssyncset.done $0x0  }
0xdf: {  	[sflag:s30] =	ssyncadd.s32 $0xFFFFFF80  }
0xe0: {  	[spmem:s3] =	stream.indirect.scatter.add.f32 [tilespmem:s25], [sflag:$0x5], $0x1, s10, s21, $0xb8;
	[tilespmem:$0x1EB80] =	vst v63  }
.Ltmp1:
0xe1: {  	_ = 	snop;
	(pc) =	sbr.rel @p0 .LBB2_4-.Ltmp1, $4  }
0xe2: {  	_ =	swait.ge [sflag:s18], $0x80  }
0xe3: {  	[sflag:s18] =	ssyncset.done $0x0  }
0xe4: {  	s8 =	sadd.s32 $0x180, s8;
	[sflag:s18] =	ssyncadd.s32 $0xFFFFFF80  }
0xe5: {  	[tilespmem:s24], [sflag:$0x2] =	stream.indirect.gather [hbm4b:s1+s21], $0x80, s8, s21, $0xb8;
	[tilespmem:$0x1EB80] =	vst v63  }
0xe6: {  	[tilespmem:s25], [sflag:$0x4] =	stream.indirect.gather [hbm4b:s6+s21], $0x1, s8, s21, $0xb8;
	[tilespmem:$0x1EB80] =	vst v63  }
0xe7: {  	_ =	swait.ge [sflag:s26], $0x4000  }
0xe8: {  	[sflag:s26] =	ssyncset.done $0x0  }
0xe9: {  	[sflag:s26] =	ssyncadd.s32 $0xFFFFC000  }
0xea: {  	[spmem:s2] =	stream.indirect.scatter.add.f32 [tilespmem:s22], [sflag:$0x5], $0x80, s31, s21, $0xb8;
	[tilespmem:$0x1EB80] =	vst v63  }
0xeb: {  	_ =	swait.ge [sflag:s18], $0x4000  }
0xec: {  	[sflag:s18] =	ssyncset.done $0x0  }
0xed: {  	[sflag:s18] =	ssyncadd.s32 $0xFFFFC000  }
0xee: {  	_ =	swait.ge [sflag:s28], $0x80  }
0xef: {  	[sflag:s28] =	ssyncset.done $0x0  }
0xf0: {  	[sflag:s28] =	ssyncadd.s32 $0xFFFFFF80  }
0xf1: {  	[spmem:s3] =	stream.indirect.scatter.add.f32 [tilespmem:s23], [sflag:$0x5], $0x1, s31, s21, $0xb8;
	[tilespmem:$0x1EB80] =	vst v63  }
0xf2: {  	_ =	swait.ge [sflag:s18], $0x80  }
0xf3: {  	[sflag:s18] =	ssyncset.done $0x0  }
0xf4: {  	[sflag:s18] =	ssyncadd.s32 $0xFFFFFF80  }
0xf5: {  	_ =	swait.ge [sflag:s29], $0x4000  }
0xf6: {  	[sflag:s29] =	ssyncset.done $0x0  }
0xf7: {  	[sflag:s29] =	ssyncadd.s32 $0xFFFFC000  }
0xf8: {  	[spmem:s2] =	stream.indirect.scatter.add.f32 [tilespmem:s24], [sflag:$0x5], $0x80, s0, s21, $0xb8;
	[tilespmem:$0x1EB80] =	vst v63  }
0xf9: {  	_ =	swait.ge [sflag:s18], $0x4000  }
0xfa: {  	[sflag:s18] =	ssyncset.done $0x0  }
0xfb: {  	[sflag:s18] =	ssyncadd.s32 $0xFFFFC000  }
0xfc: {  	_ =	swait.ge [sflag:s30], $0x80  }
0xfd: {  	[sflag:s30] =	ssyncset.done $0x0  }
0xfe: {  	[sflag:s30] =	ssyncadd.s32 $0xFFFFFF80  }
0xff: {  	[spmem:s3] =	stream.indirect.scatter.add.f32 [tilespmem:s25], [sflag:$0x5], $0x1, s0, s21, $0xb8;
	[tilespmem:$0x1EB80] =	vst v63  }
0x100: {  	_ =	swait.ge [sflag:s18], $0x80  }
0x101: {  	[sflag:s18] =	ssyncset.done $0x0  }
0x102: {  	[sflag:s18] =	ssyncadd.s32 $0xFFFFFF80  }
0x103: {  	[bflag:$0x0] =	sbarrier.arrive $0xFFFF  }
0x104: {  	[hbm:s14], [sflag:s9] =	dma.local [spmem:s17], $0x2800  }
0x105: {  	s4 =	sadd.s32 $0x1, s4;
	_ =	swait.ge [sflag:s18], $0x2800  }
0x106: {  	s7 =	simm.s32 $0x20;
	p0 =	sne.s32 s4, s16;
	[sflag:s18] =	ssyncset.done $0x0  }
.Ltmp2:
0x107: {  	s10 =	simm.s32 $0x10;
	[sflag:s18] =	ssyncadd.s32 $0xFFFFD800;
	(pc) =	sbr.rel @p0 .LBB2_1-.Ltmp2, $4  }
0x108: {  	[hbm:s15@s7], [sflag:s9] =	dma.strided [spmem:s19@s10], $0x50, s26, $0x10   }
0x109: {  	_ =	swait.ge [sflag:s18], $0x50  }
0x10a: {  	[sflag:s18] =	ssyncset.done $0x0  }
0x10b: {  	[sflag:s18] =	ssyncadd.s32 $0xFFFFFFB0  }
0x10c: {  	_ =	sfence.sel $0x180000  }
0x10d: {  	[bflag:$0x0] =	sbarrier.arrive $0xFFFF  }
0x10e: {  	_ =	strace $0x90000050  }
0x10f: {  	s0 =	stileid.u32;
	[bflag:$0x2] =	sbarrier.arrive $0xFFFF  }
0x110: {  	p0 =	sne.s32 s0, $0x0;
	s0 =	rddreg [dreg:$0x4]  }
0x111: {  	s0 =	sadd.s32 @!p0 $0x100000, s0  }
0x112: {  	[sflag:s0] =	ssyncadd.tile.s32 @!p0 $0x1;
	_ =	shalt  }
.Lfunc_end2:
_tile_overlayer_lowered:
.L_overlay_start_2:
0x113: {  	(tag) =	ssettag $0x2  }
0x114: {  	s0 =	rddreg [dreg:$0x0];
	s2 =	stileid.u32  }
0x115: {  	s1 =	rddreg [dreg:$0x1];
	p0 =	sne.s32 s2, $0x0  }
0x116: {  	s3 =	rddreg [dreg:$0x2];
	[bflag:$0x3] =	sbarrier.arrive $0xFFFF;
	s2 =	simm.s32 @!p0 $0x1C05  }
0x117: {  	[timem:s3], [sflag:s2] =	dma.local @!p0 [hbm:s0], s1  }
0x118: {  	s0 =	simm.s32 @!p0 $0x5  }
0x119: {  	_ =	swait.ge @!p0 [sflag:s0], s1  }
0x11a: {  	s1 =	ssub.s32 @!p0 $0x0, s1;
	[sflag:s0] =	ssyncset.done @!p0 $0x0  }
0x11b: {  	[sflag:s0] =	ssyncadd.s32 @!p0 s1  }
0x11c: {  	[bflag:$0x3] =	sbarrier.arrive $0xFFFF  }
0x11d: {  	_ =	shalt  }

</sc_bundles>
